<compile_context>
chip_gen: v7x
topology: tpu7x:2x2x1
jax: 0.10.2.dev20260603
libtpu: 0.0.44.dev20260713+nightly
codegen_flags: <defaults>
</compile_context>

<pallas_src>
import functools

import jax
import jax.numpy as jnp
from jax import lax
from jax.experimental import pallas as pl
from jax.experimental.pallas import tpu as pltpu
from jax.experimental.pallas import tpu_sc as plsc

VOCAB = 50257
N_EMBD = 768
BLOCK = 2048
B, T = 4, 2048

NC, NS, L = 2, 16, 16
NW = NC * NS
TPW = T // NW
VECS = N_EMBD // L
G = 8
CHUNKS = TPW // G
ROWS = B * G
SLOTS = 4

_mesh = plsc.VectorSubcoreMesh(core_axis_name="c", subcore_axis_name="s")


@functools.partial(
    pl.kernel,
    mesh=_mesh,
    out_type=jax.ShapeDtypeStruct((B * T, N_EMBD), jnp.float32),
    scratch_types=[
        pltpu.VMEM((B * TPW,), jnp.int32),
        pltpu.VMEM((SLOTS, ROWS, N_EMBD), jnp.float32),
        pltpu.VMEM((SLOTS, G, N_EMBD), jnp.float32),
    ] + [pltpu.SemaphoreType.DMA] * (3 * SLOTS),
)
def _embed(idx_hbm, wte_hbm, wpe_hbm, out_hbm, idx_v, tok_v, wpe_v, *sems):
    gsem, wsem, ssem = sems[:SLOTS], sems[SLOTS:2 * SLOTS], sems[2 * SLOTS:]
    wid = lax.axis_index("s") * NC + lax.axis_index("c")
    t0 = wid * TPW

    def issue(c, slot):
        pltpu.async_copy(wpe_hbm.at[pl.ds(t0 + c * G, G)],
                         wpe_v.at[slot], wsem[slot])
        pltpu.async_copy(wte_hbm.at[idx_v.at[pl.ds(c * ROWS, ROWS)]],
                         tok_v.at[slot], gsem[slot])

    def wait_in(slot):
        pltpu.make_async_copy(wpe_hbm.at[pl.ds(0, G)],
                              wpe_v.at[slot], wsem[slot]).wait()
        pltpu.make_async_copy(wte_hbm.at[idx_v.at[pl.ds(0, ROWS)]],
                              tok_v.at[slot], gsem[slot]).wait()

    def issue_stores(c, slot):
        for b in range(B):
            pltpu.async_copy(tok_v.at[slot].at[pl.ds(b * G, G)],
                             out_hbm.at[pl.ds(b * T + t0 + c * G, G)],
                             ssem[slot])

    def wait_stores(slot):
        for _ in range(B):
            pltpu.make_async_copy(tok_v.at[slot].at[pl.ds(0, G)],
                                  out_hbm.at[pl.ds(0, G)], ssem[slot]).wait()

    def add(slot):
        @plsc.parallel_loop(0, VECS, 1, unroll=1)
        def col_add(j):
            sl = pl.ds(j * L, L)
            for tt in range(G):
                w = wpe_v[slot, tt, sl]
                for b in range(B):
                    r = b * G + tt
                    tok_v[slot, r, sl] = tok_v[slot, r, sl] + w

    for slot in range(SLOTS):
        pltpu.async_copy(wpe_hbm.at[pl.ds(t0 + slot * G, G)],
                         wpe_v.at[slot], wsem[slot])
    pltpu.sync_copy(idx_hbm.at[pl.ds(wid * B * TPW, B * TPW)], idx_v)
    for slot in range(SLOTS):
        pltpu.async_copy(wte_hbm.at[idx_v.at[pl.ds(slot * ROWS, ROWS)]],
                         tok_v.at[slot], gsem[slot])

    def cycle_body(q, carry):
        for slot in range(SLOTS):
            c = SLOTS * q + slot
            wait_in(slot)
            add(slot)
            issue_stores(c, slot)

            @pl.when(c + SLOTS < CHUNKS)
            def _():
                wait_stores(slot)
                issue(c + SLOTS, slot)
        return carry

    lax.fori_loop(0, CHUNKS // SLOTS, cycle_body, 0)
    for slot in range(SLOTS):
        wait_stores(slot)


def kernel(idx, wte, wpe):
    idx_r = jnp.transpose(
        idx.astype(jnp.int32).reshape(B, NW, CHUNKS, G), (1, 2, 0, 3)
    ).reshape(-1)
    flat = _embed(idx_r, wte, wpe)
    return flat.reshape(B, T, N_EMBD)

# --- scband reference (transcript-rebuilt; emitter-appended) ---
"""Pipeline reference for scband-embedding-64372969832548 (READ-ONLY COPY).

The authoritative reference and input builder live on the scoring server;
editing this copy changes nothing except your own understanding.
"""

import jax, jax.numpy as jnp
import numpy as np

VOCAB = 50257
N_EMBD = 768
BLOCK = 2048
B, T = 4, 2048

def setup_inputs(seed: int = 0) -> dict:
    key = jax.random.key(seed)
    k1, k2, k3 = jax.random.split(key, 3)
    idx = jax.random.randint(k1, (B, T), 0, VOCAB, dtype=jnp.int64 if jax.config.jax_enable_x64 else jnp.int32)
    wte = jax.random.normal(k2, (VOCAB, N_EMBD), dtype=jnp.float32) * 0.02
    wpe = jax.random.normal(k3, (BLOCK, N_EMBD), dtype=jnp.float32) * 0.02
    return {"idx": idx, "wte": wte, "wpe": wpe}

def reference(idx, wte, wpe):
    b, t = idx.shape
    pos = jnp.arange(0, t, dtype=idx.dtype)
    tok_emb = jnp.take(wte, idx, axis=0)          # (B, T, N_EMBD) gather
    pos_emb = jnp.take(wpe, pos, axis=0)          # (T, N_EMBD)
    return tok_emb + pos_emb[None, :, :]

if __name__ == "__main__":
    import jax
    _d = setup_inputs()
    print(jax.jit(kernel)(*tuple(_d.values())))

</pallas_src>

<mosaic_0001>
#map = affine_map<(d0, d1) -> (0)>
#map1 = affine_map<(d0, d1) -> (0, 0)>
module attributes {stable_mosaic.version = 14 : i64} {
  func.func @_embed(%arg0: i32, %arg1: i32, %arg2: memref<8192xi32, #tpu.memory_space<hbm>>, %arg3: memref<50257x768xf32, #tpu.memory_space<hbm>>, %arg4: memref<2048x768xf32, #tpu.memory_space<hbm>>, %arg5: memref<8192x768xf32, #tpu.memory_space<hbm>>, %arg6: memref<256xi32, #tpu.memory_space<vmem>>, %arg7: memref<4x32x768xf32, #tpu.memory_space<vmem>>, %arg8: memref<4x8x768xf32, #tpu.memory_space<vmem>>, %arg9: memref<!tpu.dma_semaphore, #tpu.memory_space<semaphore_mem>>, %arg10: memref<!tpu.dma_semaphore, #tpu.memory_space<semaphore_mem>>, %arg11: memref<!tpu.dma_semaphore, #tpu.memory_space<semaphore_mem>>, %arg12: memref<!tpu.dma_semaphore, #tpu.memory_space<semaphore_mem>>, %arg13: memref<!tpu.dma_semaphore, #tpu.memory_space<semaphore_mem>>, %arg14: memref<!tpu.dma_semaphore, #tpu.memory_space<semaphore_mem>>, %arg15: memref<!tpu.dma_semaphore, #tpu.memory_space<semaphore_mem>>, %arg16: memref<!tpu.dma_semaphore, #tpu.memory_space<semaphore_mem>>, %arg17: memref<!tpu.dma_semaphore, #tpu.memory_space<semaphore_mem>>, %arg18: memref<!tpu.dma_semaphore, #tpu.memory_space<semaphore_mem>>, %arg19: memref<!tpu.dma_semaphore, #tpu.memory_space<semaphore_mem>>, %arg20: memref<!tpu.dma_semaphore, #tpu.memory_space<semaphore_mem>>) attributes {dimension_semantics = [#tpu.dimension_semantics<core_parallel>, #tpu.dimension_semantics<subcore_parallel>], iteration_bounds = array<i64: 2, 16>, scalar_prefetch = 0 : i64, scratch_operands = 15 : i64, tpu.core_type = #tpu.core_type<sc_vector_subcore>, window_params = [{transform_indices = #map}, {transform_indices = #map1}, {transform_indices = #map1}, {transform_indices = #map1}]} {
    %mul3A = arith.constant 2 : i32
    %mul3A_0 = arith.muli %arg1, %mul3A : i32
    %add3A = arith.addi %mul3A_0, %arg0 : i32
    %mul3A_1 = arith.constant 64 : i32
    %mul3A_2 = arith.muli %add3A, %mul3A_1 : i32
    %add3A_3 = arith.constant 0 : i32
    %add3A_4 = arith.addi %mul3A_2, %add3A_3 : i32
    %dma_start3A = arith.constant 0 : i32
    %dma_start3A_5 = arith.constant 0 : i32
    %dma_start3A_6 = arith.constant 0 : i32
    %dma_start3A_7 = tpu.memref_slice %arg8[%dma_start3A, %dma_start3A_5, %dma_start3A_6] : memref<4x8x768xf32, #tpu.memory_space<vmem>> -> memref<1x8x768xf32, #tpu.memory_space<vmem>>
    %dma_start3A_8 = tpu.memref_squeeze %dma_start3A_7 : memref<1x8x768xf32, #tpu.memory_space<vmem>> -> memref<8x768xf32, #tpu.memory_space<vmem>>
    %dma_start3A_9 = arith.constant 0 : i32
    %dma_start3A_10 = tpu.memref_slice %arg4[%add3A_4, %dma_start3A_9] : memref<2048x768xf32, #tpu.memory_space<hbm>> -> memref<8x768xf32, #tpu.memory_space<hbm>>
    %dma_start3A_11 = arith.constant 0 : i32
    %dma_start3A_12 = arith.constant 0 : i32
    %dma_start3A_13 = tpu.memref_slice %arg8[%dma_start3A, %dma_start3A_11, %dma_start3A_12] : memref<4x8x768xf32, #tpu.memory_space<vmem>> -> memref<1x8x768xf32, #tpu.memory_space<vmem>>
    %dma_start3A_14 = tpu.memref_squeeze %dma_start3A_13 : memref<1x8x768xf32, #tpu.memory_space<vmem>> -> memref<8x768xf32, #tpu.memory_space<vmem>>
    %dma_start3A_15 = arith.constant 0 : i32
    %dma_start3A_16 = tpu.memref_slice %arg4[%add3A_4, %dma_start3A_15] : memref<2048x768xf32, #tpu.memory_space<hbm>> -> memref<8x768xf32, #tpu.memory_space<hbm>>
    tpu.enqueue_dma source(%dma_start3A_16 : memref<8x768xf32, #tpu.memory_space<hbm>>) target(%dma_start3A_14 : memref<8x768xf32, #tpu.memory_space<vmem>>) target_semaphore(%arg13 : memref<!tpu.dma_semaphore, #tpu.memory_space<semaphore_mem>>)
    %add3A_17 = arith.constant 8 : i32
    %add3A_18 = arith.addi %mul3A_2, %add3A_17 : i32
    %dma_start3A_19 = arith.constant 1 : i32
    %dma_start3A_20 = arith.constant 0 : i32
    %dma_start3A_21 = arith.constant 0 : i32
    %dma_start3A_22 = tpu.memref_slice %arg8[%dma_start3A_19, %dma_start3A_20, %dma_start3A_21] : memref<4x8x768xf32, #tpu.memory_space<vmem>> -> memref<1x8x768xf32, #tpu.memory_space<vmem>>
    %dma_start3A_23 = tpu.memref_squeeze %dma_start3A_22 : memref<1x8x768xf32, #tpu.memory_space<vmem>> -> memref<8x768xf32, #tpu.memory_space<vmem>>
    %dma_start3A_24 = arith.constant 0 : i32
    %dma_start3A_25 = tpu.memref_slice %arg4[%add3A_18, %dma_start3A_24] : memref<2048x768xf32, #tpu.memory_space<hbm>> -> memref<8x768xf32, #tpu.memory_space<hbm>>
    %dma_start3A_26 = arith.constant 0 : i32
    %dma_start3A_27 = arith.constant 0 : i32
    %dma_start3A_28 = tpu.memref_slice %arg8[%dma_start3A_19, %dma_start3A_26, %dma_start3A_27] : memref<4x8x768xf32, #tpu.memory_space<vmem>> -> memref<1x8x768xf32, #tpu.memory_space<vmem>>
    %dma_start3A_29 = tpu.memref_squeeze %dma_start3A_28 : memref<1x8x768xf32, #tpu.memory_space<vmem>> -> memref<8x768xf32, #tpu.memory_space<vmem>>
    %dma_start3A_30 = arith.constant 0 : i32
    %dma_start3A_31 = tpu.memref_slice %arg4[%add3A_18, %dma_start3A_30] : memref<2048x768xf32, #tpu.memory_space<hbm>> -> memref<8x768xf32, #tpu.memory_space<hbm>>
    tpu.enqueue_dma source(%dma_start3A_31 : memref<8x768xf32, #tpu.memory_space<hbm>>) target(%dma_start3A_29 : memref<8x768xf32, #tpu.memory_space<vmem>>) target_semaphore(%arg14 : memref<!tpu.dma_semaphore, #tpu.memory_space<semaphore_mem>>)
    %add3A_32 = arith.constant 16 : i32
    %add3A_33 = arith.addi %mul3A_2, %add3A_32 : i32
    %dma_start3A_34 = arith.constant 2 : i32
    %dma_start3A_35 = arith.constant 0 : i32
    %dma_start3A_36 = arith.constant 0 : i32
    %dma_start3A_37 = tpu.memref_slice %arg8[%dma_start3A_34, %dma_start3A_35, %dma_start3A_36] : memref<4x8x768xf32, #tpu.memory_space<vmem>> -> memref<1x8x768xf32, #tpu.memory_space<vmem>>
    %dma_start3A_38 = tpu.memref_squeeze %dma_start3A_37 : memref<1x8x768xf32, #tpu.memory_space<vmem>> -> memref<8x768xf32, #tpu.memory_space<vmem>>
    %dma_start3A_39 = arith.constant 0 : i32
    %dma_start3A_40 = tpu.memref_slice %arg4[%add3A_33, %dma_start3A_39] : memref<2048x768xf32, #tpu.memory_space<hbm>> -> memref<8x768xf32, #tpu.memory_space<hbm>>
    %dma_start3A_41 = arith.constant 0 : i32
    %dma_start3A_42 = arith.constant 0 : i32
    %dma_start3A_43 = tpu.memref_slice %arg8[%dma_start3A_34, %dma_start3A_41, %dma_start3A_42] : memref<4x8x768xf32, #tpu.memory_space<vmem>> -> memref<1x8x768xf32, #tpu.memory_space<vmem>>
    %dma_start3A_44 = tpu.memref_squeeze %dma_start3A_43 : memref<1x8x768xf32, #tpu.memory_space<vmem>> -> memref<8x768xf32, #tpu.memory_space<vmem>>
    %dma_start3A_45 = arith.constant 0 : i32
    %dma_start3A_46 = tpu.memref_slice %arg4[%add3A_33, %dma_start3A_45] : memref<2048x768xf32, #tpu.memory_space<hbm>> -> memref<8x768xf32, #tpu.memory_space<hbm>>
    tpu.enqueue_dma source(%dma_start3A_46 : memref<8x768xf32, #tpu.memory_space<hbm>>) target(%dma_start3A_44 : memref<8x768xf32, #tpu.memory_space<vmem>>) target_semaphore(%arg15 : memref<!tpu.dma_semaphore, #tpu.memory_space<semaphore_mem>>)
    %add3A_47 = arith.constant 24 : i32
    %add3A_48 = arith.addi %mul3A_2, %add3A_47 : i32
    %dma_start3A_49 = arith.constant 3 : i32
    %dma_start3A_50 = arith.constant 0 : i32
    %dma_start3A_51 = arith.constant 0 : i32
    %dma_start3A_52 = tpu.memref_slice %arg8[%dma_start3A_49, %dma_start3A_50, %dma_start3A_51] : memref<4x8x768xf32, #tpu.memory_space<vmem>> -> memref<1x8x768xf32, #tpu.memory_space<vmem>>
    %dma_start3A_53 = tpu.memref_squeeze %dma_start3A_52 : memref<1x8x768xf32, #tpu.memory_space<vmem>> -> memref<8x768xf32, #tpu.memory_space<vmem>>
    %dma_start3A_54 = arith.constant 0 : i32
    %dma_start3A_55 = tpu.memref_slice %arg4[%add3A_48, %dma_start3A_54] : memref<2048x768xf32, #tpu.memory_space<hbm>> -> memref<8x768xf32, #tpu.memory_space<hbm>>
    %dma_start3A_56 = arith.constant 0 : i32
    %dma_start3A_57 = arith.constant 0 : i32
    %dma_start3A_58 = tpu.memref_slice %arg8[%dma_start3A_49, %dma_start3A_56, %dma_start3A_57] : memref<4x8x768xf32, #tpu.memory_space<vmem>> -> memref<1x8x768xf32, #tpu.memory_space<vmem>>
    %dma_start3A_59 = tpu.memref_squeeze %dma_start3A_58 : memref<1x8x768xf32, #tpu.memory_space<vmem>> -> memref<8x768xf32, #tpu.memory_space<vmem>>
    %dma_start3A_60 = arith.constant 0 : i32
    %dma_start3A_61 = tpu.memref_slice %arg4[%add3A_48, %dma_start3A_60] : memref<2048x768xf32, #tpu.memory_space<hbm>> -> memref<8x768xf32, #tpu.memory_space<hbm>>
    tpu.enqueue_dma source(%dma_start3A_61 : memref<8x768xf32, #tpu.memory_space<hbm>>) target(%dma_start3A_59 : memref<8x768xf32, #tpu.memory_space<vmem>>) target_semaphore(%arg16 : memref<!tpu.dma_semaphore, #tpu.memory_space<semaphore_mem>>)
    %mul3A_62 = arith.constant 4 : i32
    %mul3A_63 = arith.muli %add3A, %mul3A_62 : i32
    %mul3A_64 = arith.constant 64 : i32
    %mul3A_65 = arith.muli %mul3A_63, %mul3A_64 : i32
    "tpu.region"() ({
      %run_scoped3A = tpu.sem_alloc : memref<!tpu.dma_semaphore, #tpu.memory_space<semaphore_mem>>
      %dma_start3A_446 = tpu.memref_slice %arg2[%mul3A_65] : memref<8192xi32, #tpu.memory_space<hbm>> -> memref<256xi32, #tpu.memory_space<hbm>>
      %dma_start3A_447 = tpu.memref_slice %arg2[%mul3A_65] : memref<8192xi32, #tpu.memory_space<hbm>> -> memref<256xi32, #tpu.memory_space<hbm>>
      tpu.enqueue_dma source(%dma_start3A_447 : memref<256xi32, #tpu.memory_space<hbm>>) target(%arg6 : memref<256xi32, #tpu.memory_space<vmem>>) target_semaphore(%run_scoped3A : memref<!tpu.dma_semaphore, #tpu.memory_space<semaphore_mem>>)
      %dma_wait3A_448 = tpu.memref_slice %arg2[%mul3A_65] : memref<8192xi32, #tpu.memory_space<hbm>> -> memref<256xi32, #tpu.memory_space<hbm>>
      %dma_wait3A_449 = tpu.memref_slice %arg2[%mul3A_65] : memref<8192xi32, #tpu.memory_space<hbm>> -> memref<256xi32, #tpu.memory_space<hbm>>
      tpu.wait_dma2 semaphore(%run_scoped3A : memref<!tpu.dma_semaphore, #tpu.memory_space<semaphore_mem>>) src(%dma_wait3A_449 : memref<256xi32, #tpu.memory_space<hbm>>) dst(%arg6 : memref<256xi32, #tpu.memory_space<vmem>>)
      tpu.yield
    }) : () -> ()
    %dma_start3A_66 = arith.constant 0 : i32
    %dma_start3A_67 = arith.constant 0 : i32
    %dma_start3A_68 = arith.constant 0 : i32
    %dma_start3A_69 = tpu.memref_slice %arg7[%dma_start3A_66, %dma_start3A_67, %dma_start3A_68] : memref<4x32x768xf32, #tpu.memory_space<vmem>> -> memref<1x32x768xf32, #tpu.memory_space<vmem>>
    %dma_start3A_70 = tpu.memref_squeeze %dma_start3A_69 : memref<1x32x768xf32, #tpu.memory_space<vmem>> -> memref<32x768xf32, #tpu.memory_space<vmem>>
    %dma_start3A_71 = arith.constant 0 : i32
    %dma_start3A_72 = tpu.memref_slice %arg6[%dma_start3A_71] : memref<256xi32, #tpu.memory_space<vmem>> -> memref<32xi32, #tpu.memory_space<vmem>>
    %dma_start3A_73 = arith.constant 0 : i32
    %dma_start3A_74 = arith.constant 0 : i32
    %dma_start3A_75 = tpu.memref_slice %arg3[%dma_start3A_73, %dma_start3A_74] : memref<50257x768xf32, #tpu.memory_space<hbm>> -> memref<50257x768xf32, #tpu.memory_space<hbm>>
    tpu.enqueue_indirect_dma source(%dma_start3A_75 : memref<50257x768xf32, #tpu.memory_space<hbm>>) target(%dma_start3A_70 : memref<32x768xf32, #tpu.memory_space<vmem>>) offsets(%dma_start3A_72 : memref<32xi32, #tpu.memory_space<vmem>>) semaphore(%arg9 : memref<!tpu.dma_semaphore, #tpu.memory_space<semaphore_mem>>)
    %dma_start3A_76 = arith.constant 1 : i32
    %dma_start3A_77 = arith.constant 0 : i32
    %dma_start3A_78 = arith.constant 0 : i32
    %dma_start3A_79 = tpu.memref_slice %arg7[%dma_start3A_76, %dma_start3A_77, %dma_start3A_78] : memref<4x32x768xf32, #tpu.memory_space<vmem>> -> memref<1x32x768xf32, #tpu.memory_space<vmem>>
    %dma_start3A_80 = tpu.memref_squeeze %dma_start3A_79 : memref<1x32x768xf32, #tpu.memory_space<vmem>> -> memref<32x768xf32, #tpu.memory_space<vmem>>
    %dma_start3A_81 = arith.constant 32 : i32
    %dma_start3A_82 = tpu.memref_slice %arg6[%dma_start3A_81] : memref<256xi32, #tpu.memory_space<vmem>> -> memref<32xi32, #tpu.memory_space<vmem>>
    %dma_start3A_83 = arith.constant 0 : i32
    %dma_start3A_84 = arith.constant 0 : i32
    %dma_start3A_85 = tpu.memref_slice %arg3[%dma_start3A_83, %dma_start3A_84] : memref<50257x768xf32, #tpu.memory_space<hbm>> -> memref<50257x768xf32, #tpu.memory_space<hbm>>
    tpu.enqueue_indirect_dma source(%dma_start3A_85 : memref<50257x768xf32, #tpu.memory_space<hbm>>) target(%dma_start3A_80 : memref<32x768xf32, #tpu.memory_space<vmem>>) offsets(%dma_start3A_82 : memref<32xi32, #tpu.memory_space<vmem>>) semaphore(%arg10 : memref<!tpu.dma_semaphore, #tpu.memory_space<semaphore_mem>>)
    %dma_start3A_86 = arith.constant 2 : i32
    %dma_start3A_87 = arith.constant 0 : i32
    %dma_start3A_88 = arith.constant 0 : i32
    %dma_start3A_89 = tpu.memref_slice %arg7[%dma_start3A_86, %dma_start3A_87, %dma_start3A_88] : memref<4x32x768xf32, #tpu.memory_space<vmem>> -> memref<1x32x768xf32, #tpu.memory_space<vmem>>
    %dma_start3A_90 = tpu.memref_squeeze %dma_start3A_89 : memref<1x32x768xf32, #tpu.memory_space<vmem>> -> memref<32x768xf32, #tpu.memory_space<vmem>>
    %dma_start3A_91 = arith.constant 64 : i32
    %dma_start3A_92 = tpu.memref_slice %arg6[%dma_start3A_91] : memref<256xi32, #tpu.memory_space<vmem>> -> memref<32xi32, #tpu.memory_space<vmem>>
    %dma_start3A_93 = arith.constant 0 : i32
    %dma_start3A_94 = arith.constant 0 : i32
    %dma_start3A_95 = tpu.memref_slice %arg3[%dma_start3A_93, %dma_start3A_94] : memref<50257x768xf32, #tpu.memory_space<hbm>> -> memref<50257x768xf32, #tpu.memory_space<hbm>>
    tpu.enqueue_indirect_dma source(%dma_start3A_95 : memref<50257x768xf32, #tpu.memory_space<hbm>>) target(%dma_start3A_90 : memref<32x768xf32, #tpu.memory_space<vmem>>) offsets(%dma_start3A_92 : memref<32xi32, #tpu.memory_space<vmem>>) semaphore(%arg11 : memref<!tpu.dma_semaphore, #tpu.memory_space<semaphore_mem>>)
    %dma_start3A_96 = arith.constant 3 : i32
    %dma_start3A_97 = arith.constant 0 : i32
    %dma_start3A_98 = arith.constant 0 : i32
    %dma_start3A_99 = tpu.memref_slice %arg7[%dma_start3A_96, %dma_start3A_97, %dma_start3A_98] : memref<4x32x768xf32, #tpu.memory_space<vmem>> -> memref<1x32x768xf32, #tpu.memory_space<vmem>>
    %dma_start3A_100 = tpu.memref_squeeze %dma_start3A_99 : memref<1x32x768xf32, #tpu.memory_space<vmem>> -> memref<32x768xf32, #tpu.memory_space<vmem>>
    %dma_start3A_101 = arith.constant 96 : i32
    %dma_start3A_102 = tpu.memref_slice %arg6[%dma_start3A_101] : memref<256xi32, #tpu.memory_space<vmem>> -> memref<32xi32, #tpu.memory_space<vmem>>
    %dma_start3A_103 = arith.constant 0 : i32
    %dma_start3A_104 = arith.constant 0 : i32
    %dma_start3A_105 = tpu.memref_slice %arg3[%dma_start3A_103, %dma_start3A_104] : memref<50257x768xf32, #tpu.memory_space<hbm>> -> memref<50257x768xf32, #tpu.memory_space<hbm>>
    tpu.enqueue_indirect_dma source(%dma_start3A_105 : memref<50257x768xf32, #tpu.memory_space<hbm>>) target(%dma_start3A_100 : memref<32x768xf32, #tpu.memory_space<vmem>>) offsets(%dma_start3A_102 : memref<32xi32, #tpu.memory_space<vmem>>) semaphore(%arg12 : memref<!tpu.dma_semaphore, #tpu.memory_space<semaphore_mem>>)
    %scan3A = arith.constant 0 : i32
    %scan3A_106 = arith.constant 0 : i32
    %scan3A_107 = arith.constant 2 : i32
    %scan3A_108 = arith.addi %scan3A_106, %scan3A_107 : i32
    %scan3A_109 = arith.constant 1 : i32
    scf.for %scan3A_446 = %scan3A_106 to %scan3A_108 step %scan3A_109  : i32 {
      %mul3A_447 = arith.constant 4 : i32
      %mul3A_448 = arith.muli %mul3A_447, %scan3A_446 : i32
      %add3A_449 = arith.constant 0 : i32
      %add3A_450 = arith.addi %mul3A_448, %add3A_449 : i32
      %dma_wait3A_451 = arith.constant 0 : i32
      %dma_wait3A_452 = arith.constant 0 : i32
      %dma_wait3A_453 = arith.constant 0 : i32
      %dma_wait3A_454 = tpu.memref_slice %arg8[%dma_wait3A_451, %dma_wait3A_452, %dma_wait3A_453] : memref<4x8x768xf32, #tpu.memory_space<vmem>> -> memref<1x8x768xf32, #tpu.memory_space<vmem>>
      %dma_wait3A_455 = tpu.memref_squeeze %dma_wait3A_454 : memref<1x8x768xf32, #tpu.memory_space<vmem>> -> memref<8x768xf32, #tpu.memory_space<vmem>>
      %dma_wait3A_456 = arith.constant 0 : i32
      %dma_wait3A_457 = arith.constant 0 : i32
      %dma_wait3A_458 = tpu.memref_slice %arg4[%dma_wait3A_456, %dma_wait3A_457] : memref<2048x768xf32, #tpu.memory_space<hbm>> -> memref<8x768xf32, #tpu.memory_space<hbm>>
      %dma_wait3A_459 = arith.constant 0 : i32
      %dma_wait3A_460 = arith.constant 0 : i32
      %dma_wait3A_461 = tpu.memref_slice %arg8[%dma_wait3A_451, %dma_wait3A_459, %dma_wait3A_460] : memref<4x8x768xf32, #tpu.memory_space<vmem>> -> memref<1x8x768xf32, #tpu.memory_space<vmem>>
      %dma_wait3A_462 = tpu.memref_squeeze %dma_wait3A_461 : memref<1x8x768xf32, #tpu.memory_space<vmem>> -> memref<8x768xf32, #tpu.memory_space<vmem>>
      %dma_wait3A_463 = arith.constant 0 : i32
      %dma_wait3A_464 = arith.constant 0 : i32
      %dma_wait3A_465 = tpu.memref_slice %arg4[%dma_wait3A_463, %dma_wait3A_464] : memref<2048x768xf32, #tpu.memory_space<hbm>> -> memref<8x768xf32, #tpu.memory_space<hbm>>
      tpu.wait_dma2 semaphore(%arg13 : memref<!tpu.dma_semaphore, #tpu.memory_space<semaphore_mem>>) src(%dma_wait3A_465 : memref<8x768xf32, #tpu.memory_space<hbm>>) dst(%dma_wait3A_462 : memref<8x768xf32, #tpu.memory_space<vmem>>)
      %dma_wait3A_466 = arith.constant 0 : i32
      %dma_wait3A_467 = arith.constant 0 : i32
      %dma_wait3A_468 = arith.constant 0 : i32
      %dma_wait3A_469 = tpu.memref_slice %arg7[%dma_wait3A_466, %dma_wait3A_467, %dma_wait3A_468] : memref<4x32x768xf32, #tpu.memory_space<vmem>> -> memref<1x32x768xf32, #tpu.memory_space<vmem>>
      %dma_wait3A_470 = tpu.memref_squeeze %dma_wait3A_469 : memref<1x32x768xf32, #tpu.memory_space<vmem>> -> memref<32x768xf32, #tpu.memory_space<vmem>>
      %dma_wait3A_471 = arith.constant 0 : i32
      %dma_wait3A_472 = tpu.memref_slice %arg6[%dma_wait3A_471] : memref<256xi32, #tpu.memory_space<vmem>> -> memref<32xi32, #tpu.memory_space<vmem>>
      %dma_wait3A_473 = arith.constant 0 : i32
      %dma_wait3A_474 = arith.constant 0 : i32
      %dma_wait3A_475 = tpu.memref_slice %arg3[%dma_wait3A_473, %dma_wait3A_474] : memref<50257x768xf32, #tpu.memory_space<hbm>> -> memref<50257x768xf32, #tpu.memory_space<hbm>>
      tpu.wait_indirect_dma semaphore(%arg9 : memref<!tpu.dma_semaphore, #tpu.memory_space<semaphore_mem>>) src(%dma_wait3A_475 : memref<50257x768xf32, #tpu.memory_space<hbm>>) dst(%dma_wait3A_470 : memref<32x768xf32, #tpu.memory_space<vmem>>)
      %parallel_loop3A = arith.constant 0 : i32
      %parallel_loop3A_476 = arith.constant 48 : i32
      %parallel_loop3A_477 = arith.constant 1 : i32
      scf.for %parallel_loop3A_983 = %parallel_loop3A to %parallel_loop3A_476 step %parallel_loop3A_477  : i32 {
        %parallel_loop3A_984 = arith.constant 16 : i32
        %parallel_loop3A_985 = arith.muli %parallel_loop3A_983, %parallel_loop3A_984 : i32
        %parallel_loop3A_986 = arith.constant 0 : i32
        %parallel_loop3A_987 = arith.constant 0 : i32
        %parallel_loop3A_988 = arith.index_cast %parallel_loop3A_986 : i32 to index
        %parallel_loop3A_989 = arith.index_cast %parallel_loop3A_987 : i32 to index
        %parallel_loop3A_990 = arith.index_cast %parallel_loop3A_985 : i32 to index
        %parallel_loop3A_991 = tpu.vector_load %arg8[%parallel_loop3A_988, %parallel_loop3A_989, %parallel_loop3A_990] {strides = array<i32>} : memref<4x8x768xf32, #tpu.memory_space<vmem>>, vector<1x1x16xf32>,
        %parallel_loop3A_992 = vector.shape_cast %parallel_loop3A_991 : vector<1x1x16xf32> to vector<16xf32>
        %parallel_loop3A_993 = arith.constant 0 : i32
        %parallel_loop3A_994 = arith.constant 0 : i32
        %parallel_loop3A_995 = arith.index_cast %parallel_loop3A_993 : i32 to index
        %parallel_loop3A_996 = arith.index_cast %parallel_loop3A_994 : i32 to index
        %parallel_loop3A_997 = arith.index_cast %parallel_loop3A_985 : i32 to index
        %parallel_loop3A_998 = tpu.vector_load %arg7[%parallel_loop3A_995, %parallel_loop3A_996, %parallel_loop3A_997] {strides = array<i32>} : memref<4x32x768xf32, #tpu.memory_space<vmem>>, vector<1x1x16xf32>,
        %parallel_loop3A_999 = vector.shape_cast %parallel_loop3A_998 : vector<1x1x16xf32> to vector<16xf32>
        %parallel_loop3A_1000 = arith.addf %parallel_loop3A_999, %parallel_loop3A_992 : vector<16xf32>
        %parallel_loop3A_1001 = arith.constant 0 : i32
        %parallel_loop3A_1002 = arith.constant 0 : i32
        %parallel_loop3A_1003 = arith.index_cast %parallel_loop3A_1001 : i32 to index
        %parallel_loop3A_1004 = arith.index_cast %parallel_loop3A_1002 : i32 to index
        %parallel_loop3A_1005 = arith.index_cast %parallel_loop3A_985 : i32 to index
        %parallel_loop3A_1006 = tpu.vector_load %arg7[%parallel_loop3A_1003, %parallel_loop3A_1004, %parallel_loop3A_1005] {strides = array<i32>} : memref<4x32x768xf32, #tpu.memory_space<vmem>>, vector<1x1x16xf32>,
        %parallel_loop3A_1007 = vector.shape_cast %parallel_loop3A_1006 : vector<1x1x16xf32> to vector<16xf32>
        %parallel_loop3A_1008 = vector.shape_cast %parallel_loop3A_1000 : vector<16xf32> to vector<1x1x16xf32>
        tpu.vector_store %arg7[%parallel_loop3A_1003, %parallel_loop3A_1004, %parallel_loop3A_1005], %parallel_loop3A_1008 {strides = array<i32>} : memref<4x32x768xf32, #tpu.memory_space<vmem>>, vector<1x1x16xf32>,
        %parallel_loop3A_1009 = arith.constant 0 : i32
        %parallel_loop3A_1010 = arith.constant 8 : i32
        %parallel_loop3A_1011 = arith.index_cast %parallel_loop3A_1009 : i32 to index
        %parallel_loop3A_1012 = arith.index_cast %parallel_loop3A_1010 : i32 to index
        %parallel_loop3A_1013 = arith.index_cast %parallel_loop3A_985 : i32 to index
        %parallel_loop3A_1014 = tpu.vector_load %arg7[%parallel_loop3A_1011, %parallel_loop3A_1012, %parallel_loop3A_1013] {strides = array<i32>} : memref<4x32x768xf32, #tpu.memory_space<vmem>>, vector<1x1x16xf32>,
        %parallel_loop3A_1015 = vector.shape_cast %parallel_loop3A_1014 : vector<1x1x16xf32> to vector<16xf32>
        %parallel_loop3A_1016 = arith.addf %parallel_loop3A_1015, %parallel_loop3A_992 : vector<16xf32>
        %parallel_loop3A_1017 = arith.constant 0 : i32
        %parallel_loop3A_1018 = arith.constant 8 : i32
        %parallel_loop3A_1019 = arith.index_cast %parallel_loop3A_1017 : i32 to index
        %parallel_loop3A_1020 = arith.index_cast %parallel_loop3A_1018 : i32 to index
        %parallel_loop3A_1021 = arith.index_cast %parallel_loop3A_985 : i32 to index
        %parallel_loop3A_1022 = tpu.vector_load %arg7[%parallel_loop3A_1019, %parallel_loop3A_1020, %parallel_loop3A_1021] {strides = array<i32>} : memref<4x32x768xf32, #tpu.memory_space<vmem>>, vector<1x1x16xf32>,
        %parallel_loop3A_1023 = vector.shape_cast %parallel_loop3A_1022 : vector<1x1x16xf32> to vector<16xf32>
        %parallel_loop3A_1024 = vector.shape_cast %parallel_loop3A_1016 : vector<16xf32> to vector<1x1x16xf32>
        tpu.vector_store %arg7[%parallel_loop3A_1019, %parallel_loop3A_1020, %parallel_loop3A_1021], %parallel_loop3A_1024 {strides = array<i32>} : memref<4x32x768xf32, #tpu.memory_space<vmem>>, vector<1x1x16xf32>,
        %parallel_loop3A_1025 = arith.constant 0 : i32
        %parallel_loop3A_1026 = arith.constant 16 : i32
        %parallel_loop3A_1027 = arith.index_cast %parallel_loop3A_1025 : i32 to index
        %parallel_loop3A_1028 = arith.index_cast %parallel_loop3A_1026 : i32 to index
        %parallel_loop3A_1029 = arith.index_cast %parallel_loop3A_985 : i32 to index
        %parallel_loop3A_1030 = tpu.vector_load %arg7[%parallel_loop3A_1027, %parallel_loop3A_1028, %parallel_loop3A_1029] {strides = array<i32>} : memref<4x32x768xf32, #tpu.memory_space<vmem>>, vector<1x1x16xf32>,
        %parallel_loop3A_1031 = vector.shape_cast %parallel_loop3A_1030 : vector<1x1x16xf32> to vector<16xf32>
        %parallel_loop3A_1032 = arith.addf %parallel_loop3A_1031, %parallel_loop3A_992 : vector<16xf32>
        %parallel_loop3A_1033 = arith.constant 0 : i32
        %parallel_loop3A_1034 = arith.constant 16 : i32
        %parallel_loop3A_1035 = arith.index_cast %parallel_loop3A_1033 : i32 to index
        %parallel_loop3A_1036 = arith.index_cast %parallel_loop3A_1034 : i32 to index
        %parallel_loop3A_1037 = arith.index_cast %parallel_loop3A_985 : i32 to index
        %parallel_loop3A_1038 = tpu.vector_load %arg7[%parallel_loop3A_1035, %parallel_loop3A_1036, %parallel_loop3A_1037] {strides = array<i32>} : memref<4x32x768xf32, #tpu.memory_space<vmem>>, vector<1x1x16xf32>,
        %parallel_loop3A_1039 = vector.shape_cast %parallel_loop3A_1038 : vector<1x1x16xf32> to vector<16xf32>
        %parallel_loop3A_1040 = vector.shape_cast %parallel_loop3A_1032 : vector<16xf32> to vector<1x1x16xf32>
        tpu.vector_store %arg7[%parallel_loop3A_1035, %parallel_loop3A_1036, %parallel_loop3A_1037], %parallel_loop3A_1040 {strides = array<i32>} : memref<4x32x768xf32, #tpu.memory_space<vmem>>, vector<1x1x16xf32>,
        %parallel_loop3A_1041 = arith.constant 0 : i32
        %parallel_loop3A_1042 = arith.constant 24 : i32
        %parallel_loop3A_1043 = arith.index_cast %parallel_loop3A_1041 : i32 to index
        %parallel_loop3A_1044 = arith.index_cast %parallel_loop3A_1042 : i32 to index
        %parallel_loop3A_1045 = arith.index_cast %parallel_loop3A_985 : i32 to index
        %parallel_loop3A_1046 = tpu.vector_load %arg7[%parallel_loop3A_1043, %parallel_loop3A_1044, %parallel_loop3A_1045] {strides = array<i32>} : memref<4x32x768xf32, #tpu.memory_space<vmem>>, vector<1x1x16xf32>,
        %parallel_loop3A_1047 = vector.shape_cast %parallel_loop3A_1046 : vector<1x1x16xf32> to vector<16xf32>
        %parallel_loop3A_1048 = arith.addf %parallel_loop3A_1047, %parallel_loop3A_992 : vector<16xf32>
        %parallel_loop3A_1049 = arith.constant 0 : i32
        %parallel_loop3A_1050 = arith.constant 24 : i32
        %parallel_loop3A_1051 = arith.index_cast %parallel_loop3A_1049 : i32 to index
        %parallel_loop3A_1052 = arith.index_cast %parallel_loop3A_1050 : i32 to index
        %parallel_loop3A_1053 = arith.index_cast %parallel_loop3A_985 : i32 to index
        %parallel_loop3A_1054 = tpu.vector_load %arg7[%parallel_loop3A_1051, %parallel_loop3A_1052, %parallel_loop3A_1053] {strides = array<i32>} : memref<4x32x768xf32, #tpu.memory_space<vmem>>, vector<1x1x16xf32>,
        %parallel_loop3A_1055 = vector.shape_cast %parallel_loop3A_1054 : vector<1x1x16xf32> to vector<16xf32>
        %parallel_loop3A_1056 = vector.shape_cast %parallel_loop3A_1048 : vector<16xf32> to vector<1x1x16xf32>
        tpu.vector_store %arg7[%parallel_loop3A_1051, %parallel_loop3A_1052, %parallel_loop3A_1053], %parallel_loop3A_1056 {strides = array<i32>} : memref<4x32x768xf32, #tpu.memory_space<vmem>>, vector<1x1x16xf32>,
        %parallel_loop3A_1057 = arith.constant 0 : i32
        %parallel_loop3A_1058 = arith.constant 1 : i32
        %parallel_loop3A_1059 = arith.index_cast %parallel_loop3A_1057 : i32 to index
        %parallel_loop3A_1060 = arith.index_cast %parallel_loop3A_1058 : i32 to index
        %parallel_loop3A_1061 = arith.index_cast %parallel_loop3A_985 : i32 to index
        %parallel_loop3A_1062 = tpu.vector_load %arg8[%parallel_loop3A_1059, %parallel_loop3A_1060, %parallel_loop3A_1061] {strides = array<i32>} : memref<4x8x768xf32, #tpu.memory_space<vmem>>, vector<1x1x16xf32>,
        %parallel_loop3A_1063 = vector.shape_cast %parallel_loop3A_1062 : vector<1x1x16xf32> to vector<16xf32>
        %parallel_loop3A_1064 = arith.constant 0 : i32
        %parallel_loop3A_1065 = arith.constant 1 : i32
        %parallel_loop3A_1066 = arith.index_cast %parallel_loop3A_1064 : i32 to index
        %parallel_loop3A_1067 = arith.index_cast %parallel_loop3A_1065 : i32 to index
        %parallel_loop3A_1068 = arith.index_cast %parallel_loop3A_985 : i32 to index
        %parallel_loop3A_1069 = tpu.vector_load %arg7[%parallel_loop3A_1066, %parallel_loop3A_1067, %parallel_loop3A_1068] {strides = array<i32>} : memref<4x32x768xf32, #tpu.memory_space<vmem>>, vector<1x1x16xf32>,
        %parallel_loop3A_1070 = vector.shape_cast %parallel_loop3A_1069 : vector<1x1x16xf32> to vector<16xf32>
        %parallel_loop3A_1071 = arith.addf %parallel_loop3A_1070, %parallel_loop3A_1063 : vector<16xf32>
        %parallel_loop3A_1072 = arith.constant 0 : i32
        %parallel_loop3A_1073 = arith.constant 1 : i32
        %parallel_loop3A_1074 = arith.index_cast %parallel_loop3A_1072 : i32 to index
        %parallel_loop3A_1075 = arith.index_cast %parallel_loop3A_1073 : i32 to index
        %parallel_loop3A_1076 = arith.index_cast %parallel_loop3A_985 : i32 to index
        %parallel_loop3A_1077 = tpu.vector_load %arg7[%parallel_loop3A_1074, %parallel_loop3A_1075, %parallel_loop3A_1076] {strides = array<i32>} : memref<4x32x768xf32, #tpu.memory_space<vmem>>, vector<1x1x16xf32>,
        %parallel_loop3A_1078 = vector.shape_cast %parallel_loop3A_1077 : vector<1x1x16xf32> to vector<16xf32>
        %parallel_loop3A_1079 = vector.shape_cast %parallel_loop3A_1071 : vector<16xf32> to vector<1x1x16xf32>
        tpu.vector_store %arg7[%parallel_loop3A_1074, %parallel_loop3A_1075, %parallel_loop3A_1076], %parallel_loop3A_1079 {strides = array<i32>} : memref<4x32x768xf32, #tpu.memory_space<vmem>>, vector<1x1x16xf32>,
        %parallel_loop3A_1080 = arith.constant 0 : i32
        %parallel_loop3A_1081 = arith.constant 9 : i32
        %parallel_loop3A_1082 = arith.index_cast %parallel_loop3A_1080 : i32 to index
        %parallel_loop3A_1083 = arith.index_cast %parallel_loop3A_1081 : i32 to index
        %parallel_loop3A_1084 = arith.index_cast %parallel_loop3A_985 : i32 to index
        %parallel_loop3A_1085 = tpu.vector_load %arg7[%parallel_loop3A_1082, %parallel_loop3A_1083, %parallel_loop3A_1084] {strides = array<i32>} : memref<4x32x768xf32, #tpu.memory_space<vmem>>, vector<1x1x16xf32>,
        %parallel_loop3A_1086 = vector.shape_cast %parallel_loop3A_1085 : vector<1x1x16xf32> to vector<16xf32>
        %parallel_loop3A_1087 = arith.addf %parallel_loop3A_1086, %parallel_loop3A_1063 : vector<16xf32>
        %parallel_loop3A_1088 = arith.constant 0 : i32
        %parallel_loop3A_1089 = arith.constant 9 : i32
        %parallel_loop3A_1090 = arith.index_cast %parallel_loop3A_1088 : i32 to index
        %parallel_loop3A_1091 = arith.index_cast %parallel_loop3A_1089 : i32 to index
        %parallel_loop3A_1092 = arith.index_cast %parallel_loop3A_985 : i32 to index
        %parallel_loop3A_1093 = tpu.vector_load %arg7[%parallel_loop3A_1090, %parallel_loop3A_1091, %parallel_loop3A_1092] {strides = array<i32>} : memref<4x32x768xf32, #tpu.memory_space<vmem>>, vector<1x1x16xf32>,
        %parallel_loop3A_1094 = vector.shape_cast %parallel_loop3A_1093 : vector<1x1x16xf32> to vector<16xf32>
        %parallel_loop3A_1095 = vector.shape_cast %parallel_loop3A_1087 : vector<16xf32> to vector<1x1x16xf32>
        tpu.vector_store %arg7[%parallel_loop3A_1090, %parallel_loop3A_1091, %parallel_loop3A_1092], %parallel_loop3A_1095 {strides = array<i32>} : memref<4x32x768xf32, #tpu.memory_space<vmem>>, vector<1x1x16xf32>,
        %parallel_loop3A_1096 = arith.constant 0 : i32
        %parallel_loop3A_1097 = arith.constant 17 : i32
        %parallel_loop3A_1098 = arith.index_cast %parallel_loop3A_1096 : i32 to index
        %parallel_loop3A_1099 = arith.index_cast %parallel_loop3A_1097 : i32 to index
        %parallel_loop3A_1100 = arith.index_cast %parallel_loop3A_985 : i32 to index
        %parallel_loop3A_1101 = tpu.vector_load %arg7[%parallel_loop3A_1098, %parallel_loop3A_1099, %parallel_loop3A_1100] {strides = array<i32>} : memref<4x32x768xf32, #tpu.memory_space<vmem>>, vector<1x1x16xf32>,
        %parallel_loop3A_1102 = vector.shape_cast %parallel_loop3A_1101 : vector<1x1x16xf32> to vector<16xf32>
        %parallel_loop3A_1103 = arith.addf %parallel_loop3A_1102, %parallel_loop3A_1063 : vector<16xf32>
        %parallel_loop3A_1104 = arith.constant 0 : i32
        %parallel_loop3A_1105 = arith.constant 17 : i32
        %parallel_loop3A_1106 = arith.index_cast %parallel_loop3A_1104 : i32 to index
        %parallel_loop3A_1107 = arith.index_cast %parallel_loop3A_1105 : i32 to index
        %parallel_loop3A_1108 = arith.index_cast %parallel_loop3A_985 : i32 to index
        %parallel_loop3A_1109 = tpu.vector_load %arg7[%parallel_loop3A_1106, %parallel_loop3A_1107, %parallel_loop3A_1108] {strides = array<i32>} : memref<4x32x768xf32, #tpu.memory_space<vmem>>, vector<1x1x16xf32>,
        %parallel_loop3A_1110 = vector.shape_cast %parallel_loop3A_1109 : vector<1x1x16xf32> to vector<16xf32>
        %parallel_loop3A_1111 = vector.shape_cast %parallel_loop3A_1103 : vector<16xf32> to vector<1x1x16xf32>
        tpu.vector_store %arg7[%parallel_loop3A_1106, %parallel_loop3A_1107, %parallel_loop3A_1108], %parallel_loop3A_1111 {strides = array<i32>} : memref<4x32x768xf32, #tpu.memory_space<vmem>>, vector<1x1x16xf32>,
        %parallel_loop3A_1112 = arith.constant 0 : i32
        %parallel_loop3A_1113 = arith.constant 25 : i32
        %parallel_loop3A_1114 = arith.index_cast %parallel_loop3A_1112 : i32 to index
        %parallel_loop3A_1115 = arith.index_cast %parallel_loop3A_1113 : i32 to index
        %parallel_loop3A_1116 = arith.index_cast %parallel_loop3A_985 : i32 to index
        %parallel_loop3A_1117 = tpu.vector_load %arg7[%parallel_loop3A_1114, %parallel_loop3A_1115, %parallel_loop3A_1116] {strides = array<i32>} : memref<4x32x768xf32, #tpu.memory_space<vmem>>, vector<1x1x16xf32>,
        %parallel_loop3A_1118 = vector.shape_cast %parallel_loop3A_1117 : vector<1x1x16xf32> to vector<16xf32>
        %parallel_loop3A_1119 = arith.addf %parallel_loop3A_1118, %parallel_loop3A_1063 : vector<16xf32>
        %parallel_loop3A_1120 = arith.constant 0 : i32
        %parallel_loop3A_1121 = arith.constant 25 : i32
        %parallel_loop3A_1122 = arith.index_cast %parallel_loop3A_1120 : i32 to index
        %parallel_loop3A_1123 = arith.index_cast %parallel_loop3A_1121 : i32 to index
        %parallel_loop3A_1124 = arith.index_cast %parallel_loop3A_985 : i32 to index
        %parallel_loop3A_1125 = tpu.vector_load %arg7[%parallel_loop3A_1122, %parallel_loop3A_1123, %parallel_loop3A_1124] {strides = array<i32>} : memref<4x32x768xf32, #tpu.memory_space<vmem>>, vector<1x1x16xf32>,
        %parallel_loop3A_1126 = vector.shape_cast %parallel_loop3A_1125 : vector<1x1x16xf32> to vector<16xf32>
        %parallel_loop3A_1127 = vector.shape_cast %parallel_loop3A_1119 : vector<16xf32> to vector<1x1x16xf32>
        tpu.vector_store %arg7[%parallel_loop3A_1122, %parallel_loop3A_1123, %parallel_loop3A_1124], %parallel_loop3A_1127 {strides = array<i32>} : memref<4x32x768xf32, #tpu.memory_space<vmem>>, vector<1x1x16xf32>,
        %parallel_loop3A_1128 = arith.constant 0 : i32
        %parallel_loop3A_1129 = arith.constant 2 : i32
        %parallel_loop3A_1130 = arith.index_cast %parallel_loop3A_1128 : i32 to index
        %parallel_loop3A_1131 = arith.index_cast %parallel_loop3A_1129 : i32 to index
        %parallel_loop3A_1132 = arith.index_cast %parallel_loop3A_985 : i32 to index
        %parallel_loop3A_1133 = tpu.vector_load %arg8[%parallel_loop3A_1130, %parallel_loop3A_1131, %parallel_loop3A_1132] {strides = array<i32>} : memref<4x8x768xf32, #tpu.memory_space<vmem>>, vector<1x1x16xf32>,
        %parallel_loop3A_1134 = vector.shape_cast %parallel_loop3A_1133 : vector<1x1x16xf32> to vector<16xf32>
        %parallel_loop3A_1135 = arith.constant 0 : i32
        %parallel_loop3A_1136 = arith.constant 2 : i32
        %parallel_loop3A_1137 = arith.index_cast %parallel_loop3A_1135 : i32 to index
        %parallel_loop3A_1138 = arith.index_cast %parallel_loop3A_1136 : i32 to index
        %parallel_loop3A_1139 = arith.index_cast %parallel_loop3A_985 : i32 to index
        %parallel_loop3A_1140 = tpu.vector_load %arg7[%parallel_loop3A_1137, %parallel_loop3A_1138, %parallel_loop3A_1139] {strides = array<i32>} : memref<4x32x768xf32, #tpu.memory_space<vmem>>, vector<1x1x16xf32>,
        %parallel_loop3A_1141 = vector.shape_cast %parallel_loop3A_1140 : vector<1x1x16xf32> to vector<16xf32>
        %parallel_loop3A_1142 = arith.addf %parallel_loop3A_1141, %parallel_loop3A_1134 : vector<16xf32>
        %parallel_loop3A_1143 = arith.constant 0 : i32
        %parallel_loop3A_1144 = arith.constant 2 : i32
        %parallel_loop3A_1145 = arith.index_cast %parallel_loop3A_1143 : i32 to index
        %parallel_loop3A_1146 = arith.index_cast %parallel_loop3A_1144 : i32 to index
        %parallel_loop3A_1147 = arith.index_cast %parallel_loop3A_985 : i32 to index
        %parallel_loop3A_1148 = tpu.vector_load %arg7[%parallel_loop3A_1145, %parallel_loop3A_1146, %parallel_loop3A_1147] {strides = array<i32>} : memref<4x32x768xf32, #tpu.memory_space<vmem>>, vector<1x1x16xf32>,
        %parallel_loop3A_1149 = vector.shape_cast %parallel_loop3A_1148 : vector<1x1x16xf32> to vector<16xf32>
        %parallel_loop3A_1150 = vector.shape_cast %parallel_loop3A_1142 : vector<16xf32> to vector<1x1x16xf32>
        tpu.vector_store %arg7[%parallel_loop3A_1145, %parallel_loop3A_1146, %parallel_loop3A_1147], %parallel_loop3A_1150 {strides = array<i32>} : memref<4x32x768xf32, #tpu.memory_space<vmem>>, vector<1x1x16xf32>,
        %parallel_loop3A_1151 = arith.constant 0 : i32
        %parallel_loop3A_1152 = arith.constant 10 : i32
        %parallel_loop3A_1153 = arith.index_cast %parallel_loop3A_1151 : i32 to index
        %parallel_loop3A_1154 = arith.index_cast %parallel_loop3A_1152 : i32 to index
        %parallel_loop3A_1155 = arith.index_cast %parallel_loop3A_985 : i32 to index
        %parallel_loop3A_1156 = tpu.vector_load %arg7[%parallel_loop3A_1153, %parallel_loop3A_1154, %parallel_loop3A_1155] {strides = array<i32>} : memref<4x32x768xf32, #tpu.memory_space<vmem>>, vector<1x1x16xf32>,
        %parallel_loop3A_1157 = vector.shape_cast %parallel_loop3A_1156 : vector<1x1x16xf32> to vector<16xf32>
        %parallel_loop3A_1158 = arith.addf %parallel_loop3A_1157, %parallel_loop3A_1134 : vector<16xf32>
        %parallel_loop3A_1159 = arith.constant 0 : i32
        %parallel_loop3A_1160 = arith.constant 10 : i32
        %parallel_loop3A_1161 = arith.index_cast %parallel_loop3A_1159 : i32 to index
        %parallel_loop3A_1162 = arith.index_cast %parallel_loop3A_1160 : i32 to index
        %parallel_loop3A_1163 = arith.index_cast %parallel_loop3A_985 : i32 to index
        %parallel_loop3A_1164 = tpu.vector_load %arg7[%parallel_loop3A_1161, %parallel_loop3A_1162, %parallel_loop3A_1163] {strides = array<i32>} : memref<4x32x768xf32, #tpu.memory_space<vmem>>, vector<1x1x16xf32>,
        %parallel_loop3A_1165 = vector.shape_cast %parallel_loop3A_1164 : vector<1x1x16xf32> to vector<16xf32>
        %parallel_loop3A_1166 = vector.shape_cast %parallel_loop3A_1158 : vector<16xf32> to vector<1x1x16xf32>
        tpu.vector_store %arg7[%parallel_loop3A_1161, %parallel_loop3A_1162, %parallel_loop3A_1163], %parallel_loop3A_1166 {strides = array<i32>} : memref<4x32x768xf32, #tpu.memory_space<vmem>>, vector<1x1x16xf32>,
        %parallel_loop3A_1167 = arith.constant 0 : i32
        %parallel_loop3A_1168 = arith.constant 18 : i32
        %parallel_loop3A_1169 = arith.index_cast %parallel_loop3A_1167 : i32 to index
        %parallel_loop3A_1170 = arith.index_cast %parallel_loop3A_1168 : i32 to index
        %parallel_loop3A_1171 = arith.index_cast %parallel_loop3A_985 : i32 to index
        %parallel_loop3A_1172 = tpu.vector_load %arg7[%parallel_loop3A_1169, %parallel_loop3A_1170, %parallel_loop3A_1171] {strides = array<i32>} : memref<4x32x768xf32, #tpu.memory_space<vmem>>, vector<1x1x16xf32>,
        %parallel_loop3A_1173 = vector.shape_cast %parallel_loop3A_1172 : vector<1x1x16xf32> to vector<16xf32>
        %parallel_loop3A_1174 = arith.addf %parallel_loop3A_1173, %parallel_loop3A_1134 : vector<16xf32>
        %parallel_loop3A_1175 = arith.constant 0 : i32
        %parallel_loop3A_1176 = arith.constant 18 : i32
        %parallel_loop3A_1177 = arith.index_cast %parallel_loop3A_1175 : i32 to index
        %parallel_loop3A_1178 = arith.index_cast %parallel_loop3A_1176 : i32 to index
        %parallel_loop3A_1179 = arith.index_cast %parallel_loop3A_985 : i32 to index
        %parallel_loop3A_1180 = tpu.vector_load %arg7[%parallel_loop3A_1177, %parallel_loop3A_1178, %parallel_loop3A_1179] {strides = array<i32>} : memref<4x32x768xf32, #tpu.memory_space<vmem>>, vector<1x1x16xf32>,
        %parallel_loop3A_1181 = vector.shape_cast %parallel_loop3A_1180 : vector<1x1x16xf32> to vector<16xf32>
        %parallel_loop3A_1182 = vector.shape_cast %parallel_loop3A_1174 : vector<16xf32> to vector<1x1x16xf32>
        tpu.vector_store %arg7[%parallel_loop3A_1177, %parallel_loop3A_1178, %parallel_loop3A_1179], %parallel_loop3A_1182 {strides = array<i32>} : memref<4x32x768xf32, #tpu.memory_space<vmem>>, vector<1x1x16xf32>,
        %parallel_loop3A_1183 = arith.constant 0 : i32
        %parallel_loop3A_1184 = arith.constant 26 : i32
        %parallel_loop3A_1185 = arith.index_cast %parallel_loop3A_1183 : i32 to index
        %parallel_loop3A_1186 = arith.index_cast %parallel_loop3A_1184 : i32 to index
        %parallel_loop3A_1187 = arith.index_cast %parallel_loop3A_985 : i32 to index
        %parallel_loop3A_1188 = tpu.vector_load %arg7[%parallel_loop3A_1185, %parallel_loop3A_1186, %parallel_loop3A_1187] {strides = array<i32>} : memref<4x32x768xf32, #tpu.memory_space<vmem>>, vector<1x1x16xf32>,
        %parallel_loop3A_1189 = vector.shape_cast %parallel_loop3A_1188 : vector<1x1x16xf32> to vector<16xf32>
        %parallel_loop3A_1190 = arith.addf %parallel_loop3A_1189, %parallel_loop3A_1134 : vector<16xf32>
        %parallel_loop3A_1191 = arith.constant 0 : i32
        %parallel_loop3A_1192 = arith.constant 26 : i32
        %parallel_loop3A_1193 = arith.index_cast %parallel_loop3A_1191 : i32 to index
        %parallel_loop3A_1194 = arith.index_cast %parallel_loop3A_1192 : i32 to index
        %parallel_loop3A_1195 = arith.index_cast %parallel_loop3A_985 : i32 to index
        %parallel_loop3A_1196 = tpu.vector_load %arg7[%parallel_loop3A_1193, %parallel_loop3A_1194, %parallel_loop3A_1195] {strides = array<i32>} : memref<4x32x768xf32, #tpu.memory_space<vmem>>, vector<1x1x16xf32>,
        %parallel_loop3A_1197 = vector.shape_cast %parallel_loop3A_1196 : vector<1x1x16xf32> to vector<16xf32>
        %parallel_loop3A_1198 = vector.shape_cast %parallel_loop3A_1190 : vector<16xf32> to vector<1x1x16xf32>
        tpu.vector_store %arg7[%parallel_loop3A_1193, %parallel_loop3A_1194, %parallel_loop3A_1195], %parallel_loop3A_1198 {strides = array<i32>} : memref<4x32x768xf32, #tpu.memory_space<vmem>>, vector<1x1x16xf32>,
        %parallel_loop3A_1199 = arith.constant 0 : i32
        %parallel_loop3A_1200 = arith.constant 3 : i32
        %parallel_loop3A_1201 = arith.index_cast %parallel_loop3A_1199 : i32 to index
        %parallel_loop3A_1202 = arith.index_cast %parallel_loop3A_1200 : i32 to index
        %parallel_loop3A_1203 = arith.index_cast %parallel_loop3A_985 : i32 to index
        %parallel_loop3A_1204 = tpu.vector_load %arg8[%parallel_loop3A_1201, %parallel_loop3A_1202, %parallel_loop3A_1203] {strides = array<i32>} : memref<4x8x768xf32, #tpu.memory_space<vmem>>, vector<1x1x16xf32>,
        %parallel_loop3A_1205 = vector.shape_cast %parallel_loop3A_1204 : vector<1x1x16xf32> to vector<16xf32>
        %parallel_loop3A_1206 = arith.constant 0 : i32
        %parallel_loop3A_1207 = arith.constant 3 : i32
        %parallel_loop3A_1208 = arith.index_cast %parallel_loop3A_1206 : i32 to index
        %parallel_loop3A_1209 = arith.index_cast %parallel_loop3A_1207 : i32 to index
        %parallel_loop3A_1210 = arith.index_cast %parallel_loop3A_985 : i32 to index
        %parallel_loop3A_1211 = tpu.vector_load %arg7[%parallel_loop3A_1208, %parallel_loop3A_1209, %parallel_loop3A_1210] {strides = array<i32>} : memref<4x32x768xf32, #tpu.memory_space<vmem>>, vector<1x1x16xf32>,
        %parallel_loop3A_1212 = vector.shape_cast %parallel_loop3A_1211 : vector<1x1x16xf32> to vector<16xf32>
        %parallel_loop3A_1213 = arith.addf %parallel_loop3A_1212, %parallel_loop3A_1205 : vector<16xf32>
        %parallel_loop3A_1214 = arith.constant 0 : i32
        %parallel_loop3A_1215 = arith.constant 3 : i32
        %parallel_loop3A_1216 = arith.index_cast %parallel_loop3A_1214 : i32 to index
        %parallel_loop3A_1217 = arith.index_cast %parallel_loop3A_1215 : i32 to index
        %parallel_loop3A_1218 = arith.index_cast %parallel_loop3A_985 : i32 to index
        %parallel_loop3A_1219 = tpu.vector_load %arg7[%parallel_loop3A_1216, %parallel_loop3A_1217, %parallel_loop3A_1218] {strides = array<i32>} : memref<4x32x768xf32, #tpu.memory_space<vmem>>, vector<1x1x16xf32>,
        %parallel_loop3A_1220 = vector.shape_cast %parallel_loop3A_1219 : vector<1x1x16xf32> to vector<16xf32>
        %parallel_loop3A_1221 = vector.shape_cast %parallel_loop3A_1213 : vector<16xf32> to vector<1x1x16xf32>
        tpu.vector_store %arg7[%parallel_loop3A_1216, %parallel_loop3A_1217, %parallel_loop3A_1218], %parallel_loop3A_1221 {strides = array<i32>} : memref<4x32x768xf32, #tpu.memory_space<vmem>>, vector<1x1x16xf32>,
        %parallel_loop3A_1222 = arith.constant 0 : i32
        %parallel_loop3A_1223 = arith.constant 11 : i32
        %parallel_loop3A_1224 = arith.index_cast %parallel_loop3A_1222 : i32 to index
        %parallel_loop3A_1225 = arith.index_cast %parallel_loop3A_1223 : i32 to index
        %parallel_loop3A_1226 = arith.index_cast %parallel_loop3A_985 : i32 to index
        %parallel_loop3A_1227 = tpu.vector_load %arg7[%parallel_loop3A_1224, %parallel_loop3A_1225, %parallel_loop3A_1226] {strides = array<i32>} : memref<4x32x768xf32, #tpu.memory_space<vmem>>, vector<1x1x16xf32>,
        %parallel_loop3A_1228 = vector.shape_cast %parallel_loop3A_1227 : vector<1x1x16xf32> to vector<16xf32>
        %parallel_loop3A_1229 = arith.addf %parallel_loop3A_1228, %parallel_loop3A_1205 : vector<16xf32>
        %parallel_loop3A_1230 = arith.constant 0 : i32
        %parallel_loop3A_1231 = arith.constant 11 : i32
        %parallel_loop3A_1232 = arith.index_cast %parallel_loop3A_1230 : i32 to index
        %parallel_loop3A_1233 = arith.index_cast %parallel_loop3A_1231 : i32 to index
        %parallel_loop3A_1234 = arith.index_cast %parallel_loop3A_985 : i32 to index
        %parallel_loop3A_1235 = tpu.vector_load %arg7[%parallel_loop3A_1232, %parallel_loop3A_1233, %parallel_loop3A_1234] {strides = array<i32>} : memref<4x32x768xf32, #tpu.memory_space<vmem>>, vector<1x1x16xf32>,
        %parallel_loop3A_1236 = vector.shape_cast %parallel_loop3A_1235 : vector<1x1x16xf32> to vector<16xf32>
        %parallel_loop3A_1237 = vector.shape_cast %parallel_loop3A_1229 : vector<16xf32> to vector<1x1x16xf32>
        tpu.vector_store %arg7[%parallel_loop3A_1232, %parallel_loop3A_1233, %parallel_loop3A_1234], %parallel_loop3A_1237 {strides = array<i32>} : memref<4x32x768xf32, #tpu.memory_space<vmem>>, vector<1x1x16xf32>,
        %parallel_loop3A_1238 = arith.constant 0 : i32
        %parallel_loop3A_1239 = arith.constant 19 : i32
        %parallel_loop3A_1240 = arith.index_cast %parallel_loop3A_1238 : i32 to index
        %parallel_loop3A_1241 = arith.index_cast %parallel_loop3A_1239 : i32 to index
        %parallel_loop3A_1242 = arith.index_cast %parallel_loop3A_985 : i32 to index
        %parallel_loop3A_1243 = tpu.vector_load %arg7[%parallel_loop3A_1240, %parallel_loop3A_1241, %parallel_loop3A_1242] {strides = array<i32>} : memref<4x32x768xf32, #tpu.memory_space<vmem>>, vector<1x1x16xf32>,
        %parallel_loop3A_1244 = vector.shape_cast %parallel_loop3A_1243 : vector<1x1x16xf32> to vector<16xf32>
        %parallel_loop3A_1245 = arith.addf %parallel_loop3A_1244, %parallel_loop3A_1205 : vector<16xf32>
        %parallel_loop3A_1246 = arith.constant 0 : i32
        %parallel_loop3A_1247 = arith.constant 19 : i32
        %parallel_loop3A_1248 = arith.index_cast %parallel_loop3A_1246 : i32 to index
        %parallel_loop3A_1249 = arith.index_cast %parallel_loop3A_1247 : i32 to index
        %parallel_loop3A_1250 = arith.index_cast %parallel_loop3A_985 : i32 to index
        %parallel_loop3A_1251 = tpu.vector_load %arg7[%parallel_loop3A_1248, %parallel_loop3A_1249, %parallel_loop3A_1250] {strides = array<i32>} : memref<4x32x768xf32, #tpu.memory_space<vmem>>, vector<1x1x16xf32>,
        %parallel_loop3A_1252 = vector.shape_cast %parallel_loop3A_1251 : vector<1x1x16xf32> to vector<16xf32>
        %parallel_loop3A_1253 = vector.shape_cast %parallel_loop3A_1245 : vector<16xf32> to vector<1x1x16xf32>
        tpu.vector_store %arg7[%parallel_loop3A_1248, %parallel_loop3A_1249, %parallel_loop3A_1250], %parallel_loop3A_1253 {strides = array<i32>} : memref<4x32x768xf32, #tpu.memory_space<vmem>>, vector<1x1x16xf32>,
        %parallel_loop3A_1254 = arith.constant 0 : i32
        %parallel_loop3A_1255 = arith.constant 27 : i32
        %parallel_loop3A_1256 = arith.index_cast %parallel_loop3A_1254 : i32 to index
        %parallel_loop3A_1257 = arith.index_cast %parallel_loop3A_1255 : i32 to index
        %parallel_loop3A_1258 = arith.index_cast %parallel_loop3A_985 : i32 to index
        %parallel_loop3A_1259 = tpu.vector_load %arg7[%parallel_loop3A_1256, %parallel_loop3A_1257, %parallel_loop3A_1258] {strides = array<i32>} : memref<4x32x768xf32, #tpu.memory_space<vmem>>, vector<1x1x16xf32>,
        %parallel_loop3A_1260 = vector.shape_cast %parallel_loop3A_1259 : vector<1x1x16xf32> to vector<16xf32>
        %parallel_loop3A_1261 = arith.addf %parallel_loop3A_1260, %parallel_loop3A_1205 : vector<16xf32>
        %parallel_loop3A_1262 = arith.constant 0 : i32
        %parallel_loop3A_1263 = arith.constant 27 : i32
        %parallel_loop3A_1264 = arith.index_cast %parallel_loop3A_1262 : i32 to index
        %parallel_loop3A_1265 = arith.index_cast %parallel_loop3A_1263 : i32 to index
        %parallel_loop3A_1266 = arith.index_cast %parallel_loop3A_985 : i32 to index
        %parallel_loop3A_1267 = tpu.vector_load %arg7[%parallel_loop3A_1264, %parallel_loop3A_1265, %parallel_loop3A_1266] {strides = array<i32>} : memref<4x32x768xf32, #tpu.memory_space<vmem>>, vector<1x1x16xf32>,
        %parallel_loop3A_1268 = vector.shape_cast %parallel_loop3A_1267 : vector<1x1x16xf32> to vector<16xf32>
        %parallel_loop3A_1269 = vector.shape_cast %parallel_loop3A_1261 : vector<16xf32> to vector<1x1x16xf32>
        tpu.vector_store %arg7[%parallel_loop3A_1264, %parallel_loop3A_1265, %parallel_loop3A_1266], %parallel_loop3A_1269 {strides = array<i32>} : memref<4x32x768xf32, #tpu.memory_space<vmem>>, vector<1x1x16xf32>,
        %parallel_loop3A_1270 = arith.constant 0 : i32
        %parallel_loop3A_1271 = arith.constant 4 : i32
        %parallel_loop3A_1272 = arith.index_cast %parallel_loop3A_1270 : i32 to index
        %parallel_loop3A_1273 = arith.index_cast %parallel_loop3A_1271 : i32 to index
        %parallel_loop3A_1274 = arith.index_cast %parallel_loop3A_985 : i32 to index
        %parallel_loop3A_1275 = tpu.vector_load %arg8[%parallel_loop3A_1272, %parallel_loop3A_1273, %parallel_loop3A_1274] {strides = array<i32>} : memref<4x8x768xf32, #tpu.memory_space<vmem>>, vector<1x1x16xf32>,
        %parallel_loop3A_1276 = vector.shape_cast %parallel_loop3A_1275 : vector<1x1x16xf32> to vector<16xf32>
        %parallel_loop3A_1277 = arith.constant 0 : i32
        %parallel_loop3A_1278 = arith.constant 4 : i32
        %parallel_loop3A_1279 = arith.index_cast %parallel_loop3A_1277 : i32 to index
        %parallel_loop3A_1280 = arith.index_cast %parallel_loop3A_1278 : i32 to index
        %parallel_loop3A_1281 = arith.index_cast %parallel_loop3A_985 : i32 to index
        %parallel_loop3A_1282 = tpu.vector_load %arg7[%parallel_loop3A_1279, %parallel_loop3A_1280, %parallel_loop3A_1281] {strides = array<i32>} : memref<4x32x768xf32, #tpu.memory_space<vmem>>, vector<1x1x16xf32>,
        %parallel_loop3A_1283 = vector.shape_cast %parallel_loop3A_1282 : vector<1x1x16xf32> to vector<16xf32>
        %parallel_loop3A_1284 = arith.addf %parallel_loop3A_1283, %parallel_loop3A_1276 : vector<16xf32>
        %parallel_loop3A_1285 = arith.constant 0 : i32
        %parallel_loop3A_1286 = arith.constant 4 : i32
        %parallel_loop3A_1287 = arith.index_cast %parallel_loop3A_1285 : i32 to index
        %parallel_loop3A_1288 = arith.index_cast %parallel_loop3A_1286 : i32 to index
        %parallel_loop3A_1289 = arith.index_cast %parallel_loop3A_985 : i32 to index
        %parallel_loop3A_1290 = tpu.vector_load %arg7[%parallel_loop3A_1287, %parallel_loop3A_1288, %parallel_loop3A_1289] {strides = array<i32>} : memref<4x32x768xf32, #tpu.memory_space<vmem>>, vector<1x1x16xf32>,
        %parallel_loop3A_1291 = vector.shape_cast %parallel_loop3A_1290 : vector<1x1x16xf32> to vector<16xf32>
        %parallel_loop3A_1292 = vector.shape_cast %parallel_loop3A_1284 : vector<16xf32> to vector<1x1x16xf32>
        tpu.vector_store %arg7[%parallel_loop3A_1287, %parallel_loop3A_1288, %parallel_loop3A_1289], %parallel_loop3A_1292 {strides = array<i32>} : memref<4x32x768xf32, #tpu.memory_space<vmem>>, vector<1x1x16xf32>,
        %parallel_loop3A_1293 = arith.constant 0 : i32
        %parallel_loop3A_1294 = arith.constant 12 : i32
        %parallel_loop3A_1295 = arith.index_cast %parallel_loop3A_1293 : i32 to index
        %parallel_loop3A_1296 = arith.index_cast %parallel_loop3A_1294 : i32 to index
        %parallel_loop3A_1297 = arith.index_cast %parallel_loop3A_985 : i32 to index
        %parallel_loop3A_1298 = tpu.vector_load %arg7[%parallel_loop3A_1295, %parallel_loop3A_1296, %parallel_loop3A_1297] {strides = array<i32>} : memref<4x32x768xf32, #tpu.memory_space<vmem>>, vector<1x1x16xf32>,
        %parallel_loop3A_1299 = vector.shape_cast %parallel_loop3A_1298 : vector<1x1x16xf32> to vector<16xf32>
        %parallel_loop3A_1300 = arith.addf %parallel_loop3A_1299, %parallel_loop3A_1276 : vector<16xf32>
        %parallel_loop3A_1301 = arith.constant 0 : i32
        %parallel_loop3A_1302 = arith.constant 12 : i32
        %parallel_loop3A_1303 = arith.index_cast %parallel_loop3A_1301 : i32 to index
        %parallel_loop3A_1304 = arith.index_cast %parallel_loop3A_1302 : i32 to index
        %parallel_loop3A_1305 = arith.index_cast %parallel_loop3A_985 : i32 to index
        %parallel_loop3A_1306 = tpu.vector_load %arg7[%parallel_loop3A_1303, %parallel_loop3A_1304, %parallel_loop3A_1305] {strides = array<i32>} : memref<4x32x768xf32, #tpu.memory_space<vmem>>, vector<1x1x16xf32>,
        %parallel_loop3A_1307 = vector.shape_cast %parallel_loop3A_1306 : vector<1x1x16xf32> to vector<16xf32>
        %parallel_loop3A_1308 = vector.shape_cast %parallel_loop3A_1300 : vector<16xf32> to vector<1x1x16xf32>
        tpu.vector_store %arg7[%parallel_loop3A_1303, %parallel_loop3A_1304, %parallel_loop3A_1305], %parallel_loop3A_1308 {strides = array<i32>} : memref<4x32x768xf32, #tpu.memory_space<vmem>>, vector<1x1x16xf32>,
        %parallel_loop3A_1309 = arith.constant 0 : i32
        %parallel_loop3A_1310 = arith.constant 20 : i32
        %parallel_loop3A_1311 = arith.index_cast %parallel_loop3A_1309 : i32 to index
        %parallel_loop3A_1312 = arith.index_cast %parallel_loop3A_1310 : i32 to index
        %parallel_loop3A_1313 = arith.index_cast %parallel_loop3A_985 : i32 to index
        %parallel_loop3A_1314 = tpu.vector_load %arg7[%parallel_loop3A_1311, %parallel_loop3A_1312, %parallel_loop3A_1313] {strides = array<i32>} : memref<4x32x768xf32, #tpu.memory_space<vmem>>, vector<1x1x16xf32>,
        %parallel_loop3A_1315 = vector.shape_cast %parallel_loop3A_1314 : vector<1x1x16xf32> to vector<16xf32>
        %parallel_loop3A_1316 = arith.addf %parallel_loop3A_1315, %parallel_loop3A_1276 : vector<16xf32>
        %parallel_loop3A_1317 = arith.constant 0 : i32
        %parallel_loop3A_1318 = arith.constant 20 : i32
        %parallel_loop3A_1319 = arith.index_cast %parallel_loop3A_1317 : i32 to index
        %parallel_loop3A_1320 = arith.index_cast %parallel_loop3A_1318 : i32 to index
        %parallel_loop3A_1321 = arith.index_cast %parallel_loop3A_985 : i32 to index
        %parallel_loop3A_1322 = tpu.vector_load %arg7[%parallel_loop3A_1319, %parallel_loop3A_1320, %parallel_loop3A_1321] {strides = array<i32>} : memref<4x32x768xf32, #tpu.memory_space<vmem>>, vector<1x1x16xf32>,
        %parallel_loop3A_1323 = vector.shape_cast %parallel_loop3A_1322 : vector<1x1x16xf32> to vector<16xf32>
        %parallel_loop3A_1324 = vector.shape_cast %parallel_loop3A_1316 : vector<16xf32> to vector<1x1x16xf32>
        tpu.vector_store %arg7[%parallel_loop3A_1319, %parallel_loop3A_1320, %parallel_loop3A_1321], %parallel_loop3A_1324 {strides = array<i32>} : memref<4x32x768xf32, #tpu.memory_space<vmem>>, vector<1x1x16xf32>,
        %parallel_loop3A_1325 = arith.constant 0 : i32
        %parallel_loop3A_1326 = arith.constant 28 : i32
        %parallel_loop3A_1327 = arith.index_cast %parallel_loop3A_1325 : i32 to index
        %parallel_loop3A_1328 = arith.index_cast %parallel_loop3A_1326 : i32 to index
        %parallel_loop3A_1329 = arith.index_cast %parallel_loop3A_985 : i32 to index
        %parallel_loop3A_1330 = tpu.vector_load %arg7[%parallel_loop3A_1327, %parallel_loop3A_1328, %parallel_loop3A_1329] {strides = array<i32>} : memref<4x32x768xf32, #tpu.memory_space<vmem>>, vector<1x1x16xf32>,
        %parallel_loop3A_1331 = vector.shape_cast %parallel_loop3A_1330 : vector<1x1x16xf32> to vector<16xf32>
        %parallel_loop3A_1332 = arith.addf %parallel_loop3A_1331, %parallel_loop3A_1276 : vector<16xf32>
        %parallel_loop3A_1333 = arith.constant 0 : i32
        %parallel_loop3A_1334 = arith.constant 28 : i32
        %parallel_loop3A_1335 = arith.index_cast %parallel_loop3A_1333 : i32 to index
        %parallel_loop3A_1336 = arith.index_cast %parallel_loop3A_1334 : i32 to index
        %parallel_loop3A_1337 = arith.index_cast %parallel_loop3A_985 : i32 to index
        %parallel_loop3A_1338 = tpu.vector_load %arg7[%parallel_loop3A_1335, %parallel_loop3A_1336, %parallel_loop3A_1337] {strides = array<i32>} : memref<4x32x768xf32, #tpu.memory_space<vmem>>, vector<1x1x16xf32>,
        %parallel_loop3A_1339 = vector.shape_cast %parallel_loop3A_1338 : vector<1x1x16xf32> to vector<16xf32>
        %parallel_loop3A_1340 = vector.shape_cast %parallel_loop3A_1332 : vector<16xf32> to vector<1x1x16xf32>
        tpu.vector_store %arg7[%parallel_loop3A_1335, %parallel_loop3A_1336, %parallel_loop3A_1337], %parallel_loop3A_1340 {strides = array<i32>} : memref<4x32x768xf32, #tpu.memory_space<vmem>>, vector<1x1x16xf32>,
        %parallel_loop3A_1341 = arith.constant 0 : i32
        %parallel_loop3A_1342 = arith.constant 5 : i32
        %parallel_loop3A_1343 = arith.index_cast %parallel_loop3A_1341 : i32 to index
        %parallel_loop3A_1344 = arith.index_cast %parallel_loop3A_1342 : i32 to index
        %parallel_loop3A_1345 = arith.index_cast %parallel_loop3A_985 : i32 to index
        %parallel_loop3A_1346 = tpu.vector_load %arg8[%parallel_loop3A_1343, %parallel_loop3A_1344, %parallel_loop3A_1345] {strides = array<i32>} : memref<4x8x768xf32, #tpu.memory_space<vmem>>, vector<1x1x16xf32>,
        %parallel_loop3A_1347 = vector.shape_cast %parallel_loop3A_1346 : vector<1x1x16xf32> to vector<16xf32>
        %parallel_loop3A_1348 = arith.constant 0 : i32
        %parallel_loop3A_1349 = arith.constant 5 : i32
        %parallel_loop3A_1350 = arith.index_cast %parallel_loop3A_1348 : i32 to index
        %parallel_loop3A_1351 = arith.index_cast %parallel_loop3A_1349 : i32 to index
        %parallel_loop3A_1352 = arith.index_cast %parallel_loop3A_985 : i32 to index
        %parallel_loop3A_1353 = tpu.vector_load %arg7[%parallel_loop3A_1350, %parallel_loop3A_1351, %parallel_loop3A_1352] {strides = array<i32>} : memref<4x32x768xf32, #tpu.memory_space<vmem>>, vector<1x1x16xf32>,
        %parallel_loop3A_1354 = vector.shape_cast %parallel_loop3A_1353 : vector<1x1x16xf32> to vector<16xf32>
        %parallel_loop3A_1355 = arith.addf %parallel_loop3A_1354, %parallel_loop3A_1347 : vector<16xf32>
        %parallel_loop3A_1356 = arith.constant 0 : i32
        %parallel_loop3A_1357 = arith.constant 5 : i32
        %parallel_loop3A_1358 = arith.index_cast %parallel_loop3A_1356 : i32 to index
        %parallel_loop3A_1359 = arith.index_cast %parallel_loop3A_1357 : i32 to index
        %parallel_loop3A_1360 = arith.index_cast %parallel_loop3A_985 : i32 to index
        %parallel_loop3A_1361 = tpu.vector_load %arg7[%parallel_loop3A_1358, %parallel_loop3A_1359, %parallel_loop3A_1360] {strides = array<i32>} : memref<4x32x768xf32, #tpu.memory_space<vmem>>, vector<1x1x16xf32>,
        %parallel_loop3A_1362 = vector.shape_cast %parallel_loop3A_1361 : vector<1x1x16xf32> to vector<16xf32>
        %parallel_loop3A_1363 = vector.shape_cast %parallel_loop3A_1355 : vector<16xf32> to vector<1x1x16xf32>
        tpu.vector_store %arg7[%parallel_loop3A_1358, %parallel_loop3A_1359, %parallel_loop3A_1360], %parallel_loop3A_1363 {strides = array<i32>} : memref<4x32x768xf32, #tpu.memory_space<vmem>>, vector<1x1x16xf32>,
        %parallel_loop3A_1364 = arith.constant 0 : i32
        %parallel_loop3A_1365 = arith.constant 13 : i32
        %parallel_loop3A_1366 = arith.index_cast %parallel_loop3A_1364 : i32 to index
        %parallel_loop3A_1367 = arith.index_cast %parallel_loop3A_1365 : i32 to index
        %parallel_loop3A_1368 = arith.index_cast %parallel_loop3A_985 : i32 to index
        %parallel_loop3A_1369 = tpu.vector_load %arg7[%parallel_loop3A_1366, %parallel_loop3A_1367, %parallel_loop3A_1368] {strides = array<i32>} : memref<4x32x768xf32, #tpu.memory_space<vmem>>, vector<1x1x16xf32>,
        %parallel_loop3A_1370 = vector.shape_cast %parallel_loop3A_1369 : vector<1x1x16xf32> to vector<16xf32>
        %parallel_loop3A_1371 = arith.addf %parallel_loop3A_1370, %parallel_loop3A_1347 : vector<16xf32>
        %parallel_loop3A_1372 = arith.constant 0 : i32
        %parallel_loop3A_1373 = arith.constant 13 : i32
        %parallel_loop3A_1374 = arith.index_cast %parallel_loop3A_1372 : i32 to index
        %parallel_loop3A_1375 = arith.index_cast %parallel_loop3A_1373 : i32 to index
        %parallel_loop3A_1376 = arith.index_cast %parallel_loop3A_985 : i32 to index
        %parallel_loop3A_1377 = tpu.vector_load %arg7[%parallel_loop3A_1374, %parallel_loop3A_1375, %parallel_loop3A_1376] {strides = array<i32>} : memref<4x32x768xf32, #tpu.memory_space<vmem>>, vector<1x1x16xf32>,
        %parallel_loop3A_1378 = vector.shape_cast %parallel_loop3A_1377 : vector<1x1x16xf32> to vector<16xf32>
        %parallel_loop3A_1379 = vector.shape_cast %parallel_loop3A_1371 : vector<16xf32> to vector<1x1x16xf32>
        tpu.vector_store %arg7[%parallel_loop3A_1374, %parallel_loop3A_1375, %parallel_loop3A_1376], %parallel_loop3A_1379 {strides = array<i32>} : memref<4x32x768xf32, #tpu.memory_space<vmem>>, vector<1x1x16xf32>,
        %parallel_loop3A_1380 = arith.constant 0 : i32
        %parallel_loop3A_1381 = arith.constant 21 : i32
        %parallel_loop3A_1382 = arith.index_cast %parallel_loop3A_1380 : i32 to index
        %parallel_loop3A_1383 = arith.index_cast %parallel_loop3A_1381 : i32 to index
        %parallel_loop3A_1384 = arith.index_cast %parallel_loop3A_985 : i32 to index
        %parallel_loop3A_1385 = tpu.vector_load %arg7[%parallel_loop3A_1382, %parallel_loop3A_1383, %parallel_loop3A_1384] {strides = array<i32>} : memref<4x32x768xf32, #tpu.memory_space<vmem>>, vector<1x1x16xf32>,
        %parallel_loop3A_1386 = vector.shape_cast %parallel_loop3A_1385 : vector<1x1x16xf32> to vector<16xf32>
        %parallel_loop3A_1387 = arith.addf %parallel_loop3A_1386, %parallel_loop3A_1347 : vector<16xf32>
        %parallel_loop3A_1388 = arith.constant 0 : i32
        %parallel_loop3A_1389 = arith.constant 21 : i32
        %parallel_loop3A_1390 = arith.index_cast %parallel_loop3A_1388 : i32 to index
        %parallel_loop3A_1391 = arith.index_cast %parallel_loop3A_1389 : i32 to index
        %parallel_loop3A_1392 = arith.index_cast %parallel_loop3A_985 : i32 to index
        %parallel_loop3A_1393 = tpu.vector_load %arg7[%parallel_loop3A_1390, %parallel_loop3A_1391, %parallel_loop3A_1392] {strides = array<i32>} : memref<4x32x768xf32, #tpu.memory_space<vmem>>, vector<1x1x16xf32>,
        %parallel_loop3A_1394 = vector.shape_cast %parallel_loop3A_1393 : vector<1x1x16xf32> to vector<16xf32>
        %parallel_loop3A_1395 = vector.shape_cast %parallel_loop3A_1387 : vector<16xf32> to vector<1x1x16xf32>
        tpu.vector_store %arg7[%parallel_loop3A_1390, %parallel_loop3A_1391, %parallel_loop3A_1392], %parallel_loop3A_1395 {strides = array<i32>} : memref<4x32x768xf32, #tpu.memory_space<vmem>>, vector<1x1x16xf32>,
        %parallel_loop3A_1396 = arith.constant 0 : i32
        %parallel_loop3A_1397 = arith.constant 29 : i32
        %parallel_loop3A_1398 = arith.index_cast %parallel_loop3A_1396 : i32 to index
        %parallel_loop3A_1399 = arith.index_cast %parallel_loop3A_1397 : i32 to index
        %parallel_loop3A_1400 = arith.index_cast %parallel_loop3A_985 : i32 to index
        %parallel_loop3A_1401 = tpu.vector_load %arg7[%parallel_loop3A_1398, %parallel_loop3A_1399, %parallel_loop3A_1400] {strides = array<i32>} : memref<4x32x768xf32, #tpu.memory_space<vmem>>, vector<1x1x16xf32>,
        %parallel_loop3A_1402 = vector.shape_cast %parallel_loop3A_1401 : vector<1x1x16xf32> to vector<16xf32>
        %parallel_loop3A_1403 = arith.addf %parallel_loop3A_1402, %parallel_loop3A_1347 : vector<16xf32>
        %parallel_loop3A_1404 = arith.constant 0 : i32
        %parallel_loop3A_1405 = arith.constant 29 : i32
        %parallel_loop3A_1406 = arith.index_cast %parallel_loop3A_1404 : i32 to index
        %parallel_loop3A_1407 = arith.index_cast %parallel_loop3A_1405 : i32 to index
        %parallel_loop3A_1408 = arith.index_cast %parallel_loop3A_985 : i32 to index
        %parallel_loop3A_1409 = tpu.vector_load %arg7[%parallel_loop3A_1406, %parallel_loop3A_1407, %parallel_loop3A_1408] {strides = array<i32>} : memref<4x32x768xf32, #tpu.memory_space<vmem>>, vector<1x1x16xf32>,
        %parallel_loop3A_1410 = vector.shape_cast %parallel_loop3A_1409 : vector<1x1x16xf32> to vector<16xf32>
        %parallel_loop3A_1411 = vector.shape_cast %parallel_loop3A_1403 : vector<16xf32> to vector<1x1x16xf32>
        tpu.vector_store %arg7[%parallel_loop3A_1406, %parallel_loop3A_1407, %parallel_loop3A_1408], %parallel_loop3A_1411 {strides = array<i32>} : memref<4x32x768xf32, #tpu.memory_space<vmem>>, vector<1x1x16xf32>,
        %parallel_loop3A_1412 = arith.constant 0 : i32
        %parallel_loop3A_1413 = arith.constant 6 : i32
        %parallel_loop3A_1414 = arith.index_cast %parallel_loop3A_1412 : i32 to index
        %parallel_loop3A_1415 = arith.index_cast %parallel_loop3A_1413 : i32 to index
        %parallel_loop3A_1416 = arith.index_cast %parallel_loop3A_985 : i32 to index
        %parallel_loop3A_1417 = tpu.vector_load %arg8[%parallel_loop3A_1414, %parallel_loop3A_1415, %parallel_loop3A_1416] {strides = array<i32>} : memref<4x8x768xf32, #tpu.memory_space<vmem>>, vector<1x1x16xf32>,
        %parallel_loop3A_1418 = vector.shape_cast %parallel_loop3A_1417 : vector<1x1x16xf32> to vector<16xf32>
        %parallel_loop3A_1419 = arith.constant 0 : i32
        %parallel_loop3A_1420 = arith.constant 6 : i32
        %parallel_loop3A_1421 = arith.index_cast %parallel_loop3A_1419 : i32 to index
        %parallel_loop3A_1422 = arith.index_cast %parallel_loop3A_1420 : i32 to index
        %parallel_loop3A_1423 = arith.index_cast %parallel_loop3A_985 : i32 to index
        %parallel_loop3A_1424 = tpu.vector_load %arg7[%parallel_loop3A_1421, %parallel_loop3A_1422, %parallel_loop3A_1423] {strides = array<i32>} : memref<4x32x768xf32, #tpu.memory_space<vmem>>, vector<1x1x16xf32>,
        %parallel_loop3A_1425 = vector.shape_cast %parallel_loop3A_1424 : vector<1x1x16xf32> to vector<16xf32>
        %parallel_loop3A_1426 = arith.addf %parallel_loop3A_1425, %parallel_loop3A_1418 : vector<16xf32>
        %parallel_loop3A_1427 = arith.constant 0 : i32
        %parallel_loop3A_1428 = arith.constant 6 : i32
        %parallel_loop3A_1429 = arith.index_cast %parallel_loop3A_1427 : i32 to index
        %parallel_loop3A_1430 = arith.index_cast %parallel_loop3A_1428 : i32 to index
        %parallel_loop3A_1431 = arith.index_cast %parallel_loop3A_985 : i32 to index
        %parallel_loop3A_1432 = tpu.vector_load %arg7[%parallel_loop3A_1429, %parallel_loop3A_1430, %parallel_loop3A_1431] {strides = array<i32>} : memref<4x32x768xf32, #tpu.memory_space<vmem>>, vector<1x1x16xf32>,
        %parallel_loop3A_1433 = vector.shape_cast %parallel_loop3A_1432 : vector<1x1x16xf32> to vector<16xf32>
        %parallel_loop3A_1434 = vector.shape_cast %parallel_loop3A_1426 : vector<16xf32> to vector<1x1x16xf32>
        tpu.vector_store %arg7[%parallel_loop3A_1429, %parallel_loop3A_1430, %parallel_loop3A_1431], %parallel_loop3A_1434 {strides = array<i32>} : memref<4x32x768xf32, #tpu.memory_space<vmem>>, vector<1x1x16xf32>,
        %parallel_loop3A_1435 = arith.constant 0 : i32
        %parallel_loop3A_1436 = arith.constant 14 : i32
        %parallel_loop3A_1437 = arith.index_cast %parallel_loop3A_1435 : i32 to index
        %parallel_loop3A_1438 = arith.index_cast %parallel_loop3A_1436 : i32 to index
        %parallel_loop3A_1439 = arith.index_cast %parallel_loop3A_985 : i32 to index
        %parallel_loop3A_1440 = tpu.vector_load %arg7[%parallel_loop3A_1437, %parallel_loop3A_1438, %parallel_loop3A_1439] {strides = array<i32>} : memref<4x32x768xf32, #tpu.memory_space<vmem>>, vector<1x1x16xf32>,
        %parallel_loop3A_1441 = vector.shape_cast %parallel_loop3A_1440 : vector<1x1x16xf32> to vector<16xf32>
        %parallel_loop3A_1442 = arith.addf %parallel_loop3A_1441, %parallel_loop3A_1418 : vector<16xf32>
        %parallel_loop3A_1443 = arith.constant 0 : i32
        %parallel_loop3A_1444 = arith.constant 14 : i32
        %parallel_loop3A_1445 = arith.index_cast %parallel_loop3A_1443 : i32 to index
        %parallel_loop3A_1446 = arith.index_cast %parallel_loop3A_1444 : i32 to index
        %parallel_loop3A_1447 = arith.index_cast %parallel_loop3A_985 : i32 to index
        %parallel_loop3A_1448 = tpu.vector_load %arg7[%parallel_loop3A_1445, %parallel_loop3A_1446, %parallel_loop3A_1447] {strides = array<i32>} : memref<4x32x768xf32, #tpu.memory_space<vmem>>, vector<1x1x16xf32>,
        %parallel_loop3A_1449 = vector.shape_cast %parallel_loop3A_1448 : vector<1x1x16xf32> to vector<16xf32>
        %parallel_loop3A_1450 = vector.shape_cast %parallel_loop3A_1442 : vector<16xf32> to vector<1x1x16xf32>
        tpu.vector_store %arg7[%parallel_loop3A_1445, %parallel_loop3A_1446, %parallel_loop3A_1447], %parallel_loop3A_1450 {strides = array<i32>} : memref<4x32x768xf32, #tpu.memory_space<vmem>>, vector<1x1x16xf32>,
        %parallel_loop3A_1451 = arith.constant 0 : i32
        %parallel_loop3A_1452 = arith.constant 22 : i32
        %parallel_loop3A_1453 = arith.index_cast %parallel_loop3A_1451 : i32 to index
        %parallel_loop3A_1454 = arith.index_cast %parallel_loop3A_1452 : i32 to index
        %parallel_loop3A_1455 = arith.index_cast %parallel_loop3A_985 : i32 to index
        %parallel_loop3A_1456 = tpu.vector_load %arg7[%parallel_loop3A_1453, %parallel_loop3A_1454, %parallel_loop3A_1455] {strides = array<i32>} : memref<4x32x768xf32, #tpu.memory_space<vmem>>, vector<1x1x16xf32>,
        %parallel_loop3A_1457 = vector.shape_cast %parallel_loop3A_1456 : vector<1x1x16xf32> to vector<16xf32>
        %parallel_loop3A_1458 = arith.addf %parallel_loop3A_1457, %parallel_loop3A_1418 : vector<16xf32>
        %parallel_loop3A_1459 = arith.constant 0 : i32
        %parallel_loop3A_1460 = arith.constant 22 : i32
        %parallel_loop3A_1461 = arith.index_cast %parallel_loop3A_1459 : i32 to index
        %parallel_loop3A_1462 = arith.index_cast %parallel_loop3A_1460 : i32 to index
        %parallel_loop3A_1463 = arith.index_cast %parallel_loop3A_985 : i32 to index
        %parallel_loop3A_1464 = tpu.vector_load %arg7[%parallel_loop3A_1461, %parallel_loop3A_1462, %parallel_loop3A_1463] {strides = array<i32>} : memref<4x32x768xf32, #tpu.memory_space<vmem>>, vector<1x1x16xf32>,
        %parallel_loop3A_1465 = vector.shape_cast %parallel_loop3A_1464 : vector<1x1x16xf32> to vector<16xf32>
        %parallel_loop3A_1466 = vector.shape_cast %parallel_loop3A_1458 : vector<16xf32> to vector<1x1x16xf32>
        tpu.vector_store %arg7[%parallel_loop3A_1461, %parallel_loop3A_1462, %parallel_loop3A_1463], %parallel_loop3A_1466 {strides = array<i32>} : memref<4x32x768xf32, #tpu.memory_space<vmem>>, vector<1x1x16xf32>,
        %parallel_loop3A_1467 = arith.constant 0 : i32
        %parallel_loop3A_1468 = arith.constant 30 : i32
        %parallel_loop3A_1469 = arith.index_cast %parallel_loop3A_1467 : i32 to index
        %parallel_loop3A_1470 = arith.index_cast %parallel_loop3A_1468 : i32 to index
        %parallel_loop3A_1471 = arith.index_cast %parallel_loop3A_985 : i32 to index
        %parallel_loop3A_1472 = tpu.vector_load %arg7[%parallel_loop3A_1469, %parallel_loop3A_1470, %parallel_loop3A_1471] {strides = array<i32>} : memref<4x32x768xf32, #tpu.memory_space<vmem>>, vector<1x1x16xf32>,
        %parallel_loop3A_1473 = vector.shape_cast %parallel_loop3A_1472 : vector<1x1x16xf32> to vector<16xf32>
        %parallel_loop3A_1474 = arith.addf %parallel_loop3A_1473, %parallel_loop3A_1418 : vector<16xf32>
        %parallel_loop3A_1475 = arith.constant 0 : i32
        %parallel_loop3A_1476 = arith.constant 30 : i32
        %parallel_loop3A_1477 = arith.index_cast %parallel_loop3A_1475 : i32 to index
        %parallel_loop3A_1478 = arith.index_cast %parallel_loop3A_1476 : i32 to index
        %parallel_loop3A_1479 = arith.index_cast %parallel_loop3A_985 : i32 to index
        %parallel_loop3A_1480 = tpu.vector_load %arg7[%parallel_loop3A_1477, %parallel_loop3A_1478, %parallel_loop3A_1479] {strides = array<i32>} : memref<4x32x768xf32, #tpu.memory_space<vmem>>, vector<1x1x16xf32>,
        %parallel_loop3A_1481 = vector.shape_cast %parallel_loop3A_1480 : vector<1x1x16xf32> to vector<16xf32>
        %parallel_loop3A_1482 = vector.shape_cast %parallel_loop3A_1474 : vector<16xf32> to vector<1x1x16xf32>
        tpu.vector_store %arg7[%parallel_loop3A_1477, %parallel_loop3A_1478, %parallel_loop3A_1479], %parallel_loop3A_1482 {strides = array<i32>} : memref<4x32x768xf32, #tpu.memory_space<vmem>>, vector<1x1x16xf32>,
        %parallel_loop3A_1483 = arith.constant 0 : i32
        %parallel_loop3A_1484 = arith.constant 7 : i32
        %parallel_loop3A_1485 = arith.index_cast %parallel_loop3A_1483 : i32 to index
        %parallel_loop3A_1486 = arith.index_cast %parallel_loop3A_1484 : i32 to index
        %parallel_loop3A_1487 = arith.index_cast %parallel_loop3A_985 : i32 to index
        %parallel_loop3A_1488 = tpu.vector_load %arg8[%parallel_loop3A_1485, %parallel_loop3A_1486, %parallel_loop3A_1487] {strides = array<i32>} : memref<4x8x768xf32, #tpu.memory_space<vmem>>, vector<1x1x16xf32>,
        %parallel_loop3A_1489 = vector.shape_cast %parallel_loop3A_1488 : vector<1x1x16xf32> to vector<16xf32>
        %parallel_loop3A_1490 = arith.constant 0 : i32
        %parallel_loop3A_1491 = arith.constant 7 : i32
        %parallel_loop3A_1492 = arith.index_cast %parallel_loop3A_1490 : i32 to index
        %parallel_loop3A_1493 = arith.index_cast %parallel_loop3A_1491 : i32 to index
        %parallel_loop3A_1494 = arith.index_cast %parallel_loop3A_985 : i32 to index
        %parallel_loop3A_1495 = tpu.vector_load %arg7[%parallel_loop3A_1492, %parallel_loop3A_1493, %parallel_loop3A_1494] {strides = array<i32>} : memref<4x32x768xf32, #tpu.memory_space<vmem>>, vector<1x1x16xf32>,
        %parallel_loop3A_1496 = vector.shape_cast %parallel_loop3A_1495 : vector<1x1x16xf32> to vector<16xf32>
        %parallel_loop3A_1497 = arith.addf %parallel_loop3A_1496, %parallel_loop3A_1489 : vector<16xf32>
        %parallel_loop3A_1498 = arith.constant 0 : i32
        %parallel_loop3A_1499 = arith.constant 7 : i32
        %parallel_loop3A_1500 = arith.index_cast %parallel_loop3A_1498 : i32 to index
        %parallel_loop3A_1501 = arith.index_cast %parallel_loop3A_1499 : i32 to index
        %parallel_loop3A_1502 = arith.index_cast %parallel_loop3A_985 : i32 to index
        %parallel_loop3A_1503 = tpu.vector_load %arg7[%parallel_loop3A_1500, %parallel_loop3A_1501, %parallel_loop3A_1502] {strides = array<i32>} : memref<4x32x768xf32, #tpu.memory_space<vmem>>, vector<1x1x16xf32>,
        %parallel_loop3A_1504 = vector.shape_cast %parallel_loop3A_1503 : vector<1x1x16xf32> to vector<16xf32>
        %parallel_loop3A_1505 = vector.shape_cast %parallel_loop3A_1497 : vector<16xf32> to vector<1x1x16xf32>
        tpu.vector_store %arg7[%parallel_loop3A_1500, %parallel_loop3A_1501, %parallel_loop3A_1502], %parallel_loop3A_1505 {strides = array<i32>} : memref<4x32x768xf32, #tpu.memory_space<vmem>>, vector<1x1x16xf32>,
        %parallel_loop3A_1506 = arith.constant 0 : i32
        %parallel_loop3A_1507 = arith.constant 15 : i32
        %parallel_loop3A_1508 = arith.index_cast %parallel_loop3A_1506 : i32 to index
        %parallel_loop3A_1509 = arith.index_cast %parallel_loop3A_1507 : i32 to index
        %parallel_loop3A_1510 = arith.index_cast %parallel_loop3A_985 : i32 to index
        %parallel_loop3A_1511 = tpu.vector_load %arg7[%parallel_loop3A_1508, %parallel_loop3A_1509, %parallel_loop3A_1510] {strides = array<i32>} : memref<4x32x768xf32, #tpu.memory_space<vmem>>, vector<1x1x16xf32>,
        %parallel_loop3A_1512 = vector.shape_cast %parallel_loop3A_1511 : vector<1x1x16xf32> to vector<16xf32>
        %parallel_loop3A_1513 = arith.addf %parallel_loop3A_1512, %parallel_loop3A_1489 : vector<16xf32>
        %parallel_loop3A_1514 = arith.constant 0 : i32
        %parallel_loop3A_1515 = arith.constant 15 : i32
        %parallel_loop3A_1516 = arith.index_cast %parallel_loop3A_1514 : i32 to index
        %parallel_loop3A_1517 = arith.index_cast %parallel_loop3A_1515 : i32 to index
        %parallel_loop3A_1518 = arith.index_cast %parallel_loop3A_985 : i32 to index
        %parallel_loop3A_1519 = tpu.vector_load %arg7[%parallel_loop3A_1516, %parallel_loop3A_1517, %parallel_loop3A_1518] {strides = array<i32>} : memref<4x32x768xf32, #tpu.memory_space<vmem>>, vector<1x1x16xf32>,
        %parallel_loop3A_1520 = vector.shape_cast %parallel_loop3A_1519 : vector<1x1x16xf32> to vector<16xf32>
        %parallel_loop3A_1521 = vector.shape_cast %parallel_loop3A_1513 : vector<16xf32> to vector<1x1x16xf32>
        tpu.vector_store %arg7[%parallel_loop3A_1516, %parallel_loop3A_1517, %parallel_loop3A_1518], %parallel_loop3A_1521 {strides = array<i32>} : memref<4x32x768xf32, #tpu.memory_space<vmem>>, vector<1x1x16xf32>,
        %parallel_loop3A_1522 = arith.constant 0 : i32
        %parallel_loop3A_1523 = arith.constant 23 : i32
        %parallel_loop3A_1524 = arith.index_cast %parallel_loop3A_1522 : i32 to index
        %parallel_loop3A_1525 = arith.index_cast %parallel_loop3A_1523 : i32 to index
        %parallel_loop3A_1526 = arith.index_cast %parallel_loop3A_985 : i32 to index
        %parallel_loop3A_1527 = tpu.vector_load %arg7[%parallel_loop3A_1524, %parallel_loop3A_1525, %parallel_loop3A_1526] {strides = array<i32>} : memref<4x32x768xf32, #tpu.memory_space<vmem>>, vector<1x1x16xf32>,
        %parallel_loop3A_1528 = vector.shape_cast %parallel_loop3A_1527 : vector<1x1x16xf32> to vector<16xf32>
        %parallel_loop3A_1529 = arith.addf %parallel_loop3A_1528, %parallel_loop3A_1489 : vector<16xf32>
        %parallel_loop3A_1530 = arith.constant 0 : i32
        %parallel_loop3A_1531 = arith.constant 23 : i32
        %parallel_loop3A_1532 = arith.index_cast %parallel_loop3A_1530 : i32 to index
        %parallel_loop3A_1533 = arith.index_cast %parallel_loop3A_1531 : i32 to index
        %parallel_loop3A_1534 = arith.index_cast %parallel_loop3A_985 : i32 to index
        %parallel_loop3A_1535 = tpu.vector_load %arg7[%parallel_loop3A_1532, %parallel_loop3A_1533, %parallel_loop3A_1534] {strides = array<i32>} : memref<4x32x768xf32, #tpu.memory_space<vmem>>, vector<1x1x16xf32>,
        %parallel_loop3A_1536 = vector.shape_cast %parallel_loop3A_1535 : vector<1x1x16xf32> to vector<16xf32>
        %parallel_loop3A_1537 = vector.shape_cast %parallel_loop3A_1529 : vector<16xf32> to vector<1x1x16xf32>
        tpu.vector_store %arg7[%parallel_loop3A_1532, %parallel_loop3A_1533, %parallel_loop3A_1534], %parallel_loop3A_1537 {strides = array<i32>} : memref<4x32x768xf32, #tpu.memory_space<vmem>>, vector<1x1x16xf32>,
        %parallel_loop3A_1538 = arith.constant 0 : i32
        %parallel_loop3A_1539 = arith.constant 31 : i32
        %parallel_loop3A_1540 = arith.index_cast %parallel_loop3A_1538 : i32 to index
        %parallel_loop3A_1541 = arith.index_cast %parallel_loop3A_1539 : i32 to index
        %parallel_loop3A_1542 = arith.index_cast %parallel_loop3A_985 : i32 to index
        %parallel_loop3A_1543 = tpu.vector_load %arg7[%parallel_loop3A_1540, %parallel_loop3A_1541, %parallel_loop3A_1542] {strides = array<i32>} : memref<4x32x768xf32, #tpu.memory_space<vmem>>, vector<1x1x16xf32>,
        %parallel_loop3A_1544 = vector.shape_cast %parallel_loop3A_1543 : vector<1x1x16xf32> to vector<16xf32>
        %parallel_loop3A_1545 = arith.addf %parallel_loop3A_1544, %parallel_loop3A_1489 : vector<16xf32>
        %parallel_loop3A_1546 = arith.constant 0 : i32
        %parallel_loop3A_1547 = arith.constant 31 : i32
        %parallel_loop3A_1548 = arith.index_cast %parallel_loop3A_1546 : i32 to index
        %parallel_loop3A_1549 = arith.index_cast %parallel_loop3A_1547 : i32 to index
        %parallel_loop3A_1550 = arith.index_cast %parallel_loop3A_985 : i32 to index
        %parallel_loop3A_1551 = tpu.vector_load %arg7[%parallel_loop3A_1548, %parallel_loop3A_1549, %parallel_loop3A_1550] {strides = array<i32>} : memref<4x32x768xf32, #tpu.memory_space<vmem>>, vector<1x1x16xf32>,
        %parallel_loop3A_1552 = vector.shape_cast %parallel_loop3A_1551 : vector<1x1x16xf32> to vector<16xf32>
        %parallel_loop3A_1553 = vector.shape_cast %parallel_loop3A_1545 : vector<16xf32> to vector<1x1x16xf32>
        tpu.vector_store %arg7[%parallel_loop3A_1548, %parallel_loop3A_1549, %parallel_loop3A_1550], %parallel_loop3A_1553 {strides = array<i32>} : memref<4x32x768xf32, #tpu.memory_space<vmem>>, vector<1x1x16xf32>,
      } {sc.loop_unroll_factor = 1 : i64, sc.parallel_access}
      %add3A_478 = arith.constant 0 : i32
      %add3A_479 = arith.addi %add3A_478, %mul3A_2 : i32
      %mul3A_480 = arith.constant 8 : i32
      %mul3A_481 = arith.muli %add3A_450, %mul3A_480 : i32
      %add3A_482 = arith.addi %add3A_479, %mul3A_481 : i32
      %dma_start3A_483 = arith.constant 0 : i32
      %dma_start3A_484 = arith.constant 0 : i32
      %dma_start3A_485 = arith.constant 0 : i32
      %dma_start3A_486 = tpu.memref_slice %arg7[%dma_start3A_483, %dma_start3A_484, %dma_start3A_485] : memref<4x32x768xf32, #tpu.memory_space<vmem>> -> memref<1x32x768xf32, #tpu.memory_space<vmem>>
      %dma_start3A_487 = tpu.memref_squeeze %dma_start3A_486 : memref<1x32x768xf32, #tpu.memory_space<vmem>> -> memref<32x768xf32, #tpu.memory_space<vmem>>
      %dma_start3A_488 = arith.constant 0 : i32
      %dma_start3A_489 = arith.constant 0 : i32
      %dma_start3A_490 = tpu.memref_slice %dma_start3A_487[%dma_start3A_488, %dma_start3A_489] : memref<32x768xf32, #tpu.memory_space<vmem>> -> memref<8x768xf32, #tpu.memory_space<vmem>>
      %dma_start3A_491 = arith.constant 0 : i32
      %dma_start3A_492 = tpu.memref_slice %arg5[%add3A_482, %dma_start3A_491] : memref<8192x768xf32, #tpu.memory_space<hbm>> -> memref<8x768xf32, #tpu.memory_space<hbm>>
      %dma_start3A_493 = arith.constant 0 : i32
      %dma_start3A_494 = tpu.memref_slice %arg5[%add3A_482, %dma_start3A_493] : memref<8192x768xf32, #tpu.memory_space<hbm>> -> memref<8x768xf32, #tpu.memory_space<hbm>>
      %dma_start3A_495 = arith.constant 0 : i32
      %dma_start3A_496 = arith.constant 0 : i32
      %dma_start3A_497 = tpu.memref_slice %arg7[%dma_start3A_483, %dma_start3A_495, %dma_start3A_496] : memref<4x32x768xf32, #tpu.memory_space<vmem>> -> memref<1x32x768xf32, #tpu.memory_space<vmem>>
      %dma_start3A_498 = tpu.memref_squeeze %dma_start3A_497 : memref<1x32x768xf32, #tpu.memory_space<vmem>> -> memref<32x768xf32, #tpu.memory_space<vmem>>
      %dma_start3A_499 = arith.constant 0 : i32
      %dma_start3A_500 = arith.constant 0 : i32
      %dma_start3A_501 = tpu.memref_slice %dma_start3A_498[%dma_start3A_499, %dma_start3A_500] : memref<32x768xf32, #tpu.memory_space<vmem>> -> memref<8x768xf32, #tpu.memory_space<vmem>>
      tpu.enqueue_dma source(%dma_start3A_501 : memref<8x768xf32, #tpu.memory_space<vmem>>) target(%dma_start3A_494 : memref<8x768xf32, #tpu.memory_space<hbm>>) target_semaphore(%arg17 : memref<!tpu.dma_semaphore, #tpu.memory_space<semaphore_mem>>)
      %add3A_502 = arith.constant 2048 : i32
      %add3A_503 = arith.addi %add3A_502, %mul3A_2 : i32
      %mul3A_504 = arith.constant 8 : i32
      %mul3A_505 = arith.muli %add3A_450, %mul3A_504 : i32
      %add3A_506 = arith.addi %add3A_503, %mul3A_505 : i32
      %dma_start3A_507 = arith.constant 0 : i32
      %dma_start3A_508 = arith.constant 0 : i32
      %dma_start3A_509 = arith.constant 0 : i32
      %dma_start3A_510 = tpu.memref_slice %arg7[%dma_start3A_507, %dma_start3A_508, %dma_start3A_509] : memref<4x32x768xf32, #tpu.memory_space<vmem>> -> memref<1x32x768xf32, #tpu.memory_space<vmem>>
      %dma_start3A_511 = tpu.memref_squeeze %dma_start3A_510 : memref<1x32x768xf32, #tpu.memory_space<vmem>> -> memref<32x768xf32, #tpu.memory_space<vmem>>
      %dma_start3A_512 = arith.constant 8 : i32
      %dma_start3A_513 = arith.constant 0 : i32
      %dma_start3A_514 = tpu.memref_slice %dma_start3A_511[%dma_start3A_512, %dma_start3A_513] : memref<32x768xf32, #tpu.memory_space<vmem>> -> memref<8x768xf32, #tpu.memory_space<vmem>>
      %dma_start3A_515 = arith.constant 0 : i32
      %dma_start3A_516 = tpu.memref_slice %arg5[%add3A_506, %dma_start3A_515] : memref<8192x768xf32, #tpu.memory_space<hbm>> -> memref<8x768xf32, #tpu.memory_space<hbm>>
      %dma_start3A_517 = arith.constant 0 : i32
      %dma_start3A_518 = tpu.memref_slice %arg5[%add3A_506, %dma_start3A_517] : memref<8192x768xf32, #tpu.memory_space<hbm>> -> memref<8x768xf32, #tpu.memory_space<hbm>>
      %dma_start3A_519 = arith.constant 0 : i32
      %dma_start3A_520 = arith.constant 0 : i32
      %dma_start3A_521 = tpu.memref_slice %arg7[%dma_start3A_507, %dma_start3A_519, %dma_start3A_520] : memref<4x32x768xf32, #tpu.memory_space<vmem>> -> memref<1x32x768xf32, #tpu.memory_space<vmem>>
      %dma_start3A_522 = tpu.memref_squeeze %dma_start3A_521 : memref<1x32x768xf32, #tpu.memory_space<vmem>> -> memref<32x768xf32, #tpu.memory_space<vmem>>
      %dma_start3A_523 = arith.constant 8 : i32
      %dma_start3A_524 = arith.constant 0 : i32
      %dma_start3A_525 = tpu.memref_slice %dma_start3A_522[%dma_start3A_523, %dma_start3A_524] : memref<32x768xf32, #tpu.memory_space<vmem>> -> memref<8x768xf32, #tpu.memory_space<vmem>>
      tpu.enqueue_dma source(%dma_start3A_525 : memref<8x768xf32, #tpu.memory_space<vmem>>) target(%dma_start3A_518 : memref<8x768xf32, #tpu.memory_space<hbm>>) target_semaphore(%arg17 : memref<!tpu.dma_semaphore, #tpu.memory_space<semaphore_mem>>)
      %add3A_526 = arith.constant 4096 : i32
      %add3A_527 = arith.addi %add3A_526, %mul3A_2 : i32
      %mul3A_528 = arith.constant 8 : i32
      %mul3A_529 = arith.muli %add3A_450, %mul3A_528 : i32
      %add3A_530 = arith.addi %add3A_527, %mul3A_529 : i32
      %dma_start3A_531 = arith.constant 0 : i32
      %dma_start3A_532 = arith.constant 0 : i32
      %dma_start3A_533 = arith.constant 0 : i32
      %dma_start3A_534 = tpu.memref_slice %arg7[%dma_start3A_531, %dma_start3A_532, %dma_start3A_533] : memref<4x32x768xf32, #tpu.memory_space<vmem>> -> memref<1x32x768xf32, #tpu.memory_space<vmem>>
      %dma_start3A_535 = tpu.memref_squeeze %dma_start3A_534 : memref<1x32x768xf32, #tpu.memory_space<vmem>> -> memref<32x768xf32, #tpu.memory_space<vmem>>
      %dma_start3A_536 = arith.constant 16 : i32
      %dma_start3A_537 = arith.constant 0 : i32
      %dma_start3A_538 = tpu.memref_slice %dma_start3A_535[%dma_start3A_536, %dma_start3A_537] : memref<32x768xf32, #tpu.memory_space<vmem>> -> memref<8x768xf32, #tpu.memory_space<vmem>>
      %dma_start3A_539 = arith.constant 0 : i32
      %dma_start3A_540 = tpu.memref_slice %arg5[%add3A_530, %dma_start3A_539] : memref<8192x768xf32, #tpu.memory_space<hbm>> -> memref<8x768xf32, #tpu.memory_space<hbm>>
      %dma_start3A_541 = arith.constant 0 : i32
      %dma_start3A_542 = tpu.memref_slice %arg5[%add3A_530, %dma_start3A_541] : memref<8192x768xf32, #tpu.memory_space<hbm>> -> memref<8x768xf32, #tpu.memory_space<hbm>>
      %dma_start3A_543 = arith.constant 0 : i32
      %dma_start3A_544 = arith.constant 0 : i32
      %dma_start3A_545 = tpu.memref_slice %arg7[%dma_start3A_531, %dma_start3A_543, %dma_start3A_544] : memref<4x32x768xf32, #tpu.memory_space<vmem>> -> memref<1x32x768xf32, #tpu.memory_space<vmem>>
      %dma_start3A_546 = tpu.memref_squeeze %dma_start3A_545 : memref<1x32x768xf32, #tpu.memory_space<vmem>> -> memref<32x768xf32, #tpu.memory_space<vmem>>
      %dma_start3A_547 = arith.constant 16 : i32
      %dma_start3A_548 = arith.constant 0 : i32
      %dma_start3A_549 = tpu.memref_slice %dma_start3A_546[%dma_start3A_547, %dma_start3A_548] : memref<32x768xf32, #tpu.memory_space<vmem>> -> memref<8x768xf32, #tpu.memory_space<vmem>>
      tpu.enqueue_dma source(%dma_start3A_549 : memref<8x768xf32, #tpu.memory_space<vmem>>) target(%dma_start3A_542 : memref<8x768xf32, #tpu.memory_space<hbm>>) target_semaphore(%arg17 : memref<!tpu.dma_semaphore, #tpu.memory_space<semaphore_mem>>)
      %add3A_550 = arith.constant 6144 : i32
      %add3A_551 = arith.addi %add3A_550, %mul3A_2 : i32
      %mul3A_552 = arith.constant 8 : i32
      %mul3A_553 = arith.muli %add3A_450, %mul3A_552 : i32
      %add3A_554 = arith.addi %add3A_551, %mul3A_553 : i32
      %dma_start3A_555 = arith.constant 0 : i32
      %dma_start3A_556 = arith.constant 0 : i32
      %dma_start3A_557 = arith.constant 0 : i32
      %dma_start3A_558 = tpu.memref_slice %arg7[%dma_start3A_555, %dma_start3A_556, %dma_start3A_557] : memref<4x32x768xf32, #tpu.memory_space<vmem>> -> memref<1x32x768xf32, #tpu.memory_space<vmem>>
      %dma_start3A_559 = tpu.memref_squeeze %dma_start3A_558 : memref<1x32x768xf32, #tpu.memory_space<vmem>> -> memref<32x768xf32, #tpu.memory_space<vmem>>
      %dma_start3A_560 = arith.constant 24 : i32
      %dma_start3A_561 = arith.constant 0 : i32
      %dma_start3A_562 = tpu.memref_slice %dma_start3A_559[%dma_start3A_560, %dma_start3A_561] : memref<32x768xf32, #tpu.memory_space<vmem>> -> memref<8x768xf32, #tpu.memory_space<vmem>>
      %dma_start3A_563 = arith.constant 0 : i32
      %dma_start3A_564 = tpu.memref_slice %arg5[%add3A_554, %dma_start3A_563] : memref<8192x768xf32, #tpu.memory_space<hbm>> -> memref<8x768xf32, #tpu.memory_space<hbm>>
      %dma_start3A_565 = arith.constant 0 : i32
      %dma_start3A_566 = tpu.memref_slice %arg5[%add3A_554, %dma_start3A_565] : memref<8192x768xf32, #tpu.memory_space<hbm>> -> memref<8x768xf32, #tpu.memory_space<hbm>>
      %dma_start3A_567 = arith.constant 0 : i32
      %dma_start3A_568 = arith.constant 0 : i32
      %dma_start3A_569 = tpu.memref_slice %arg7[%dma_start3A_555, %dma_start3A_567, %dma_start3A_568] : memref<4x32x768xf32, #tpu.memory_space<vmem>> -> memref<1x32x768xf32, #tpu.memory_space<vmem>>
      %dma_start3A_570 = tpu.memref_squeeze %dma_start3A_569 : memref<1x32x768xf32, #tpu.memory_space<vmem>> -> memref<32x768xf32, #tpu.memory_space<vmem>>
      %dma_start3A_571 = arith.constant 24 : i32
      %dma_start3A_572 = arith.constant 0 : i32
      %dma_start3A_573 = tpu.memref_slice %dma_start3A_570[%dma_start3A_571, %dma_start3A_572] : memref<32x768xf32, #tpu.memory_space<vmem>> -> memref<8x768xf32, #tpu.memory_space<vmem>>
      tpu.enqueue_dma source(%dma_start3A_573 : memref<8x768xf32, #tpu.memory_space<vmem>>) target(%dma_start3A_566 : memref<8x768xf32, #tpu.memory_space<hbm>>) target_semaphore(%arg17 : memref<!tpu.dma_semaphore, #tpu.memory_space<semaphore_mem>>)
      %add3A_574 = arith.constant 4 : i32
      %add3A_575 = arith.addi %add3A_450, %add3A_574 : i32
      %lt3A = arith.constant 8 : i32
      %lt3A_576 = arith.cmpi slt, %add3A_575, %lt3A : i32
      %convert_element_type3A = arith.extui %lt3A_576 : i1 to i32
      %cond3A = arith.constant 0 : i32
      %cond3A_577 = arith.cmpi ne, %convert_element_type3A, %cond3A : i32
      scf.if %cond3A_577 {
        %dma_wait3A_983 = arith.constant 0 : i32
        %dma_wait3A_984 = arith.constant 0 : i32
        %dma_wait3A_985 = arith.constant 0 : i32
        %dma_wait3A_986 = tpu.memref_slice %arg7[%dma_wait3A_983, %dma_wait3A_984, %dma_wait3A_985] : memref<4x32x768xf32, #tpu.memory_space<vmem>> -> memref<1x32x768xf32, #tpu.memory_space<vmem>>
        %dma_wait3A_987 = tpu.memref_squeeze %dma_wait3A_986 : memref<1x32x768xf32, #tpu.memory_space<vmem>> -> memref<32x768xf32, #tpu.memory_space<vmem>>
        %dma_wait3A_988 = arith.constant 0 : i32
        %dma_wait3A_989 = arith.constant 0 : i32
        %dma_wait3A_990 = tpu.memref_slice %dma_wait3A_987[%dma_wait3A_988, %dma_wait3A_989] : memref<32x768xf32, #tpu.memory_space<vmem>> -> memref<8x768xf32, #tpu.memory_space<vmem>>
        %dma_wait3A_991 = arith.constant 0 : i32
        %dma_wait3A_992 = arith.constant 0 : i32
        %dma_wait3A_993 = tpu.memref_slice %arg5[%dma_wait3A_991, %dma_wait3A_992] : memref<8192x768xf32, #tpu.memory_space<hbm>> -> memref<8x768xf32, #tpu.memory_space<hbm>>
        %dma_wait3A_994 = arith.constant 0 : i32
        %dma_wait3A_995 = arith.constant 0 : i32
        %dma_wait3A_996 = tpu.memref_slice %arg5[%dma_wait3A_994, %dma_wait3A_995] : memref<8192x768xf32, #tpu.memory_space<hbm>> -> memref<8x768xf32, #tpu.memory_space<hbm>>
        %dma_wait3A_997 = arith.constant 0 : i32
        %dma_wait3A_998 = arith.constant 0 : i32
        %dma_wait3A_999 = tpu.memref_slice %arg7[%dma_wait3A_983, %dma_wait3A_997, %dma_wait3A_998] : memref<4x32x768xf32, #tpu.memory_space<vmem>> -> memref<1x32x768xf32, #tpu.memory_space<vmem>>
        %dma_wait3A_1000 = tpu.memref_squeeze %dma_wait3A_999 : memref<1x32x768xf32, #tpu.memory_space<vmem>> -> memref<32x768xf32, #tpu.memory_space<vmem>>
        %dma_wait3A_1001 = arith.constant 0 : i32
        %dma_wait3A_1002 = arith.constant 0 : i32
        %dma_wait3A_1003 = tpu.memref_slice %dma_wait3A_1000[%dma_wait3A_1001, %dma_wait3A_1002] : memref<32x768xf32, #tpu.memory_space<vmem>> -> memref<8x768xf32, #tpu.memory_space<vmem>>
        tpu.wait_dma2 semaphore(%arg17 : memref<!tpu.dma_semaphore, #tpu.memory_space<semaphore_mem>>) src(%dma_wait3A_1003 : memref<8x768xf32, #tpu.memory_space<vmem>>) dst(%dma_wait3A_996 : memref<8x768xf32, #tpu.memory_space<hbm>>)
        %dma_wait3A_1004 = arith.constant 0 : i32
        %dma_wait3A_1005 = arith.constant 0 : i32
        %dma_wait3A_1006 = arith.constant 0 : i32
        %dma_wait3A_1007 = tpu.memref_slice %arg7[%dma_wait3A_1004, %dma_wait3A_1005, %dma_wait3A_1006] : memref<4x32x768xf32, #tpu.memory_space<vmem>> -> memref<1x32x768xf32, #tpu.memory_space<vmem>>
        %dma_wait3A_1008 = tpu.memref_squeeze %dma_wait3A_1007 : memref<1x32x768xf32, #tpu.memory_space<vmem>> -> memref<32x768xf32, #tpu.memory_space<vmem>>
        %dma_wait3A_1009 = arith.constant 0 : i32
        %dma_wait3A_1010 = arith.constant 0 : i32
        %dma_wait3A_1011 = tpu.memref_slice %dma_wait3A_1008[%dma_wait3A_1009, %dma_wait3A_1010] : memref<32x768xf32, #tpu.memory_space<vmem>> -> memref<8x768xf32, #tpu.memory_space<vmem>>
        %dma_wait3A_1012 = arith.constant 0 : i32
        %dma_wait3A_1013 = arith.constant 0 : i32
        %dma_wait3A_1014 = tpu.memref_slice %arg5[%dma_wait3A_1012, %dma_wait3A_1013] : memref<8192x768xf32, #tpu.memory_space<hbm>> -> memref<8x768xf32, #tpu.memory_space<hbm>>
        %dma_wait3A_1015 = arith.constant 0 : i32
        %dma_wait3A_1016 = arith.constant 0 : i32
        %dma_wait3A_1017 = tpu.memref_slice %arg5[%dma_wait3A_1015, %dma_wait3A_1016] : memref<8192x768xf32, #tpu.memory_space<hbm>> -> memref<8x768xf32, #tpu.memory_space<hbm>>
        %dma_wait3A_1018 = arith.constant 0 : i32
        %dma_wait3A_1019 = arith.constant 0 : i32
        %dma_wait3A_1020 = tpu.memref_slice %arg7[%dma_wait3A_1004, %dma_wait3A_1018, %dma_wait3A_1019] : memref<4x32x768xf32, #tpu.memory_space<vmem>> -> memref<1x32x768xf32, #tpu.memory_space<vmem>>
        %dma_wait3A_1021 = tpu.memref_squeeze %dma_wait3A_1020 : memref<1x32x768xf32, #tpu.memory_space<vmem>> -> memref<32x768xf32, #tpu.memory_space<vmem>>
        %dma_wait3A_1022 = arith.constant 0 : i32
        %dma_wait3A_1023 = arith.constant 0 : i32
        %dma_wait3A_1024 = tpu.memref_slice %dma_wait3A_1021[%dma_wait3A_1022, %dma_wait3A_1023] : memref<32x768xf32, #tpu.memory_space<vmem>> -> memref<8x768xf32, #tpu.memory_space<vmem>>
        tpu.wait_dma2 semaphore(%arg17 : memref<!tpu.dma_semaphore, #tpu.memory_space<semaphore_mem>>) src(%dma_wait3A_1024 : memref<8x768xf32, #tpu.memory_space<vmem>>) dst(%dma_wait3A_1017 : memref<8x768xf32, #tpu.memory_space<hbm>>)
        %dma_wait3A_1025 = arith.constant 0 : i32
        %dma_wait3A_1026 = arith.constant 0 : i32
        %dma_wait3A_1027 = arith.constant 0 : i32
        %dma_wait3A_1028 = tpu.memref_slice %arg7[%dma_wait3A_1025, %dma_wait3A_1026, %dma_wait3A_1027] : memref<4x32x768xf32, #tpu.memory_space<vmem>> -> memref<1x32x768xf32, #tpu.memory_space<vmem>>
        %dma_wait3A_1029 = tpu.memref_squeeze %dma_wait3A_1028 : memref<1x32x768xf32, #tpu.memory_space<vmem>> -> memref<32x768xf32, #tpu.memory_space<vmem>>
        %dma_wait3A_1030 = arith.constant 0 : i32
        %dma_wait3A_1031 = arith.constant 0 : i32
        %dma_wait3A_1032 = tpu.memref_slice %dma_wait3A_1029[%dma_wait3A_1030, %dma_wait3A_1031] : memref<32x768xf32, #tpu.memory_space<vmem>> -> memref<8x768xf32, #tpu.memory_space<vmem>>
        %dma_wait3A_1033 = arith.constant 0 : i32
        %dma_wait3A_1034 = arith.constant 0 : i32
        %dma_wait3A_1035 = tpu.memref_slice %arg5[%dma_wait3A_1033, %dma_wait3A_1034] : memref<8192x768xf32, #tpu.memory_space<hbm>> -> memref<8x768xf32, #tpu.memory_space<hbm>>
        %dma_wait3A_1036 = arith.constant 0 : i32
        %dma_wait3A_1037 = arith.constant 0 : i32
        %dma_wait3A_1038 = tpu.memref_slice %arg5[%dma_wait3A_1036, %dma_wait3A_1037] : memref<8192x768xf32, #tpu.memory_space<hbm>> -> memref<8x768xf32, #tpu.memory_space<hbm>>
        %dma_wait3A_1039 = arith.constant 0 : i32
        %dma_wait3A_1040 = arith.constant 0 : i32
        %dma_wait3A_1041 = tpu.memref_slice %arg7[%dma_wait3A_1025, %dma_wait3A_1039, %dma_wait3A_1040] : memref<4x32x768xf32, #tpu.memory_space<vmem>> -> memref<1x32x768xf32, #tpu.memory_space<vmem>>
        %dma_wait3A_1042 = tpu.memref_squeeze %dma_wait3A_1041 : memref<1x32x768xf32, #tpu.memory_space<vmem>> -> memref<32x768xf32, #tpu.memory_space<vmem>>
        %dma_wait3A_1043 = arith.constant 0 : i32
        %dma_wait3A_1044 = arith.constant 0 : i32
        %dma_wait3A_1045 = tpu.memref_slice %dma_wait3A_1042[%dma_wait3A_1043, %dma_wait3A_1044] : memref<32x768xf32, #tpu.memory_space<vmem>> -> memref<8x768xf32, #tpu.memory_space<vmem>>
        tpu.wait_dma2 semaphore(%arg17 : memref<!tpu.dma_semaphore, #tpu.memory_space<semaphore_mem>>) src(%dma_wait3A_1045 : memref<8x768xf32, #tpu.memory_space<vmem>>) dst(%dma_wait3A_1038 : memref<8x768xf32, #tpu.memory_space<hbm>>)
        %dma_wait3A_1046 = arith.constant 0 : i32
        %dma_wait3A_1047 = arith.constant 0 : i32
        %dma_wait3A_1048 = arith.constant 0 : i32
        %dma_wait3A_1049 = tpu.memref_slice %arg7[%dma_wait3A_1046, %dma_wait3A_1047, %dma_wait3A_1048] : memref<4x32x768xf32, #tpu.memory_space<vmem>> -> memref<1x32x768xf32, #tpu.memory_space<vmem>>
        %dma_wait3A_1050 = tpu.memref_squeeze %dma_wait3A_1049 : memref<1x32x768xf32, #tpu.memory_space<vmem>> -> memref<32x768xf32, #tpu.memory_space<vmem>>
        %dma_wait3A_1051 = arith.constant 0 : i32
        %dma_wait3A_1052 = arith.constant 0 : i32
        %dma_wait3A_1053 = tpu.memref_slice %dma_wait3A_1050[%dma_wait3A_1051, %dma_wait3A_1052] : memref<32x768xf32, #tpu.memory_space<vmem>> -> memref<8x768xf32, #tpu.memory_space<vmem>>
        %dma_wait3A_1054 = arith.constant 0 : i32
        %dma_wait3A_1055 = arith.constant 0 : i32
        %dma_wait3A_1056 = tpu.memref_slice %arg5[%dma_wait3A_1054, %dma_wait3A_1055] : memref<8192x768xf32, #tpu.memory_space<hbm>> -> memref<8x768xf32, #tpu.memory_space<hbm>>
        %dma_wait3A_1057 = arith.constant 0 : i32
        %dma_wait3A_1058 = arith.constant 0 : i32
        %dma_wait3A_1059 = tpu.memref_slice %arg5[%dma_wait3A_1057, %dma_wait3A_1058] : memref<8192x768xf32, #tpu.memory_space<hbm>> -> memref<8x768xf32, #tpu.memory_space<hbm>>
        %dma_wait3A_1060 = arith.constant 0 : i32
        %dma_wait3A_1061 = arith.constant 0 : i32
        %dma_wait3A_1062 = tpu.memref_slice %arg7[%dma_wait3A_1046, %dma_wait3A_1060, %dma_wait3A_1061] : memref<4x32x768xf32, #tpu.memory_space<vmem>> -> memref<1x32x768xf32, #tpu.memory_space<vmem>>
        %dma_wait3A_1063 = tpu.memref_squeeze %dma_wait3A_1062 : memref<1x32x768xf32, #tpu.memory_space<vmem>> -> memref<32x768xf32, #tpu.memory_space<vmem>>
        %dma_wait3A_1064 = arith.constant 0 : i32
        %dma_wait3A_1065 = arith.constant 0 : i32
        %dma_wait3A_1066 = tpu.memref_slice %dma_wait3A_1063[%dma_wait3A_1064, %dma_wait3A_1065] : memref<32x768xf32, #tpu.memory_space<vmem>> -> memref<8x768xf32, #tpu.memory_space<vmem>>
        tpu.wait_dma2 semaphore(%arg17 : memref<!tpu.dma_semaphore, #tpu.memory_space<semaphore_mem>>) src(%dma_wait3A_1066 : memref<8x768xf32, #tpu.memory_space<vmem>>) dst(%dma_wait3A_1059 : memref<8x768xf32, #tpu.memory_space<hbm>>)
        %add3A_1067 = arith.constant 4 : i32
        %add3A_1068 = arith.addi %add3A_450, %add3A_1067 : i32
        %mul3A_1069 = arith.constant 8 : i32
        %mul3A_1070 = arith.muli %add3A_1068, %mul3A_1069 : i32
        %add3A_1071 = arith.addi %mul3A_2, %mul3A_1070 : i32
        %dma_start3A_1072 = arith.constant 0 : i32
        %dma_start3A_1073 = arith.constant 0 : i32
        %dma_start3A_1074 = arith.constant 0 : i32
        %dma_start3A_1075 = tpu.memref_slice %arg8[%dma_start3A_1072, %dma_start3A_1073, %dma_start3A_1074] : memref<4x8x768xf32, #tpu.memory_space<vmem>> -> memref<1x8x768xf32, #tpu.memory_space<vmem>>
        %dma_start3A_1076 = tpu.memref_squeeze %dma_start3A_1075 : memref<1x8x768xf32, #tpu.memory_space<vmem>> -> memref<8x768xf32, #tpu.memory_space<vmem>>
        %dma_start3A_1077 = arith.constant 0 : i32
        %dma_start3A_1078 = tpu.memref_slice %arg4[%add3A_1071, %dma_start3A_1077] : memref<2048x768xf32, #tpu.memory_space<hbm>> -> memref<8x768xf32, #tpu.memory_space<hbm>>
        %dma_start3A_1079 = arith.constant 0 : i32
        %dma_start3A_1080 = arith.constant 0 : i32
        %dma_start3A_1081 = tpu.memref_slice %arg8[%dma_start3A_1072, %dma_start3A_1079, %dma_start3A_1080] : memref<4x8x768xf32, #tpu.memory_space<vmem>> -> memref<1x8x768xf32, #tpu.memory_space<vmem>>
        %dma_start3A_1082 = tpu.memref_squeeze %dma_start3A_1081 : memref<1x8x768xf32, #tpu.memory_space<vmem>> -> memref<8x768xf32, #tpu.memory_space<vmem>>
        %dma_start3A_1083 = arith.constant 0 : i32
        %dma_start3A_1084 = tpu.memref_slice %arg4[%add3A_1071, %dma_start3A_1083] : memref<2048x768xf32, #tpu.memory_space<hbm>> -> memref<8x768xf32, #tpu.memory_space<hbm>>
        tpu.enqueue_dma source(%dma_start3A_1084 : memref<8x768xf32, #tpu.memory_space<hbm>>) target(%dma_start3A_1082 : memref<8x768xf32, #tpu.memory_space<vmem>>) target_semaphore(%arg13 : memref<!tpu.dma_semaphore, #tpu.memory_space<semaphore_mem>>)
        %mul3A_1085 = arith.constant 32 : i32
        %mul3A_1086 = arith.muli %add3A_1068, %mul3A_1085 : i32
        %dma_start3A_1087 = arith.constant 0 : i32
        %dma_start3A_1088 = arith.constant 0 : i32
        %dma_start3A_1089 = arith.constant 0 : i32
        %dma_start3A_1090 = tpu.memref_slice %arg7[%dma_start3A_1087, %dma_start3A_1088, %dma_start3A_1089] : memref<4x32x768xf32, #tpu.memory_space<vmem>> -> memref<1x32x768xf32, #tpu.memory_space<vmem>>
        %dma_start3A_1091 = tpu.memref_squeeze %dma_start3A_1090 : memref<1x32x768xf32, #tpu.memory_space<vmem>> -> memref<32x768xf32, #tpu.memory_space<vmem>>
        %dma_start3A_1092 = tpu.memref_slice %arg6[%mul3A_1086] : memref<256xi32, #tpu.memory_space<vmem>> -> memref<32xi32, #tpu.memory_space<vmem>>
        %dma_start3A_1093 = arith.constant 0 : i32
        %dma_start3A_1094 = arith.constant 0 : i32
        %dma_start3A_1095 = tpu.memref_slice %arg3[%dma_start3A_1093, %dma_start3A_1094] : memref<50257x768xf32, #tpu.memory_space<hbm>> -> memref<50257x768xf32, #tpu.memory_space<hbm>>
        tpu.enqueue_indirect_dma source(%dma_start3A_1095 : memref<50257x768xf32, #tpu.memory_space<hbm>>) target(%dma_start3A_1091 : memref<32x768xf32, #tpu.memory_space<vmem>>) offsets(%dma_start3A_1092 : memref<32xi32, #tpu.memory_space<vmem>>) semaphore(%arg9 : memref<!tpu.dma_semaphore, #tpu.memory_space<semaphore_mem>>)
      } else {
      }
      %mul3A_578 = arith.constant 4 : i32
      %mul3A_579 = arith.muli %mul3A_578, %scan3A_446 : i32
      %add3A_580 = arith.constant 1 : i32
      %add3A_581 = arith.addi %mul3A_579, %add3A_580 : i32
      %dma_wait3A_582 = arith.constant 1 : i32
      %dma_wait3A_583 = arith.constant 0 : i32
      %dma_wait3A_584 = arith.constant 0 : i32
      %dma_wait3A_585 = tpu.memref_slice %arg8[%dma_wait3A_582, %dma_wait3A_583, %dma_wait3A_584] : memref<4x8x768xf32, #tpu.memory_space<vmem>> -> memref<1x8x768xf32, #tpu.memory_space<vmem>>
      %dma_wait3A_586 = tpu.memref_squeeze %dma_wait3A_585 : memref<1x8x768xf32, #tpu.memory_space<vmem>> -> memref<8x768xf32, #tpu.memory_space<vmem>>
      %dma_wait3A_587 = arith.constant 0 : i32
      %dma_wait3A_588 = arith.constant 0 : i32
      %dma_wait3A_589 = tpu.memref_slice %arg4[%dma_wait3A_587, %dma_wait3A_588] : memref<2048x768xf32, #tpu.memory_space<hbm>> -> memref<8x768xf32, #tpu.memory_space<hbm>>
      %dma_wait3A_590 = arith.constant 0 : i32
      %dma_wait3A_591 = arith.constant 0 : i32
      %dma_wait3A_592 = tpu.memref_slice %arg8[%dma_wait3A_582, %dma_wait3A_590, %dma_wait3A_591] : memref<4x8x768xf32, #tpu.memory_space<vmem>> -> memref<1x8x768xf32, #tpu.memory_space<vmem>>
      %dma_wait3A_593 = tpu.memref_squeeze %dma_wait3A_592 : memref<1x8x768xf32, #tpu.memory_space<vmem>> -> memref<8x768xf32, #tpu.memory_space<vmem>>
      %dma_wait3A_594 = arith.constant 0 : i32
      %dma_wait3A_595 = arith.constant 0 : i32
      %dma_wait3A_596 = tpu.memref_slice %arg4[%dma_wait3A_594, %dma_wait3A_595] : memref<2048x768xf32, #tpu.memory_space<hbm>> -> memref<8x768xf32, #tpu.memory_space<hbm>>
      tpu.wait_dma2 semaphore(%arg14 : memref<!tpu.dma_semaphore, #tpu.memory_space<semaphore_mem>>) src(%dma_wait3A_596 : memref<8x768xf32, #tpu.memory_space<hbm>>) dst(%dma_wait3A_593 : memref<8x768xf32, #tpu.memory_space<vmem>>)
      %dma_wait3A_597 = arith.constant 1 : i32
      %dma_wait3A_598 = arith.constant 0 : i32
      %dma_wait3A_599 = arith.constant 0 : i32
      %dma_wait3A_600 = tpu.memref_slice %arg7[%dma_wait3A_597, %dma_wait3A_598, %dma_wait3A_599] : memref<4x32x768xf32, #tpu.memory_space<vmem>> -> memref<1x32x768xf32, #tpu.memory_space<vmem>>
      %dma_wait3A_601 = tpu.memref_squeeze %dma_wait3A_600 : memref<1x32x768xf32, #tpu.memory_space<vmem>> -> memref<32x768xf32, #tpu.memory_space<vmem>>
      %dma_wait3A_602 = arith.constant 0 : i32
      %dma_wait3A_603 = tpu.memref_slice %arg6[%dma_wait3A_602] : memref<256xi32, #tpu.memory_space<vmem>> -> memref<32xi32, #tpu.memory_space<vmem>>
      %dma_wait3A_604 = arith.constant 0 : i32
      %dma_wait3A_605 = arith.constant 0 : i32
      %dma_wait3A_606 = tpu.memref_slice %arg3[%dma_wait3A_604, %dma_wait3A_605] : memref<50257x768xf32, #tpu.memory_space<hbm>> -> memref<50257x768xf32, #tpu.memory_space<hbm>>
      tpu.wait_indirect_dma semaphore(%arg10 : memref<!tpu.dma_semaphore, #tpu.memory_space<semaphore_mem>>) src(%dma_wait3A_606 : memref<50257x768xf32, #tpu.memory_space<hbm>>) dst(%dma_wait3A_601 : memref<32x768xf32, #tpu.memory_space<vmem>>)
      %parallel_loop3A_607 = arith.constant 0 : i32
      %parallel_loop3A_608 = arith.constant 48 : i32
      %parallel_loop3A_609 = arith.constant 1 : i32
      scf.for %parallel_loop3A_983 = %parallel_loop3A_607 to %parallel_loop3A_608 step %parallel_loop3A_609  : i32 {
        %parallel_loop3A_984 = arith.constant 16 : i32
        %parallel_loop3A_985 = arith.muli %parallel_loop3A_983, %parallel_loop3A_984 : i32
        %parallel_loop3A_986 = arith.constant 1 : i32
        %parallel_loop3A_987 = arith.constant 0 : i32
        %parallel_loop3A_988 = arith.index_cast %parallel_loop3A_986 : i32 to index
        %parallel_loop3A_989 = arith.index_cast %parallel_loop3A_987 : i32 to index
        %parallel_loop3A_990 = arith.index_cast %parallel_loop3A_985 : i32 to index
        %parallel_loop3A_991 = tpu.vector_load %arg8[%parallel_loop3A_988, %parallel_loop3A_989, %parallel_loop3A_990] {strides = array<i32>} : memref<4x8x768xf32, #tpu.memory_space<vmem>>, vector<1x1x16xf32>,
        %parallel_loop3A_992 = vector.shape_cast %parallel_loop3A_991 : vector<1x1x16xf32> to vector<16xf32>
        %parallel_loop3A_993 = arith.constant 1 : i32
        %parallel_loop3A_994 = arith.constant 0 : i32
        %parallel_loop3A_995 = arith.index_cast %parallel_loop3A_993 : i32 to index
        %parallel_loop3A_996 = arith.index_cast %parallel_loop3A_994 : i32 to index
        %parallel_loop3A_997 = arith.index_cast %parallel_loop3A_985 : i32 to index
        %parallel_loop3A_998 = tpu.vector_load %arg7[%parallel_loop3A_995, %parallel_loop3A_996, %parallel_loop3A_997] {strides = array<i32>} : memref<4x32x768xf32, #tpu.memory_space<vmem>>, vector<1x1x16xf32>,
        %parallel_loop3A_999 = vector.shape_cast %parallel_loop3A_998 : vector<1x1x16xf32> to vector<16xf32>
        %parallel_loop3A_1000 = arith.addf %parallel_loop3A_999, %parallel_loop3A_992 : vector<16xf32>
        %parallel_loop3A_1001 = arith.constant 1 : i32
        %parallel_loop3A_1002 = arith.constant 0 : i32
        %parallel_loop3A_1003 = arith.index_cast %parallel_loop3A_1001 : i32 to index
        %parallel_loop3A_1004 = arith.index_cast %parallel_loop3A_1002 : i32 to index
        %parallel_loop3A_1005 = arith.index_cast %parallel_loop3A_985 : i32 to index
        %parallel_loop3A_1006 = tpu.vector_load %arg7[%parallel_loop3A_1003, %parallel_loop3A_1004, %parallel_loop3A_1005] {strides = array<i32>} : memref<4x32x768xf32, #tpu.memory_space<vmem>>, vector<1x1x16xf32>,
        %parallel_loop3A_1007 = vector.shape_cast %parallel_loop3A_1006 : vector<1x1x16xf32> to vector<16xf32>
        %parallel_loop3A_1008 = vector.shape_cast %parallel_loop3A_1000 : vector<16xf32> to vector<1x1x16xf32>
        tpu.vector_store %arg7[%parallel_loop3A_1003, %parallel_loop3A_1004, %parallel_loop3A_1005], %parallel_loop3A_1008 {strides = array<i32>} : memref<4x32x768xf32, #tpu.memory_space<vmem>>, vector<1x1x16xf32>,
        %parallel_loop3A_1009 = arith.constant 1 : i32
        %parallel_loop3A_1010 = arith.constant 8 : i32
        %parallel_loop3A_1011 = arith.index_cast %parallel_loop3A_1009 : i32 to index
        %parallel_loop3A_1012 = arith.index_cast %parallel_loop3A_1010 : i32 to index
        %parallel_loop3A_1013 = arith.index_cast %parallel_loop3A_985 : i32 to index
        %parallel_loop3A_1014 = tpu.vector_load %arg7[%parallel_loop3A_1011, %parallel_loop3A_1012, %parallel_loop3A_1013] {strides = array<i32>} : memref<4x32x768xf32, #tpu.memory_space<vmem>>, vector<1x1x16xf32>,
        %parallel_loop3A_1015 = vector.shape_cast %parallel_loop3A_1014 : vector<1x1x16xf32> to vector<16xf32>
        %parallel_loop3A_1016 = arith.addf %parallel_loop3A_1015, %parallel_loop3A_992 : vector<16xf32>
        %parallel_loop3A_1017 = arith.constant 1 : i32
        %parallel_loop3A_1018 = arith.constant 8 : i32
        %parallel_loop3A_1019 = arith.index_cast %parallel_loop3A_1017 : i32 to index
        %parallel_loop3A_1020 = arith.index_cast %parallel_loop3A_1018 : i32 to index
        %parallel_loop3A_1021 = arith.index_cast %parallel_loop3A_985 : i32 to index
        %parallel_loop3A_1022 = tpu.vector_load %arg7[%parallel_loop3A_1019, %parallel_loop3A_1020, %parallel_loop3A_1021] {strides = array<i32>} : memref<4x32x768xf32, #tpu.memory_space<vmem>>, vector<1x1x16xf32>,
        %parallel_loop3A_1023 = vector.shape_cast %parallel_loop3A_1022 : vector<1x1x16xf32> to vector<16xf32>
        %parallel_loop3A_1024 = vector.shape_cast %parallel_loop3A_1016 : vector<16xf32> to vector<1x1x16xf32>
        tpu.vector_store %arg7[%parallel_loop3A_1019, %parallel_loop3A_1020, %parallel_loop3A_1021], %parallel_loop3A_1024 {strides = array<i32>} : memref<4x32x768xf32, #tpu.memory_space<vmem>>, vector<1x1x16xf32>,
        %parallel_loop3A_1025 = arith.constant 1 : i32
        %parallel_loop3A_1026 = arith.constant 16 : i32
        %parallel_loop3A_1027 = arith.index_cast %parallel_loop3A_1025 : i32 to index
        %parallel_loop3A_1028 = arith.index_cast %parallel_loop3A_1026 : i32 to index
        %parallel_loop3A_1029 = arith.index_cast %parallel_loop3A_985 : i32 to index
        %parallel_loop3A_1030 = tpu.vector_load %arg7[%parallel_loop3A_1027, %parallel_loop3A_1028, %parallel_loop3A_1029] {strides = array<i32>} : memref<4x32x768xf32, #tpu.memory_space<vmem>>, vector<1x1x16xf32>,
        %parallel_loop3A_1031 = vector.shape_cast %parallel_loop3A_1030 : vector<1x1x16xf32> to vector<16xf32>
        %parallel_loop3A_1032 = arith.addf %parallel_loop3A_1031, %parallel_loop3A_992 : vector<16xf32>
        %parallel_loop3A_1033 = arith.constant 1 : i32
        %parallel_loop3A_1034 = arith.constant 16 : i32
        %parallel_loop3A_1035 = arith.index_cast %parallel_loop3A_1033 : i32 to index
        %parallel_loop3A_1036 = arith.index_cast %parallel_loop3A_1034 : i32 to index
        %parallel_loop3A_1037 = arith.index_cast %parallel_loop3A_985 : i32 to index
        %parallel_loop3A_1038 = tpu.vector_load %arg7[%parallel_loop3A_1035, %parallel_loop3A_1036, %parallel_loop3A_1037] {strides = array<i32>} : memref<4x32x768xf32, #tpu.memory_space<vmem>>, vector<1x1x16xf32>,
        %parallel_loop3A_1039 = vector.shape_cast %parallel_loop3A_1038 : vector<1x1x16xf32> to vector<16xf32>
        %parallel_loop3A_1040 = vector.shape_cast %parallel_loop3A_1032 : vector<16xf32> to vector<1x1x16xf32>
        tpu.vector_store %arg7[%parallel_loop3A_1035, %parallel_loop3A_1036, %parallel_loop3A_1037], %parallel_loop3A_1040 {strides = array<i32>} : memref<4x32x768xf32, #tpu.memory_space<vmem>>, vector<1x1x16xf32>,
        %parallel_loop3A_1041 = arith.constant 1 : i32
        %parallel_loop3A_1042 = arith.constant 24 : i32
        %parallel_loop3A_1043 = arith.index_cast %parallel_loop3A_1041 : i32 to index
        %parallel_loop3A_1044 = arith.index_cast %parallel_loop3A_1042 : i32 to index
        %parallel_loop3A_1045 = arith.index_cast %parallel_loop3A_985 : i32 to index
        %parallel_loop3A_1046 = tpu.vector_load %arg7[%parallel_loop3A_1043, %parallel_loop3A_1044, %parallel_loop3A_1045] {strides = array<i32>} : memref<4x32x768xf32, #tpu.memory_space<vmem>>, vector<1x1x16xf32>,
        %parallel_loop3A_1047 = vector.shape_cast %parallel_loop3A_1046 : vector<1x1x16xf32> to vector<16xf32>
        %parallel_loop3A_1048 = arith.addf %parallel_loop3A_1047, %parallel_loop3A_992 : vector<16xf32>
        %parallel_loop3A_1049 = arith.constant 1 : i32
        %parallel_loop3A_1050 = arith.constant 24 : i32
        %parallel_loop3A_1051 = arith.index_cast %parallel_loop3A_1049 : i32 to index
        %parallel_loop3A_1052 = arith.index_cast %parallel_loop3A_1050 : i32 to index
        %parallel_loop3A_1053 = arith.index_cast %parallel_loop3A_985 : i32 to index
        %parallel_loop3A_1054 = tpu.vector_load %arg7[%parallel_loop3A_1051, %parallel_loop3A_1052, %parallel_loop3A_1053] {strides = array<i32>} : memref<4x32x768xf32, #tpu.memory_space<vmem>>, vector<1x1x16xf32>,
        %parallel_loop3A_1055 = vector.shape_cast %parallel_loop3A_1054 : vector<1x1x16xf32> to vector<16xf32>
        %parallel_loop3A_1056 = vector.shape_cast %parallel_loop3A_1048 : vector<16xf32> to vector<1x1x16xf32>
        tpu.vector_store %arg7[%parallel_loop3A_1051, %parallel_loop3A_1052, %parallel_loop3A_1053], %parallel_loop3A_1056 {strides = array<i32>} : memref<4x32x768xf32, #tpu.memory_space<vmem>>, vector<1x1x16xf32>,
        %parallel_loop3A_1057 = arith.constant 1 : i32
        %parallel_loop3A_1058 = arith.constant 1 : i32
        %parallel_loop3A_1059 = arith.index_cast %parallel_loop3A_1057 : i32 to index
        %parallel_loop3A_1060 = arith.index_cast %parallel_loop3A_1058 : i32 to index
        %parallel_loop3A_1061 = arith.index_cast %parallel_loop3A_985 : i32 to index
        %parallel_loop3A_1062 = tpu.vector_load %arg8[%parallel_loop3A_1059, %parallel_loop3A_1060, %parallel_loop3A_1061] {strides = array<i32>} : memref<4x8x768xf32, #tpu.memory_space<vmem>>, vector<1x1x16xf32>,
        %parallel_loop3A_1063 = vector.shape_cast %parallel_loop3A_1062 : vector<1x1x16xf32> to vector<16xf32>
        %parallel_loop3A_1064 = arith.constant 1 : i32
        %parallel_loop3A_1065 = arith.constant 1 : i32
        %parallel_loop3A_1066 = arith.index_cast %parallel_loop3A_1064 : i32 to index
        %parallel_loop3A_1067 = arith.index_cast %parallel_loop3A_1065 : i32 to index
        %parallel_loop3A_1068 = arith.index_cast %parallel_loop3A_985 : i32 to index
        %parallel_loop3A_1069 = tpu.vector_load %arg7[%parallel_loop3A_1066, %parallel_loop3A_1067, %parallel_loop3A_1068] {strides = array<i32>} : memref<4x32x768xf32, #tpu.memory_space<vmem>>, vector<1x1x16xf32>,
        %parallel_loop3A_1070 = vector.shape_cast %parallel_loop3A_1069 : vector<1x1x16xf32> to vector<16xf32>
        %parallel_loop3A_1071 = arith.addf %parallel_loop3A_1070, %parallel_loop3A_1063 : vector<16xf32>
        %parallel_loop3A_1072 = arith.constant 1 : i32
        %parallel_loop3A_1073 = arith.constant 1 : i32
        %parallel_loop3A_1074 = arith.index_cast %parallel_loop3A_1072 : i32 to index
        %parallel_loop3A_1075 = arith.index_cast %parallel_loop3A_1073 : i32 to index
        %parallel_loop3A_1076 = arith.index_cast %parallel_loop3A_985 : i32 to index
        %parallel_loop3A_1077 = tpu.vector_load %arg7[%parallel_loop3A_1074, %parallel_loop3A_1075, %parallel_loop3A_1076] {strides = array<i32>} : memref<4x32x768xf32, #tpu.memory_space<vmem>>, vector<1x1x16xf32>,
        %parallel_loop3A_1078 = vector.shape_cast %parallel_loop3A_1077 : vector<1x1x16xf32> to vector<16xf32>
        %parallel_loop3A_1079 = vector.shape_cast %parallel_loop3A_1071 : vector<16xf32> to vector<1x1x16xf32>
        tpu.vector_store %arg7[%parallel_loop3A_1074, %parallel_loop3A_1075, %parallel_loop3A_1076], %parallel_loop3A_1079 {strides = array<i32>} : memref<4x32x768xf32, #tpu.memory_space<vmem>>, vector<1x1x16xf32>,
        %parallel_loop3A_1080 = arith.constant 1 : i32
        %parallel_loop3A_1081 = arith.constant 9 : i32
        %parallel_loop3A_1082 = arith.index_cast %parallel_loop3A_1080 : i32 to index
        %parallel_loop3A_1083 = arith.index_cast %parallel_loop3A_1081 : i32 to index
        %parallel_loop3A_1084 = arith.index_cast %parallel_loop3A_985 : i32 to index
        %parallel_loop3A_1085 = tpu.vector_load %arg7[%parallel_loop3A_1082, %parallel_loop3A_1083, %parallel_loop3A_1084] {strides = array<i32>} : memref<4x32x768xf32, #tpu.memory_space<vmem>>, vector<1x1x16xf32>,
        %parallel_loop3A_1086 = vector.shape_cast %parallel_loop3A_1085 : vector<1x1x16xf32> to vector<16xf32>
        %parallel_loop3A_1087 = arith.addf %parallel_loop3A_1086, %parallel_loop3A_1063 : vector<16xf32>
        %parallel_loop3A_1088 = arith.constant 1 : i32
        %parallel_loop3A_1089 = arith.constant 9 : i32
        %parallel_loop3A_1090 = arith.index_cast %parallel_loop3A_1088 : i32 to index
        %parallel_loop3A_1091 = arith.index_cast %parallel_loop3A_1089 : i32 to index
        %parallel_loop3A_1092 = arith.index_cast %parallel_loop3A_985 : i32 to index
        %parallel_loop3A_1093 = tpu.vector_load %arg7[%parallel_loop3A_1090, %parallel_loop3A_1091, %parallel_loop3A_1092] {strides = array<i32>} : memref<4x32x768xf32, #tpu.memory_space<vmem>>, vector<1x1x16xf32>,
        %parallel_loop3A_1094 = vector.shape_cast %parallel_loop3A_1093 : vector<1x1x16xf32> to vector<16xf32>
        %parallel_loop3A_1095 = vector.shape_cast %parallel_loop3A_1087 : vector<16xf32> to vector<1x1x16xf32>
        tpu.vector_store %arg7[%parallel_loop3A_1090, %parallel_loop3A_1091, %parallel_loop3A_1092], %parallel_loop3A_1095 {strides = array<i32>} : memref<4x32x768xf32, #tpu.memory_space<vmem>>, vector<1x1x16xf32>,
        %parallel_loop3A_1096 = arith.constant 1 : i32
        %parallel_loop3A_1097 = arith.constant 17 : i32
        %parallel_loop3A_1098 = arith.index_cast %parallel_loop3A_1096 : i32 to index
        %parallel_loop3A_1099 = arith.index_cast %parallel_loop3A_1097 : i32 to index
        %parallel_loop3A_1100 = arith.index_cast %parallel_loop3A_985 : i32 to index
        %parallel_loop3A_1101 = tpu.vector_load %arg7[%parallel_loop3A_1098, %parallel_loop3A_1099, %parallel_loop3A_1100] {strides = array<i32>} : memref<4x32x768xf32, #tpu.memory_space<vmem>>, vector<1x1x16xf32>,
        %parallel_loop3A_1102 = vector.shape_cast %parallel_loop3A_1101 : vector<1x1x16xf32> to vector<16xf32>
        %parallel_loop3A_1103 = arith.addf %parallel_loop3A_1102, %parallel_loop3A_1063 : vector<16xf32>
        %parallel_loop3A_1104 = arith.constant 1 : i32
        %parallel_loop3A_1105 = arith.constant 17 : i32
        %parallel_loop3A_1106 = arith.index_cast %parallel_loop3A_1104 : i32 to index
        %parallel_loop3A_1107 = arith.index_cast %parallel_loop3A_1105 : i32 to index
        %parallel_loop3A_1108 = arith.index_cast %parallel_loop3A_985 : i32 to index
        %parallel_loop3A_1109 = tpu.vector_load %arg7[%parallel_loop3A_1106, %parallel_loop3A_1107, %parallel_loop3A_1108] {strides = array<i32>} : memref<4x32x768xf32, #tpu.memory_space<vmem>>, vector<1x1x16xf32>,
        %parallel_loop3A_1110 = vector.shape_cast %parallel_loop3A_1109 : vector<1x1x16xf32> to vector<16xf32>
        %parallel_loop3A_1111 = vector.shape_cast %parallel_loop3A_1103 : vector<16xf32> to vector<1x1x16xf32>
        tpu.vector_store %arg7[%parallel_loop3A_1106, %parallel_loop3A_1107, %parallel_loop3A_1108], %parallel_loop3A_1111 {strides = array<i32>} : memref<4x32x768xf32, #tpu.memory_space<vmem>>, vector<1x1x16xf32>,
        %parallel_loop3A_1112 = arith.constant 1 : i32
        %parallel_loop3A_1113 = arith.constant 25 : i32
        %parallel_loop3A_1114 = arith.index_cast %parallel_loop3A_1112 : i32 to index
        %parallel_loop3A_1115 = arith.index_cast %parallel_loop3A_1113 : i32 to index
        %parallel_loop3A_1116 = arith.index_cast %parallel_loop3A_985 : i32 to index
        %parallel_loop3A_1117 = tpu.vector_load %arg7[%parallel_loop3A_1114, %parallel_loop3A_1115, %parallel_loop3A_1116] {strides = array<i32>} : memref<4x32x768xf32, #tpu.memory_space<vmem>>, vector<1x1x16xf32>,
        %parallel_loop3A_1118 = vector.shape_cast %parallel_loop3A_1117 : vector<1x1x16xf32> to vector<16xf32>
        %parallel_loop3A_1119 = arith.addf %parallel_loop3A_1118, %parallel_loop3A_1063 : vector<16xf32>
        %parallel_loop3A_1120 = arith.constant 1 : i32
        %parallel_loop3A_1121 = arith.constant 25 : i32
        %parallel_loop3A_1122 = arith.index_cast %parallel_loop3A_1120 : i32 to index
        %parallel_loop3A_1123 = arith.index_cast %parallel_loop3A_1121 : i32 to index
        %parallel_loop3A_1124 = arith.index_cast %parallel_loop3A_985 : i32 to index
        %parallel_loop3A_1125 = tpu.vector_load %arg7[%parallel_loop3A_1122, %parallel_loop3A_1123, %parallel_loop3A_1124] {strides = array<i32>} : memref<4x32x768xf32, #tpu.memory_space<vmem>>, vector<1x1x16xf32>,
        %parallel_loop3A_1126 = vector.shape_cast %parallel_loop3A_1125 : vector<1x1x16xf32> to vector<16xf32>
        %parallel_loop3A_1127 = vector.shape_cast %parallel_loop3A_1119 : vector<16xf32> to vector<1x1x16xf32>
        tpu.vector_store %arg7[%parallel_loop3A_1122, %parallel_loop3A_1123, %parallel_loop3A_1124], %parallel_loop3A_1127 {strides = array<i32>} : memref<4x32x768xf32, #tpu.memory_space<vmem>>, vector<1x1x16xf32>,
        %parallel_loop3A_1128 = arith.constant 1 : i32
        %parallel_loop3A_1129 = arith.constant 2 : i32
        %parallel_loop3A_1130 = arith.index_cast %parallel_loop3A_1128 : i32 to index
        %parallel_loop3A_1131 = arith.index_cast %parallel_loop3A_1129 : i32 to index
        %parallel_loop3A_1132 = arith.index_cast %parallel_loop3A_985 : i32 to index
        %parallel_loop3A_1133 = tpu.vector_load %arg8[%parallel_loop3A_1130, %parallel_loop3A_1131, %parallel_loop3A_1132] {strides = array<i32>} : memref<4x8x768xf32, #tpu.memory_space<vmem>>, vector<1x1x16xf32>,
        %parallel_loop3A_1134 = vector.shape_cast %parallel_loop3A_1133 : vector<1x1x16xf32> to vector<16xf32>
        %parallel_loop3A_1135 = arith.constant 1 : i32
        %parallel_loop3A_1136 = arith.constant 2 : i32
        %parallel_loop3A_1137 = arith.index_cast %parallel_loop3A_1135 : i32 to index
        %parallel_loop3A_1138 = arith.index_cast %parallel_loop3A_1136 : i32 to index
        %parallel_loop3A_1139 = arith.index_cast %parallel_loop3A_985 : i32 to index
        %parallel_loop3A_1140 = tpu.vector_load %arg7[%parallel_loop3A_1137, %parallel_loop3A_1138, %parallel_loop3A_1139] {strides = array<i32>} : memref<4x32x768xf32, #tpu.memory_space<vmem>>, vector<1x1x16xf32>,
        %parallel_loop3A_1141 = vector.shape_cast %parallel_loop3A_1140 : vector<1x1x16xf32> to vector<16xf32>
        %parallel_loop3A_1142 = arith.addf %parallel_loop3A_1141, %parallel_loop3A_1134 : vector<16xf32>
        %parallel_loop3A_1143 = arith.constant 1 : i32
        %parallel_loop3A_1144 = arith.constant 2 : i32
        %parallel_loop3A_1145 = arith.index_cast %parallel_loop3A_1143 : i32 to index
        %parallel_loop3A_1146 = arith.index_cast %parallel_loop3A_1144 : i32 to index
        %parallel_loop3A_1147 = arith.index_cast %parallel_loop3A_985 : i32 to index
        %parallel_loop3A_1148 = tpu.vector_load %arg7[%parallel_loop3A_1145, %parallel_loop3A_1146, %parallel_loop3A_1147] {strides = array<i32>} : memref<4x32x768xf32, #tpu.memory_space<vmem>>, vector<1x1x16xf32>,
        %parallel_loop3A_1149 = vector.shape_cast %parallel_loop3A_1148 : vector<1x1x16xf32> to vector<16xf32>
        %parallel_loop3A_1150 = vector.shape_cast %parallel_loop3A_1142 : vector<16xf32> to vector<1x1x16xf32>
        tpu.vector_store %arg7[%parallel_loop3A_1145, %parallel_loop3A_1146, %parallel_loop3A_1147], %parallel_loop3A_1150 {strides = array<i32>} : memref<4x32x768xf32, #tpu.memory_space<vmem>>, vector<1x1x16xf32>,
        %parallel_loop3A_1151 = arith.constant 1 : i32
        %parallel_loop3A_1152 = arith.constant 10 : i32
        %parallel_loop3A_1153 = arith.index_cast %parallel_loop3A_1151 : i32 to index
        %parallel_loop3A_1154 = arith.index_cast %parallel_loop3A_1152 : i32 to index
        %parallel_loop3A_1155 = arith.index_cast %parallel_loop3A_985 : i32 to index
        %parallel_loop3A_1156 = tpu.vector_load %arg7[%parallel_loop3A_1153, %parallel_loop3A_1154, %parallel_loop3A_1155] {strides = array<i32>} : memref<4x32x768xf32, #tpu.memory_space<vmem>>, vector<1x1x16xf32>,
        %parallel_loop3A_1157 = vector.shape_cast %parallel_loop3A_1156 : vector<1x1x16xf32> to vector<16xf32>
        %parallel_loop3A_1158 = arith.addf %parallel_loop3A_1157, %parallel_loop3A_1134 : vector<16xf32>
        %parallel_loop3A_1159 = arith.constant 1 : i32
        %parallel_loop3A_1160 = arith.constant 10 : i32
        %parallel_loop3A_1161 = arith.index_cast %parallel_loop3A_1159 : i32 to index
        %parallel_loop3A_1162 = arith.index_cast %parallel_loop3A_1160 : i32 to index
        %parallel_loop3A_1163 = arith.index_cast %parallel_loop3A_985 : i32 to index
        %parallel_loop3A_1164 = tpu.vector_load %arg7[%parallel_loop3A_1161, %parallel_loop3A_1162, %parallel_loop3A_1163] {strides = array<i32>} : memref<4x32x768xf32, #tpu.memory_space<vmem>>, vector<1x1x16xf32>,
        %parallel_loop3A_1165 = vector.shape_cast %parallel_loop3A_1164 : vector<1x1x16xf32> to vector<16xf32>
        %parallel_loop3A_1166 = vector.shape_cast %parallel_loop3A_1158 : vector<16xf32> to vector<1x1x16xf32>
        tpu.vector_store %arg7[%parallel_loop3A_1161, %parallel_loop3A_1162, %parallel_loop3A_1163], %parallel_loop3A_1166 {strides = array<i32>} : memref<4x32x768xf32, #tpu.memory_space<vmem>>, vector<1x1x16xf32>,
        %parallel_loop3A_1167 = arith.constant 1 : i32
        %parallel_loop3A_1168 = arith.constant 18 : i32
        %parallel_loop3A_1169 = arith.index_cast %parallel_loop3A_1167 : i32 to index
        %parallel_loop3A_1170 = arith.index_cast %parallel_loop3A_1168 : i32 to index
        %parallel_loop3A_1171 = arith.index_cast %parallel_loop3A_985 : i32 to index
        %parallel_loop3A_1172 = tpu.vector_load %arg7[%parallel_loop3A_1169, %parallel_loop3A_1170, %parallel_loop3A_1171] {strides = array<i32>} : memref<4x32x768xf32, #tpu.memory_space<vmem>>, vector<1x1x16xf32>,
        %parallel_loop3A_1173 = vector.shape_cast %parallel_loop3A_1172 : vector<1x1x16xf32> to vector<16xf32>
        %parallel_loop3A_1174 = arith.addf %parallel_loop3A_1173, %parallel_loop3A_1134 : vector<16xf32>
        %parallel_loop3A_1175 = arith.constant 1 : i32
        %parallel_loop3A_1176 = arith.constant 18 : i32
        %parallel_loop3A_1177 = arith.index_cast %parallel_loop3A_1175 : i32 to index
        %parallel_loop3A_1178 = arith.index_cast %parallel_loop3A_1176 : i32 to index
        %parallel_loop3A_1179 = arith.index_cast %parallel_loop3A_985 : i32 to index
        %parallel_loop3A_1180 = tpu.vector_load %arg7[%parallel_loop3A_1177, %parallel_loop3A_1178, %parallel_loop3A_1179] {strides = array<i32>} : memref<4x32x768xf32, #tpu.memory_space<vmem>>, vector<1x1x16xf32>,
        %parallel_loop3A_1181 = vector.shape_cast %parallel_loop3A_1180 : vector<1x1x16xf32> to vector<16xf32>
        %parallel_loop3A_1182 = vector.shape_cast %parallel_loop3A_1174 : vector<16xf32> to vector<1x1x16xf32>
        tpu.vector_store %arg7[%parallel_loop3A_1177, %parallel_loop3A_1178, %parallel_loop3A_1179], %parallel_loop3A_1182 {strides = array<i32>} : memref<4x32x768xf32, #tpu.memory_space<vmem>>, vector<1x1x16xf32>,
        %parallel_loop3A_1183 = arith.constant 1 : i32
        %parallel_loop3A_1184 = arith.constant 26 : i32
        %parallel_loop3A_1185 = arith.index_cast %parallel_loop3A_1183 : i32 to index
        %parallel_loop3A_1186 = arith.index_cast %parallel_loop3A_1184 : i32 to index
        %parallel_loop3A_1187 = arith.index_cast %parallel_loop3A_985 : i32 to index
        %parallel_loop3A_1188 = tpu.vector_load %arg7[%parallel_loop3A_1185, %parallel_loop3A_1186, %parallel_loop3A_1187] {strides = array<i32>} : memref<4x32x768xf32, #tpu.memory_space<vmem>>, vector<1x1x16xf32>,
        %parallel_loop3A_1189 = vector.shape_cast %parallel_loop3A_1188 : vector<1x1x16xf32> to vector<16xf32>
        %parallel_loop3A_1190 = arith.addf %parallel_loop3A_1189, %parallel_loop3A_1134 : vector<16xf32>
        %parallel_loop3A_1191 = arith.constant 1 : i32
        %parallel_loop3A_1192 = arith.constant 26 : i32
        %parallel_loop3A_1193 = arith.index_cast %parallel_loop3A_1191 : i32 to index
        %parallel_loop3A_1194 = arith.index_cast %parallel_loop3A_1192 : i32 to index
        %parallel_loop3A_1195 = arith.index_cast %parallel_loop3A_985 : i32 to index
        %parallel_loop3A_1196 = tpu.vector_load %arg7[%parallel_loop3A_1193, %parallel_loop3A_1194, %parallel_loop3A_1195] {strides = array<i32>} : memref<4x32x768xf32, #tpu.memory_space<vmem>>, vector<1x1x16xf32>,
        %parallel_loop3A_1197 = vector.shape_cast %parallel_loop3A_1196 : vector<1x1x16xf32> to vector<16xf32>
        %parallel_loop3A_1198 = vector.shape_cast %parallel_loop3A_1190 : vector<16xf32> to vector<1x1x16xf32>
        tpu.vector_store %arg7[%parallel_loop3A_1193, %parallel_loop3A_1194, %parallel_loop3A_1195], %parallel_loop3A_1198 {strides = array<i32>} : memref<4x32x768xf32, #tpu.memory_space<vmem>>, vector<1x1x16xf32>,
        %parallel_loop3A_1199 = arith.constant 1 : i32
        %parallel_loop3A_1200 = arith.constant 3 : i32
        %parallel_loop3A_1201 = arith.index_cast %parallel_loop3A_1199 : i32 to index
        %parallel_loop3A_1202 = arith.index_cast %parallel_loop3A_1200 : i32 to index
        %parallel_loop3A_1203 = arith.index_cast %parallel_loop3A_985 : i32 to index
        %parallel_loop3A_1204 = tpu.vector_load %arg8[%parallel_loop3A_1201, %parallel_loop3A_1202, %parallel_loop3A_1203] {strides = array<i32>} : memref<4x8x768xf32, #tpu.memory_space<vmem>>, vector<1x1x16xf32>,
        %parallel_loop3A_1205 = vector.shape_cast %parallel_loop3A_1204 : vector<1x1x16xf32> to vector<16xf32>
        %parallel_loop3A_1206 = arith.constant 1 : i32
        %parallel_loop3A_1207 = arith.constant 3 : i32
        %parallel_loop3A_1208 = arith.index_cast %parallel_loop3A_1206 : i32 to index
        %parallel_loop3A_1209 = arith.index_cast %parallel_loop3A_1207 : i32 to index
        %parallel_loop3A_1210 = arith.index_cast %parallel_loop3A_985 : i32 to index
        %parallel_loop3A_1211 = tpu.vector_load %arg7[%parallel_loop3A_1208, %parallel_loop3A_1209, %parallel_loop3A_1210] {strides = array<i32>} : memref<4x32x768xf32, #tpu.memory_space<vmem>>, vector<1x1x16xf32>,
        %parallel_loop3A_1212 = vector.shape_cast %parallel_loop3A_1211 : vector<1x1x16xf32> to vector<16xf32>
        %parallel_loop3A_1213 = arith.addf %parallel_loop3A_1212, %parallel_loop3A_1205 : vector<16xf32>
        %parallel_loop3A_1214 = arith.constant 1 : i32
        %parallel_loop3A_1215 = arith.constant 3 : i32
        %parallel_loop3A_1216 = arith.index_cast %parallel_loop3A_1214 : i32 to index
        %parallel_loop3A_1217 = arith.index_cast %parallel_loop3A_1215 : i32 to index
        %parallel_loop3A_1218 = arith.index_cast %parallel_loop3A_985 : i32 to index
        %parallel_loop3A_1219 = tpu.vector_load %arg7[%parallel_loop3A_1216, %parallel_loop3A_1217, %parallel_loop3A_1218] {strides = array<i32>} : memref<4x32x768xf32, #tpu.memory_space<vmem>>, vector<1x1x16xf32>,
        %parallel_loop3A_1220 = vector.shape_cast %parallel_loop3A_1219 : vector<1x1x16xf32> to vector<16xf32>
        %parallel_loop3A_1221 = vector.shape_cast %parallel_loop3A_1213 : vector<16xf32> to vector<1x1x16xf32>
        tpu.vector_store %arg7[%parallel_loop3A_1216, %parallel_loop3A_1217, %parallel_loop3A_1218], %parallel_loop3A_1221 {strides = array<i32>} : memref<4x32x768xf32, #tpu.memory_space<vmem>>, vector<1x1x16xf32>,
        %parallel_loop3A_1222 = arith.constant 1 : i32
        %parallel_loop3A_1223 = arith.constant 11 : i32
        %parallel_loop3A_1224 = arith.index_cast %parallel_loop3A_1222 : i32 to index
        %parallel_loop3A_1225 = arith.index_cast %parallel_loop3A_1223 : i32 to index
        %parallel_loop3A_1226 = arith.index_cast %parallel_loop3A_985 : i32 to index
        %parallel_loop3A_1227 = tpu.vector_load %arg7[%parallel_loop3A_1224, %parallel_loop3A_1225, %parallel_loop3A_1226] {strides = array<i32>} : memref<4x32x768xf32, #tpu.memory_space<vmem>>, vector<1x1x16xf32>,
        %parallel_loop3A_1228 = vector.shape_cast %parallel_loop3A_1227 : vector<1x1x16xf32> to vector<16xf32>
        %parallel_loop3A_1229 = arith.addf %parallel_loop3A_1228, %parallel_loop3A_1205 : vector<16xf32>
        %parallel_loop3A_1230 = arith.constant 1 : i32
        %parallel_loop3A_1231 = arith.constant 11 : i32
        %parallel_loop3A_1232 = arith.index_cast %parallel_loop3A_1230 : i32 to index
        %parallel_loop3A_1233 = arith.index_cast %parallel_loop3A_1231 : i32 to index
        %parallel_loop3A_1234 = arith.index_cast %parallel_loop3A_985 : i32 to index
        %parallel_loop3A_1235 = tpu.vector_load %arg7[%parallel_loop3A_1232, %parallel_loop3A_1233, %parallel_loop3A_1234] {strides = array<i32>} : memref<4x32x768xf32, #tpu.memory_space<vmem>>, vector<1x1x16xf32>,
        %parallel_loop3A_1236 = vector.shape_cast %parallel_loop3A_1235 : vector<1x1x16xf32> to vector<16xf32>
        %parallel_loop3A_1237 = vector.shape_cast %parallel_loop3A_1229 : vector<16xf32> to vector<1x1x16xf32>
        tpu.vector_store %arg7[%parallel_loop3A_1232, %parallel_loop3A_1233, %parallel_loop3A_1234], %parallel_loop3A_1237 {strides = array<i32>} : memref<4x32x768xf32, #tpu.memory_space<vmem>>, vector<1x1x16xf32>,
        %parallel_loop3A_1238 = arith.constant 1 : i32
        %parallel_loop3A_1239 = arith.constant 19 : i32
        %parallel_loop3A_1240 = arith.index_cast %parallel_loop3A_1238 : i32 to index
        %parallel_loop3A_1241 = arith.index_cast %parallel_loop3A_1239 : i32 to index
        %parallel_loop3A_1242 = arith.index_cast %parallel_loop3A_985 : i32 to index
        %parallel_loop3A_1243 = tpu.vector_load %arg7[%parallel_loop3A_1240, %parallel_loop3A_1241, %parallel_loop3A_1242] {strides = array<i32>} : memref<4x32x768xf32, #tpu.memory_space<vmem>>, vector<1x1x16xf32>,
        %parallel_loop3A_1244 = vector.shape_cast %parallel_loop3A_1243 : vector<1x1x16xf32> to vector<16xf32>
        %parallel_loop3A_1245 = arith.addf %parallel_loop3A_1244, %parallel_loop3A_1205 : vector<16xf32>
        %parallel_loop3A_1246 = arith.constant 1 : i32
        %parallel_loop3A_1247 = arith.constant 19 : i32
        %parallel_loop3A_1248 = arith.index_cast %parallel_loop3A_1246 : i32 to index
        %parallel_loop3A_1249 = arith.index_cast %parallel_loop3A_1247 : i32 to index
        %parallel_loop3A_1250 = arith.index_cast %parallel_loop3A_985 : i32 to index
        %parallel_loop3A_1251 = tpu.vector_load %arg7[%parallel_loop3A_1248, %parallel_loop3A_1249, %parallel_loop3A_1250] {strides = array<i32>} : memref<4x32x768xf32, #tpu.memory_space<vmem>>, vector<1x1x16xf32>,
        %parallel_loop3A_1252 = vector.shape_cast %parallel_loop3A_1251 : vector<1x1x16xf32> to vector<16xf32>
        %parallel_loop3A_1253 = vector.shape_cast %parallel_loop3A_1245 : vector<16xf32> to vector<1x1x16xf32>
        tpu.vector_store %arg7[%parallel_loop3A_1248, %parallel_loop3A_1249, %parallel_loop3A_1250], %parallel_loop3A_1253 {strides = array<i32>} : memref<4x32x768xf32, #tpu.memory_space<vmem>>, vector<1x1x16xf32>,
        %parallel_loop3A_1254 = arith.constant 1 : i32
        %parallel_loop3A_1255 = arith.constant 27 : i32
        %parallel_loop3A_1256 = arith.index_cast %parallel_loop3A_1254 : i32 to index
        %parallel_loop3A_1257 = arith.index_cast %parallel_loop3A_1255 : i32 to index
        %parallel_loop3A_1258 = arith.index_cast %parallel_loop3A_985 : i32 to index
        %parallel_loop3A_1259 = tpu.vector_load %arg7[%parallel_loop3A_1256, %parallel_loop3A_1257, %parallel_loop3A_1258] {strides = array<i32>} : memref<4x32x768xf32, #tpu.memory_space<vmem>>, vector<1x1x16xf32>,
        %parallel_loop3A_1260 = vector.shape_cast %parallel_loop3A_1259 : vector<1x1x16xf32> to vector<16xf32>
        %parallel_loop3A_1261 = arith.addf %parallel_loop3A_1260, %parallel_loop3A_1205 : vector<16xf32>
        %parallel_loop3A_1262 = arith.constant 1 : i32
        %parallel_loop3A_1263 = arith.constant 27 : i32
        %parallel_loop3A_1264 = arith.index_cast %parallel_loop3A_1262 : i32 to index
        %parallel_loop3A_1265 = arith.index_cast %parallel_loop3A_1263 : i32 to index
        %parallel_loop3A_1266 = arith.index_cast %parallel_loop3A_985 : i32 to index
        %parallel_loop3A_1267 = tpu.vector_load %arg7[%parallel_loop3A_1264, %parallel_loop3A_1265, %parallel_loop3A_1266] {strides = array<i32>} : memref<4x32x768xf32, #tpu.memory_space<vmem>>, vector<1x1x16xf32>,
        %parallel_loop3A_1268 = vector.shape_cast %parallel_loop3A_1267 : vector<1x1x16xf32> to vector<16xf32>
        %parallel_loop3A_1269 = vector.shape_cast %parallel_loop3A_1261 : vector<16xf32> to vector<1x1x16xf32>
        tpu.vector_store %arg7[%parallel_loop3A_1264, %parallel_loop3A_1265, %parallel_loop3A_1266], %parallel_loop3A_1269 {strides = array<i32>} : memref<4x32x768xf32, #tpu.memory_space<vmem>>, vector<1x1x16xf32>,
        %parallel_loop3A_1270 = arith.constant 1 : i32
        %parallel_loop3A_1271 = arith.constant 4 : i32
        %parallel_loop3A_1272 = arith.index_cast %parallel_loop3A_1270 : i32 to index
        %parallel_loop3A_1273 = arith.index_cast %parallel_loop3A_1271 : i32 to index
        %parallel_loop3A_1274 = arith.index_cast %parallel_loop3A_985 : i32 to index
        %parallel_loop3A_1275 = tpu.vector_load %arg8[%parallel_loop3A_1272, %parallel_loop3A_1273, %parallel_loop3A_1274] {strides = array<i32>} : memref<4x8x768xf32, #tpu.memory_space<vmem>>, vector<1x1x16xf32>,
        %parallel_loop3A_1276 = vector.shape_cast %parallel_loop3A_1275 : vector<1x1x16xf32> to vector<16xf32>
        %parallel_loop3A_1277 = arith.constant 1 : i32
        %parallel_loop3A_1278 = arith.constant 4 : i32
        %parallel_loop3A_1279 = arith.index_cast %parallel_loop3A_1277 : i32 to index
        %parallel_loop3A_1280 = arith.index_cast %parallel_loop3A_1278 : i32 to index
        %parallel_loop3A_1281 = arith.index_cast %parallel_loop3A_985 : i32 to index
        %parallel_loop3A_1282 = tpu.vector_load %arg7[%parallel_loop3A_1279, %parallel_loop3A_1280, %parallel_loop3A_1281] {strides = array<i32>} : memref<4x32x768xf32, #tpu.memory_space<vmem>>, vector<1x1x16xf32>,
        %parallel_loop3A_1283 = vector.shape_cast %parallel_loop3A_1282 : vector<1x1x16xf32> to vector<16xf32>
        %parallel_loop3A_1284 = arith.addf %parallel_loop3A_1283, %parallel_loop3A_1276 : vector<16xf32>
        %parallel_loop3A_1285 = arith.constant 1 : i32
        %parallel_loop3A_1286 = arith.constant 4 : i32
        %parallel_loop3A_1287 = arith.index_cast %parallel_loop3A_1285 : i32 to index
        %parallel_loop3A_1288 = arith.index_cast %parallel_loop3A_1286 : i32 to index
        %parallel_loop3A_1289 = arith.index_cast %parallel_loop3A_985 : i32 to index
        %parallel_loop3A_1290 = tpu.vector_load %arg7[%parallel_loop3A_1287, %parallel_loop3A_1288, %parallel_loop3A_1289] {strides = array<i32>} : memref<4x32x768xf32, #tpu.memory_space<vmem>>, vector<1x1x16xf32>,
        %parallel_loop3A_1291 = vector.shape_cast %parallel_loop3A_1290 : vector<1x1x16xf32> to vector<16xf32>
        %parallel_loop3A_1292 = vector.shape_cast %parallel_loop3A_1284 : vector<16xf32> to vector<1x1x16xf32>
        tpu.vector_store %arg7[%parallel_loop3A_1287, %parallel_loop3A_1288, %parallel_loop3A_1289], %parallel_loop3A_1292 {strides = array<i32>} : memref<4x32x768xf32, #tpu.memory_space<vmem>>, vector<1x1x16xf32>,
        %parallel_loop3A_1293 = arith.constant 1 : i32
        %parallel_loop3A_1294 = arith.constant 12 : i32
        %parallel_loop3A_1295 = arith.index_cast %parallel_loop3A_1293 : i32 to index
        %parallel_loop3A_1296 = arith.index_cast %parallel_loop3A_1294 : i32 to index
        %parallel_loop3A_1297 = arith.index_cast %parallel_loop3A_985 : i32 to index
        %parallel_loop3A_1298 = tpu.vector_load %arg7[%parallel_loop3A_1295, %parallel_loop3A_1296, %parallel_loop3A_1297] {strides = array<i32>} : memref<4x32x768xf32, #tpu.memory_space<vmem>>, vector<1x1x16xf32>,
        %parallel_loop3A_1299 = vector.shape_cast %parallel_loop3A_1298 : vector<1x1x16xf32> to vector<16xf32>
        %parallel_loop3A_1300 = arith.addf %parallel_loop3A_1299, %parallel_loop3A_1276 : vector<16xf32>
        %parallel_loop3A_1301 = arith.constant 1 : i32
        %parallel_loop3A_1302 = arith.constant 12 : i32
        %parallel_loop3A_1303 = arith.index_cast %parallel_loop3A_1301 : i32 to index
        %parallel_loop3A_1304 = arith.index_cast %parallel_loop3A_1302 : i32 to index
        %parallel_loop3A_1305 = arith.index_cast %parallel_loop3A_985 : i32 to index
        %parallel_loop3A_1306 = tpu.vector_load %arg7[%parallel_loop3A_1303, %parallel_loop3A_1304, %parallel_loop3A_1305] {strides = array<i32>} : memref<4x32x768xf32, #tpu.memory_space<vmem>>, vector<1x1x16xf32>,
        %parallel_loop3A_1307 = vector.shape_cast %parallel_loop3A_1306 : vector<1x1x16xf32> to vector<16xf32>
        %parallel_loop3A_1308 = vector.shape_cast %parallel_loop3A_1300 : vector<16xf32> to vector<1x1x16xf32>
        tpu.vector_store %arg7[%parallel_loop3A_1303, %parallel_loop3A_1304, %parallel_loop3A_1305], %parallel_loop3A_1308 {strides = array<i32>} : memref<4x32x768xf32, #tpu.memory_space<vmem>>, vector<1x1x16xf32>,
        %parallel_loop3A_1309 = arith.constant 1 : i32
        %parallel_loop3A_1310 = arith.constant 20 : i32
        %parallel_loop3A_1311 = arith.index_cast %parallel_loop3A_1309 : i32 to index
        %parallel_loop3A_1312 = arith.index_cast %parallel_loop3A_1310 : i32 to index
        %parallel_loop3A_1313 = arith.index_cast %parallel_loop3A_985 : i32 to index
        %parallel_loop3A_1314 = tpu.vector_load %arg7[%parallel_loop3A_1311, %parallel_loop3A_1312, %parallel_loop3A_1313] {strides = array<i32>} : memref<4x32x768xf32, #tpu.memory_space<vmem>>, vector<1x1x16xf32>,
        %parallel_loop3A_1315 = vector.shape_cast %parallel_loop3A_1314 : vector<1x1x16xf32> to vector<16xf32>
        %parallel_loop3A_1316 = arith.addf %parallel_loop3A_1315, %parallel_loop3A_1276 : vector<16xf32>
        %parallel_loop3A_1317 = arith.constant 1 : i32
        %parallel_loop3A_1318 = arith.constant 20 : i32
        %parallel_loop3A_1319 = arith.index_cast %parallel_loop3A_1317 : i32 to index
        %parallel_loop3A_1320 = arith.index_cast %parallel_loop3A_1318 : i32 to index
        %parallel_loop3A_1321 = arith.index_cast %parallel_loop3A_985 : i32 to index
        %parallel_loop3A_1322 = tpu.vector_load %arg7[%parallel_loop3A_1319, %parallel_loop3A_1320, %parallel_loop3A_1321] {strides = array<i32>} : memref<4x32x768xf32, #tpu.memory_space<vmem>>, vector<1x1x16xf32>,
        %parallel_loop3A_1323 = vector.shape_cast %parallel_loop3A_1322 : vector<1x1x16xf32> to vector<16xf32>
        %parallel_loop3A_1324 = vector.shape_cast %parallel_loop3A_1316 : vector<16xf32> to vector<1x1x16xf32>
        tpu.vector_store %arg7[%parallel_loop3A_1319, %parallel_loop3A_1320, %parallel_loop3A_1321], %parallel_loop3A_1324 {strides = array<i32>} : memref<4x32x768xf32, #tpu.memory_space<vmem>>, vector<1x1x16xf32>,
        %parallel_loop3A_1325 = arith.constant 1 : i32
        %parallel_loop3A_1326 = arith.constant 28 : i32
        %parallel_loop3A_1327 = arith.index_cast %parallel_loop3A_1325 : i32 to index
        %parallel_loop3A_1328 = arith.index_cast %parallel_loop3A_1326 : i32 to index
        %parallel_loop3A_1329 = arith.index_cast %parallel_loop3A_985 : i32 to index
        %parallel_loop3A_1330 = tpu.vector_load %arg7[%parallel_loop3A_1327, %parallel_loop3A_1328, %parallel_loop3A_1329] {strides = array<i32>} : memref<4x32x768xf32, #tpu.memory_space<vmem>>, vector<1x1x16xf32>,
        %parallel_loop3A_1331 = vector.shape_cast %parallel_loop3A_1330 : vector<1x1x16xf32> to vector<16xf32>
        %parallel_loop3A_1332 = arith.addf %parallel_loop3A_1331, %parallel_loop3A_1276 : vector<16xf32>
        %parallel_loop3A_1333 = arith.constant 1 : i32
        %parallel_loop3A_1334 = arith.constant 28 : i32
        %parallel_loop3A_1335 = arith.index_cast %parallel_loop3A_1333 : i32 to index
        %parallel_loop3A_1336 = arith.index_cast %parallel_loop3A_1334 : i32 to index
        %parallel_loop3A_1337 = arith.index_cast %parallel_loop3A_985 : i32 to index
        %parallel_loop3A_1338 = tpu.vector_load %arg7[%parallel_loop3A_1335, %parallel_loop3A_1336, %parallel_loop3A_1337] {strides = array<i32>} : memref<4x32x768xf32, #tpu.memory_space<vmem>>, vector<1x1x16xf32>,
        %parallel_loop3A_1339 = vector.shape_cast %parallel_loop3A_1338 : vector<1x1x16xf32> to vector<16xf32>
        %parallel_loop3A_1340 = vector.shape_cast %parallel_loop3A_1332 : vector<16xf32> to vector<1x1x16xf32>
        tpu.vector_store %arg7[%parallel_loop3A_1335, %parallel_loop3A_1336, %parallel_loop3A_1337], %parallel_loop3A_1340 {strides = array<i32>} : memref<4x32x768xf32, #tpu.memory_space<vmem>>, vector<1x1x16xf32>,
        %parallel_loop3A_1341 = arith.constant 1 : i32
        %parallel_loop3A_1342 = arith.constant 5 : i32
        %parallel_loop3A_1343 = arith.index_cast %parallel_loop3A_1341 : i32 to index
        %parallel_loop3A_1344 = arith.index_cast %parallel_loop3A_1342 : i32 to index
        %parallel_loop3A_1345 = arith.index_cast %parallel_loop3A_985 : i32 to index
        %parallel_loop3A_1346 = tpu.vector_load %arg8[%parallel_loop3A_1343, %parallel_loop3A_1344, %parallel_loop3A_1345] {strides = array<i32>} : memref<4x8x768xf32, #tpu.memory_space<vmem>>, vector<1x1x16xf32>,
        %parallel_loop3A_1347 = vector.shape_cast %parallel_loop3A_1346 : vector<1x1x16xf32> to vector<16xf32>
        %parallel_loop3A_1348 = arith.constant 1 : i32
        %parallel_loop3A_1349 = arith.constant 5 : i32
        %parallel_loop3A_1350 = arith.index_cast %parallel_loop3A_1348 : i32 to index
        %parallel_loop3A_1351 = arith.index_cast %parallel_loop3A_1349 : i32 to index
        %parallel_loop3A_1352 = arith.index_cast %parallel_loop3A_985 : i32 to index
        %parallel_loop3A_1353 = tpu.vector_load %arg7[%parallel_loop3A_1350, %parallel_loop3A_1351, %parallel_loop3A_1352] {strides = array<i32>} : memref<4x32x768xf32, #tpu.memory_space<vmem>>, vector<1x1x16xf32>,
        %parallel_loop3A_1354 = vector.shape_cast %parallel_loop3A_1353 : vector<1x1x16xf32> to vector<16xf32>
        %parallel_loop3A_1355 = arith.addf %parallel_loop3A_1354, %parallel_loop3A_1347 : vector<16xf32>
        %parallel_loop3A_1356 = arith.constant 1 : i32
        %parallel_loop3A_1357 = arith.constant 5 : i32
        %parallel_loop3A_1358 = arith.index_cast %parallel_loop3A_1356 : i32 to index
        %parallel_loop3A_1359 = arith.index_cast %parallel_loop3A_1357 : i32 to index
        %parallel_loop3A_1360 = arith.index_cast %parallel_loop3A_985 : i32 to index
        %parallel_loop3A_1361 = tpu.vector_load %arg7[%parallel_loop3A_1358, %parallel_loop3A_1359, %parallel_loop3A_1360] {strides = array<i32>} : memref<4x32x768xf32, #tpu.memory_space<vmem>>, vector<1x1x16xf32>,
        %parallel_loop3A_1362 = vector.shape_cast %parallel_loop3A_1361 : vector<1x1x16xf32> to vector<16xf32>
        %parallel_loop3A_1363 = vector.shape_cast %parallel_loop3A_1355 : vector<16xf32> to vector<1x1x16xf32>
        tpu.vector_store %arg7[%parallel_loop3A_1358, %parallel_loop3A_1359, %parallel_loop3A_1360], %parallel_loop3A_1363 {strides = array<i32>} : memref<4x32x768xf32, #tpu.memory_space<vmem>>, vector<1x1x16xf32>,
        %parallel_loop3A_1364 = arith.constant 1 : i32
        %parallel_loop3A_1365 = arith.constant 13 : i32
        %parallel_loop3A_1366 = arith.index_cast %parallel_loop3A_1364 : i32 to index
        %parallel_loop3A_1367 = arith.index_cast %parallel_loop3A_1365 : i32 to index
        %parallel_loop3A_1368 = arith.index_cast %parallel_loop3A_985 : i32 to index
        %parallel_loop3A_1369 = tpu.vector_load %arg7[%parallel_loop3A_1366, %parallel_loop3A_1367, %parallel_loop3A_1368] {strides = array<i32>} : memref<4x32x768xf32, #tpu.memory_space<vmem>>, vector<1x1x16xf32>,
        %parallel_loop3A_1370 = vector.shape_cast %parallel_loop3A_1369 : vector<1x1x16xf32> to vector<16xf32>
        %parallel_loop3A_1371 = arith.addf %parallel_loop3A_1370, %parallel_loop3A_1347 : vector<16xf32>
        %parallel_loop3A_1372 = arith.constant 1 : i32
        %parallel_loop3A_1373 = arith.constant 13 : i32
        %parallel_loop3A_1374 = arith.index_cast %parallel_loop3A_1372 : i32 to index
        %parallel_loop3A_1375 = arith.index_cast %parallel_loop3A_1373 : i32 to index
        %parallel_loop3A_1376 = arith.index_cast %parallel_loop3A_985 : i32 to index
        %parallel_loop3A_1377 = tpu.vector_load %arg7[%parallel_loop3A_1374, %parallel_loop3A_1375, %parallel_loop3A_1376] {strides = array<i32>} : memref<4x32x768xf32, #tpu.memory_space<vmem>>, vector<1x1x16xf32>,
        %parallel_loop3A_1378 = vector.shape_cast %parallel_loop3A_1377 : vector<1x1x16xf32> to vector<16xf32>
        %parallel_loop3A_1379 = vector.shape_cast %parallel_loop3A_1371 : vector<16xf32> to vector<1x1x16xf32>
        tpu.vector_store %arg7[%parallel_loop3A_1374, %parallel_loop3A_1375, %parallel_loop3A_1376], %parallel_loop3A_1379 {strides = array<i32>} : memref<4x32x768xf32, #tpu.memory_space<vmem>>, vector<1x1x16xf32>,
        %parallel_loop3A_1380 = arith.constant 1 : i32
        %parallel_loop3A_1381 = arith.constant 21 : i32
        %parallel_loop3A_1382 = arith.index_cast %parallel_loop3A_1380 : i32 to index
        %parallel_loop3A_1383 = arith.index_cast %parallel_loop3A_1381 : i32 to index
        %parallel_loop3A_1384 = arith.index_cast %parallel_loop3A_985 : i32 to index
        %parallel_loop3A_1385 = tpu.vector_load %arg7[%parallel_loop3A_1382, %parallel_loop3A_1383, %parallel_loop3A_1384] {strides = array<i32>} : memref<4x32x768xf32, #tpu.memory_space<vmem>>, vector<1x1x16xf32>,
        %parallel_loop3A_1386 = vector.shape_cast %parallel_loop3A_1385 : vector<1x1x16xf32> to vector<16xf32>
        %parallel_loop3A_1387 = arith.addf %parallel_loop3A_1386, %parallel_loop3A_1347 : vector<16xf32>
        %parallel_loop3A_1388 = arith.constant 1 : i32
        %parallel_loop3A_1389 = arith.constant 21 : i32
        %parallel_loop3A_1390 = arith.index_cast %parallel_loop3A_1388 : i32 to index
        %parallel_loop3A_1391 = arith.index_cast %parallel_loop3A_1389 : i32 to index
        %parallel_loop3A_1392 = arith.index_cast %parallel_loop3A_985 : i32 to index
        %parallel_loop3A_1393 = tpu.vector_load %arg7[%parallel_loop3A_1390, %parallel_loop3A_1391, %parallel_loop3A_1392] {strides = array<i32>} : memref<4x32x768xf32, #tpu.memory_space<vmem>>, vector<1x1x16xf32>,
        %parallel_loop3A_1394 = vector.shape_cast %parallel_loop3A_1393 : vector<1x1x16xf32> to vector<16xf32>
        %parallel_loop3A_1395 = vector.shape_cast %parallel_loop3A_1387 : vector<16xf32> to vector<1x1x16xf32>
        tpu.vector_store %arg7[%parallel_loop3A_1390, %parallel_loop3A_1391, %parallel_loop3A_1392], %parallel_loop3A_1395 {strides = array<i32>} : memref<4x32x768xf32, #tpu.memory_space<vmem>>, vector<1x1x16xf32>,
        %parallel_loop3A_1396 = arith.constant 1 : i32
        %parallel_loop3A_1397 = arith.constant 29 : i32
        %parallel_loop3A_1398 = arith.index_cast %parallel_loop3A_1396 : i32 to index
        %parallel_loop3A_1399 = arith.index_cast %parallel_loop3A_1397 : i32 to index
        %parallel_loop3A_1400 = arith.index_cast %parallel_loop3A_985 : i32 to index
        %parallel_loop3A_1401 = tpu.vector_load %arg7[%parallel_loop3A_1398, %parallel_loop3A_1399, %parallel_loop3A_1400] {strides = array<i32>} : memref<4x32x768xf32, #tpu.memory_space<vmem>>, vector<1x1x16xf32>,
        %parallel_loop3A_1402 = vector.shape_cast %parallel_loop3A_1401 : vector<1x1x16xf32> to vector<16xf32>
        %parallel_loop3A_1403 = arith.addf %parallel_loop3A_1402, %parallel_loop3A_1347 : vector<16xf32>
        %parallel_loop3A_1404 = arith.constant 1 : i32
        %parallel_loop3A_1405 = arith.constant 29 : i32
        %parallel_loop3A_1406 = arith.index_cast %parallel_loop3A_1404 : i32 to index
        %parallel_loop3A_1407 = arith.index_cast %parallel_loop3A_1405 : i32 to index
        %parallel_loop3A_1408 = arith.index_cast %parallel_loop3A_985 : i32 to index
        %parallel_loop3A_1409 = tpu.vector_load %arg7[%parallel_loop3A_1406, %parallel_loop3A_1407, %parallel_loop3A_1408] {strides = array<i32>} : memref<4x32x768xf32, #tpu.memory_space<vmem>>, vector<1x1x16xf32>,
        %parallel_loop3A_1410 = vector.shape_cast %parallel_loop3A_1409 : vector<1x1x16xf32> to vector<16xf32>
        %parallel_loop3A_1411 = vector.shape_cast %parallel_loop3A_1403 : vector<16xf32> to vector<1x1x16xf32>
        tpu.vector_store %arg7[%parallel_loop3A_1406, %parallel_loop3A_1407, %parallel_loop3A_1408], %parallel_loop3A_1411 {strides = array<i32>} : memref<4x32x768xf32, #tpu.memory_space<vmem>>, vector<1x1x16xf32>,
        %parallel_loop3A_1412 = arith.constant 1 : i32
        %parallel_loop3A_1413 = arith.constant 6 : i32
        %parallel_loop3A_1414 = arith.index_cast %parallel_loop3A_1412 : i32 to index
        %parallel_loop3A_1415 = arith.index_cast %parallel_loop3A_1413 : i32 to index
        %parallel_loop3A_1416 = arith.index_cast %parallel_loop3A_985 : i32 to index
        %parallel_loop3A_1417 = tpu.vector_load %arg8[%parallel_loop3A_1414, %parallel_loop3A_1415, %parallel_loop3A_1416] {strides = array<i32>} : memref<4x8x768xf32, #tpu.memory_space<vmem>>, vector<1x1x16xf32>,
        %parallel_loop3A_1418 = vector.shape_cast %parallel_loop3A_1417 : vector<1x1x16xf32> to vector<16xf32>
        %parallel_loop3A_1419 = arith.constant 1 : i32
        %parallel_loop3A_1420 = arith.constant 6 : i32
        %parallel_loop3A_1421 = arith.index_cast %parallel_loop3A_1419 : i32 to index
        %parallel_loop3A_1422 = arith.index_cast %parallel_loop3A_1420 : i32 to index
        %parallel_loop3A_1423 = arith.index_cast %parallel_loop3A_985 : i32 to index
        %parallel_loop3A_1424 = tpu.vector_load %arg7[%parallel_loop3A_1421, %parallel_loop3A_1422, %parallel_loop3A_1423] {strides = array<i32>} : memref<4x32x768xf32, #tpu.memory_space<vmem>>, vector<1x1x16xf32>,
        %parallel_loop3A_1425 = vector.shape_cast %parallel_loop3A_1424 : vector<1x1x16xf32> to vector<16xf32>
        %parallel_loop3A_1426 = arith.addf %parallel_loop3A_1425, %parallel_loop3A_1418 : vector<16xf32>
        %parallel_loop3A_1427 = arith.constant 1 : i32
        %parallel_loop3A_1428 = arith.constant 6 : i32
        %parallel_loop3A_1429 = arith.index_cast %parallel_loop3A_1427 : i32 to index
        %parallel_loop3A_1430 = arith.index_cast %parallel_loop3A_1428 : i32 to index
        %parallel_loop3A_1431 = arith.index_cast %parallel_loop3A_985 : i32 to index
        %parallel_loop3A_1432 = tpu.vector_load %arg7[%parallel_loop3A_1429, %parallel_loop3A_1430, %parallel_loop3A_1431] {strides = array<i32>} : memref<4x32x768xf32, #tpu.memory_space<vmem>>, vector<1x1x16xf32>,
        %parallel_loop3A_1433 = vector.shape_cast %parallel_loop3A_1432 : vector<1x1x16xf32> to vector<16xf32>
        %parallel_loop3A_1434 = vector.shape_cast %parallel_loop3A_1426 : vector<16xf32> to vector<1x1x16xf32>
        tpu.vector_store %arg7[%parallel_loop3A_1429, %parallel_loop3A_1430, %parallel_loop3A_1431], %parallel_loop3A_1434 {strides = array<i32>} : memref<4x32x768xf32, #tpu.memory_space<vmem>>, vector<1x1x16xf32>,
        %parallel_loop3A_1435 = arith.constant 1 : i32
        %parallel_loop3A_1436 = arith.constant 14 : i32
        %parallel_loop3A_1437 = arith.index_cast %parallel_loop3A_1435 : i32 to index
        %parallel_loop3A_1438 = arith.index_cast %parallel_loop3A_1436 : i32 to index
        %parallel_loop3A_1439 = arith.index_cast %parallel_loop3A_985 : i32 to index
        %parallel_loop3A_1440 = tpu.vector_load %arg7[%parallel_loop3A_1437, %parallel_loop3A_1438, %parallel_loop3A_1439] {strides = array<i32>} : memref<4x32x768xf32, #tpu.memory_space<vmem>>, vector<1x1x16xf32>,
        %parallel_loop3A_1441 = vector.shape_cast %parallel_loop3A_1440 : vector<1x1x16xf32> to vector<16xf32>
        %parallel_loop3A_1442 = arith.addf %parallel_loop3A_1441, %parallel_loop3A_1418 : vector<16xf32>
        %parallel_loop3A_1443 = arith.constant 1 : i32
        %parallel_loop3A_1444 = arith.constant 14 : i32
        %parallel_loop3A_1445 = arith.index_cast %parallel_loop3A_1443 : i32 to index
        %parallel_loop3A_1446 = arith.index_cast %parallel_loop3A_1444 : i32 to index
        %parallel_loop3A_1447 = arith.index_cast %parallel_loop3A_985 : i32 to index
        %parallel_loop3A_1448 = tpu.vector_load %arg7[%parallel_loop3A_1445, %parallel_loop3A_1446, %parallel_loop3A_1447] {strides = array<i32>} : memref<4x32x768xf32, #tpu.memory_space<vmem>>, vector<1x1x16xf32>,
        %parallel_loop3A_1449 = vector.shape_cast %parallel_loop3A_1448 : vector<1x1x16xf32> to vector<16xf32>
        %parallel_loop3A_1450 = vector.shape_cast %parallel_loop3A_1442 : vector<16xf32> to vector<1x1x16xf32>
        tpu.vector_store %arg7[%parallel_loop3A_1445, %parallel_loop3A_1446, %parallel_loop3A_1447], %parallel_loop3A_1450 {strides = array<i32>} : memref<4x32x768xf32, #tpu.memory_space<vmem>>, vector<1x1x16xf32>,
        %parallel_loop3A_1451 = arith.constant 1 : i32
        %parallel_loop3A_1452 = arith.constant 22 : i32
        %parallel_loop3A_1453 = arith.index_cast %parallel_loop3A_1451 : i32 to index
        %parallel_loop3A_1454 = arith.index_cast %parallel_loop3A_1452 : i32 to index
        %parallel_loop3A_1455 = arith.index_cast %parallel_loop3A_985 : i32 to index
        %parallel_loop3A_1456 = tpu.vector_load %arg7[%parallel_loop3A_1453, %parallel_loop3A_1454, %parallel_loop3A_1455] {strides = array<i32>} : memref<4x32x768xf32, #tpu.memory_space<vmem>>, vector<1x1x16xf32>,
        %parallel_loop3A_1457 = vector.shape_cast %parallel_loop3A_1456 : vector<1x1x16xf32> to vector<16xf32>
        %parallel_loop3A_1458 = arith.addf %parallel_loop3A_1457, %parallel_loop3A_1418 : vector<16xf32>
        %parallel_loop3A_1459 = arith.constant 1 : i32
        %parallel_loop3A_1460 = arith.constant 22 : i32
        %parallel_loop3A_1461 = arith.index_cast %parallel_loop3A_1459 : i32 to index
        %parallel_loop3A_1462 = arith.index_cast %parallel_loop3A_1460 : i32 to index
        %parallel_loop3A_1463 = arith.index_cast %parallel_loop3A_985 : i32 to index
        %parallel_loop3A_1464 = tpu.vector_load %arg7[%parallel_loop3A_1461, %parallel_loop3A_1462, %parallel_loop3A_1463] {strides = array<i32>} : memref<4x32x768xf32, #tpu.memory_space<vmem>>, vector<1x1x16xf32>,
        %parallel_loop3A_1465 = vector.shape_cast %parallel_loop3A_1464 : vector<1x1x16xf32> to vector<16xf32>
        %parallel_loop3A_1466 = vector.shape_cast %parallel_loop3A_1458 : vector<16xf32> to vector<1x1x16xf32>
        tpu.vector_store %arg7[%parallel_loop3A_1461, %parallel_loop3A_1462, %parallel_loop3A_1463], %parallel_loop3A_1466 {strides = array<i32>} : memref<4x32x768xf32, #tpu.memory_space<vmem>>, vector<1x1x16xf32>,
        %parallel_loop3A_1467 = arith.constant 1 : i32
        %parallel_loop3A_1468 = arith.constant 30 : i32
        %parallel_loop3A_1469 = arith.index_cast %parallel_loop3A_1467 : i32 to index
        %parallel_loop3A_1470 = arith.index_cast %parallel_loop3A_1468 : i32 to index
        %parallel_loop3A_1471 = arith.index_cast %parallel_loop3A_985 : i32 to index
        %parallel_loop3A_1472 = tpu.vector_load %arg7[%parallel_loop3A_1469, %parallel_loop3A_1470, %parallel_loop3A_1471] {strides = array<i32>} : memref<4x32x768xf32, #tpu.memory_space<vmem>>, vector<1x1x16xf32>,
        %parallel_loop3A_1473 = vector.shape_cast %parallel_loop3A_1472 : vector<1x1x16xf32> to vector<16xf32>
        %parallel_loop3A_1474 = arith.addf %parallel_loop3A_1473, %parallel_loop3A_1418 : vector<16xf32>
        %parallel_loop3A_1475 = arith.constant 1 : i32
        %parallel_loop3A_1476 = arith.constant 30 : i32
        %parallel_loop3A_1477 = arith.index_cast %parallel_loop3A_1475 : i32 to index
        %parallel_loop3A_1478 = arith.index_cast %parallel_loop3A_1476 : i32 to index
        %parallel_loop3A_1479 = arith.index_cast %parallel_loop3A_985 : i32 to index
        %parallel_loop3A_1480 = tpu.vector_load %arg7[%parallel_loop3A_1477, %parallel_loop3A_1478, %parallel_loop3A_1479] {strides = array<i32>} : memref<4x32x768xf32, #tpu.memory_space<vmem>>, vector<1x1x16xf32>,
        %parallel_loop3A_1481 = vector.shape_cast %parallel_loop3A_1480 : vector<1x1x16xf32> to vector<16xf32>
        %parallel_loop3A_1482 = vector.shape_cast %parallel_loop3A_1474 : vector<16xf32> to vector<1x1x16xf32>
        tpu.vector_store %arg7[%parallel_loop3A_1477, %parallel_loop3A_1478, %parallel_loop3A_1479], %parallel_loop3A_1482 {strides = array<i32>} : memref<4x32x768xf32, #tpu.memory_space<vmem>>, vector<1x1x16xf32>,
        %parallel_loop3A_1483 = arith.constant 1 : i32
        %parallel_loop3A_1484 = arith.constant 7 : i32
        %parallel_loop3A_1485 = arith.index_cast %parallel_loop3A_1483 : i32 to index
        %parallel_loop3A_1486 = arith.index_cast %parallel_loop3A_1484 : i32 to index
        %parallel_loop3A_1487 = arith.index_cast %parallel_loop3A_985 : i32 to index
        %parallel_loop3A_1488 = tpu.vector_load %arg8[%parallel_loop3A_1485, %parallel_loop3A_1486, %parallel_loop3A_1487] {strides = array<i32>} : memref<4x8x768xf32, #tpu.memory_space<vmem>>, vector<1x1x16xf32>,
        %parallel_loop3A_1489 = vector.shape_cast %parallel_loop3A_1488 : vector<1x1x16xf32> to vector<16xf32>
        %parallel_loop3A_1490 = arith.constant 1 : i32
        %parallel_loop3A_1491 = arith.constant 7 : i32
        %parallel_loop3A_1492 = arith.index_cast %parallel_loop3A_1490 : i32 to index
        %parallel_loop3A_1493 = arith.index_cast %parallel_loop3A_1491 : i32 to index
        %parallel_loop3A_1494 = arith.index_cast %parallel_loop3A_985 : i32 to index
        %parallel_loop3A_1495 = tpu.vector_load %arg7[%parallel_loop3A_1492, %parallel_loop3A_1493, %parallel_loop3A_1494] {strides = array<i32>} : memref<4x32x768xf32, #tpu.memory_space<vmem>>, vector<1x1x16xf32>,
        %parallel_loop3A_1496 = vector.shape_cast %parallel_loop3A_1495 : vector<1x1x16xf32> to vector<16xf32>
        %parallel_loop3A_1497 = arith.addf %parallel_loop3A_1496, %parallel_loop3A_1489 : vector<16xf32>
        %parallel_loop3A_1498 = arith.constant 1 : i32
        %parallel_loop3A_1499 = arith.constant 7 : i32
        %parallel_loop3A_1500 = arith.index_cast %parallel_loop3A_1498 : i32 to index
        %parallel_loop3A_1501 = arith.index_cast %parallel_loop3A_1499 : i32 to index
        %parallel_loop3A_1502 = arith.index_cast %parallel_loop3A_985 : i32 to index
        %parallel_loop3A_1503 = tpu.vector_load %arg7[%parallel_loop3A_1500, %parallel_loop3A_1501, %parallel_loop3A_1502] {strides = array<i32>} : memref<4x32x768xf32, #tpu.memory_space<vmem>>, vector<1x1x16xf32>,
        %parallel_loop3A_1504 = vector.shape_cast %parallel_loop3A_1503 : vector<1x1x16xf32> to vector<16xf32>
        %parallel_loop3A_1505 = vector.shape_cast %parallel_loop3A_1497 : vector<16xf32> to vector<1x1x16xf32>
        tpu.vector_store %arg7[%parallel_loop3A_1500, %parallel_loop3A_1501, %parallel_loop3A_1502], %parallel_loop3A_1505 {strides = array<i32>} : memref<4x32x768xf32, #tpu.memory_space<vmem>>, vector<1x1x16xf32>,
        %parallel_loop3A_1506 = arith.constant 1 : i32
        %parallel_loop3A_1507 = arith.constant 15 : i32
        %parallel_loop3A_1508 = arith.index_cast %parallel_loop3A_1506 : i32 to index
        %parallel_loop3A_1509 = arith.index_cast %parallel_loop3A_1507 : i32 to index
        %parallel_loop3A_1510 = arith.index_cast %parallel_loop3A_985 : i32 to index
        %parallel_loop3A_1511 = tpu.vector_load %arg7[%parallel_loop3A_1508, %parallel_loop3A_1509, %parallel_loop3A_1510] {strides = array<i32>} : memref<4x32x768xf32, #tpu.memory_space<vmem>>, vector<1x1x16xf32>,
        %parallel_loop3A_1512 = vector.shape_cast %parallel_loop3A_1511 : vector<1x1x16xf32> to vector<16xf32>
        %parallel_loop3A_1513 = arith.addf %parallel_loop3A_1512, %parallel_loop3A_1489 : vector<16xf32>
        %parallel_loop3A_1514 = arith.constant 1 : i32
        %parallel_loop3A_1515 = arith.constant 15 : i32
        %parallel_loop3A_1516 = arith.index_cast %parallel_loop3A_1514 : i32 to index
        %parallel_loop3A_1517 = arith.index_cast %parallel_loop3A_1515 : i32 to index
        %parallel_loop3A_1518 = arith.index_cast %parallel_loop3A_985 : i32 to index
        %parallel_loop3A_1519 = tpu.vector_load %arg7[%parallel_loop3A_1516, %parallel_loop3A_1517, %parallel_loop3A_1518] {strides = array<i32>} : memref<4x32x768xf32, #tpu.memory_space<vmem>>, vector<1x1x16xf32>,
        %parallel_loop3A_1520 = vector.shape_cast %parallel_loop3A_1519 : vector<1x1x16xf32> to vector<16xf32>
        %parallel_loop3A_1521 = vector.shape_cast %parallel_loop3A_1513 : vector<16xf32> to vector<1x1x16xf32>
        tpu.vector_store %arg7[%parallel_loop3A_1516, %parallel_loop3A_1517, %parallel_loop3A_1518], %parallel_loop3A_1521 {strides = array<i32>} : memref<4x32x768xf32, #tpu.memory_space<vmem>>, vector<1x1x16xf32>,
        %parallel_loop3A_1522 = arith.constant 1 : i32
        %parallel_loop3A_1523 = arith.constant 23 : i32
        %parallel_loop3A_1524 = arith.index_cast %parallel_loop3A_1522 : i32 to index
        %parallel_loop3A_1525 = arith.index_cast %parallel_loop3A_1523 : i32 to index
        %parallel_loop3A_1526 = arith.index_cast %parallel_loop3A_985 : i32 to index
        %parallel_loop3A_1527 = tpu.vector_load %arg7[%parallel_loop3A_1524, %parallel_loop3A_1525, %parallel_loop3A_1526] {strides = array<i32>} : memref<4x32x768xf32, #tpu.memory_space<vmem>>, vector<1x1x16xf32>,
        %parallel_loop3A_1528 = vector.shape_cast %parallel_loop3A_1527 : vector<1x1x16xf32> to vector<16xf32>
        %parallel_loop3A_1529 = arith.addf %parallel_loop3A_1528, %parallel_loop3A_1489 : vector<16xf32>
        %parallel_loop3A_1530 = arith.constant 1 : i32
        %parallel_loop3A_1531 = arith.constant 23 : i32
        %parallel_loop3A_1532 = arith.index_cast %parallel_loop3A_1530 : i32 to index
        %parallel_loop3A_1533 = arith.index_cast %parallel_loop3A_1531 : i32 to index
        %parallel_loop3A_1534 = arith.index_cast %parallel_loop3A_985 : i32 to index
        %parallel_loop3A_1535 = tpu.vector_load %arg7[%parallel_loop3A_1532, %parallel_loop3A_1533, %parallel_loop3A_1534] {strides = array<i32>} : memref<4x32x768xf32, #tpu.memory_space<vmem>>, vector<1x1x16xf32>,
        %parallel_loop3A_1536 = vector.shape_cast %parallel_loop3A_1535 : vector<1x1x16xf32> to vector<16xf32>
        %parallel_loop3A_1537 = vector.shape_cast %parallel_loop3A_1529 : vector<16xf32> to vector<1x1x16xf32>
        tpu.vector_store %arg7[%parallel_loop3A_1532, %parallel_loop3A_1533, %parallel_loop3A_1534], %parallel_loop3A_1537 {strides = array<i32>} : memref<4x32x768xf32, #tpu.memory_space<vmem>>, vector<1x1x16xf32>,
        %parallel_loop3A_1538 = arith.constant 1 : i32
        %parallel_loop3A_1539 = arith.constant 31 : i32
        %parallel_loop3A_1540 = arith.index_cast %parallel_loop3A_1538 : i32 to index
        %parallel_loop3A_1541 = arith.index_cast %parallel_loop3A_1539 : i32 to index
        %parallel_loop3A_1542 = arith.index_cast %parallel_loop3A_985 : i32 to index
        %parallel_loop3A_1543 = tpu.vector_load %arg7[%parallel_loop3A_1540, %parallel_loop3A_1541, %parallel_loop3A_1542] {strides = array<i32>} : memref<4x32x768xf32, #tpu.memory_space<vmem>>, vector<1x1x16xf32>,
        %parallel_loop3A_1544 = vector.shape_cast %parallel_loop3A_1543 : vector<1x1x16xf32> to vector<16xf32>
        %parallel_loop3A_1545 = arith.addf %parallel_loop3A_1544, %parallel_loop3A_1489 : vector<16xf32>
        %parallel_loop3A_1546 = arith.constant 1 : i32
        %parallel_loop3A_1547 = arith.constant 31 : i32
        %parallel_loop3A_1548 = arith.index_cast %parallel_loop3A_1546 : i32 to index
        %parallel_loop3A_1549 = arith.index_cast %parallel_loop3A_1547 : i32 to index
        %parallel_loop3A_1550 = arith.index_cast %parallel_loop3A_985 : i32 to index
        %parallel_loop3A_1551 = tpu.vector_load %arg7[%parallel_loop3A_1548, %parallel_loop3A_1549, %parallel_loop3A_1550] {strides = array<i32>} : memref<4x32x768xf32, #tpu.memory_space<vmem>>, vector<1x1x16xf32>,
        %parallel_loop3A_1552 = vector.shape_cast %parallel_loop3A_1551 : vector<1x1x16xf32> to vector<16xf32>
        %parallel_loop3A_1553 = vector.shape_cast %parallel_loop3A_1545 : vector<16xf32> to vector<1x1x16xf32>
        tpu.vector_store %arg7[%parallel_loop3A_1548, %parallel_loop3A_1549, %parallel_loop3A_1550], %parallel_loop3A_1553 {strides = array<i32>} : memref<4x32x768xf32, #tpu.memory_space<vmem>>, vector<1x1x16xf32>,
      } {sc.loop_unroll_factor = 1 : i64, sc.parallel_access}
      %add3A_610 = arith.constant 0 : i32
      %add3A_611 = arith.addi %add3A_610, %mul3A_2 : i32
      %mul3A_612 = arith.constant 8 : i32
      %mul3A_613 = arith.muli %add3A_581, %mul3A_612 : i32
      %add3A_614 = arith.addi %add3A_611, %mul3A_613 : i32
      %dma_start3A_615 = arith.constant 1 : i32
      %dma_start3A_616 = arith.constant 0 : i32
      %dma_start3A_617 = arith.constant 0 : i32
      %dma_start3A_618 = tpu.memref_slice %arg7[%dma_start3A_615, %dma_start3A_616, %dma_start3A_617] : memref<4x32x768xf32, #tpu.memory_space<vmem>> -> memref<1x32x768xf32, #tpu.memory_space<vmem>>
      %dma_start3A_619 = tpu.memref_squeeze %dma_start3A_618 : memref<1x32x768xf32, #tpu.memory_space<vmem>> -> memref<32x768xf32, #tpu.memory_space<vmem>>
      %dma_start3A_620 = arith.constant 0 : i32
      %dma_start3A_621 = arith.constant 0 : i32
      %dma_start3A_622 = tpu.memref_slice %dma_start3A_619[%dma_start3A_620, %dma_start3A_621] : memref<32x768xf32, #tpu.memory_space<vmem>> -> memref<8x768xf32, #tpu.memory_space<vmem>>
      %dma_start3A_623 = arith.constant 0 : i32
      %dma_start3A_624 = tpu.memref_slice %arg5[%add3A_614, %dma_start3A_623] : memref<8192x768xf32, #tpu.memory_space<hbm>> -> memref<8x768xf32, #tpu.memory_space<hbm>>
      %dma_start3A_625 = arith.constant 0 : i32
      %dma_start3A_626 = tpu.memref_slice %arg5[%add3A_614, %dma_start3A_625] : memref<8192x768xf32, #tpu.memory_space<hbm>> -> memref<8x768xf32, #tpu.memory_space<hbm>>
      %dma_start3A_627 = arith.constant 0 : i32
      %dma_start3A_628 = arith.constant 0 : i32
      %dma_start3A_629 = tpu.memref_slice %arg7[%dma_start3A_615, %dma_start3A_627, %dma_start3A_628] : memref<4x32x768xf32, #tpu.memory_space<vmem>> -> memref<1x32x768xf32, #tpu.memory_space<vmem>>
      %dma_start3A_630 = tpu.memref_squeeze %dma_start3A_629 : memref<1x32x768xf32, #tpu.memory_space<vmem>> -> memref<32x768xf32, #tpu.memory_space<vmem>>
      %dma_start3A_631 = arith.constant 0 : i32
      %dma_start3A_632 = arith.constant 0 : i32
      %dma_start3A_633 = tpu.memref_slice %dma_start3A_630[%dma_start3A_631, %dma_start3A_632] : memref<32x768xf32, #tpu.memory_space<vmem>> -> memref<8x768xf32, #tpu.memory_space<vmem>>
      tpu.enqueue_dma source(%dma_start3A_633 : memref<8x768xf32, #tpu.memory_space<vmem>>) target(%dma_start3A_626 : memref<8x768xf32, #tpu.memory_space<hbm>>) target_semaphore(%arg18 : memref<!tpu.dma_semaphore, #tpu.memory_space<semaphore_mem>>)
      %add3A_634 = arith.constant 2048 : i32
      %add3A_635 = arith.addi %add3A_634, %mul3A_2 : i32
      %mul3A_636 = arith.constant 8 : i32
      %mul3A_637 = arith.muli %add3A_581, %mul3A_636 : i32
      %add3A_638 = arith.addi %add3A_635, %mul3A_637 : i32
      %dma_start3A_639 = arith.constant 1 : i32
      %dma_start3A_640 = arith.constant 0 : i32
      %dma_start3A_641 = arith.constant 0 : i32
      %dma_start3A_642 = tpu.memref_slice %arg7[%dma_start3A_639, %dma_start3A_640, %dma_start3A_641] : memref<4x32x768xf32, #tpu.memory_space<vmem>> -> memref<1x32x768xf32, #tpu.memory_space<vmem>>
      %dma_start3A_643 = tpu.memref_squeeze %dma_start3A_642 : memref<1x32x768xf32, #tpu.memory_space<vmem>> -> memref<32x768xf32, #tpu.memory_space<vmem>>
      %dma_start3A_644 = arith.constant 8 : i32
      %dma_start3A_645 = arith.constant 0 : i32
      %dma_start3A_646 = tpu.memref_slice %dma_start3A_643[%dma_start3A_644, %dma_start3A_645] : memref<32x768xf32, #tpu.memory_space<vmem>> -> memref<8x768xf32, #tpu.memory_space<vmem>>
      %dma_start3A_647 = arith.constant 0 : i32
      %dma_start3A_648 = tpu.memref_slice %arg5[%add3A_638, %dma_start3A_647] : memref<8192x768xf32, #tpu.memory_space<hbm>> -> memref<8x768xf32, #tpu.memory_space<hbm>>
      %dma_start3A_649 = arith.constant 0 : i32
      %dma_start3A_650 = tpu.memref_slice %arg5[%add3A_638, %dma_start3A_649] : memref<8192x768xf32, #tpu.memory_space<hbm>> -> memref<8x768xf32, #tpu.memory_space<hbm>>
      %dma_start3A_651 = arith.constant 0 : i32
      %dma_start3A_652 = arith.constant 0 : i32
      %dma_start3A_653 = tpu.memref_slice %arg7[%dma_start3A_639, %dma_start3A_651, %dma_start3A_652] : memref<4x32x768xf32, #tpu.memory_space<vmem>> -> memref<1x32x768xf32, #tpu.memory_space<vmem>>
      %dma_start3A_654 = tpu.memref_squeeze %dma_start3A_653 : memref<1x32x768xf32, #tpu.memory_space<vmem>> -> memref<32x768xf32, #tpu.memory_space<vmem>>
      %dma_start3A_655 = arith.constant 8 : i32
      %dma_start3A_656 = arith.constant 0 : i32
      %dma_start3A_657 = tpu.memref_slice %dma_start3A_654[%dma_start3A_655, %dma_start3A_656] : memref<32x768xf32, #tpu.memory_space<vmem>> -> memref<8x768xf32, #tpu.memory_space<vmem>>
      tpu.enqueue_dma source(%dma_start3A_657 : memref<8x768xf32, #tpu.memory_space<vmem>>) target(%dma_start3A_650 : memref<8x768xf32, #tpu.memory_space<hbm>>) target_semaphore(%arg18 : memref<!tpu.dma_semaphore, #tpu.memory_space<semaphore_mem>>)
      %add3A_658 = arith.constant 4096 : i32
      %add3A_659 = arith.addi %add3A_658, %mul3A_2 : i32
      %mul3A_660 = arith.constant 8 : i32
      %mul3A_661 = arith.muli %add3A_581, %mul3A_660 : i32
      %add3A_662 = arith.addi %add3A_659, %mul3A_661 : i32
      %dma_start3A_663 = arith.constant 1 : i32
      %dma_start3A_664 = arith.constant 0 : i32
      %dma_start3A_665 = arith.constant 0 : i32
      %dma_start3A_666 = tpu.memref_slice %arg7[%dma_start3A_663, %dma_start3A_664, %dma_start3A_665] : memref<4x32x768xf32, #tpu.memory_space<vmem>> -> memref<1x32x768xf32, #tpu.memory_space<vmem>>
      %dma_start3A_667 = tpu.memref_squeeze %dma_start3A_666 : memref<1x32x768xf32, #tpu.memory_space<vmem>> -> memref<32x768xf32, #tpu.memory_space<vmem>>
      %dma_start3A_668 = arith.constant 16 : i32
      %dma_start3A_669 = arith.constant 0 : i32
      %dma_start3A_670 = tpu.memref_slice %dma_start3A_667[%dma_start3A_668, %dma_start3A_669] : memref<32x768xf32, #tpu.memory_space<vmem>> -> memref<8x768xf32, #tpu.memory_space<vmem>>
      %dma_start3A_671 = arith.constant 0 : i32
      %dma_start3A_672 = tpu.memref_slice %arg5[%add3A_662, %dma_start3A_671] : memref<8192x768xf32, #tpu.memory_space<hbm>> -> memref<8x768xf32, #tpu.memory_space<hbm>>
      %dma_start3A_673 = arith.constant 0 : i32
      %dma_start3A_674 = tpu.memref_slice %arg5[%add3A_662, %dma_start3A_673] : memref<8192x768xf32, #tpu.memory_space<hbm>> -> memref<8x768xf32, #tpu.memory_space<hbm>>
      %dma_start3A_675 = arith.constant 0 : i32
      %dma_start3A_676 = arith.constant 0 : i32
      %dma_start3A_677 = tpu.memref_slice %arg7[%dma_start3A_663, %dma_start3A_675, %dma_start3A_676] : memref<4x32x768xf32, #tpu.memory_space<vmem>> -> memref<1x32x768xf32, #tpu.memory_space<vmem>>
      %dma_start3A_678 = tpu.memref_squeeze %dma_start3A_677 : memref<1x32x768xf32, #tpu.memory_space<vmem>> -> memref<32x768xf32, #tpu.memory_space<vmem>>
      %dma_start3A_679 = arith.constant 16 : i32
      %dma_start3A_680 = arith.constant 0 : i32
      %dma_start3A_681 = tpu.memref_slice %dma_start3A_678[%dma_start3A_679, %dma_start3A_680] : memref<32x768xf32, #tpu.memory_space<vmem>> -> memref<8x768xf32, #tpu.memory_space<vmem>>
      tpu.enqueue_dma source(%dma_start3A_681 : memref<8x768xf32, #tpu.memory_space<vmem>>) target(%dma_start3A_674 : memref<8x768xf32, #tpu.memory_space<hbm>>) target_semaphore(%arg18 : memref<!tpu.dma_semaphore, #tpu.memory_space<semaphore_mem>>)
      %add3A_682 = arith.constant 6144 : i32
      %add3A_683 = arith.addi %add3A_682, %mul3A_2 : i32
      %mul3A_684 = arith.constant 8 : i32
      %mul3A_685 = arith.muli %add3A_581, %mul3A_684 : i32
      %add3A_686 = arith.addi %add3A_683, %mul3A_685 : i32
      %dma_start3A_687 = arith.constant 1 : i32
      %dma_start3A_688 = arith.constant 0 : i32
      %dma_start3A_689 = arith.constant 0 : i32
      %dma_start3A_690 = tpu.memref_slice %arg7[%dma_start3A_687, %dma_start3A_688, %dma_start3A_689] : memref<4x32x768xf32, #tpu.memory_space<vmem>> -> memref<1x32x768xf32, #tpu.memory_space<vmem>>
      %dma_start3A_691 = tpu.memref_squeeze %dma_start3A_690 : memref<1x32x768xf32, #tpu.memory_space<vmem>> -> memref<32x768xf32, #tpu.memory_space<vmem>>
      %dma_start3A_692 = arith.constant 24 : i32
      %dma_start3A_693 = arith.constant 0 : i32
      %dma_start3A_694 = tpu.memref_slice %dma_start3A_691[%dma_start3A_692, %dma_start3A_693] : memref<32x768xf32, #tpu.memory_space<vmem>> -> memref<8x768xf32, #tpu.memory_space<vmem>>
      %dma_start3A_695 = arith.constant 0 : i32
      %dma_start3A_696 = tpu.memref_slice %arg5[%add3A_686, %dma_start3A_695] : memref<8192x768xf32, #tpu.memory_space<hbm>> -> memref<8x768xf32, #tpu.memory_space<hbm>>
      %dma_start3A_697 = arith.constant 0 : i32
      %dma_start3A_698 = tpu.memref_slice %arg5[%add3A_686, %dma_start3A_697] : memref<8192x768xf32, #tpu.memory_space<hbm>> -> memref<8x768xf32, #tpu.memory_space<hbm>>
      %dma_start3A_699 = arith.constant 0 : i32
      %dma_start3A_700 = arith.constant 0 : i32
      %dma_start3A_701 = tpu.memref_slice %arg7[%dma_start3A_687, %dma_start3A_699, %dma_start3A_700] : memref<4x32x768xf32, #tpu.memory_space<vmem>> -> memref<1x32x768xf32, #tpu.memory_space<vmem>>
      %dma_start3A_702 = tpu.memref_squeeze %dma_start3A_701 : memref<1x32x768xf32, #tpu.memory_space<vmem>> -> memref<32x768xf32, #tpu.memory_space<vmem>>
      %dma_start3A_703 = arith.constant 24 : i32
      %dma_start3A_704 = arith.constant 0 : i32
      %dma_start3A_705 = tpu.memref_slice %dma_start3A_702[%dma_start3A_703, %dma_start3A_704] : memref<32x768xf32, #tpu.memory_space<vmem>> -> memref<8x768xf32, #tpu.memory_space<vmem>>
      tpu.enqueue_dma source(%dma_start3A_705 : memref<8x768xf32, #tpu.memory_space<vmem>>) target(%dma_start3A_698 : memref<8x768xf32, #tpu.memory_space<hbm>>) target_semaphore(%arg18 : memref<!tpu.dma_semaphore, #tpu.memory_space<semaphore_mem>>)
      %add3A_706 = arith.constant 4 : i32
      %add3A_707 = arith.addi %add3A_581, %add3A_706 : i32
      %lt3A_708 = arith.constant 8 : i32
      %lt3A_709 = arith.cmpi slt, %add3A_707, %lt3A_708 : i32
      %convert_element_type3A_710 = arith.extui %lt3A_709 : i1 to i32
      %cond3A_711 = arith.constant 0 : i32
      %cond3A_712 = arith.cmpi ne, %convert_element_type3A_710, %cond3A_711 : i32
      scf.if %cond3A_712 {
        %dma_wait3A_983 = arith.constant 1 : i32
        %dma_wait3A_984 = arith.constant 0 : i32
        %dma_wait3A_985 = arith.constant 0 : i32
        %dma_wait3A_986 = tpu.memref_slice %arg7[%dma_wait3A_983, %dma_wait3A_984, %dma_wait3A_985] : memref<4x32x768xf32, #tpu.memory_space<vmem>> -> memref<1x32x768xf32, #tpu.memory_space<vmem>>
        %dma_wait3A_987 = tpu.memref_squeeze %dma_wait3A_986 : memref<1x32x768xf32, #tpu.memory_space<vmem>> -> memref<32x768xf32, #tpu.memory_space<vmem>>
        %dma_wait3A_988 = arith.constant 0 : i32
        %dma_wait3A_989 = arith.constant 0 : i32
        %dma_wait3A_990 = tpu.memref_slice %dma_wait3A_987[%dma_wait3A_988, %dma_wait3A_989] : memref<32x768xf32, #tpu.memory_space<vmem>> -> memref<8x768xf32, #tpu.memory_space<vmem>>
        %dma_wait3A_991 = arith.constant 0 : i32
        %dma_wait3A_992 = arith.constant 0 : i32
        %dma_wait3A_993 = tpu.memref_slice %arg5[%dma_wait3A_991, %dma_wait3A_992] : memref<8192x768xf32, #tpu.memory_space<hbm>> -> memref<8x768xf32, #tpu.memory_space<hbm>>
        %dma_wait3A_994 = arith.constant 0 : i32
        %dma_wait3A_995 = arith.constant 0 : i32
        %dma_wait3A_996 = tpu.memref_slice %arg5[%dma_wait3A_994, %dma_wait3A_995] : memref<8192x768xf32, #tpu.memory_space<hbm>> -> memref<8x768xf32, #tpu.memory_space<hbm>>
        %dma_wait3A_997 = arith.constant 0 : i32
        %dma_wait3A_998 = arith.constant 0 : i32
        %dma_wait3A_999 = tpu.memref_slice %arg7[%dma_wait3A_983, %dma_wait3A_997, %dma_wait3A_998] : memref<4x32x768xf32, #tpu.memory_space<vmem>> -> memref<1x32x768xf32, #tpu.memory_space<vmem>>
        %dma_wait3A_1000 = tpu.memref_squeeze %dma_wait3A_999 : memref<1x32x768xf32, #tpu.memory_space<vmem>> -> memref<32x768xf32, #tpu.memory_space<vmem>>
        %dma_wait3A_1001 = arith.constant 0 : i32
        %dma_wait3A_1002 = arith.constant 0 : i32
        %dma_wait3A_1003 = tpu.memref_slice %dma_wait3A_1000[%dma_wait3A_1001, %dma_wait3A_1002] : memref<32x768xf32, #tpu.memory_space<vmem>> -> memref<8x768xf32, #tpu.memory_space<vmem>>
        tpu.wait_dma2 semaphore(%arg18 : memref<!tpu.dma_semaphore, #tpu.memory_space<semaphore_mem>>) src(%dma_wait3A_1003 : memref<8x768xf32, #tpu.memory_space<vmem>>) dst(%dma_wait3A_996 : memref<8x768xf32, #tpu.memory_space<hbm>>)
        %dma_wait3A_1004 = arith.constant 1 : i32
        %dma_wait3A_1005 = arith.constant 0 : i32
        %dma_wait3A_1006 = arith.constant 0 : i32
        %dma_wait3A_1007 = tpu.memref_slice %arg7[%dma_wait3A_1004, %dma_wait3A_1005, %dma_wait3A_1006] : memref<4x32x768xf32, #tpu.memory_space<vmem>> -> memref<1x32x768xf32, #tpu.memory_space<vmem>>
        %dma_wait3A_1008 = tpu.memref_squeeze %dma_wait3A_1007 : memref<1x32x768xf32, #tpu.memory_space<vmem>> -> memref<32x768xf32, #tpu.memory_space<vmem>>
        %dma_wait3A_1009 = arith.constant 0 : i32
        %dma_wait3A_1010 = arith.constant 0 : i32
        %dma_wait3A_1011 = tpu.memref_slice %dma_wait3A_1008[%dma_wait3A_1009, %dma_wait3A_1010] : memref<32x768xf32, #tpu.memory_space<vmem>> -> memref<8x768xf32, #tpu.memory_space<vmem>>
        %dma_wait3A_1012 = arith.constant 0 : i32
        %dma_wait3A_1013 = arith.constant 0 : i32
        %dma_wait3A_1014 = tpu.memref_slice %arg5[%dma_wait3A_1012, %dma_wait3A_1013] : memref<8192x768xf32, #tpu.memory_space<hbm>> -> memref<8x768xf32, #tpu.memory_space<hbm>>
        %dma_wait3A_1015 = arith.constant 0 : i32
        %dma_wait3A_1016 = arith.constant 0 : i32
        %dma_wait3A_1017 = tpu.memref_slice %arg5[%dma_wait3A_1015, %dma_wait3A_1016] : memref<8192x768xf32, #tpu.memory_space<hbm>> -> memref<8x768xf32, #tpu.memory_space<hbm>>
        %dma_wait3A_1018 = arith.constant 0 : i32
        %dma_wait3A_1019 = arith.constant 0 : i32
        %dma_wait3A_1020 = tpu.memref_slice %arg7[%dma_wait3A_1004, %dma_wait3A_1018, %dma_wait3A_1019] : memref<4x32x768xf32, #tpu.memory_space<vmem>> -> memref<1x32x768xf32, #tpu.memory_space<vmem>>
        %dma_wait3A_1021 = tpu.memref_squeeze %dma_wait3A_1020 : memref<1x32x768xf32, #tpu.memory_space<vmem>> -> memref<32x768xf32, #tpu.memory_space<vmem>>
        %dma_wait3A_1022 = arith.constant 0 : i32
        %dma_wait3A_1023 = arith.constant 0 : i32
        %dma_wait3A_1024 = tpu.memref_slice %dma_wait3A_1021[%dma_wait3A_1022, %dma_wait3A_1023] : memref<32x768xf32, #tpu.memory_space<vmem>> -> memref<8x768xf32, #tpu.memory_space<vmem>>
        tpu.wait_dma2 semaphore(%arg18 : memref<!tpu.dma_semaphore, #tpu.memory_space<semaphore_mem>>) src(%dma_wait3A_1024 : memref<8x768xf32, #tpu.memory_space<vmem>>) dst(%dma_wait3A_1017 : memref<8x768xf32, #tpu.memory_space<hbm>>)
        %dma_wait3A_1025 = arith.constant 1 : i32
        %dma_wait3A_1026 = arith.constant 0 : i32
        %dma_wait3A_1027 = arith.constant 0 : i32
        %dma_wait3A_1028 = tpu.memref_slice %arg7[%dma_wait3A_1025, %dma_wait3A_1026, %dma_wait3A_1027] : memref<4x32x768xf32, #tpu.memory_space<vmem>> -> memref<1x32x768xf32, #tpu.memory_space<vmem>>
        %dma_wait3A_1029 = tpu.memref_squeeze %dma_wait3A_1028 : memref<1x32x768xf32, #tpu.memory_space<vmem>> -> memref<32x768xf32, #tpu.memory_space<vmem>>
        %dma_wait3A_1030 = arith.constant 0 : i32
        %dma_wait3A_1031 = arith.constant 0 : i32
        %dma_wait3A_1032 = tpu.memref_slice %dma_wait3A_1029[%dma_wait3A_1030, %dma_wait3A_1031] : memref<32x768xf32, #tpu.memory_space<vmem>> -> memref<8x768xf32, #tpu.memory_space<vmem>>
        %dma_wait3A_1033 = arith.constant 0 : i32
        %dma_wait3A_1034 = arith.constant 0 : i32
        %dma_wait3A_1035 = tpu.memref_slice %arg5[%dma_wait3A_1033, %dma_wait3A_1034] : memref<8192x768xf32, #tpu.memory_space<hbm>> -> memref<8x768xf32, #tpu.memory_space<hbm>>
        %dma_wait3A_1036 = arith.constant 0 : i32
        %dma_wait3A_1037 = arith.constant 0 : i32
        %dma_wait3A_1038 = tpu.memref_slice %arg5[%dma_wait3A_1036, %dma_wait3A_1037] : memref<8192x768xf32, #tpu.memory_space<hbm>> -> memref<8x768xf32, #tpu.memory_space<hbm>>
        %dma_wait3A_1039 = arith.constant 0 : i32
        %dma_wait3A_1040 = arith.constant 0 : i32
        %dma_wait3A_1041 = tpu.memref_slice %arg7[%dma_wait3A_1025, %dma_wait3A_1039, %dma_wait3A_1040] : memref<4x32x768xf32, #tpu.memory_space<vmem>> -> memref<1x32x768xf32, #tpu.memory_space<vmem>>
        %dma_wait3A_1042 = tpu.memref_squeeze %dma_wait3A_1041 : memref<1x32x768xf32, #tpu.memory_space<vmem>> -> memref<32x768xf32, #tpu.memory_space<vmem>>
        %dma_wait3A_1043 = arith.constant 0 : i32
        %dma_wait3A_1044 = arith.constant 0 : i32
        %dma_wait3A_1045 = tpu.memref_slice %dma_wait3A_1042[%dma_wait3A_1043, %dma_wait3A_1044] : memref<32x768xf32, #tpu.memory_space<vmem>> -> memref<8x768xf32, #tpu.memory_space<vmem>>
        tpu.wait_dma2 semaphore(%arg18 : memref<!tpu.dma_semaphore, #tpu.memory_space<semaphore_mem>>) src(%dma_wait3A_1045 : memref<8x768xf32, #tpu.memory_space<vmem>>) dst(%dma_wait3A_1038 : memref<8x768xf32, #tpu.memory_space<hbm>>)
        %dma_wait3A_1046 = arith.constant 1 : i32
        %dma_wait3A_1047 = arith.constant 0 : i32
        %dma_wait3A_1048 = arith.constant 0 : i32
        %dma_wait3A_1049 = tpu.memref_slice %arg7[%dma_wait3A_1046, %dma_wait3A_1047, %dma_wait3A_1048] : memref<4x32x768xf32, #tpu.memory_space<vmem>> -> memref<1x32x768xf32, #tpu.memory_space<vmem>>
        %dma_wait3A_1050 = tpu.memref_squeeze %dma_wait3A_1049 : memref<1x32x768xf32, #tpu.memory_space<vmem>> -> memref<32x768xf32, #tpu.memory_space<vmem>>
        %dma_wait3A_1051 = arith.constant 0 : i32
        %dma_wait3A_1052 = arith.constant 0 : i32
        %dma_wait3A_1053 = tpu.memref_slice %dma_wait3A_1050[%dma_wait3A_1051, %dma_wait3A_1052] : memref<32x768xf32, #tpu.memory_space<vmem>> -> memref<8x768xf32, #tpu.memory_space<vmem>>
        %dma_wait3A_1054 = arith.constant 0 : i32
        %dma_wait3A_1055 = arith.constant 0 : i32
        %dma_wait3A_1056 = tpu.memref_slice %arg5[%dma_wait3A_1054, %dma_wait3A_1055] : memref<8192x768xf32, #tpu.memory_space<hbm>> -> memref<8x768xf32, #tpu.memory_space<hbm>>
        %dma_wait3A_1057 = arith.constant 0 : i32
        %dma_wait3A_1058 = arith.constant 0 : i32
        %dma_wait3A_1059 = tpu.memref_slice %arg5[%dma_wait3A_1057, %dma_wait3A_1058] : memref<8192x768xf32, #tpu.memory_space<hbm>> -> memref<8x768xf32, #tpu.memory_space<hbm>>
        %dma_wait3A_1060 = arith.constant 0 : i32
        %dma_wait3A_1061 = arith.constant 0 : i32
        %dma_wait3A_1062 = tpu.memref_slice %arg7[%dma_wait3A_1046, %dma_wait3A_1060, %dma_wait3A_1061] : memref<4x32x768xf32, #tpu.memory_space<vmem>> -> memref<1x32x768xf32, #tpu.memory_space<vmem>>
        %dma_wait3A_1063 = tpu.memref_squeeze %dma_wait3A_1062 : memref<1x32x768xf32, #tpu.memory_space<vmem>> -> memref<32x768xf32, #tpu.memory_space<vmem>>
        %dma_wait3A_1064 = arith.constant 0 : i32
        %dma_wait3A_1065 = arith.constant 0 : i32
        %dma_wait3A_1066 = tpu.memref_slice %dma_wait3A_1063[%dma_wait3A_1064, %dma_wait3A_1065] : memref<32x768xf32, #tpu.memory_space<vmem>> -> memref<8x768xf32, #tpu.memory_space<vmem>>
        tpu.wait_dma2 semaphore(%arg18 : memref<!tpu.dma_semaphore, #tpu.memory_space<semaphore_mem>>) src(%dma_wait3A_1066 : memref<8x768xf32, #tpu.memory_space<vmem>>) dst(%dma_wait3A_1059 : memref<8x768xf32, #tpu.memory_space<hbm>>)
        %add3A_1067 = arith.constant 4 : i32
        %add3A_1068 = arith.addi %add3A_581, %add3A_1067 : i32
        %mul3A_1069 = arith.constant 8 : i32
        %mul3A_1070 = arith.muli %add3A_1068, %mul3A_1069 : i32
        %add3A_1071 = arith.addi %mul3A_2, %mul3A_1070 : i32
        %dma_start3A_1072 = arith.constant 1 : i32
        %dma_start3A_1073 = arith.constant 0 : i32
        %dma_start3A_1074 = arith.constant 0 : i32
        %dma_start3A_1075 = tpu.memref_slice %arg8[%dma_start3A_1072, %dma_start3A_1073, %dma_start3A_1074] : memref<4x8x768xf32, #tpu.memory_space<vmem>> -> memref<1x8x768xf32, #tpu.memory_space<vmem>>
        %dma_start3A_1076 = tpu.memref_squeeze %dma_start3A_1075 : memref<1x8x768xf32, #tpu.memory_space<vmem>> -> memref<8x768xf32, #tpu.memory_space<vmem>>
        %dma_start3A_1077 = arith.constant 0 : i32
        %dma_start3A_1078 = tpu.memref_slice %arg4[%add3A_1071, %dma_start3A_1077] : memref<2048x768xf32, #tpu.memory_space<hbm>> -> memref<8x768xf32, #tpu.memory_space<hbm>>
        %dma_start3A_1079 = arith.constant 0 : i32
        %dma_start3A_1080 = arith.constant 0 : i32
        %dma_start3A_1081 = tpu.memref_slice %arg8[%dma_start3A_1072, %dma_start3A_1079, %dma_start3A_1080] : memref<4x8x768xf32, #tpu.memory_space<vmem>> -> memref<1x8x768xf32, #tpu.memory_space<vmem>>
        %dma_start3A_1082 = tpu.memref_squeeze %dma_start3A_1081 : memref<1x8x768xf32, #tpu.memory_space<vmem>> -> memref<8x768xf32, #tpu.memory_space<vmem>>
        %dma_start3A_1083 = arith.constant 0 : i32
        %dma_start3A_1084 = tpu.memref_slice %arg4[%add3A_1071, %dma_start3A_1083] : memref<2048x768xf32, #tpu.memory_space<hbm>> -> memref<8x768xf32, #tpu.memory_space<hbm>>
        tpu.enqueue_dma source(%dma_start3A_1084 : memref<8x768xf32, #tpu.memory_space<hbm>>) target(%dma_start3A_1082 : memref<8x768xf32, #tpu.memory_space<vmem>>) target_semaphore(%arg14 : memref<!tpu.dma_semaphore, #tpu.memory_space<semaphore_mem>>)
        %mul3A_1085 = arith.constant 32 : i32
        %mul3A_1086 = arith.muli %add3A_1068, %mul3A_1085 : i32
        %dma_start3A_1087 = arith.constant 1 : i32
        %dma_start3A_1088 = arith.constant 0 : i32
        %dma_start3A_1089 = arith.constant 0 : i32
        %dma_start3A_1090 = tpu.memref_slice %arg7[%dma_start3A_1087, %dma_start3A_1088, %dma_start3A_1089] : memref<4x32x768xf32, #tpu.memory_space<vmem>> -> memref<1x32x768xf32, #tpu.memory_space<vmem>>
        %dma_start3A_1091 = tpu.memref_squeeze %dma_start3A_1090 : memref<1x32x768xf32, #tpu.memory_space<vmem>> -> memref<32x768xf32, #tpu.memory_space<vmem>>
        %dma_start3A_1092 = tpu.memref_slice %arg6[%mul3A_1086] : memref<256xi32, #tpu.memory_space<vmem>> -> memref<32xi32, #tpu.memory_space<vmem>>
        %dma_start3A_1093 = arith.constant 0 : i32
        %dma_start3A_1094 = arith.constant 0 : i32
        %dma_start3A_1095 = tpu.memref_slice %arg3[%dma_start3A_1093, %dma_start3A_1094] : memref<50257x768xf32, #tpu.memory_space<hbm>> -> memref<50257x768xf32, #tpu.memory_space<hbm>>
        tpu.enqueue_indirect_dma source(%dma_start3A_1095 : memref<50257x768xf32, #tpu.memory_space<hbm>>) target(%dma_start3A_1091 : memref<32x768xf32, #tpu.memory_space<vmem>>) offsets(%dma_start3A_1092 : memref<32xi32, #tpu.memory_space<vmem>>) semaphore(%arg10 : memref<!tpu.dma_semaphore, #tpu.memory_space<semaphore_mem>>)
      } else {
      }
      %mul3A_713 = arith.constant 4 : i32
      %mul3A_714 = arith.muli %mul3A_713, %scan3A_446 : i32
      %add3A_715 = arith.constant 2 : i32
      %add3A_716 = arith.addi %mul3A_714, %add3A_715 : i32
      %dma_wait3A_717 = arith.constant 2 : i32
      %dma_wait3A_718 = arith.constant 0 : i32
      %dma_wait3A_719 = arith.constant 0 : i32
      %dma_wait3A_720 = tpu.memref_slice %arg8[%dma_wait3A_717, %dma_wait3A_718, %dma_wait3A_719] : memref<4x8x768xf32, #tpu.memory_space<vmem>> -> memref<1x8x768xf32, #tpu.memory_space<vmem>>
      %dma_wait3A_721 = tpu.memref_squeeze %dma_wait3A_720 : memref<1x8x768xf32, #tpu.memory_space<vmem>> -> memref<8x768xf32, #tpu.memory_space<vmem>>
      %dma_wait3A_722 = arith.constant 0 : i32
      %dma_wait3A_723 = arith.constant 0 : i32
      %dma_wait3A_724 = tpu.memref_slice %arg4[%dma_wait3A_722, %dma_wait3A_723] : memref<2048x768xf32, #tpu.memory_space<hbm>> -> memref<8x768xf32, #tpu.memory_space<hbm>>
      %dma_wait3A_725 = arith.constant 0 : i32
      %dma_wait3A_726 = arith.constant 0 : i32
      %dma_wait3A_727 = tpu.memref_slice %arg8[%dma_wait3A_717, %dma_wait3A_725, %dma_wait3A_726] : memref<4x8x768xf32, #tpu.memory_space<vmem>> -> memref<1x8x768xf32, #tpu.memory_space<vmem>>
      %dma_wait3A_728 = tpu.memref_squeeze %dma_wait3A_727 : memref<1x8x768xf32, #tpu.memory_space<vmem>> -> memref<8x768xf32, #tpu.memory_space<vmem>>
      %dma_wait3A_729 = arith.constant 0 : i32
      %dma_wait3A_730 = arith.constant 0 : i32
      %dma_wait3A_731 = tpu.memref_slice %arg4[%dma_wait3A_729, %dma_wait3A_730] : memref<2048x768xf32, #tpu.memory_space<hbm>> -> memref<8x768xf32, #tpu.memory_space<hbm>>
      tpu.wait_dma2 semaphore(%arg15 : memref<!tpu.dma_semaphore, #tpu.memory_space<semaphore_mem>>) src(%dma_wait3A_731 : memref<8x768xf32, #tpu.memory_space<hbm>>) dst(%dma_wait3A_728 : memref<8x768xf32, #tpu.memory_space<vmem>>)
      %dma_wait3A_732 = arith.constant 2 : i32
      %dma_wait3A_733 = arith.constant 0 : i32
      %dma_wait3A_734 = arith.constant 0 : i32
      %dma_wait3A_735 = tpu.memref_slice %arg7[%dma_wait3A_732, %dma_wait3A_733, %dma_wait3A_734] : memref<4x32x768xf32, #tpu.memory_space<vmem>> -> memref<1x32x768xf32, #tpu.memory_space<vmem>>
      %dma_wait3A_736 = tpu.memref_squeeze %dma_wait3A_735 : memref<1x32x768xf32, #tpu.memory_space<vmem>> -> memref<32x768xf32, #tpu.memory_space<vmem>>
      %dma_wait3A_737 = arith.constant 0 : i32
      %dma_wait3A_738 = tpu.memref_slice %arg6[%dma_wait3A_737] : memref<256xi32, #tpu.memory_space<vmem>> -> memref<32xi32, #tpu.memory_space<vmem>>
      %dma_wait3A_739 = arith.constant 0 : i32
      %dma_wait3A_740 = arith.constant 0 : i32
      %dma_wait3A_741 = tpu.memref_slice %arg3[%dma_wait3A_739, %dma_wait3A_740] : memref<50257x768xf32, #tpu.memory_space<hbm>> -> memref<50257x768xf32, #tpu.memory_space<hbm>>
      tpu.wait_indirect_dma semaphore(%arg11 : memref<!tpu.dma_semaphore, #tpu.memory_space<semaphore_mem>>) src(%dma_wait3A_741 : memref<50257x768xf32, #tpu.memory_space<hbm>>) dst(%dma_wait3A_736 : memref<32x768xf32, #tpu.memory_space<vmem>>)
      %parallel_loop3A_742 = arith.constant 0 : i32
      %parallel_loop3A_743 = arith.constant 48 : i32
      %parallel_loop3A_744 = arith.constant 1 : i32
      scf.for %parallel_loop3A_983 = %parallel_loop3A_742 to %parallel_loop3A_743 step %parallel_loop3A_744  : i32 {
        %parallel_loop3A_984 = arith.constant 16 : i32
        %parallel_loop3A_985 = arith.muli %parallel_loop3A_983, %parallel_loop3A_984 : i32
        %parallel_loop3A_986 = arith.constant 2 : i32
        %parallel_loop3A_987 = arith.constant 0 : i32
        %parallel_loop3A_988 = arith.index_cast %parallel_loop3A_986 : i32 to index
        %parallel_loop3A_989 = arith.index_cast %parallel_loop3A_987 : i32 to index
        %parallel_loop3A_990 = arith.index_cast %parallel_loop3A_985 : i32 to index
        %parallel_loop3A_991 = tpu.vector_load %arg8[%parallel_loop3A_988, %parallel_loop3A_989, %parallel_loop3A_990] {strides = array<i32>} : memref<4x8x768xf32, #tpu.memory_space<vmem>>, vector<1x1x16xf32>,
        %parallel_loop3A_992 = vector.shape_cast %parallel_loop3A_991 : vector<1x1x16xf32> to vector<16xf32>
        %parallel_loop3A_993 = arith.constant 2 : i32
        %parallel_loop3A_994 = arith.constant 0 : i32
        %parallel_loop3A_995 = arith.index_cast %parallel_loop3A_993 : i32 to index
        %parallel_loop3A_996 = arith.index_cast %parallel_loop3A_994 : i32 to index
        %parallel_loop3A_997 = arith.index_cast %parallel_loop3A_985 : i32 to index
        %parallel_loop3A_998 = tpu.vector_load %arg7[%parallel_loop3A_995, %parallel_loop3A_996, %parallel_loop3A_997] {strides = array<i32>} : memref<4x32x768xf32, #tpu.memory_space<vmem>>, vector<1x1x16xf32>,
        %parallel_loop3A_999 = vector.shape_cast %parallel_loop3A_998 : vector<1x1x16xf32> to vector<16xf32>
        %parallel_loop3A_1000 = arith.addf %parallel_loop3A_999, %parallel_loop3A_992 : vector<16xf32>
        %parallel_loop3A_1001 = arith.constant 2 : i32
        %parallel_loop3A_1002 = arith.constant 0 : i32
        %parallel_loop3A_1003 = arith.index_cast %parallel_loop3A_1001 : i32 to index
        %parallel_loop3A_1004 = arith.index_cast %parallel_loop3A_1002 : i32 to index
        %parallel_loop3A_1005 = arith.index_cast %parallel_loop3A_985 : i32 to index
        %parallel_loop3A_1006 = tpu.vector_load %arg7[%parallel_loop3A_1003, %parallel_loop3A_1004, %parallel_loop3A_1005] {strides = array<i32>} : memref<4x32x768xf32, #tpu.memory_space<vmem>>, vector<1x1x16xf32>,
        %parallel_loop3A_1007 = vector.shape_cast %parallel_loop3A_1006 : vector<1x1x16xf32> to vector<16xf32>
        %parallel_loop3A_1008 = vector.shape_cast %parallel_loop3A_1000 : vector<16xf32> to vector<1x1x16xf32>
        tpu.vector_store %arg7[%parallel_loop3A_1003, %parallel_loop3A_1004, %parallel_loop3A_1005], %parallel_loop3A_1008 {strides = array<i32>} : memref<4x32x768xf32, #tpu.memory_space<vmem>>, vector<1x1x16xf32>,
        %parallel_loop3A_1009 = arith.constant 2 : i32
        %parallel_loop3A_1010 = arith.constant 8 : i32
        %parallel_loop3A_1011 = arith.index_cast %parallel_loop3A_1009 : i32 to index
        %parallel_loop3A_1012 = arith.index_cast %parallel_loop3A_1010 : i32 to index
        %parallel_loop3A_1013 = arith.index_cast %parallel_loop3A_985 : i32 to index
        %parallel_loop3A_1014 = tpu.vector_load %arg7[%parallel_loop3A_1011, %parallel_loop3A_1012, %parallel_loop3A_1013] {strides = array<i32>} : memref<4x32x768xf32, #tpu.memory_space<vmem>>, vector<1x1x16xf32>,
        %parallel_loop3A_1015 = vector.shape_cast %parallel_loop3A_1014 : vector<1x1x16xf32> to vector<16xf32>
        %parallel_loop3A_1016 = arith.addf %parallel_loop3A_1015, %parallel_loop3A_992 : vector<16xf32>
        %parallel_loop3A_1017 = arith.constant 2 : i32
        %parallel_loop3A_1018 = arith.constant 8 : i32
        %parallel_loop3A_1019 = arith.index_cast %parallel_loop3A_1017 : i32 to index
        %parallel_loop3A_1020 = arith.index_cast %parallel_loop3A_1018 : i32 to index
        %parallel_loop3A_1021 = arith.index_cast %parallel_loop3A_985 : i32 to index
        %parallel_loop3A_1022 = tpu.vector_load %arg7[%parallel_loop3A_1019, %parallel_loop3A_1020, %parallel_loop3A_1021] {strides = array<i32>} : memref<4x32x768xf32, #tpu.memory_space<vmem>>, vector<1x1x16xf32>,
        %parallel_loop3A_1023 = vector.shape_cast %parallel_loop3A_1022 : vector<1x1x16xf32> to vector<16xf32>
        %parallel_loop3A_1024 = vector.shape_cast %parallel_loop3A_1016 : vector<16xf32> to vector<1x1x16xf32>
        tpu.vector_store %arg7[%parallel_loop3A_1019, %parallel_loop3A_1020, %parallel_loop3A_1021], %parallel_loop3A_1024 {strides = array<i32>} : memref<4x32x768xf32, #tpu.memory_space<vmem>>, vector<1x1x16xf32>,
        %parallel_loop3A_1025 = arith.constant 2 : i32
        %parallel_loop3A_1026 = arith.constant 16 : i32
        %parallel_loop3A_1027 = arith.index_cast %parallel_loop3A_1025 : i32 to index
        %parallel_loop3A_1028 = arith.index_cast %parallel_loop3A_1026 : i32 to index
        %parallel_loop3A_1029 = arith.index_cast %parallel_loop3A_985 : i32 to index
        %parallel_loop3A_1030 = tpu.vector_load %arg7[%parallel_loop3A_1027, %parallel_loop3A_1028, %parallel_loop3A_1029] {strides = array<i32>} : memref<4x32x768xf32, #tpu.memory_space<vmem>>, vector<1x1x16xf32>,
        %parallel_loop3A_1031 = vector.shape_cast %parallel_loop3A_1030 : vector<1x1x16xf32> to vector<16xf32>
        %parallel_loop3A_1032 = arith.addf %parallel_loop3A_1031, %parallel_loop3A_992 : vector<16xf32>
        %parallel_loop3A_1033 = arith.constant 2 : i32
        %parallel_loop3A_1034 = arith.constant 16 : i32
        %parallel_loop3A_1035 = arith.index_cast %parallel_loop3A_1033 : i32 to index
        %parallel_loop3A_1036 = arith.index_cast %parallel_loop3A_1034 : i32 to index
        %parallel_loop3A_1037 = arith.index_cast %parallel_loop3A_985 : i32 to index
        %parallel_loop3A_1038 = tpu.vector_load %arg7[%parallel_loop3A_1035, %parallel_loop3A_1036, %parallel_loop3A_1037] {strides = array<i32>} : memref<4x32x768xf32, #tpu.memory_space<vmem>>, vector<1x1x16xf32>,
        %parallel_loop3A_1039 = vector.shape_cast %parallel_loop3A_1038 : vector<1x1x16xf32> to vector<16xf32>
        %parallel_loop3A_1040 = vector.shape_cast %parallel_loop3A_1032 : vector<16xf32> to vector<1x1x16xf32>
        tpu.vector_store %arg7[%parallel_loop3A_1035, %parallel_loop3A_1036, %parallel_loop3A_1037], %parallel_loop3A_1040 {strides = array<i32>} : memref<4x32x768xf32, #tpu.memory_space<vmem>>, vector<1x1x16xf32>,
        %parallel_loop3A_1041 = arith.constant 2 : i32
        %parallel_loop3A_1042 = arith.constant 24 : i32
        %parallel_loop3A_1043 = arith.index_cast %parallel_loop3A_1041 : i32 to index
        %parallel_loop3A_1044 = arith.index_cast %parallel_loop3A_1042 : i32 to index
        %parallel_loop3A_1045 = arith.index_cast %parallel_loop3A_985 : i32 to index
        %parallel_loop3A_1046 = tpu.vector_load %arg7[%parallel_loop3A_1043, %parallel_loop3A_1044, %parallel_loop3A_1045] {strides = array<i32>} : memref<4x32x768xf32, #tpu.memory_space<vmem>>, vector<1x1x16xf32>,
        %parallel_loop3A_1047 = vector.shape_cast %parallel_loop3A_1046 : vector<1x1x16xf32> to vector<16xf32>
        %parallel_loop3A_1048 = arith.addf %parallel_loop3A_1047, %parallel_loop3A_992 : vector<16xf32>
        %parallel_loop3A_1049 = arith.constant 2 : i32
        %parallel_loop3A_1050 = arith.constant 24 : i32
        %parallel_loop3A_1051 = arith.index_cast %parallel_loop3A_1049 : i32 to index
        %parallel_loop3A_1052 = arith.index_cast %parallel_loop3A_1050 : i32 to index
        %parallel_loop3A_1053 = arith.index_cast %parallel_loop3A_985 : i32 to index
        %parallel_loop3A_1054 = tpu.vector_load %arg7[%parallel_loop3A_1051, %parallel_loop3A_1052, %parallel_loop3A_1053] {strides = array<i32>} : memref<4x32x768xf32, #tpu.memory_space<vmem>>, vector<1x1x16xf32>,
        %parallel_loop3A_1055 = vector.shape_cast %parallel_loop3A_1054 : vector<1x1x16xf32> to vector<16xf32>
        %parallel_loop3A_1056 = vector.shape_cast %parallel_loop3A_1048 : vector<16xf32> to vector<1x1x16xf32>
        tpu.vector_store %arg7[%parallel_loop3A_1051, %parallel_loop3A_1052, %parallel_loop3A_1053], %parallel_loop3A_1056 {strides = array<i32>} : memref<4x32x768xf32, #tpu.memory_space<vmem>>, vector<1x1x16xf32>,
        %parallel_loop3A_1057 = arith.constant 2 : i32
        %parallel_loop3A_1058 = arith.constant 1 : i32
        %parallel_loop3A_1059 = arith.index_cast %parallel_loop3A_1057 : i32 to index
        %parallel_loop3A_1060 = arith.index_cast %parallel_loop3A_1058 : i32 to index
        %parallel_loop3A_1061 = arith.index_cast %parallel_loop3A_985 : i32 to index
        %parallel_loop3A_1062 = tpu.vector_load %arg8[%parallel_loop3A_1059, %parallel_loop3A_1060, %parallel_loop3A_1061] {strides = array<i32>} : memref<4x8x768xf32, #tpu.memory_space<vmem>>, vector<1x1x16xf32>,
        %parallel_loop3A_1063 = vector.shape_cast %parallel_loop3A_1062 : vector<1x1x16xf32> to vector<16xf32>
        %parallel_loop3A_1064 = arith.constant 2 : i32
        %parallel_loop3A_1065 = arith.constant 1 : i32
        %parallel_loop3A_1066 = arith.index_cast %parallel_loop3A_1064 : i32 to index
        %parallel_loop3A_1067 = arith.index_cast %parallel_loop3A_1065 : i32 to index
        %parallel_loop3A_1068 = arith.index_cast %parallel_loop3A_985 : i32 to index
        %parallel_loop3A_1069 = tpu.vector_load %arg7[%parallel_loop3A_1066, %parallel_loop3A_1067, %parallel_loop3A_1068] {strides = array<i32>} : memref<4x32x768xf32, #tpu.memory_space<vmem>>, vector<1x1x16xf32>,
        %parallel_loop3A_1070 = vector.shape_cast %parallel_loop3A_1069 : vector<1x1x16xf32> to vector<16xf32>
        %parallel_loop3A_1071 = arith.addf %parallel_loop3A_1070, %parallel_loop3A_1063 : vector<16xf32>
        %parallel_loop3A_1072 = arith.constant 2 : i32
        %parallel_loop3A_1073 = arith.constant 1 : i32
        %parallel_loop3A_1074 = arith.index_cast %parallel_loop3A_1072 : i32 to index
        %parallel_loop3A_1075 = arith.index_cast %parallel_loop3A_1073 : i32 to index
        %parallel_loop3A_1076 = arith.index_cast %parallel_loop3A_985 : i32 to index
        %parallel_loop3A_1077 = tpu.vector_load %arg7[%parallel_loop3A_1074, %parallel_loop3A_1075, %parallel_loop3A_1076] {strides = array<i32>} : memref<4x32x768xf32, #tpu.memory_space<vmem>>, vector<1x1x16xf32>,
        %parallel_loop3A_1078 = vector.shape_cast %parallel_loop3A_1077 : vector<1x1x16xf32> to vector<16xf32>
        %parallel_loop3A_1079 = vector.shape_cast %parallel_loop3A_1071 : vector<16xf32> to vector<1x1x16xf32>
        tpu.vector_store %arg7[%parallel_loop3A_1074, %parallel_loop3A_1075, %parallel_loop3A_1076], %parallel_loop3A_1079 {strides = array<i32>} : memref<4x32x768xf32, #tpu.memory_space<vmem>>, vector<1x1x16xf32>,
        %parallel_loop3A_1080 = arith.constant 2 : i32
        %parallel_loop3A_1081 = arith.constant 9 : i32
        %parallel_loop3A_1082 = arith.index_cast %parallel_loop3A_1080 : i32 to index
        %parallel_loop3A_1083 = arith.index_cast %parallel_loop3A_1081 : i32 to index
        %parallel_loop3A_1084 = arith.index_cast %parallel_loop3A_985 : i32 to index
        %parallel_loop3A_1085 = tpu.vector_load %arg7[%parallel_loop3A_1082, %parallel_loop3A_1083, %parallel_loop3A_1084] {strides = array<i32>} : memref<4x32x768xf32, #tpu.memory_space<vmem>>, vector<1x1x16xf32>,
        %parallel_loop3A_1086 = vector.shape_cast %parallel_loop3A_1085 : vector<1x1x16xf32> to vector<16xf32>
        %parallel_loop3A_1087 = arith.addf %parallel_loop3A_1086, %parallel_loop3A_1063 : vector<16xf32>
        %parallel_loop3A_1088 = arith.constant 2 : i32
        %parallel_loop3A_1089 = arith.constant 9 : i32
        %parallel_loop3A_1090 = arith.index_cast %parallel_loop3A_1088 : i32 to index
        %parallel_loop3A_1091 = arith.index_cast %parallel_loop3A_1089 : i32 to index
        %parallel_loop3A_1092 = arith.index_cast %parallel_loop3A_985 : i32 to index
        %parallel_loop3A_1093 = tpu.vector_load %arg7[%parallel_loop3A_1090, %parallel_loop3A_1091, %parallel_loop3A_1092] {strides = array<i32>} : memref<4x32x768xf32, #tpu.memory_space<vmem>>, vector<1x1x16xf32>,
        %parallel_loop3A_1094 = vector.shape_cast %parallel_loop3A_1093 : vector<1x1x16xf32> to vector<16xf32>
        %parallel_loop3A_1095 = vector.shape_cast %parallel_loop3A_1087 : vector<16xf32> to vector<1x1x16xf32>
        tpu.vector_store %arg7[%parallel_loop3A_1090, %parallel_loop3A_1091, %parallel_loop3A_1092], %parallel_loop3A_1095 {strides = array<i32>} : memref<4x32x768xf32, #tpu.memory_space<vmem>>, vector<1x1x16xf32>,
        %parallel_loop3A_1096 = arith.constant 2 : i32
        %parallel_loop3A_1097 = arith.constant 17 : i32
        %parallel_loop3A_1098 = arith.index_cast %parallel_loop3A_1096 : i32 to index
        %parallel_loop3A_1099 = arith.index_cast %parallel_loop3A_1097 : i32 to index
        %parallel_loop3A_1100 = arith.index_cast %parallel_loop3A_985 : i32 to index
        %parallel_loop3A_1101 = tpu.vector_load %arg7[%parallel_loop3A_1098, %parallel_loop3A_1099, %parallel_loop3A_1100] {strides = array<i32>} : memref<4x32x768xf32, #tpu.memory_space<vmem>>, vector<1x1x16xf32>,
        %parallel_loop3A_1102 = vector.shape_cast %parallel_loop3A_1101 : vector<1x1x16xf32> to vector<16xf32>
        %parallel_loop3A_1103 = arith.addf %parallel_loop3A_1102, %parallel_loop3A_1063 : vector<16xf32>
        %parallel_loop3A_1104 = arith.constant 2 : i32
        %parallel_loop3A_1105 = arith.constant 17 : i32
        %parallel_loop3A_1106 = arith.index_cast %parallel_loop3A_1104 : i32 to index
        %parallel_loop3A_1107 = arith.index_cast %parallel_loop3A_1105 : i32 to index
        %parallel_loop3A_1108 = arith.index_cast %parallel_loop3A_985 : i32 to index
        %parallel_loop3A_1109 = tpu.vector_load %arg7[%parallel_loop3A_1106, %parallel_loop3A_1107, %parallel_loop3A_1108] {strides = array<i32>} : memref<4x32x768xf32, #tpu.memory_space<vmem>>, vector<1x1x16xf32>,
        %parallel_loop3A_1110 = vector.shape_cast %parallel_loop3A_1109 : vector<1x1x16xf32> to vector<16xf32>
        %parallel_loop3A_1111 = vector.shape_cast %parallel_loop3A_1103 : vector<16xf32> to vector<1x1x16xf32>
        tpu.vector_store %arg7[%parallel_loop3A_1106, %parallel_loop3A_1107, %parallel_loop3A_1108], %parallel_loop3A_1111 {strides = array<i32>} : memref<4x32x768xf32, #tpu.memory_space<vmem>>, vector<1x1x16xf32>,
        %parallel_loop3A_1112 = arith.constant 2 : i32
        %parallel_loop3A_1113 = arith.constant 25 : i32
        %parallel_loop3A_1114 = arith.index_cast %parallel_loop3A_1112 : i32 to index
        %parallel_loop3A_1115 = arith.index_cast %parallel_loop3A_1113 : i32 to index
        %parallel_loop3A_1116 = arith.index_cast %parallel_loop3A_985 : i32 to index
        %parallel_loop3A_1117 = tpu.vector_load %arg7[%parallel_loop3A_1114, %parallel_loop3A_1115, %parallel_loop3A_1116] {strides = array<i32>} : memref<4x32x768xf32, #tpu.memory_space<vmem>>, vector<1x1x16xf32>,
        %parallel_loop3A_1118 = vector.shape_cast %parallel_loop3A_1117 : vector<1x1x16xf32> to vector<16xf32>
        %parallel_loop3A_1119 = arith.addf %parallel_loop3A_1118, %parallel_loop3A_1063 : vector<16xf32>
        %parallel_loop3A_1120 = arith.constant 2 : i32
        %parallel_loop3A_1121 = arith.constant 25 : i32
        %parallel_loop3A_1122 = arith.index_cast %parallel_loop3A_1120 : i32 to index
        %parallel_loop3A_1123 = arith.index_cast %parallel_loop3A_1121 : i32 to index
        %parallel_loop3A_1124 = arith.index_cast %parallel_loop3A_985 : i32 to index
        %parallel_loop3A_1125 = tpu.vector_load %arg7[%parallel_loop3A_1122, %parallel_loop3A_1123, %parallel_loop3A_1124] {strides = array<i32>} : memref<4x32x768xf32, #tpu.memory_space<vmem>>, vector<1x1x16xf32>,
        %parallel_loop3A_1126 = vector.shape_cast %parallel_loop3A_1125 : vector<1x1x16xf32> to vector<16xf32>
        %parallel_loop3A_1127 = vector.shape_cast %parallel_loop3A_1119 : vector<16xf32> to vector<1x1x16xf32>
        tpu.vector_store %arg7[%parallel_loop3A_1122, %parallel_loop3A_1123, %parallel_loop3A_1124], %parallel_loop3A_1127 {strides = array<i32>} : memref<4x32x768xf32, #tpu.memory_space<vmem>>, vector<1x1x16xf32>,
        %parallel_loop3A_1128 = arith.constant 2 : i32
        %parallel_loop3A_1129 = arith.constant 2 : i32
        %parallel_loop3A_1130 = arith.index_cast %parallel_loop3A_1128 : i32 to index
        %parallel_loop3A_1131 = arith.index_cast %parallel_loop3A_1129 : i32 to index
        %parallel_loop3A_1132 = arith.index_cast %parallel_loop3A_985 : i32 to index
        %parallel_loop3A_1133 = tpu.vector_load %arg8[%parallel_loop3A_1130, %parallel_loop3A_1131, %parallel_loop3A_1132] {strides = array<i32>} : memref<4x8x768xf32, #tpu.memory_space<vmem>>, vector<1x1x16xf32>,
        %parallel_loop3A_1134 = vector.shape_cast %parallel_loop3A_1133 : vector<1x1x16xf32> to vector<16xf32>
        %parallel_loop3A_1135 = arith.constant 2 : i32
        %parallel_loop3A_1136 = arith.constant 2 : i32
        %parallel_loop3A_1137 = arith.index_cast %parallel_loop3A_1135 : i32 to index
        %parallel_loop3A_1138 = arith.index_cast %parallel_loop3A_1136 : i32 to index
        %parallel_loop3A_1139 = arith.index_cast %parallel_loop3A_985 : i32 to index
        %parallel_loop3A_1140 = tpu.vector_load %arg7[%parallel_loop3A_1137, %parallel_loop3A_1138, %parallel_loop3A_1139] {strides = array<i32>} : memref<4x32x768xf32, #tpu.memory_space<vmem>>, vector<1x1x16xf32>,
        %parallel_loop3A_1141 = vector.shape_cast %parallel_loop3A_1140 : vector<1x1x16xf32> to vector<16xf32>
        %parallel_loop3A_1142 = arith.addf %parallel_loop3A_1141, %parallel_loop3A_1134 : vector<16xf32>
        %parallel_loop3A_1143 = arith.constant 2 : i32
        %parallel_loop3A_1144 = arith.constant 2 : i32
        %parallel_loop3A_1145 = arith.index_cast %parallel_loop3A_1143 : i32 to index
        %parallel_loop3A_1146 = arith.index_cast %parallel_loop3A_1144 : i32 to index
        %parallel_loop3A_1147 = arith.index_cast %parallel_loop3A_985 : i32 to index
        %parallel_loop3A_1148 = tpu.vector_load %arg7[%parallel_loop3A_1145, %parallel_loop3A_1146, %parallel_loop3A_1147] {strides = array<i32>} : memref<4x32x768xf32, #tpu.memory_space<vmem>>, vector<1x1x16xf32>,
        %parallel_loop3A_1149 = vector.shape_cast %parallel_loop3A_1148 : vector<1x1x16xf32> to vector<16xf32>
        %parallel_loop3A_1150 = vector.shape_cast %parallel_loop3A_1142 : vector<16xf32> to vector<1x1x16xf32>
        tpu.vector_store %arg7[%parallel_loop3A_1145, %parallel_loop3A_1146, %parallel_loop3A_1147], %parallel_loop3A_1150 {strides = array<i32>} : memref<4x32x768xf32, #tpu.memory_space<vmem>>, vector<1x1x16xf32>,
        %parallel_loop3A_1151 = arith.constant 2 : i32
        %parallel_loop3A_1152 = arith.constant 10 : i32
        %parallel_loop3A_1153 = arith.index_cast %parallel_loop3A_1151 : i32 to index
        %parallel_loop3A_1154 = arith.index_cast %parallel_loop3A_1152 : i32 to index
        %parallel_loop3A_1155 = arith.index_cast %parallel_loop3A_985 : i32 to index
        %parallel_loop3A_1156 = tpu.vector_load %arg7[%parallel_loop3A_1153, %parallel_loop3A_1154, %parallel_loop3A_1155] {strides = array<i32>} : memref<4x32x768xf32, #tpu.memory_space<vmem>>, vector<1x1x16xf32>,
        %parallel_loop3A_1157 = vector.shape_cast %parallel_loop3A_1156 : vector<1x1x16xf32> to vector<16xf32>
        %parallel_loop3A_1158 = arith.addf %parallel_loop3A_1157, %parallel_loop3A_1134 : vector<16xf32>
        %parallel_loop3A_1159 = arith.constant 2 : i32
        %parallel_loop3A_1160 = arith.constant 10 : i32
        %parallel_loop3A_1161 = arith.index_cast %parallel_loop3A_1159 : i32 to index
        %parallel_loop3A_1162 = arith.index_cast %parallel_loop3A_1160 : i32 to index
        %parallel_loop3A_1163 = arith.index_cast %parallel_loop3A_985 : i32 to index
        %parallel_loop3A_1164 = tpu.vector_load %arg7[%parallel_loop3A_1161, %parallel_loop3A_1162, %parallel_loop3A_1163] {strides = array<i32>} : memref<4x32x768xf32, #tpu.memory_space<vmem>>, vector<1x1x16xf32>,
        %parallel_loop3A_1165 = vector.shape_cast %parallel_loop3A_1164 : vector<1x1x16xf32> to vector<16xf32>
        %parallel_loop3A_1166 = vector.shape_cast %parallel_loop3A_1158 : vector<16xf32> to vector<1x1x16xf32>
        tpu.vector_store %arg7[%parallel_loop3A_1161, %parallel_loop3A_1162, %parallel_loop3A_1163], %parallel_loop3A_1166 {strides = array<i32>} : memref<4x32x768xf32, #tpu.memory_space<vmem>>, vector<1x1x16xf32>,
        %parallel_loop3A_1167 = arith.constant 2 : i32
        %parallel_loop3A_1168 = arith.constant 18 : i32
        %parallel_loop3A_1169 = arith.index_cast %parallel_loop3A_1167 : i32 to index
        %parallel_loop3A_1170 = arith.index_cast %parallel_loop3A_1168 : i32 to index
        %parallel_loop3A_1171 = arith.index_cast %parallel_loop3A_985 : i32 to index
        %parallel_loop3A_1172 = tpu.vector_load %arg7[%parallel_loop3A_1169, %parallel_loop3A_1170, %parallel_loop3A_1171] {strides = array<i32>} : memref<4x32x768xf32, #tpu.memory_space<vmem>>, vector<1x1x16xf32>,
        %parallel_loop3A_1173 = vector.shape_cast %parallel_loop3A_1172 : vector<1x1x16xf32> to vector<16xf32>
        %parallel_loop3A_1174 = arith.addf %parallel_loop3A_1173, %parallel_loop3A_1134 : vector<16xf32>
        %parallel_loop3A_1175 = arith.constant 2 : i32
        %parallel_loop3A_1176 = arith.constant 18 : i32
        %parallel_loop3A_1177 = arith.index_cast %parallel_loop3A_1175 : i32 to index
        %parallel_loop3A_1178 = arith.index_cast %parallel_loop3A_1176 : i32 to index
        %parallel_loop3A_1179 = arith.index_cast %parallel_loop3A_985 : i32 to index
        %parallel_loop3A_1180 = tpu.vector_load %arg7[%parallel_loop3A_1177, %parallel_loop3A_1178, %parallel_loop3A_1179] {strides = array<i32>} : memref<4x32x768xf32, #tpu.memory_space<vmem>>, vector<1x1x16xf32>,
        %parallel_loop3A_1181 = vector.shape_cast %parallel_loop3A_1180 : vector<1x1x16xf32> to vector<16xf32>
        %parallel_loop3A_1182 = vector.shape_cast %parallel_loop3A_1174 : vector<16xf32> to vector<1x1x16xf32>
        tpu.vector_store %arg7[%parallel_loop3A_1177, %parallel_loop3A_1178, %parallel_loop3A_1179], %parallel_loop3A_1182 {strides = array<i32>} : memref<4x32x768xf32, #tpu.memory_space<vmem>>, vector<1x1x16xf32>,
        %parallel_loop3A_1183 = arith.constant 2 : i32
        %parallel_loop3A_1184 = arith.constant 26 : i32
        %parallel_loop3A_1185 = arith.index_cast %parallel_loop3A_1183 : i32 to index
        %parallel_loop3A_1186 = arith.index_cast %parallel_loop3A_1184 : i32 to index
        %parallel_loop3A_1187 = arith.index_cast %parallel_loop3A_985 : i32 to index
        %parallel_loop3A_1188 = tpu.vector_load %arg7[%parallel_loop3A_1185, %parallel_loop3A_1186, %parallel_loop3A_1187] {strides = array<i32>} : memref<4x32x768xf32, #tpu.memory_space<vmem>>, vector<1x1x16xf32>,
        %parallel_loop3A_1189 = vector.shape_cast %parallel_loop3A_1188 : vector<1x1x16xf32> to vector<16xf32>
        %parallel_loop3A_1190 = arith.addf %parallel_loop3A_1189, %parallel_loop3A_1134 : vector<16xf32>
        %parallel_loop3A_1191 = arith.constant 2 : i32
        %parallel_loop3A_1192 = arith.constant 26 : i32
        %parallel_loop3A_1193 = arith.index_cast %parallel_loop3A_1191 : i32 to index
        %parallel_loop3A_1194 = arith.index_cast %parallel_loop3A_1192 : i32 to index
        %parallel_loop3A_1195 = arith.index_cast %parallel_loop3A_985 : i32 to index
        %parallel_loop3A_1196 = tpu.vector_load %arg7[%parallel_loop3A_1193, %parallel_loop3A_1194, %parallel_loop3A_1195] {strides = array<i32>} : memref<4x32x768xf32, #tpu.memory_space<vmem>>, vector<1x1x16xf32>,
        %parallel_loop3A_1197 = vector.shape_cast %parallel_loop3A_1196 : vector<1x1x16xf32> to vector<16xf32>
        %parallel_loop3A_1198 = vector.shape_cast %parallel_loop3A_1190 : vector<16xf32> to vector<1x1x16xf32>
        tpu.vector_store %arg7[%parallel_loop3A_1193, %parallel_loop3A_1194, %parallel_loop3A_1195], %parallel_loop3A_1198 {strides = array<i32>} : memref<4x32x768xf32, #tpu.memory_space<vmem>>, vector<1x1x16xf32>,
        %parallel_loop3A_1199 = arith.constant 2 : i32
        %parallel_loop3A_1200 = arith.constant 3 : i32
        %parallel_loop3A_1201 = arith.index_cast %parallel_loop3A_1199 : i32 to index
        %parallel_loop3A_1202 = arith.index_cast %parallel_loop3A_1200 : i32 to index
        %parallel_loop3A_1203 = arith.index_cast %parallel_loop3A_985 : i32 to index
        %parallel_loop3A_1204 = tpu.vector_load %arg8[%parallel_loop3A_1201, %parallel_loop3A_1202, %parallel_loop3A_1203] {strides = array<i32>} : memref<4x8x768xf32, #tpu.memory_space<vmem>>, vector<1x1x16xf32>,
        %parallel_loop3A_1205 = vector.shape_cast %parallel_loop3A_1204 : vector<1x1x16xf32> to vector<16xf32>
        %parallel_loop3A_1206 = arith.constant 2 : i32
        %parallel_loop3A_1207 = arith.constant 3 : i32
        %parallel_loop3A_1208 = arith.index_cast %parallel_loop3A_1206 : i32 to index
        %parallel_loop3A_1209 = arith.index_cast %parallel_loop3A_1207 : i32 to index
        %parallel_loop3A_1210 = arith.index_cast %parallel_loop3A_985 : i32 to index
        %parallel_loop3A_1211 = tpu.vector_load %arg7[%parallel_loop3A_1208, %parallel_loop3A_1209, %parallel_loop3A_1210] {strides = array<i32>} : memref<4x32x768xf32, #tpu.memory_space<vmem>>, vector<1x1x16xf32>,
        %parallel_loop3A_1212 = vector.shape_cast %parallel_loop3A_1211 : vector<1x1x16xf32> to vector<16xf32>
        %parallel_loop3A_1213 = arith.addf %parallel_loop3A_1212, %parallel_loop3A_1205 : vector<16xf32>
        %parallel_loop3A_1214 = arith.constant 2 : i32
        %parallel_loop3A_1215 = arith.constant 3 : i32
        %parallel_loop3A_1216 = arith.index_cast %parallel_loop3A_1214 : i32 to index
        %parallel_loop3A_1217 = arith.index_cast %parallel_loop3A_1215 : i32 to index
        %parallel_loop3A_1218 = arith.index_cast %parallel_loop3A_985 : i32 to index
        %parallel_loop3A_1219 = tpu.vector_load %arg7[%parallel_loop3A_1216, %parallel_loop3A_1217, %parallel_loop3A_1218] {strides = array<i32>} : memref<4x32x768xf32, #tpu.memory_space<vmem>>, vector<1x1x16xf32>,
        %parallel_loop3A_1220 = vector.shape_cast %parallel_loop3A_1219 : vector<1x1x16xf32> to vector<16xf32>
        %parallel_loop3A_1221 = vector.shape_cast %parallel_loop3A_1213 : vector<16xf32> to vector<1x1x16xf32>
        tpu.vector_store %arg7[%parallel_loop3A_1216, %parallel_loop3A_1217, %parallel_loop3A_1218], %parallel_loop3A_1221 {strides = array<i32>} : memref<4x32x768xf32, #tpu.memory_space<vmem>>, vector<1x1x16xf32>,
        %parallel_loop3A_1222 = arith.constant 2 : i32
        %parallel_loop3A_1223 = arith.constant 11 : i32
        %parallel_loop3A_1224 = arith.index_cast %parallel_loop3A_1222 : i32 to index
        %parallel_loop3A_1225 = arith.index_cast %parallel_loop3A_1223 : i32 to index
        %parallel_loop3A_1226 = arith.index_cast %parallel_loop3A_985 : i32 to index
        %parallel_loop3A_1227 = tpu.vector_load %arg7[%parallel_loop3A_1224, %parallel_loop3A_1225, %parallel_loop3A_1226] {strides = array<i32>} : memref<4x32x768xf32, #tpu.memory_space<vmem>>, vector<1x1x16xf32>,
        %parallel_loop3A_1228 = vector.shape_cast %parallel_loop3A_1227 : vector<1x1x16xf32> to vector<16xf32>
        %parallel_loop3A_1229 = arith.addf %parallel_loop3A_1228, %parallel_loop3A_1205 : vector<16xf32>
        %parallel_loop3A_1230 = arith.constant 2 : i32
        %parallel_loop3A_1231 = arith.constant 11 : i32
        %parallel_loop3A_1232 = arith.index_cast %parallel_loop3A_1230 : i32 to index
        %parallel_loop3A_1233 = arith.index_cast %parallel_loop3A_1231 : i32 to index
        %parallel_loop3A_1234 = arith.index_cast %parallel_loop3A_985 : i32 to index
        %parallel_loop3A_1235 = tpu.vector_load %arg7[%parallel_loop3A_1232, %parallel_loop3A_1233, %parallel_loop3A_1234] {strides = array<i32>} : memref<4x32x768xf32, #tpu.memory_space<vmem>>, vector<1x1x16xf32>,
        %parallel_loop3A_1236 = vector.shape_cast %parallel_loop3A_1235 : vector<1x1x16xf32> to vector<16xf32>
        %parallel_loop3A_1237 = vector.shape_cast %parallel_loop3A_1229 : vector<16xf32> to vector<1x1x16xf32>
        tpu.vector_store %arg7[%parallel_loop3A_1232, %parallel_loop3A_1233, %parallel_loop3A_1234], %parallel_loop3A_1237 {strides = array<i32>} : memref<4x32x768xf32, #tpu.memory_space<vmem>>, vector<1x1x16xf32>,
        %parallel_loop3A_1238 = arith.constant 2 : i32
        %parallel_loop3A_1239 = arith.constant 19 : i32
        %parallel_loop3A_1240 = arith.index_cast %parallel_loop3A_1238 : i32 to index
        %parallel_loop3A_1241 = arith.index_cast %parallel_loop3A_1239 : i32 to index
        %parallel_loop3A_1242 = arith.index_cast %parallel_loop3A_985 : i32 to index
        %parallel_loop3A_1243 = tpu.vector_load %arg7[%parallel_loop3A_1240, %parallel_loop3A_1241, %parallel_loop3A_1242] {strides = array<i32>} : memref<4x32x768xf32, #tpu.memory_space<vmem>>, vector<1x1x16xf32>,
        %parallel_loop3A_1244 = vector.shape_cast %parallel_loop3A_1243 : vector<1x1x16xf32> to vector<16xf32>
        %parallel_loop3A_1245 = arith.addf %parallel_loop3A_1244, %parallel_loop3A_1205 : vector<16xf32>
        %parallel_loop3A_1246 = arith.constant 2 : i32
        %parallel_loop3A_1247 = arith.constant 19 : i32
        %parallel_loop3A_1248 = arith.index_cast %parallel_loop3A_1246 : i32 to index
        %parallel_loop3A_1249 = arith.index_cast %parallel_loop3A_1247 : i32 to index
        %parallel_loop3A_1250 = arith.index_cast %parallel_loop3A_985 : i32 to index
        %parallel_loop3A_1251 = tpu.vector_load %arg7[%parallel_loop3A_1248, %parallel_loop3A_1249, %parallel_loop3A_1250] {strides = array<i32>} : memref<4x32x768xf32, #tpu.memory_space<vmem>>, vector<1x1x16xf32>,
        %parallel_loop3A_1252 = vector.shape_cast %parallel_loop3A_1251 : vector<1x1x16xf32> to vector<16xf32>
        %parallel_loop3A_1253 = vector.shape_cast %parallel_loop3A_1245 : vector<16xf32> to vector<1x1x16xf32>
        tpu.vector_store %arg7[%parallel_loop3A_1248, %parallel_loop3A_1249, %parallel_loop3A_1250], %parallel_loop3A_1253 {strides = array<i32>} : memref<4x32x768xf32, #tpu.memory_space<vmem>>, vector<1x1x16xf32>,
        %parallel_loop3A_1254 = arith.constant 2 : i32
        %parallel_loop3A_1255 = arith.constant 27 : i32
        %parallel_loop3A_1256 = arith.index_cast %parallel_loop3A_1254 : i32 to index
        %parallel_loop3A_1257 = arith.index_cast %parallel_loop3A_1255 : i32 to index
        %parallel_loop3A_1258 = arith.index_cast %parallel_loop3A_985 : i32 to index
        %parallel_loop3A_1259 = tpu.vector_load %arg7[%parallel_loop3A_1256, %parallel_loop3A_1257, %parallel_loop3A_1258] {strides = array<i32>} : memref<4x32x768xf32, #tpu.memory_space<vmem>>, vector<1x1x16xf32>,
        %parallel_loop3A_1260 = vector.shape_cast %parallel_loop3A_1259 : vector<1x1x16xf32> to vector<16xf32>
        %parallel_loop3A_1261 = arith.addf %parallel_loop3A_1260, %parallel_loop3A_1205 : vector<16xf32>
        %parallel_loop3A_1262 = arith.constant 2 : i32
        %parallel_loop3A_1263 = arith.constant 27 : i32
        %parallel_loop3A_1264 = arith.index_cast %parallel_loop3A_1262 : i32 to index
        %parallel_loop3A_1265 = arith.index_cast %parallel_loop3A_1263 : i32 to index
        %parallel_loop3A_1266 = arith.index_cast %parallel_loop3A_985 : i32 to index
        %parallel_loop3A_1267 = tpu.vector_load %arg7[%parallel_loop3A_1264, %parallel_loop3A_1265, %parallel_loop3A_1266] {strides = array<i32>} : memref<4x32x768xf32, #tpu.memory_space<vmem>>, vector<1x1x16xf32>,
        %parallel_loop3A_1268 = vector.shape_cast %parallel_loop3A_1267 : vector<1x1x16xf32> to vector<16xf32>
        %parallel_loop3A_1269 = vector.shape_cast %parallel_loop3A_1261 : vector<16xf32> to vector<1x1x16xf32>
        tpu.vector_store %arg7[%parallel_loop3A_1264, %parallel_loop3A_1265, %parallel_loop3A_1266], %parallel_loop3A_1269 {strides = array<i32>} : memref<4x32x768xf32, #tpu.memory_space<vmem>>, vector<1x1x16xf32>,
        %parallel_loop3A_1270 = arith.constant 2 : i32
        %parallel_loop3A_1271 = arith.constant 4 : i32
        %parallel_loop3A_1272 = arith.index_cast %parallel_loop3A_1270 : i32 to index
        %parallel_loop3A_1273 = arith.index_cast %parallel_loop3A_1271 : i32 to index
        %parallel_loop3A_1274 = arith.index_cast %parallel_loop3A_985 : i32 to index
        %parallel_loop3A_1275 = tpu.vector_load %arg8[%parallel_loop3A_1272, %parallel_loop3A_1273, %parallel_loop3A_1274] {strides = array<i32>} : memref<4x8x768xf32, #tpu.memory_space<vmem>>, vector<1x1x16xf32>,
        %parallel_loop3A_1276 = vector.shape_cast %parallel_loop3A_1275 : vector<1x1x16xf32> to vector<16xf32>
        %parallel_loop3A_1277 = arith.constant 2 : i32
        %parallel_loop3A_1278 = arith.constant 4 : i32
        %parallel_loop3A_1279 = arith.index_cast %parallel_loop3A_1277 : i32 to index
        %parallel_loop3A_1280 = arith.index_cast %parallel_loop3A_1278 : i32 to index
        %parallel_loop3A_1281 = arith.index_cast %parallel_loop3A_985 : i32 to index
        %parallel_loop3A_1282 = tpu.vector_load %arg7[%parallel_loop3A_1279, %parallel_loop3A_1280, %parallel_loop3A_1281] {strides = array<i32>} : memref<4x32x768xf32, #tpu.memory_space<vmem>>, vector<1x1x16xf32>,
        %parallel_loop3A_1283 = vector.shape_cast %parallel_loop3A_1282 : vector<1x1x16xf32> to vector<16xf32>
        %parallel_loop3A_1284 = arith.addf %parallel_loop3A_1283, %parallel_loop3A_1276 : vector<16xf32>
        %parallel_loop3A_1285 = arith.constant 2 : i32
        %parallel_loop3A_1286 = arith.constant 4 : i32
        %parallel_loop3A_1287 = arith.index_cast %parallel_loop3A_1285 : i32 to index
        %parallel_loop3A_1288 = arith.index_cast %parallel_loop3A_1286 : i32 to index
        %parallel_loop3A_1289 = arith.index_cast %parallel_loop3A_985 : i32 to index
        %parallel_loop3A_1290 = tpu.vector_load %arg7[%parallel_loop3A_1287, %parallel_loop3A_1288, %parallel_loop3A_1289] {strides = array<i32>} : memref<4x32x768xf32, #tpu.memory_space<vmem>>, vector<1x1x16xf32>,
        %parallel_loop3A_1291 = vector.shape_cast %parallel_loop3A_1290 : vector<1x1x16xf32> to vector<16xf32>
        %parallel_loop3A_1292 = vector.shape_cast %parallel_loop3A_1284 : vector<16xf32> to vector<1x1x16xf32>
        tpu.vector_store %arg7[%parallel_loop3A_1287, %parallel_loop3A_1288, %parallel_loop3A_1289], %parallel_loop3A_1292 {strides = array<i32>} : memref<4x32x768xf32, #tpu.memory_space<vmem>>, vector<1x1x16xf32>,
        %parallel_loop3A_1293 = arith.constant 2 : i32
        %parallel_loop3A_1294 = arith.constant 12 : i32
        %parallel_loop3A_1295 = arith.index_cast %parallel_loop3A_1293 : i32 to index
        %parallel_loop3A_1296 = arith.index_cast %parallel_loop3A_1294 : i32 to index
        %parallel_loop3A_1297 = arith.index_cast %parallel_loop3A_985 : i32 to index
        %parallel_loop3A_1298 = tpu.vector_load %arg7[%parallel_loop3A_1295, %parallel_loop3A_1296, %parallel_loop3A_1297] {strides = array<i32>} : memref<4x32x768xf32, #tpu.memory_space<vmem>>, vector<1x1x16xf32>,
        %parallel_loop3A_1299 = vector.shape_cast %parallel_loop3A_1298 : vector<1x1x16xf32> to vector<16xf32>
        %parallel_loop3A_1300 = arith.addf %parallel_loop3A_1299, %parallel_loop3A_1276 : vector<16xf32>
        %parallel_loop3A_1301 = arith.constant 2 : i32
        %parallel_loop3A_1302 = arith.constant 12 : i32
        %parallel_loop3A_1303 = arith.index_cast %parallel_loop3A_1301 : i32 to index
        %parallel_loop3A_1304 = arith.index_cast %parallel_loop3A_1302 : i32 to index
        %parallel_loop3A_1305 = arith.index_cast %parallel_loop3A_985 : i32 to index
        %parallel_loop3A_1306 = tpu.vector_load %arg7[%parallel_loop3A_1303, %parallel_loop3A_1304, %parallel_loop3A_1305] {strides = array<i32>} : memref<4x32x768xf32, #tpu.memory_space<vmem>>, vector<1x1x16xf32>,
        %parallel_loop3A_1307 = vector.shape_cast %parallel_loop3A_1306 : vector<1x1x16xf32> to vector<16xf32>
        %parallel_loop3A_1308 = vector.shape_cast %parallel_loop3A_1300 : vector<16xf32> to vector<1x1x16xf32>
        tpu.vector_store %arg7[%parallel_loop3A_1303, %parallel_loop3A_1304, %parallel_loop3A_1305], %parallel_loop3A_1308 {strides = array<i32>} : memref<4x32x768xf32, #tpu.memory_space<vmem>>, vector<1x1x16xf32>,
        %parallel_loop3A_1309 = arith.constant 2 : i32
        %parallel_loop3A_1310 = arith.constant 20 : i32
        %parallel_loop3A_1311 = arith.index_cast %parallel_loop3A_1309 : i32 to index
        %parallel_loop3A_1312 = arith.index_cast %parallel_loop3A_1310 : i32 to index
        %parallel_loop3A_1313 = arith.index_cast %parallel_loop3A_985 : i32 to index
        %parallel_loop3A_1314 = tpu.vector_load %arg7[%parallel_loop3A_1311, %parallel_loop3A_1312, %parallel_loop3A_1313] {strides = array<i32>} : memref<4x32x768xf32, #tpu.memory_space<vmem>>, vector<1x1x16xf32>,
        %parallel_loop3A_1315 = vector.shape_cast %parallel_loop3A_1314 : vector<1x1x16xf32> to vector<16xf32>
        %parallel_loop3A_1316 = arith.addf %parallel_loop3A_1315, %parallel_loop3A_1276 : vector<16xf32>
        %parallel_loop3A_1317 = arith.constant 2 : i32
        %parallel_loop3A_1318 = arith.constant 20 : i32
        %parallel_loop3A_1319 = arith.index_cast %parallel_loop3A_1317 : i32 to index
        %parallel_loop3A_1320 = arith.index_cast %parallel_loop3A_1318 : i32 to index
        %parallel_loop3A_1321 = arith.index_cast %parallel_loop3A_985 : i32 to index
        %parallel_loop3A_1322 = tpu.vector_load %arg7[%parallel_loop3A_1319, %parallel_loop3A_1320, %parallel_loop3A_1321] {strides = array<i32>} : memref<4x32x768xf32, #tpu.memory_space<vmem>>, vector<1x1x16xf32>,
        %parallel_loop3A_1323 = vector.shape_cast %parallel_loop3A_1322 : vector<1x1x16xf32> to vector<16xf32>
        %parallel_loop3A_1324 = vector.shape_cast %parallel_loop3A_1316 : vector<16xf32> to vector<1x1x16xf32>
        tpu.vector_store %arg7[%parallel_loop3A_1319, %parallel_loop3A_1320, %parallel_loop3A_1321], %parallel_loop3A_1324 {strides = array<i32>} : memref<4x32x768xf32, #tpu.memory_space<vmem>>, vector<1x1x16xf32>,
        %parallel_loop3A_1325 = arith.constant 2 : i32
        %parallel_loop3A_1326 = arith.constant 28 : i32
        %parallel_loop3A_1327 = arith.index_cast %parallel_loop3A_1325 : i32 to index
        %parallel_loop3A_1328 = arith.index_cast %parallel_loop3A_1326 : i32 to index
        %parallel_loop3A_1329 = arith.index_cast %parallel_loop3A_985 : i32 to index
        %parallel_loop3A_1330 = tpu.vector_load %arg7[%parallel_loop3A_1327, %parallel_loop3A_1328, %parallel_loop3A_1329] {strides = array<i32>} : memref<4x32x768xf32, #tpu.memory_space<vmem>>, vector<1x1x16xf32>,
        %parallel_loop3A_1331 = vector.shape_cast %parallel_loop3A_1330 : vector<1x1x16xf32> to vector<16xf32>
        %parallel_loop3A_1332 = arith.addf %parallel_loop3A_1331, %parallel_loop3A_1276 : vector<16xf32>
        %parallel_loop3A_1333 = arith.constant 2 : i32
        %parallel_loop3A_1334 = arith.constant 28 : i32
        %parallel_loop3A_1335 = arith.index_cast %parallel_loop3A_1333 : i32 to index
        %parallel_loop3A_1336 = arith.index_cast %parallel_loop3A_1334 : i32 to index
        %parallel_loop3A_1337 = arith.index_cast %parallel_loop3A_985 : i32 to index
        %parallel_loop3A_1338 = tpu.vector_load %arg7[%parallel_loop3A_1335, %parallel_loop3A_1336, %parallel_loop3A_1337] {strides = array<i32>} : memref<4x32x768xf32, #tpu.memory_space<vmem>>, vector<1x1x16xf32>,
        %parallel_loop3A_1339 = vector.shape_cast %parallel_loop3A_1338 : vector<1x1x16xf32> to vector<16xf32>
        %parallel_loop3A_1340 = vector.shape_cast %parallel_loop3A_1332 : vector<16xf32> to vector<1x1x16xf32>
        tpu.vector_store %arg7[%parallel_loop3A_1335, %parallel_loop3A_1336, %parallel_loop3A_1337], %parallel_loop3A_1340 {strides = array<i32>} : memref<4x32x768xf32, #tpu.memory_space<vmem>>, vector<1x1x16xf32>,
        %parallel_loop3A_1341 = arith.constant 2 : i32
        %parallel_loop3A_1342 = arith.constant 5 : i32
        %parallel_loop3A_1343 = arith.index_cast %parallel_loop3A_1341 : i32 to index
        %parallel_loop3A_1344 = arith.index_cast %parallel_loop3A_1342 : i32 to index
        %parallel_loop3A_1345 = arith.index_cast %parallel_loop3A_985 : i32 to index
        %parallel_loop3A_1346 = tpu.vector_load %arg8[%parallel_loop3A_1343, %parallel_loop3A_1344, %parallel_loop3A_1345] {strides = array<i32>} : memref<4x8x768xf32, #tpu.memory_space<vmem>>, vector<1x1x16xf32>,
        %parallel_loop3A_1347 = vector.shape_cast %parallel_loop3A_1346 : vector<1x1x16xf32> to vector<16xf32>
        %parallel_loop3A_1348 = arith.constant 2 : i32
        %parallel_loop3A_1349 = arith.constant 5 : i32
        %parallel_loop3A_1350 = arith.index_cast %parallel_loop3A_1348 : i32 to index
        %parallel_loop3A_1351 = arith.index_cast %parallel_loop3A_1349 : i32 to index
        %parallel_loop3A_1352 = arith.index_cast %parallel_loop3A_985 : i32 to index
        %parallel_loop3A_1353 = tpu.vector_load %arg7[%parallel_loop3A_1350, %parallel_loop3A_1351, %parallel_loop3A_1352] {strides = array<i32>} : memref<4x32x768xf32, #tpu.memory_space<vmem>>, vector<1x1x16xf32>,
        %parallel_loop3A_1354 = vector.shape_cast %parallel_loop3A_1353 : vector<1x1x16xf32> to vector<16xf32>
        %parallel_loop3A_1355 = arith.addf %parallel_loop3A_1354, %parallel_loop3A_1347 : vector<16xf32>
        %parallel_loop3A_1356 = arith.constant 2 : i32
        %parallel_loop3A_1357 = arith.constant 5 : i32
        %parallel_loop3A_1358 = arith.index_cast %parallel_loop3A_1356 : i32 to index
        %parallel_loop3A_1359 = arith.index_cast %parallel_loop3A_1357 : i32 to index
        %parallel_loop3A_1360 = arith.index_cast %parallel_loop3A_985 : i32 to index
        %parallel_loop3A_1361 = tpu.vector_load %arg7[%parallel_loop3A_1358, %parallel_loop3A_1359, %parallel_loop3A_1360] {strides = array<i32>} : memref<4x32x768xf32, #tpu.memory_space<vmem>>, vector<1x1x16xf32>,
        %parallel_loop3A_1362 = vector.shape_cast %parallel_loop3A_1361 : vector<1x1x16xf32> to vector<16xf32>
        %parallel_loop3A_1363 = vector.shape_cast %parallel_loop3A_1355 : vector<16xf32> to vector<1x1x16xf32>
        tpu.vector_store %arg7[%parallel_loop3A_1358, %parallel_loop3A_1359, %parallel_loop3A_1360], %parallel_loop3A_1363 {strides = array<i32>} : memref<4x32x768xf32, #tpu.memory_space<vmem>>, vector<1x1x16xf32>,
        %parallel_loop3A_1364 = arith.constant 2 : i32
        %parallel_loop3A_1365 = arith.constant 13 : i32
        %parallel_loop3A_1366 = arith.index_cast %parallel_loop3A_1364 : i32 to index
        %parallel_loop3A_1367 = arith.index_cast %parallel_loop3A_1365 : i32 to index
        %parallel_loop3A_1368 = arith.index_cast %parallel_loop3A_985 : i32 to index
        %parallel_loop3A_1369 = tpu.vector_load %arg7[%parallel_loop3A_1366, %parallel_loop3A_1367, %parallel_loop3A_1368] {strides = array<i32>} : memref<4x32x768xf32, #tpu.memory_space<vmem>>, vector<1x1x16xf32>,
        %parallel_loop3A_1370 = vector.shape_cast %parallel_loop3A_1369 : vector<1x1x16xf32> to vector<16xf32>
        %parallel_loop3A_1371 = arith.addf %parallel_loop3A_1370, %parallel_loop3A_1347 : vector<16xf32>
        %parallel_loop3A_1372 = arith.constant 2 : i32
        %parallel_loop3A_1373 = arith.constant 13 : i32
        %parallel_loop3A_1374 = arith.index_cast %parallel_loop3A_1372 : i32 to index
        %parallel_loop3A_1375 = arith.index_cast %parallel_loop3A_1373 : i32 to index
        %parallel_loop3A_1376 = arith.index_cast %parallel_loop3A_985 : i32 to index
        %parallel_loop3A_1377 = tpu.vector_load %arg7[%parallel_loop3A_1374, %parallel_loop3A_1375, %parallel_loop3A_1376] {strides = array<i32>} : memref<4x32x768xf32, #tpu.memory_space<vmem>>, vector<1x1x16xf32>,
        %parallel_loop3A_1378 = vector.shape_cast %parallel_loop3A_1377 : vector<1x1x16xf32> to vector<16xf32>
        %parallel_loop3A_1379 = vector.shape_cast %parallel_loop3A_1371 : vector<16xf32> to vector<1x1x16xf32>
        tpu.vector_store %arg7[%parallel_loop3A_1374, %parallel_loop3A_1375, %parallel_loop3A_1376], %parallel_loop3A_1379 {strides = array<i32>} : memref<4x32x768xf32, #tpu.memory_space<vmem>>, vector<1x1x16xf32>,
        %parallel_loop3A_1380 = arith.constant 2 : i32
        %parallel_loop3A_1381 = arith.constant 21 : i32
        %parallel_loop3A_1382 = arith.index_cast %parallel_loop3A_1380 : i32 to index
        %parallel_loop3A_1383 = arith.index_cast %parallel_loop3A_1381 : i32 to index
        %parallel_loop3A_1384 = arith.index_cast %parallel_loop3A_985 : i32 to index
        %parallel_loop3A_1385 = tpu.vector_load %arg7[%parallel_loop3A_1382, %parallel_loop3A_1383, %parallel_loop3A_1384] {strides = array<i32>} : memref<4x32x768xf32, #tpu.memory_space<vmem>>, vector<1x1x16xf32>,
        %parallel_loop3A_1386 = vector.shape_cast %parallel_loop3A_1385 : vector<1x1x16xf32> to vector<16xf32>
        %parallel_loop3A_1387 = arith.addf %parallel_loop3A_1386, %parallel_loop3A_1347 : vector<16xf32>
        %parallel_loop3A_1388 = arith.constant 2 : i32
        %parallel_loop3A_1389 = arith.constant 21 : i32
        %parallel_loop3A_1390 = arith.index_cast %parallel_loop3A_1388 : i32 to index
        %parallel_loop3A_1391 = arith.index_cast %parallel_loop3A_1389 : i32 to index
        %parallel_loop3A_1392 = arith.index_cast %parallel_loop3A_985 : i32 to index
        %parallel_loop3A_1393 = tpu.vector_load %arg7[%parallel_loop3A_1390, %parallel_loop3A_1391, %parallel_loop3A_1392] {strides = array<i32>} : memref<4x32x768xf32, #tpu.memory_space<vmem>>, vector<1x1x16xf32>,
        %parallel_loop3A_1394 = vector.shape_cast %parallel_loop3A_1393 : vector<1x1x16xf32> to vector<16xf32>
        %parallel_loop3A_1395 = vector.shape_cast %parallel_loop3A_1387 : vector<16xf32> to vector<1x1x16xf32>
        tpu.vector_store %arg7[%parallel_loop3A_1390, %parallel_loop3A_1391, %parallel_loop3A_1392], %parallel_loop3A_1395 {strides = array<i32>} : memref<4x32x768xf32, #tpu.memory_space<vmem>>, vector<1x1x16xf32>,
        %parallel_loop3A_1396 = arith.constant 2 : i32
        %parallel_loop3A_1397 = arith.constant 29 : i32
        %parallel_loop3A_1398 = arith.index_cast %parallel_loop3A_1396 : i32 to index
        %parallel_loop3A_1399 = arith.index_cast %parallel_loop3A_1397 : i32 to index
        %parallel_loop3A_1400 = arith.index_cast %parallel_loop3A_985 : i32 to index
        %parallel_loop3A_1401 = tpu.vector_load %arg7[%parallel_loop3A_1398, %parallel_loop3A_1399, %parallel_loop3A_1400] {strides = array<i32>} : memref<4x32x768xf32, #tpu.memory_space<vmem>>, vector<1x1x16xf32>,
        %parallel_loop3A_1402 = vector.shape_cast %parallel_loop3A_1401 : vector<1x1x16xf32> to vector<16xf32>
        %parallel_loop3A_1403 = arith.addf %parallel_loop3A_1402, %parallel_loop3A_1347 : vector<16xf32>
        %parallel_loop3A_1404 = arith.constant 2 : i32
        %parallel_loop3A_1405 = arith.constant 29 : i32
        %parallel_loop3A_1406 = arith.index_cast %parallel_loop3A_1404 : i32 to index
        %parallel_loop3A_1407 = arith.index_cast %parallel_loop3A_1405 : i32 to index
        %parallel_loop3A_1408 = arith.index_cast %parallel_loop3A_985 : i32 to index
        %parallel_loop3A_1409 = tpu.vector_load %arg7[%parallel_loop3A_1406, %parallel_loop3A_1407, %parallel_loop3A_1408] {strides = array<i32>} : memref<4x32x768xf32, #tpu.memory_space<vmem>>, vector<1x1x16xf32>,
        %parallel_loop3A_1410 = vector.shape_cast %parallel_loop3A_1409 : vector<1x1x16xf32> to vector<16xf32>
        %parallel_loop3A_1411 = vector.shape_cast %parallel_loop3A_1403 : vector<16xf32> to vector<1x1x16xf32>
        tpu.vector_store %arg7[%parallel_loop3A_1406, %parallel_loop3A_1407, %parallel_loop3A_1408], %parallel_loop3A_1411 {strides = array<i32>} : memref<4x32x768xf32, #tpu.memory_space<vmem>>, vector<1x1x16xf32>,
        %parallel_loop3A_1412 = arith.constant 2 : i32
        %parallel_loop3A_1413 = arith.constant 6 : i32
        %parallel_loop3A_1414 = arith.index_cast %parallel_loop3A_1412 : i32 to index
        %parallel_loop3A_1415 = arith.index_cast %parallel_loop3A_1413 : i32 to index
        %parallel_loop3A_1416 = arith.index_cast %parallel_loop3A_985 : i32 to index
        %parallel_loop3A_1417 = tpu.vector_load %arg8[%parallel_loop3A_1414, %parallel_loop3A_1415, %parallel_loop3A_1416] {strides = array<i32>} : memref<4x8x768xf32, #tpu.memory_space<vmem>>, vector<1x1x16xf32>,
        %parallel_loop3A_1418 = vector.shape_cast %parallel_loop3A_1417 : vector<1x1x16xf32> to vector<16xf32>
        %parallel_loop3A_1419 = arith.constant 2 : i32
        %parallel_loop3A_1420 = arith.constant 6 : i32
        %parallel_loop3A_1421 = arith.index_cast %parallel_loop3A_1419 : i32 to index
        %parallel_loop3A_1422 = arith.index_cast %parallel_loop3A_1420 : i32 to index
        %parallel_loop3A_1423 = arith.index_cast %parallel_loop3A_985 : i32 to index
        %parallel_loop3A_1424 = tpu.vector_load %arg7[%parallel_loop3A_1421, %parallel_loop3A_1422, %parallel_loop3A_1423] {strides = array<i32>} : memref<4x32x768xf32, #tpu.memory_space<vmem>>, vector<1x1x16xf32>,
        %parallel_loop3A_1425 = vector.shape_cast %parallel_loop3A_1424 : vector<1x1x16xf32> to vector<16xf32>
        %parallel_loop3A_1426 = arith.addf %parallel_loop3A_1425, %parallel_loop3A_1418 : vector<16xf32>
        %parallel_loop3A_1427 = arith.constant 2 : i32
        %parallel_loop3A_1428 = arith.constant 6 : i32
        %parallel_loop3A_1429 = arith.index_cast %parallel_loop3A_1427 : i32 to index
        %parallel_loop3A_1430 = arith.index_cast %parallel_loop3A_1428 : i32 to index
        %parallel_loop3A_1431 = arith.index_cast %parallel_loop3A_985 : i32 to index
        %parallel_loop3A_1432 = tpu.vector_load %arg7[%parallel_loop3A_1429, %parallel_loop3A_1430, %parallel_loop3A_1431] {strides = array<i32>} : memref<4x32x768xf32, #tpu.memory_space<vmem>>, vector<1x1x16xf32>,
        %parallel_loop3A_1433 = vector.shape_cast %parallel_loop3A_1432 : vector<1x1x16xf32> to vector<16xf32>
        %parallel_loop3A_1434 = vector.shape_cast %parallel_loop3A_1426 : vector<16xf32> to vector<1x1x16xf32>
        tpu.vector_store %arg7[%parallel_loop3A_1429, %parallel_loop3A_1430, %parallel_loop3A_1431], %parallel_loop3A_1434 {strides = array<i32>} : memref<4x32x768xf32, #tpu.memory_space<vmem>>, vector<1x1x16xf32>,
        %parallel_loop3A_1435 = arith.constant 2 : i32
        %parallel_loop3A_1436 = arith.constant 14 : i32
        %parallel_loop3A_1437 = arith.index_cast %parallel_loop3A_1435 : i32 to index
        %parallel_loop3A_1438 = arith.index_cast %parallel_loop3A_1436 : i32 to index
        %parallel_loop3A_1439 = arith.index_cast %parallel_loop3A_985 : i32 to index
        %parallel_loop3A_1440 = tpu.vector_load %arg7[%parallel_loop3A_1437, %parallel_loop3A_1438, %parallel_loop3A_1439] {strides = array<i32>} : memref<4x32x768xf32, #tpu.memory_space<vmem>>, vector<1x1x16xf32>,
        %parallel_loop3A_1441 = vector.shape_cast %parallel_loop3A_1440 : vector<1x1x16xf32> to vector<16xf32>
        %parallel_loop3A_1442 = arith.addf %parallel_loop3A_1441, %parallel_loop3A_1418 : vector<16xf32>
        %parallel_loop3A_1443 = arith.constant 2 : i32
        %parallel_loop3A_1444 = arith.constant 14 : i32
        %parallel_loop3A_1445 = arith.index_cast %parallel_loop3A_1443 : i32 to index
        %parallel_loop3A_1446 = arith.index_cast %parallel_loop3A_1444 : i32 to index
        %parallel_loop3A_1447 = arith.index_cast %parallel_loop3A_985 : i32 to index
        %parallel_loop3A_1448 = tpu.vector_load %arg7[%parallel_loop3A_1445, %parallel_loop3A_1446, %parallel_loop3A_1447] {strides = array<i32>} : memref<4x32x768xf32, #tpu.memory_space<vmem>>, vector<1x1x16xf32>,
        %parallel_loop3A_1449 = vector.shape_cast %parallel_loop3A_1448 : vector<1x1x16xf32> to vector<16xf32>
        %parallel_loop3A_1450 = vector.shape_cast %parallel_loop3A_1442 : vector<16xf32> to vector<1x1x16xf32>
        tpu.vector_store %arg7[%parallel_loop3A_1445, %parallel_loop3A_1446, %parallel_loop3A_1447], %parallel_loop3A_1450 {strides = array<i32>} : memref<4x32x768xf32, #tpu.memory_space<vmem>>, vector<1x1x16xf32>,
        %parallel_loop3A_1451 = arith.constant 2 : i32
        %parallel_loop3A_1452 = arith.constant 22 : i32
        %parallel_loop3A_1453 = arith.index_cast %parallel_loop3A_1451 : i32 to index
        %parallel_loop3A_1454 = arith.index_cast %parallel_loop3A_1452 : i32 to index
        %parallel_loop3A_1455 = arith.index_cast %parallel_loop3A_985 : i32 to index
        %parallel_loop3A_1456 = tpu.vector_load %arg7[%parallel_loop3A_1453, %parallel_loop3A_1454, %parallel_loop3A_1455] {strides = array<i32>} : memref<4x32x768xf32, #tpu.memory_space<vmem>>, vector<1x1x16xf32>,
        %parallel_loop3A_1457 = vector.shape_cast %parallel_loop3A_1456 : vector<1x1x16xf32> to vector<16xf32>
        %parallel_loop3A_1458 = arith.addf %parallel_loop3A_1457, %parallel_loop3A_1418 : vector<16xf32>
        %parallel_loop3A_1459 = arith.constant 2 : i32
        %parallel_loop3A_1460 = arith.constant 22 : i32
        %parallel_loop3A_1461 = arith.index_cast %parallel_loop3A_1459 : i32 to index
        %parallel_loop3A_1462 = arith.index_cast %parallel_loop3A_1460 : i32 to index
        %parallel_loop3A_1463 = arith.index_cast %parallel_loop3A_985 : i32 to index
        %parallel_loop3A_1464 = tpu.vector_load %arg7[%parallel_loop3A_1461, %parallel_loop3A_1462, %parallel_loop3A_1463] {strides = array<i32>} : memref<4x32x768xf32, #tpu.memory_space<vmem>>, vector<1x1x16xf32>,
        %parallel_loop3A_1465 = vector.shape_cast %parallel_loop3A_1464 : vector<1x1x16xf32> to vector<16xf32>
        %parallel_loop3A_1466 = vector.shape_cast %parallel_loop3A_1458 : vector<16xf32> to vector<1x1x16xf32>
        tpu.vector_store %arg7[%parallel_loop3A_1461, %parallel_loop3A_1462, %parallel_loop3A_1463], %parallel_loop3A_1466 {strides = array<i32>} : memref<4x32x768xf32, #tpu.memory_space<vmem>>, vector<1x1x16xf32>,
        %parallel_loop3A_1467 = arith.constant 2 : i32
        %parallel_loop3A_1468 = arith.constant 30 : i32
        %parallel_loop3A_1469 = arith.index_cast %parallel_loop3A_1467 : i32 to index
        %parallel_loop3A_1470 = arith.index_cast %parallel_loop3A_1468 : i32 to index
        %parallel_loop3A_1471 = arith.index_cast %parallel_loop3A_985 : i32 to index
        %parallel_loop3A_1472 = tpu.vector_load %arg7[%parallel_loop3A_1469, %parallel_loop3A_1470, %parallel_loop3A_1471] {strides = array<i32>} : memref<4x32x768xf32, #tpu.memory_space<vmem>>, vector<1x1x16xf32>,
        %parallel_loop3A_1473 = vector.shape_cast %parallel_loop3A_1472 : vector<1x1x16xf32> to vector<16xf32>
        %parallel_loop3A_1474 = arith.addf %parallel_loop3A_1473, %parallel_loop3A_1418 : vector<16xf32>
        %parallel_loop3A_1475 = arith.constant 2 : i32
        %parallel_loop3A_1476 = arith.constant 30 : i32
        %parallel_loop3A_1477 = arith.index_cast %parallel_loop3A_1475 : i32 to index
        %parallel_loop3A_1478 = arith.index_cast %parallel_loop3A_1476 : i32 to index
        %parallel_loop3A_1479 = arith.index_cast %parallel_loop3A_985 : i32 to index
        %parallel_loop3A_1480 = tpu.vector_load %arg7[%parallel_loop3A_1477, %parallel_loop3A_1478, %parallel_loop3A_1479] {strides = array<i32>} : memref<4x32x768xf32, #tpu.memory_space<vmem>>, vector<1x1x16xf32>,
        %parallel_loop3A_1481 = vector.shape_cast %parallel_loop3A_1480 : vector<1x1x16xf32> to vector<16xf32>
        %parallel_loop3A_1482 = vector.shape_cast %parallel_loop3A_1474 : vector<16xf32> to vector<1x1x16xf32>
        tpu.vector_store %arg7[%parallel_loop3A_1477, %parallel_loop3A_1478, %parallel_loop3A_1479], %parallel_loop3A_1482 {strides = array<i32>} : memref<4x32x768xf32, #tpu.memory_space<vmem>>, vector<1x1x16xf32>,
        %parallel_loop3A_1483 = arith.constant 2 : i32
        %parallel_loop3A_1484 = arith.constant 7 : i32
        %parallel_loop3A_1485 = arith.index_cast %parallel_loop3A_1483 : i32 to index
        %parallel_loop3A_1486 = arith.index_cast %parallel_loop3A_1484 : i32 to index
        %parallel_loop3A_1487 = arith.index_cast %parallel_loop3A_985 : i32 to index
        %parallel_loop3A_1488 = tpu.vector_load %arg8[%parallel_loop3A_1485, %parallel_loop3A_1486, %parallel_loop3A_1487] {strides = array<i32>} : memref<4x8x768xf32, #tpu.memory_space<vmem>>, vector<1x1x16xf32>,
        %parallel_loop3A_1489 = vector.shape_cast %parallel_loop3A_1488 : vector<1x1x16xf32> to vector<16xf32>
        %parallel_loop3A_1490 = arith.constant 2 : i32
        %parallel_loop3A_1491 = arith.constant 7 : i32
        %parallel_loop3A_1492 = arith.index_cast %parallel_loop3A_1490 : i32 to index
        %parallel_loop3A_1493 = arith.index_cast %parallel_loop3A_1491 : i32 to index
        %parallel_loop3A_1494 = arith.index_cast %parallel_loop3A_985 : i32 to index
        %parallel_loop3A_1495 = tpu.vector_load %arg7[%parallel_loop3A_1492, %parallel_loop3A_1493, %parallel_loop3A_1494] {strides = array<i32>} : memref<4x32x768xf32, #tpu.memory_space<vmem>>, vector<1x1x16xf32>,
        %parallel_loop3A_1496 = vector.shape_cast %parallel_loop3A_1495 : vector<1x1x16xf32> to vector<16xf32>
        %parallel_loop3A_1497 = arith.addf %parallel_loop3A_1496, %parallel_loop3A_1489 : vector<16xf32>
        %parallel_loop3A_1498 = arith.constant 2 : i32
        %parallel_loop3A_1499 = arith.constant 7 : i32
        %parallel_loop3A_1500 = arith.index_cast %parallel_loop3A_1498 : i32 to index
        %parallel_loop3A_1501 = arith.index_cast %parallel_loop3A_1499 : i32 to index
        %parallel_loop3A_1502 = arith.index_cast %parallel_loop3A_985 : i32 to index
        %parallel_loop3A_1503 = tpu.vector_load %arg7[%parallel_loop3A_1500, %parallel_loop3A_1501, %parallel_loop3A_1502] {strides = array<i32>} : memref<4x32x768xf32, #tpu.memory_space<vmem>>, vector<1x1x16xf32>,
        %parallel_loop3A_1504 = vector.shape_cast %parallel_loop3A_1503 : vector<1x1x16xf32> to vector<16xf32>
        %parallel_loop3A_1505 = vector.shape_cast %parallel_loop3A_1497 : vector<16xf32> to vector<1x1x16xf32>
        tpu.vector_store %arg7[%parallel_loop3A_1500, %parallel_loop3A_1501, %parallel_loop3A_1502], %parallel_loop3A_1505 {strides = array<i32>} : memref<4x32x768xf32, #tpu.memory_space<vmem>>, vector<1x1x16xf32>,
        %parallel_loop3A_1506 = arith.constant 2 : i32
        %parallel_loop3A_1507 = arith.constant 15 : i32
        %parallel_loop3A_1508 = arith.index_cast %parallel_loop3A_1506 : i32 to index
        %parallel_loop3A_1509 = arith.index_cast %parallel_loop3A_1507 : i32 to index
        %parallel_loop3A_1510 = arith.index_cast %parallel_loop3A_985 : i32 to index
        %parallel_loop3A_1511 = tpu.vector_load %arg7[%parallel_loop3A_1508, %parallel_loop3A_1509, %parallel_loop3A_1510] {strides = array<i32>} : memref<4x32x768xf32, #tpu.memory_space<vmem>>, vector<1x1x16xf32>,
        %parallel_loop3A_1512 = vector.shape_cast %parallel_loop3A_1511 : vector<1x1x16xf32> to vector<16xf32>
        %parallel_loop3A_1513 = arith.addf %parallel_loop3A_1512, %parallel_loop3A_1489 : vector<16xf32>
        %parallel_loop3A_1514 = arith.constant 2 : i32
        %parallel_loop3A_1515 = arith.constant 15 : i32
        %parallel_loop3A_1516 = arith.index_cast %parallel_loop3A_1514 : i32 to index
        %parallel_loop3A_1517 = arith.index_cast %parallel_loop3A_1515 : i32 to index
        %parallel_loop3A_1518 = arith.index_cast %parallel_loop3A_985 : i32 to index
        %parallel_loop3A_1519 = tpu.vector_load %arg7[%parallel_loop3A_1516, %parallel_loop3A_1517, %parallel_loop3A_1518] {strides = array<i32>} : memref<4x32x768xf32, #tpu.memory_space<vmem>>, vector<1x1x16xf32>,
        %parallel_loop3A_1520 = vector.shape_cast %parallel_loop3A_1519 : vector<1x1x16xf32> to vector<16xf32>
        %parallel_loop3A_1521 = vector.shape_cast %parallel_loop3A_1513 : vector<16xf32> to vector<1x1x16xf32>
        tpu.vector_store %arg7[%parallel_loop3A_1516, %parallel_loop3A_1517, %parallel_loop3A_1518], %parallel_loop3A_1521 {strides = array<i32>} : memref<4x32x768xf32, #tpu.memory_space<vmem>>, vector<1x1x16xf32>,
        %parallel_loop3A_1522 = arith.constant 2 : i32
        %parallel_loop3A_1523 = arith.constant 23 : i32
        %parallel_loop3A_1524 = arith.index_cast %parallel_loop3A_1522 : i32 to index
        %parallel_loop3A_1525 = arith.index_cast %parallel_loop3A_1523 : i32 to index
        %parallel_loop3A_1526 = arith.index_cast %parallel_loop3A_985 : i32 to index
        %parallel_loop3A_1527 = tpu.vector_load %arg7[%parallel_loop3A_1524, %parallel_loop3A_1525, %parallel_loop3A_1526] {strides = array<i32>} : memref<4x32x768xf32, #tpu.memory_space<vmem>>, vector<1x1x16xf32>,
        %parallel_loop3A_1528 = vector.shape_cast %parallel_loop3A_1527 : vector<1x1x16xf32> to vector<16xf32>
        %parallel_loop3A_1529 = arith.addf %parallel_loop3A_1528, %parallel_loop3A_1489 : vector<16xf32>
        %parallel_loop3A_1530 = arith.constant 2 : i32
        %parallel_loop3A_1531 = arith.constant 23 : i32
        %parallel_loop3A_1532 = arith.index_cast %parallel_loop3A_1530 : i32 to index
        %parallel_loop3A_1533 = arith.index_cast %parallel_loop3A_1531 : i32 to index
        %parallel_loop3A_1534 = arith.index_cast %parallel_loop3A_985 : i32 to index
        %parallel_loop3A_1535 = tpu.vector_load %arg7[%parallel_loop3A_1532, %parallel_loop3A_1533, %parallel_loop3A_1534] {strides = array<i32>} : memref<4x32x768xf32, #tpu.memory_space<vmem>>, vector<1x1x16xf32>,
        %parallel_loop3A_1536 = vector.shape_cast %parallel_loop3A_1535 : vector<1x1x16xf32> to vector<16xf32>
        %parallel_loop3A_1537 = vector.shape_cast %parallel_loop3A_1529 : vector<16xf32> to vector<1x1x16xf32>
        tpu.vector_store %arg7[%parallel_loop3A_1532, %parallel_loop3A_1533, %parallel_loop3A_1534], %parallel_loop3A_1537 {strides = array<i32>} : memref<4x32x768xf32, #tpu.memory_space<vmem>>, vector<1x1x16xf32>,
        %parallel_loop3A_1538 = arith.constant 2 : i32
        %parallel_loop3A_1539 = arith.constant 31 : i32
        %parallel_loop3A_1540 = arith.index_cast %parallel_loop3A_1538 : i32 to index
        %parallel_loop3A_1541 = arith.index_cast %parallel_loop3A_1539 : i32 to index
        %parallel_loop3A_1542 = arith.index_cast %parallel_loop3A_985 : i32 to index
        %parallel_loop3A_1543 = tpu.vector_load %arg7[%parallel_loop3A_1540, %parallel_loop3A_1541, %parallel_loop3A_1542] {strides = array<i32>} : memref<4x32x768xf32, #tpu.memory_space<vmem>>, vector<1x1x16xf32>,
        %parallel_loop3A_1544 = vector.shape_cast %parallel_loop3A_1543 : vector<1x1x16xf32> to vector<16xf32>
        %parallel_loop3A_1545 = arith.addf %parallel_loop3A_1544, %parallel_loop3A_1489 : vector<16xf32>
        %parallel_loop3A_1546 = arith.constant 2 : i32
        %parallel_loop3A_1547 = arith.constant 31 : i32
        %parallel_loop3A_1548 = arith.index_cast %parallel_loop3A_1546 : i32 to index
        %parallel_loop3A_1549 = arith.index_cast %parallel_loop3A_1547 : i32 to index
        %parallel_loop3A_1550 = arith.index_cast %parallel_loop3A_985 : i32 to index
        %parallel_loop3A_1551 = tpu.vector_load %arg7[%parallel_loop3A_1548, %parallel_loop3A_1549, %parallel_loop3A_1550] {strides = array<i32>} : memref<4x32x768xf32, #tpu.memory_space<vmem>>, vector<1x1x16xf32>,
        %parallel_loop3A_1552 = vector.shape_cast %parallel_loop3A_1551 : vector<1x1x16xf32> to vector<16xf32>
        %parallel_loop3A_1553 = vector.shape_cast %parallel_loop3A_1545 : vector<16xf32> to vector<1x1x16xf32>
        tpu.vector_store %arg7[%parallel_loop3A_1548, %parallel_loop3A_1549, %parallel_loop3A_1550], %parallel_loop3A_1553 {strides = array<i32>} : memref<4x32x768xf32, #tpu.memory_space<vmem>>, vector<1x1x16xf32>,
      } {sc.loop_unroll_factor = 1 : i64, sc.parallel_access}
      %add3A_745 = arith.constant 0 : i32
      %add3A_746 = arith.addi %add3A_745, %mul3A_2 : i32
      %mul3A_747 = arith.constant 8 : i32
      %mul3A_748 = arith.muli %add3A_716, %mul3A_747 : i32
      %add3A_749 = arith.addi %add3A_746, %mul3A_748 : i32
      %dma_start3A_750 = arith.constant 2 : i32
      %dma_start3A_751 = arith.constant 0 : i32
      %dma_start3A_752 = arith.constant 0 : i32
      %dma_start3A_753 = tpu.memref_slice %arg7[%dma_start3A_750, %dma_start3A_751, %dma_start3A_752] : memref<4x32x768xf32, #tpu.memory_space<vmem>> -> memref<1x32x768xf32, #tpu.memory_space<vmem>>
      %dma_start3A_754 = tpu.memref_squeeze %dma_start3A_753 : memref<1x32x768xf32, #tpu.memory_space<vmem>> -> memref<32x768xf32, #tpu.memory_space<vmem>>
      %dma_start3A_755 = arith.constant 0 : i32
      %dma_start3A_756 = arith.constant 0 : i32
      %dma_start3A_757 = tpu.memref_slice %dma_start3A_754[%dma_start3A_755, %dma_start3A_756] : memref<32x768xf32, #tpu.memory_space<vmem>> -> memref<8x768xf32, #tpu.memory_space<vmem>>
      %dma_start3A_758 = arith.constant 0 : i32
      %dma_start3A_759 = tpu.memref_slice %arg5[%add3A_749, %dma_start3A_758] : memref<8192x768xf32, #tpu.memory_space<hbm>> -> memref<8x768xf32, #tpu.memory_space<hbm>>
      %dma_start3A_760 = arith.constant 0 : i32
      %dma_start3A_761 = tpu.memref_slice %arg5[%add3A_749, %dma_start3A_760] : memref<8192x768xf32, #tpu.memory_space<hbm>> -> memref<8x768xf32, #tpu.memory_space<hbm>>
      %dma_start3A_762 = arith.constant 0 : i32
      %dma_start3A_763 = arith.constant 0 : i32
      %dma_start3A_764 = tpu.memref_slice %arg7[%dma_start3A_750, %dma_start3A_762, %dma_start3A_763] : memref<4x32x768xf32, #tpu.memory_space<vmem>> -> memref<1x32x768xf32, #tpu.memory_space<vmem>>
      %dma_start3A_765 = tpu.memref_squeeze %dma_start3A_764 : memref<1x32x768xf32, #tpu.memory_space<vmem>> -> memref<32x768xf32, #tpu.memory_space<vmem>>
      %dma_start3A_766 = arith.constant 0 : i32
      %dma_start3A_767 = arith.constant 0 : i32
      %dma_start3A_768 = tpu.memref_slice %dma_start3A_765[%dma_start3A_766, %dma_start3A_767] : memref<32x768xf32, #tpu.memory_space<vmem>> -> memref<8x768xf32, #tpu.memory_space<vmem>>
      tpu.enqueue_dma source(%dma_start3A_768 : memref<8x768xf32, #tpu.memory_space<vmem>>) target(%dma_start3A_761 : memref<8x768xf32, #tpu.memory_space<hbm>>) target_semaphore(%arg19 : memref<!tpu.dma_semaphore, #tpu.memory_space<semaphore_mem>>)
      %add3A_769 = arith.constant 2048 : i32
      %add3A_770 = arith.addi %add3A_769, %mul3A_2 : i32
      %mul3A_771 = arith.constant 8 : i32
      %mul3A_772 = arith.muli %add3A_716, %mul3A_771 : i32
      %add3A_773 = arith.addi %add3A_770, %mul3A_772 : i32
      %dma_start3A_774 = arith.constant 2 : i32
      %dma_start3A_775 = arith.constant 0 : i32
      %dma_start3A_776 = arith.constant 0 : i32
      %dma_start3A_777 = tpu.memref_slice %arg7[%dma_start3A_774, %dma_start3A_775, %dma_start3A_776] : memref<4x32x768xf32, #tpu.memory_space<vmem>> -> memref<1x32x768xf32, #tpu.memory_space<vmem>>
      %dma_start3A_778 = tpu.memref_squeeze %dma_start3A_777 : memref<1x32x768xf32, #tpu.memory_space<vmem>> -> memref<32x768xf32, #tpu.memory_space<vmem>>
      %dma_start3A_779 = arith.constant 8 : i32
      %dma_start3A_780 = arith.constant 0 : i32
      %dma_start3A_781 = tpu.memref_slice %dma_start3A_778[%dma_start3A_779, %dma_start3A_780] : memref<32x768xf32, #tpu.memory_space<vmem>> -> memref<8x768xf32, #tpu.memory_space<vmem>>
      %dma_start3A_782 = arith.constant 0 : i32
      %dma_start3A_783 = tpu.memref_slice %arg5[%add3A_773, %dma_start3A_782] : memref<8192x768xf32, #tpu.memory_space<hbm>> -> memref<8x768xf32, #tpu.memory_space<hbm>>
      %dma_start3A_784 = arith.constant 0 : i32
      %dma_start3A_785 = tpu.memref_slice %arg5[%add3A_773, %dma_start3A_784] : memref<8192x768xf32, #tpu.memory_space<hbm>> -> memref<8x768xf32, #tpu.memory_space<hbm>>
      %dma_start3A_786 = arith.constant 0 : i32
      %dma_start3A_787 = arith.constant 0 : i32
      %dma_start3A_788 = tpu.memref_slice %arg7[%dma_start3A_774, %dma_start3A_786, %dma_start3A_787] : memref<4x32x768xf32, #tpu.memory_space<vmem>> -> memref<1x32x768xf32, #tpu.memory_space<vmem>>
      %dma_start3A_789 = tpu.memref_squeeze %dma_start3A_788 : memref<1x32x768xf32, #tpu.memory_space<vmem>> -> memref<32x768xf32, #tpu.memory_space<vmem>>
      %dma_start3A_790 = arith.constant 8 : i32
      %dma_start3A_791 = arith.constant 0 : i32
      %dma_start3A_792 = tpu.memref_slice %dma_start3A_789[%dma_start3A_790, %dma_start3A_791] : memref<32x768xf32, #tpu.memory_space<vmem>> -> memref<8x768xf32, #tpu.memory_space<vmem>>
      tpu.enqueue_dma source(%dma_start3A_792 : memref<8x768xf32, #tpu.memory_space<vmem>>) target(%dma_start3A_785 : memref<8x768xf32, #tpu.memory_space<hbm>>) target_semaphore(%arg19 : memref<!tpu.dma_semaphore, #tpu.memory_space<semaphore_mem>>)
      %add3A_793 = arith.constant 4096 : i32
      %add3A_794 = arith.addi %add3A_793, %mul3A_2 : i32
      %mul3A_795 = arith.constant 8 : i32
      %mul3A_796 = arith.muli %add3A_716, %mul3A_795 : i32
      %add3A_797 = arith.addi %add3A_794, %mul3A_796 : i32
      %dma_start3A_798 = arith.constant 2 : i32
      %dma_start3A_799 = arith.constant 0 : i32
      %dma_start3A_800 = arith.constant 0 : i32
      %dma_start3A_801 = tpu.memref_slice %arg7[%dma_start3A_798, %dma_start3A_799, %dma_start3A_800] : memref<4x32x768xf32, #tpu.memory_space<vmem>> -> memref<1x32x768xf32, #tpu.memory_space<vmem>>
      %dma_start3A_802 = tpu.memref_squeeze %dma_start3A_801 : memref<1x32x768xf32, #tpu.memory_space<vmem>> -> memref<32x768xf32, #tpu.memory_space<vmem>>
      %dma_start3A_803 = arith.constant 16 : i32
      %dma_start3A_804 = arith.constant 0 : i32
      %dma_start3A_805 = tpu.memref_slice %dma_start3A_802[%dma_start3A_803, %dma_start3A_804] : memref<32x768xf32, #tpu.memory_space<vmem>> -> memref<8x768xf32, #tpu.memory_space<vmem>>
      %dma_start3A_806 = arith.constant 0 : i32
      %dma_start3A_807 = tpu.memref_slice %arg5[%add3A_797, %dma_start3A_806] : memref<8192x768xf32, #tpu.memory_space<hbm>> -> memref<8x768xf32, #tpu.memory_space<hbm>>
      %dma_start3A_808 = arith.constant 0 : i32
      %dma_start3A_809 = tpu.memref_slice %arg5[%add3A_797, %dma_start3A_808] : memref<8192x768xf32, #tpu.memory_space<hbm>> -> memref<8x768xf32, #tpu.memory_space<hbm>>
      %dma_start3A_810 = arith.constant 0 : i32
      %dma_start3A_811 = arith.constant 0 : i32
      %dma_start3A_812 = tpu.memref_slice %arg7[%dma_start3A_798, %dma_start3A_810, %dma_start3A_811] : memref<4x32x768xf32, #tpu.memory_space<vmem>> -> memref<1x32x768xf32, #tpu.memory_space<vmem>>
      %dma_start3A_813 = tpu.memref_squeeze %dma_start3A_812 : memref<1x32x768xf32, #tpu.memory_space<vmem>> -> memref<32x768xf32, #tpu.memory_space<vmem>>
      %dma_start3A_814 = arith.constant 16 : i32
      %dma_start3A_815 = arith.constant 0 : i32
      %dma_start3A_816 = tpu.memref_slice %dma_start3A_813[%dma_start3A_814, %dma_start3A_815] : memref<32x768xf32, #tpu.memory_space<vmem>> -> memref<8x768xf32, #tpu.memory_space<vmem>>
      tpu.enqueue_dma source(%dma_start3A_816 : memref<8x768xf32, #tpu.memory_space<vmem>>) target(%dma_start3A_809 : memref<8x768xf32, #tpu.memory_space<hbm>>) target_semaphore(%arg19 : memref<!tpu.dma_semaphore, #tpu.memory_space<semaphore_mem>>)
      %add3A_817 = arith.constant 6144 : i32
      %add3A_818 = arith.addi %add3A_817, %mul3A_2 : i32
      %mul3A_819 = arith.constant 8 : i32
      %mul3A_820 = arith.muli %add3A_716, %mul3A_819 : i32
      %add3A_821 = arith.addi %add3A_818, %mul3A_820 : i32
      %dma_start3A_822 = arith.constant 2 : i32
      %dma_start3A_823 = arith.constant 0 : i32
      %dma_start3A_824 = arith.constant 0 : i32
      %dma_start3A_825 = tpu.memref_slice %arg7[%dma_start3A_822, %dma_start3A_823, %dma_start3A_824] : memref<4x32x768xf32, #tpu.memory_space<vmem>> -> memref<1x32x768xf32, #tpu.memory_space<vmem>>
      %dma_start3A_826 = tpu.memref_squeeze %dma_start3A_825 : memref<1x32x768xf32, #tpu.memory_space<vmem>> -> memref<32x768xf32, #tpu.memory_space<vmem>>
      %dma_start3A_827 = arith.constant 24 : i32
      %dma_start3A_828 = arith.constant 0 : i32
      %dma_start3A_829 = tpu.memref_slice %dma_start3A_826[%dma_start3A_827, %dma_start3A_828] : memref<32x768xf32, #tpu.memory_space<vmem>> -> memref<8x768xf32, #tpu.memory_space<vmem>>
      %dma_start3A_830 = arith.constant 0 : i32
      %dma_start3A_831 = tpu.memref_slice %arg5[%add3A_821, %dma_start3A_830] : memref<8192x768xf32, #tpu.memory_space<hbm>> -> memref<8x768xf32, #tpu.memory_space<hbm>>
      %dma_start3A_832 = arith.constant 0 : i32
      %dma_start3A_833 = tpu.memref_slice %arg5[%add3A_821, %dma_start3A_832] : memref<8192x768xf32, #tpu.memory_space<hbm>> -> memref<8x768xf32, #tpu.memory_space<hbm>>
      %dma_start3A_834 = arith.constant 0 : i32
      %dma_start3A_835 = arith.constant 0 : i32
      %dma_start3A_836 = tpu.memref_slice %arg7[%dma_start3A_822, %dma_start3A_834, %dma_start3A_835] : memref<4x32x768xf32, #tpu.memory_space<vmem>> -> memref<1x32x768xf32, #tpu.memory_space<vmem>>
      %dma_start3A_837 = tpu.memref_squeeze %dma_start3A_836 : memref<1x32x768xf32, #tpu.memory_space<vmem>> -> memref<32x768xf32, #tpu.memory_space<vmem>>
      %dma_start3A_838 = arith.constant 24 : i32
      %dma_start3A_839 = arith.constant 0 : i32
      %dma_start3A_840 = tpu.memref_slice %dma_start3A_837[%dma_start3A_838, %dma_start3A_839] : memref<32x768xf32, #tpu.memory_space<vmem>> -> memref<8x768xf32, #tpu.memory_space<vmem>>
      tpu.enqueue_dma source(%dma_start3A_840 : memref<8x768xf32, #tpu.memory_space<vmem>>) target(%dma_start3A_833 : memref<8x768xf32, #tpu.memory_space<hbm>>) target_semaphore(%arg19 : memref<!tpu.dma_semaphore, #tpu.memory_space<semaphore_mem>>)
      %add3A_841 = arith.constant 4 : i32
      %add3A_842 = arith.addi %add3A_716, %add3A_841 : i32
      %lt3A_843 = arith.constant 8 : i32
      %lt3A_844 = arith.cmpi slt, %add3A_842, %lt3A_843 : i32
      %convert_element_type3A_845 = arith.extui %lt3A_844 : i1 to i32
      %cond3A_846 = arith.constant 0 : i32
      %cond3A_847 = arith.cmpi ne, %convert_element_type3A_845, %cond3A_846 : i32
      scf.if %cond3A_847 {
        %dma_wait3A_983 = arith.constant 2 : i32
        %dma_wait3A_984 = arith.constant 0 : i32
        %dma_wait3A_985 = arith.constant 0 : i32
        %dma_wait3A_986 = tpu.memref_slice %arg7[%dma_wait3A_983, %dma_wait3A_984, %dma_wait3A_985] : memref<4x32x768xf32, #tpu.memory_space<vmem>> -> memref<1x32x768xf32, #tpu.memory_space<vmem>>
        %dma_wait3A_987 = tpu.memref_squeeze %dma_wait3A_986 : memref<1x32x768xf32, #tpu.memory_space<vmem>> -> memref<32x768xf32, #tpu.memory_space<vmem>>
        %dma_wait3A_988 = arith.constant 0 : i32
        %dma_wait3A_989 = arith.constant 0 : i32
        %dma_wait3A_990 = tpu.memref_slice %dma_wait3A_987[%dma_wait3A_988, %dma_wait3A_989] : memref<32x768xf32, #tpu.memory_space<vmem>> -> memref<8x768xf32, #tpu.memory_space<vmem>>
        %dma_wait3A_991 = arith.constant 0 : i32
        %dma_wait3A_992 = arith.constant 0 : i32
        %dma_wait3A_993 = tpu.memref_slice %arg5[%dma_wait3A_991, %dma_wait3A_992] : memref<8192x768xf32, #tpu.memory_space<hbm>> -> memref<8x768xf32, #tpu.memory_space<hbm>>
        %dma_wait3A_994 = arith.constant 0 : i32
        %dma_wait3A_995 = arith.constant 0 : i32
        %dma_wait3A_996 = tpu.memref_slice %arg5[%dma_wait3A_994, %dma_wait3A_995] : memref<8192x768xf32, #tpu.memory_space<hbm>> -> memref<8x768xf32, #tpu.memory_space<hbm>>
        %dma_wait3A_997 = arith.constant 0 : i32
        %dma_wait3A_998 = arith.constant 0 : i32
        %dma_wait3A_999 = tpu.memref_slice %arg7[%dma_wait3A_983, %dma_wait3A_997, %dma_wait3A_998] : memref<4x32x768xf32, #tpu.memory_space<vmem>> -> memref<1x32x768xf32, #tpu.memory_space<vmem>>
        %dma_wait3A_1000 = tpu.memref_squeeze %dma_wait3A_999 : memref<1x32x768xf32, #tpu.memory_space<vmem>> -> memref<32x768xf32, #tpu.memory_space<vmem>>
        %dma_wait3A_1001 = arith.constant 0 : i32
        %dma_wait3A_1002 = arith.constant 0 : i32
        %dma_wait3A_1003 = tpu.memref_slice %dma_wait3A_1000[%dma_wait3A_1001, %dma_wait3A_1002] : memref<32x768xf32, #tpu.memory_space<vmem>> -> memref<8x768xf32, #tpu.memory_space<vmem>>
        tpu.wait_dma2 semaphore(%arg19 : memref<!tpu.dma_semaphore, #tpu.memory_space<semaphore_mem>>) src(%dma_wait3A_1003 : memref<8x768xf32, #tpu.memory_space<vmem>>) dst(%dma_wait3A_996 : memref<8x768xf32, #tpu.memory_space<hbm>>)
        %dma_wait3A_1004 = arith.constant 2 : i32
        %dma_wait3A_1005 = arith.constant 0 : i32
        %dma_wait3A_1006 = arith.constant 0 : i32
        %dma_wait3A_1007 = tpu.memref_slice %arg7[%dma_wait3A_1004, %dma_wait3A_1005, %dma_wait3A_1006] : memref<4x32x768xf32, #tpu.memory_space<vmem>> -> memref<1x32x768xf32, #tpu.memory_space<vmem>>
        %dma_wait3A_1008 = tpu.memref_squeeze %dma_wait3A_1007 : memref<1x32x768xf32, #tpu.memory_space<vmem>> -> memref<32x768xf32, #tpu.memory_space<vmem>>
        %dma_wait3A_1009 = arith.constant 0 : i32
        %dma_wait3A_1010 = arith.constant 0 : i32
        %dma_wait3A_1011 = tpu.memref_slice %dma_wait3A_1008[%dma_wait3A_1009, %dma_wait3A_1010] : memref<32x768xf32, #tpu.memory_space<vmem>> -> memref<8x768xf32, #tpu.memory_space<vmem>>
        %dma_wait3A_1012 = arith.constant 0 : i32
        %dma_wait3A_1013 = arith.constant 0 : i32
        %dma_wait3A_1014 = tpu.memref_slice %arg5[%dma_wait3A_1012, %dma_wait3A_1013] : memref<8192x768xf32, #tpu.memory_space<hbm>> -> memref<8x768xf32, #tpu.memory_space<hbm>>
        %dma_wait3A_1015 = arith.constant 0 : i32
        %dma_wait3A_1016 = arith.constant 0 : i32
        %dma_wait3A_1017 = tpu.memref_slice %arg5[%dma_wait3A_1015, %dma_wait3A_1016] : memref<8192x768xf32, #tpu.memory_space<hbm>> -> memref<8x768xf32, #tpu.memory_space<hbm>>
        %dma_wait3A_1018 = arith.constant 0 : i32
        %dma_wait3A_1019 = arith.constant 0 : i32
        %dma_wait3A_1020 = tpu.memref_slice %arg7[%dma_wait3A_1004, %dma_wait3A_1018, %dma_wait3A_1019] : memref<4x32x768xf32, #tpu.memory_space<vmem>> -> memref<1x32x768xf32, #tpu.memory_space<vmem>>
        %dma_wait3A_1021 = tpu.memref_squeeze %dma_wait3A_1020 : memref<1x32x768xf32, #tpu.memory_space<vmem>> -> memref<32x768xf32, #tpu.memory_space<vmem>>
        %dma_wait3A_1022 = arith.constant 0 : i32
        %dma_wait3A_1023 = arith.constant 0 : i32
        %dma_wait3A_1024 = tpu.memref_slice %dma_wait3A_1021[%dma_wait3A_1022, %dma_wait3A_1023] : memref<32x768xf32, #tpu.memory_space<vmem>> -> memref<8x768xf32, #tpu.memory_space<vmem>>
        tpu.wait_dma2 semaphore(%arg19 : memref<!tpu.dma_semaphore, #tpu.memory_space<semaphore_mem>>) src(%dma_wait3A_1024 : memref<8x768xf32, #tpu.memory_space<vmem>>) dst(%dma_wait3A_1017 : memref<8x768xf32, #tpu.memory_space<hbm>>)
        %dma_wait3A_1025 = arith.constant 2 : i32
        %dma_wait3A_1026 = arith.constant 0 : i32
        %dma_wait3A_1027 = arith.constant 0 : i32
        %dma_wait3A_1028 = tpu.memref_slice %arg7[%dma_wait3A_1025, %dma_wait3A_1026, %dma_wait3A_1027] : memref<4x32x768xf32, #tpu.memory_space<vmem>> -> memref<1x32x768xf32, #tpu.memory_space<vmem>>
        %dma_wait3A_1029 = tpu.memref_squeeze %dma_wait3A_1028 : memref<1x32x768xf32, #tpu.memory_space<vmem>> -> memref<32x768xf32, #tpu.memory_space<vmem>>
        %dma_wait3A_1030 = arith.constant 0 : i32
        %dma_wait3A_1031 = arith.constant 0 : i32
        %dma_wait3A_1032 = tpu.memref_slice %dma_wait3A_1029[%dma_wait3A_1030, %dma_wait3A_1031] : memref<32x768xf32, #tpu.memory_space<vmem>> -> memref<8x768xf32, #tpu.memory_space<vmem>>
        %dma_wait3A_1033 = arith.constant 0 : i32
        %dma_wait3A_1034 = arith.constant 0 : i32
        %dma_wait3A_1035 = tpu.memref_slice %arg5[%dma_wait3A_1033, %dma_wait3A_1034] : memref<8192x768xf32, #tpu.memory_space<hbm>> -> memref<8x768xf32, #tpu.memory_space<hbm>>
        %dma_wait3A_1036 = arith.constant 0 : i32
        %dma_wait3A_1037 = arith.constant 0 : i32
        %dma_wait3A_1038 = tpu.memref_slice %arg5[%dma_wait3A_1036, %dma_wait3A_1037] : memref<8192x768xf32, #tpu.memory_space<hbm>> -> memref<8x768xf32, #tpu.memory_space<hbm>>
        %dma_wait3A_1039 = arith.constant 0 : i32
        %dma_wait3A_1040 = arith.constant 0 : i32
        %dma_wait3A_1041 = tpu.memref_slice %arg7[%dma_wait3A_1025, %dma_wait3A_1039, %dma_wait3A_1040] : memref<4x32x768xf32, #tpu.memory_space<vmem>> -> memref<1x32x768xf32, #tpu.memory_space<vmem>>
        %dma_wait3A_1042 = tpu.memref_squeeze %dma_wait3A_1041 : memref<1x32x768xf32, #tpu.memory_space<vmem>> -> memref<32x768xf32, #tpu.memory_space<vmem>>
        %dma_wait3A_1043 = arith.constant 0 : i32
        %dma_wait3A_1044 = arith.constant 0 : i32
        %dma_wait3A_1045 = tpu.memref_slice %dma_wait3A_1042[%dma_wait3A_1043, %dma_wait3A_1044] : memref<32x768xf32, #tpu.memory_space<vmem>> -> memref<8x768xf32, #tpu.memory_space<vmem>>
        tpu.wait_dma2 semaphore(%arg19 : memref<!tpu.dma_semaphore, #tpu.memory_space<semaphore_mem>>) src(%dma_wait3A_1045 : memref<8x768xf32, #tpu.memory_space<vmem>>) dst(%dma_wait3A_1038 : memref<8x768xf32, #tpu.memory_space<hbm>>)
        %dma_wait3A_1046 = arith.constant 2 : i32
        %dma_wait3A_1047 = arith.constant 0 : i32
        %dma_wait3A_1048 = arith.constant 0 : i32
        %dma_wait3A_1049 = tpu.memref_slice %arg7[%dma_wait3A_1046, %dma_wait3A_1047, %dma_wait3A_1048] : memref<4x32x768xf32, #tpu.memory_space<vmem>> -> memref<1x32x768xf32, #tpu.memory_space<vmem>>
        %dma_wait3A_1050 = tpu.memref_squeeze %dma_wait3A_1049 : memref<1x32x768xf32, #tpu.memory_space<vmem>> -> memref<32x768xf32, #tpu.memory_space<vmem>>
        %dma_wait3A_1051 = arith.constant 0 : i32
        %dma_wait3A_1052 = arith.constant 0 : i32
        %dma_wait3A_1053 = tpu.memref_slice %dma_wait3A_1050[%dma_wait3A_1051, %dma_wait3A_1052] : memref<32x768xf32, #tpu.memory_space<vmem>> -> memref<8x768xf32, #tpu.memory_space<vmem>>
        %dma_wait3A_1054 = arith.constant 0 : i32
        %dma_wait3A_1055 = arith.constant 0 : i32
        %dma_wait3A_1056 = tpu.memref_slice %arg5[%dma_wait3A_1054, %dma_wait3A_1055] : memref<8192x768xf32, #tpu.memory_space<hbm>> -> memref<8x768xf32, #tpu.memory_space<hbm>>
        %dma_wait3A_1057 = arith.constant 0 : i32
        %dma_wait3A_1058 = arith.constant 0 : i32
        %dma_wait3A_1059 = tpu.memref_slice %arg5[%dma_wait3A_1057, %dma_wait3A_1058] : memref<8192x768xf32, #tpu.memory_space<hbm>> -> memref<8x768xf32, #tpu.memory_space<hbm>>
        %dma_wait3A_1060 = arith.constant 0 : i32
        %dma_wait3A_1061 = arith.constant 0 : i32
        %dma_wait3A_1062 = tpu.memref_slice %arg7[%dma_wait3A_1046, %dma_wait3A_1060, %dma_wait3A_1061] : memref<4x32x768xf32, #tpu.memory_space<vmem>> -> memref<1x32x768xf32, #tpu.memory_space<vmem>>
        %dma_wait3A_1063 = tpu.memref_squeeze %dma_wait3A_1062 : memref<1x32x768xf32, #tpu.memory_space<vmem>> -> memref<32x768xf32, #tpu.memory_space<vmem>>
        %dma_wait3A_1064 = arith.constant 0 : i32
        %dma_wait3A_1065 = arith.constant 0 : i32
        %dma_wait3A_1066 = tpu.memref_slice %dma_wait3A_1063[%dma_wait3A_1064, %dma_wait3A_1065] : memref<32x768xf32, #tpu.memory_space<vmem>> -> memref<8x768xf32, #tpu.memory_space<vmem>>
        tpu.wait_dma2 semaphore(%arg19 : memref<!tpu.dma_semaphore, #tpu.memory_space<semaphore_mem>>) src(%dma_wait3A_1066 : memref<8x768xf32, #tpu.memory_space<vmem>>) dst(%dma_wait3A_1059 : memref<8x768xf32, #tpu.memory_space<hbm>>)
        %add3A_1067 = arith.constant 4 : i32
        %add3A_1068 = arith.addi %add3A_716, %add3A_1067 : i32
        %mul3A_1069 = arith.constant 8 : i32
        %mul3A_1070 = arith.muli %add3A_1068, %mul3A_1069 : i32
        %add3A_1071 = arith.addi %mul3A_2, %mul3A_1070 : i32
        %dma_start3A_1072 = arith.constant 2 : i32
        %dma_start3A_1073 = arith.constant 0 : i32
        %dma_start3A_1074 = arith.constant 0 : i32
        %dma_start3A_1075 = tpu.memref_slice %arg8[%dma_start3A_1072, %dma_start3A_1073, %dma_start3A_1074] : memref<4x8x768xf32, #tpu.memory_space<vmem>> -> memref<1x8x768xf32, #tpu.memory_space<vmem>>
        %dma_start3A_1076 = tpu.memref_squeeze %dma_start3A_1075 : memref<1x8x768xf32, #tpu.memory_space<vmem>> -> memref<8x768xf32, #tpu.memory_space<vmem>>
        %dma_start3A_1077 = arith.constant 0 : i32
        %dma_start3A_1078 = tpu.memref_slice %arg4[%add3A_1071, %dma_start3A_1077] : memref<2048x768xf32, #tpu.memory_space<hbm>> -> memref<8x768xf32, #tpu.memory_space<hbm>>
        %dma_start3A_1079 = arith.constant 0 : i32
        %dma_start3A_1080 = arith.constant 0 : i32
        %dma_start3A_1081 = tpu.memref_slice %arg8[%dma_start3A_1072, %dma_start3A_1079, %dma_start3A_1080] : memref<4x8x768xf32, #tpu.memory_space<vmem>> -> memref<1x8x768xf32, #tpu.memory_space<vmem>>
        %dma_start3A_1082 = tpu.memref_squeeze %dma_start3A_1081 : memref<1x8x768xf32, #tpu.memory_space<vmem>> -> memref<8x768xf32, #tpu.memory_space<vmem>>
        %dma_start3A_1083 = arith.constant 0 : i32
        %dma_start3A_1084 = tpu.memref_slice %arg4[%add3A_1071, %dma_start3A_1083] : memref<2048x768xf32, #tpu.memory_space<hbm>> -> memref<8x768xf32, #tpu.memory_space<hbm>>
        tpu.enqueue_dma source(%dma_start3A_1084 : memref<8x768xf32, #tpu.memory_space<hbm>>) target(%dma_start3A_1082 : memref<8x768xf32, #tpu.memory_space<vmem>>) target_semaphore(%arg15 : memref<!tpu.dma_semaphore, #tpu.memory_space<semaphore_mem>>)
        %mul3A_1085 = arith.constant 32 : i32
        %mul3A_1086 = arith.muli %add3A_1068, %mul3A_1085 : i32
        %dma_start3A_1087 = arith.constant 2 : i32
        %dma_start3A_1088 = arith.constant 0 : i32
        %dma_start3A_1089 = arith.constant 0 : i32
        %dma_start3A_1090 = tpu.memref_slice %arg7[%dma_start3A_1087, %dma_start3A_1088, %dma_start3A_1089] : memref<4x32x768xf32, #tpu.memory_space<vmem>> -> memref<1x32x768xf32, #tpu.memory_space<vmem>>
        %dma_start3A_1091 = tpu.memref_squeeze %dma_start3A_1090 : memref<1x32x768xf32, #tpu.memory_space<vmem>> -> memref<32x768xf32, #tpu.memory_space<vmem>>
        %dma_start3A_1092 = tpu.memref_slice %arg6[%mul3A_1086] : memref<256xi32, #tpu.memory_space<vmem>> -> memref<32xi32, #tpu.memory_space<vmem>>
        %dma_start3A_1093 = arith.constant 0 : i32
        %dma_start3A_1094 = arith.constant 0 : i32
        %dma_start3A_1095 = tpu.memref_slice %arg3[%dma_start3A_1093, %dma_start3A_1094] : memref<50257x768xf32, #tpu.memory_space<hbm>> -> memref<50257x768xf32, #tpu.memory_space<hbm>>
        tpu.enqueue_indirect_dma source(%dma_start3A_1095 : memref<50257x768xf32, #tpu.memory_space<hbm>>) target(%dma_start3A_1091 : memref<32x768xf32, #tpu.memory_space<vmem>>) offsets(%dma_start3A_1092 : memref<32xi32, #tpu.memory_space<vmem>>) semaphore(%arg11 : memref<!tpu.dma_semaphore, #tpu.memory_space<semaphore_mem>>)
      } else {
      }
      %mul3A_848 = arith.constant 4 : i32
      %mul3A_849 = arith.muli %mul3A_848, %scan3A_446 : i32
      %add3A_850 = arith.constant 3 : i32
      %add3A_851 = arith.addi %mul3A_849, %add3A_850 : i32
      %dma_wait3A_852 = arith.constant 3 : i32
      %dma_wait3A_853 = arith.constant 0 : i32
      %dma_wait3A_854 = arith.constant 0 : i32
      %dma_wait3A_855 = tpu.memref_slice %arg8[%dma_wait3A_852, %dma_wait3A_853, %dma_wait3A_854] : memref<4x8x768xf32, #tpu.memory_space<vmem>> -> memref<1x8x768xf32, #tpu.memory_space<vmem>>
      %dma_wait3A_856 = tpu.memref_squeeze %dma_wait3A_855 : memref<1x8x768xf32, #tpu.memory_space<vmem>> -> memref<8x768xf32, #tpu.memory_space<vmem>>
      %dma_wait3A_857 = arith.constant 0 : i32
      %dma_wait3A_858 = arith.constant 0 : i32
      %dma_wait3A_859 = tpu.memref_slice %arg4[%dma_wait3A_857, %dma_wait3A_858] : memref<2048x768xf32, #tpu.memory_space<hbm>> -> memref<8x768xf32, #tpu.memory_space<hbm>>
      %dma_wait3A_860 = arith.constant 0 : i32
      %dma_wait3A_861 = arith.constant 0 : i32
      %dma_wait3A_862 = tpu.memref_slice %arg8[%dma_wait3A_852, %dma_wait3A_860, %dma_wait3A_861] : memref<4x8x768xf32, #tpu.memory_space<vmem>> -> memref<1x8x768xf32, #tpu.memory_space<vmem>>
      %dma_wait3A_863 = tpu.memref_squeeze %dma_wait3A_862 : memref<1x8x768xf32, #tpu.memory_space<vmem>> -> memref<8x768xf32, #tpu.memory_space<vmem>>
      %dma_wait3A_864 = arith.constant 0 : i32
      %dma_wait3A_865 = arith.constant 0 : i32
      %dma_wait3A_866 = tpu.memref_slice %arg4[%dma_wait3A_864, %dma_wait3A_865] : memref<2048x768xf32, #tpu.memory_space<hbm>> -> memref<8x768xf32, #tpu.memory_space<hbm>>
      tpu.wait_dma2 semaphore(%arg16 : memref<!tpu.dma_semaphore, #tpu.memory_space<semaphore_mem>>) src(%dma_wait3A_866 : memref<8x768xf32, #tpu.memory_space<hbm>>) dst(%dma_wait3A_863 : memref<8x768xf32, #tpu.memory_space<vmem>>)
      %dma_wait3A_867 = arith.constant 3 : i32
      %dma_wait3A_868 = arith.constant 0 : i32
      %dma_wait3A_869 = arith.constant 0 : i32
      %dma_wait3A_870 = tpu.memref_slice %arg7[%dma_wait3A_867, %dma_wait3A_868, %dma_wait3A_869] : memref<4x32x768xf32, #tpu.memory_space<vmem>> -> memref<1x32x768xf32, #tpu.memory_space<vmem>>
      %dma_wait3A_871 = tpu.memref_squeeze %dma_wait3A_870 : memref<1x32x768xf32, #tpu.memory_space<vmem>> -> memref<32x768xf32, #tpu.memory_space<vmem>>
      %dma_wait3A_872 = arith.constant 0 : i32
      %dma_wait3A_873 = tpu.memref_slice %arg6[%dma_wait3A_872] : memref<256xi32, #tpu.memory_space<vmem>> -> memref<32xi32, #tpu.memory_space<vmem>>
      %dma_wait3A_874 = arith.constant 0 : i32
      %dma_wait3A_875 = arith.constant 0 : i32
      %dma_wait3A_876 = tpu.memref_slice %arg3[%dma_wait3A_874, %dma_wait3A_875] : memref<50257x768xf32, #tpu.memory_space<hbm>> -> memref<50257x768xf32, #tpu.memory_space<hbm>>
      tpu.wait_indirect_dma semaphore(%arg12 : memref<!tpu.dma_semaphore, #tpu.memory_space<semaphore_mem>>) src(%dma_wait3A_876 : memref<50257x768xf32, #tpu.memory_space<hbm>>) dst(%dma_wait3A_871 : memref<32x768xf32, #tpu.memory_space<vmem>>)
      %parallel_loop3A_877 = arith.constant 0 : i32
      %parallel_loop3A_878 = arith.constant 48 : i32
      %parallel_loop3A_879 = arith.constant 1 : i32
      scf.for %parallel_loop3A_983 = %parallel_loop3A_877 to %parallel_loop3A_878 step %parallel_loop3A_879  : i32 {
        %parallel_loop3A_984 = arith.constant 16 : i32
        %parallel_loop3A_985 = arith.muli %parallel_loop3A_983, %parallel_loop3A_984 : i32
        %parallel_loop3A_986 = arith.constant 3 : i32
        %parallel_loop3A_987 = arith.constant 0 : i32
        %parallel_loop3A_988 = arith.index_cast %parallel_loop3A_986 : i32 to index
        %parallel_loop3A_989 = arith.index_cast %parallel_loop3A_987 : i32 to index
        %parallel_loop3A_990 = arith.index_cast %parallel_loop3A_985 : i32 to index
        %parallel_loop3A_991 = tpu.vector_load %arg8[%parallel_loop3A_988, %parallel_loop3A_989, %parallel_loop3A_990] {strides = array<i32>} : memref<4x8x768xf32, #tpu.memory_space<vmem>>, vector<1x1x16xf32>,
        %parallel_loop3A_992 = vector.shape_cast %parallel_loop3A_991 : vector<1x1x16xf32> to vector<16xf32>
        %parallel_loop3A_993 = arith.constant 3 : i32
        %parallel_loop3A_994 = arith.constant 0 : i32
        %parallel_loop3A_995 = arith.index_cast %parallel_loop3A_993 : i32 to index
        %parallel_loop3A_996 = arith.index_cast %parallel_loop3A_994 : i32 to index
        %parallel_loop3A_997 = arith.index_cast %parallel_loop3A_985 : i32 to index
        %parallel_loop3A_998 = tpu.vector_load %arg7[%parallel_loop3A_995, %parallel_loop3A_996, %parallel_loop3A_997] {strides = array<i32>} : memref<4x32x768xf32, #tpu.memory_space<vmem>>, vector<1x1x16xf32>,
        %parallel_loop3A_999 = vector.shape_cast %parallel_loop3A_998 : vector<1x1x16xf32> to vector<16xf32>
        %parallel_loop3A_1000 = arith.addf %parallel_loop3A_999, %parallel_loop3A_992 : vector<16xf32>
        %parallel_loop3A_1001 = arith.constant 3 : i32
        %parallel_loop3A_1002 = arith.constant 0 : i32
        %parallel_loop3A_1003 = arith.index_cast %parallel_loop3A_1001 : i32 to index
        %parallel_loop3A_1004 = arith.index_cast %parallel_loop3A_1002 : i32 to index
        %parallel_loop3A_1005 = arith.index_cast %parallel_loop3A_985 : i32 to index
        %parallel_loop3A_1006 = tpu.vector_load %arg7[%parallel_loop3A_1003, %parallel_loop3A_1004, %parallel_loop3A_1005] {strides = array<i32>} : memref<4x32x768xf32, #tpu.memory_space<vmem>>, vector<1x1x16xf32>,
        %parallel_loop3A_1007 = vector.shape_cast %parallel_loop3A_1006 : vector<1x1x16xf32> to vector<16xf32>
        %parallel_loop3A_1008 = vector.shape_cast %parallel_loop3A_1000 : vector<16xf32> to vector<1x1x16xf32>
        tpu.vector_store %arg7[%parallel_loop3A_1003, %parallel_loop3A_1004, %parallel_loop3A_1005], %parallel_loop3A_1008 {strides = array<i32>} : memref<4x32x768xf32, #tpu.memory_space<vmem>>, vector<1x1x16xf32>,
        %parallel_loop3A_1009 = arith.constant 3 : i32
        %parallel_loop3A_1010 = arith.constant 8 : i32
        %parallel_loop3A_1011 = arith.index_cast %parallel_loop3A_1009 : i32 to index
        %parallel_loop3A_1012 = arith.index_cast %parallel_loop3A_1010 : i32 to index
        %parallel_loop3A_1013 = arith.index_cast %parallel_loop3A_985 : i32 to index
        %parallel_loop3A_1014 = tpu.vector_load %arg7[%parallel_loop3A_1011, %parallel_loop3A_1012, %parallel_loop3A_1013] {strides = array<i32>} : memref<4x32x768xf32, #tpu.memory_space<vmem>>, vector<1x1x16xf32>,
        %parallel_loop3A_1015 = vector.shape_cast %parallel_loop3A_1014 : vector<1x1x16xf32> to vector<16xf32>
        %parallel_loop3A_1016 = arith.addf %parallel_loop3A_1015, %parallel_loop3A_992 : vector<16xf32>
        %parallel_loop3A_1017 = arith.constant 3 : i32
        %parallel_loop3A_1018 = arith.constant 8 : i32
        %parallel_loop3A_1019 = arith.index_cast %parallel_loop3A_1017 : i32 to index
        %parallel_loop3A_1020 = arith.index_cast %parallel_loop3A_1018 : i32 to index
        %parallel_loop3A_1021 = arith.index_cast %parallel_loop3A_985 : i32 to index
        %parallel_loop3A_1022 = tpu.vector_load %arg7[%parallel_loop3A_1019, %parallel_loop3A_1020, %parallel_loop3A_1021] {strides = array<i32>} : memref<4x32x768xf32, #tpu.memory_space<vmem>>, vector<1x1x16xf32>,
        %parallel_loop3A_1023 = vector.shape_cast %parallel_loop3A_1022 : vector<1x1x16xf32> to vector<16xf32>
        %parallel_loop3A_1024 = vector.shape_cast %parallel_loop3A_1016 : vector<16xf32> to vector<1x1x16xf32>
        tpu.vector_store %arg7[%parallel_loop3A_1019, %parallel_loop3A_1020, %parallel_loop3A_1021], %parallel_loop3A_1024 {strides = array<i32>} : memref<4x32x768xf32, #tpu.memory_space<vmem>>, vector<1x1x16xf32>,
        %parallel_loop3A_1025 = arith.constant 3 : i32
        %parallel_loop3A_1026 = arith.constant 16 : i32
        %parallel_loop3A_1027 = arith.index_cast %parallel_loop3A_1025 : i32 to index
        %parallel_loop3A_1028 = arith.index_cast %parallel_loop3A_1026 : i32 to index
        %parallel_loop3A_1029 = arith.index_cast %parallel_loop3A_985 : i32 to index
        %parallel_loop3A_1030 = tpu.vector_load %arg7[%parallel_loop3A_1027, %parallel_loop3A_1028, %parallel_loop3A_1029] {strides = array<i32>} : memref<4x32x768xf32, #tpu.memory_space<vmem>>, vector<1x1x16xf32>,
        %parallel_loop3A_1031 = vector.shape_cast %parallel_loop3A_1030 : vector<1x1x16xf32> to vector<16xf32>
        %parallel_loop3A_1032 = arith.addf %parallel_loop3A_1031, %parallel_loop3A_992 : vector<16xf32>
        %parallel_loop3A_1033 = arith.constant 3 : i32
        %parallel_loop3A_1034 = arith.constant 16 : i32
        %parallel_loop3A_1035 = arith.index_cast %parallel_loop3A_1033 : i32 to index
        %parallel_loop3A_1036 = arith.index_cast %parallel_loop3A_1034 : i32 to index
        %parallel_loop3A_1037 = arith.index_cast %parallel_loop3A_985 : i32 to index
        %parallel_loop3A_1038 = tpu.vector_load %arg7[%parallel_loop3A_1035, %parallel_loop3A_1036, %parallel_loop3A_1037] {strides = array<i32>} : memref<4x32x768xf32, #tpu.memory_space<vmem>>, vector<1x1x16xf32>,
        %parallel_loop3A_1039 = vector.shape_cast %parallel_loop3A_1038 : vector<1x1x16xf32> to vector<16xf32>
        %parallel_loop3A_1040 = vector.shape_cast %parallel_loop3A_1032 : vector<16xf32> to vector<1x1x16xf32>
        tpu.vector_store %arg7[%parallel_loop3A_1035, %parallel_loop3A_1036, %parallel_loop3A_1037], %parallel_loop3A_1040 {strides = array<i32>} : memref<4x32x768xf32, #tpu.memory_space<vmem>>, vector<1x1x16xf32>,
        %parallel_loop3A_1041 = arith.constant 3 : i32
        %parallel_loop3A_1042 = arith.constant 24 : i32
        %parallel_loop3A_1043 = arith.index_cast %parallel_loop3A_1041 : i32 to index
        %parallel_loop3A_1044 = arith.index_cast %parallel_loop3A_1042 : i32 to index
        %parallel_loop3A_1045 = arith.index_cast %parallel_loop3A_985 : i32 to index
        %parallel_loop3A_1046 = tpu.vector_load %arg7[%parallel_loop3A_1043, %parallel_loop3A_1044, %parallel_loop3A_1045] {strides = array<i32>} : memref<4x32x768xf32, #tpu.memory_space<vmem>>, vector<1x1x16xf32>,
        %parallel_loop3A_1047 = vector.shape_cast %parallel_loop3A_1046 : vector<1x1x16xf32> to vector<16xf32>
        %parallel_loop3A_1048 = arith.addf %parallel_loop3A_1047, %parallel_loop3A_992 : vector<16xf32>
        %parallel_loop3A_1049 = arith.constant 3 : i32
        %parallel_loop3A_1050 = arith.constant 24 : i32
        %parallel_loop3A_1051 = arith.index_cast %parallel_loop3A_1049 : i32 to index
        %parallel_loop3A_1052 = arith.index_cast %parallel_loop3A_1050 : i32 to index
        %parallel_loop3A_1053 = arith.index_cast %parallel_loop3A_985 : i32 to index
        %parallel_loop3A_1054 = tpu.vector_load %arg7[%parallel_loop3A_1051, %parallel_loop3A_1052, %parallel_loop3A_1053] {strides = array<i32>} : memref<4x32x768xf32, #tpu.memory_space<vmem>>, vector<1x1x16xf32>,
        %parallel_loop3A_1055 = vector.shape_cast %parallel_loop3A_1054 : vector<1x1x16xf32> to vector<16xf32>
        %parallel_loop3A_1056 = vector.shape_cast %parallel_loop3A_1048 : vector<16xf32> to vector<1x1x16xf32>
        tpu.vector_store %arg7[%parallel_loop3A_1051, %parallel_loop3A_1052, %parallel_loop3A_1053], %parallel_loop3A_1056 {strides = array<i32>} : memref<4x32x768xf32, #tpu.memory_space<vmem>>, vector<1x1x16xf32>,
        %parallel_loop3A_1057 = arith.constant 3 : i32
        %parallel_loop3A_1058 = arith.constant 1 : i32
        %parallel_loop3A_1059 = arith.index_cast %parallel_loop3A_1057 : i32 to index
        %parallel_loop3A_1060 = arith.index_cast %parallel_loop3A_1058 : i32 to index
        %parallel_loop3A_1061 = arith.index_cast %parallel_loop3A_985 : i32 to index
        %parallel_loop3A_1062 = tpu.vector_load %arg8[%parallel_loop3A_1059, %parallel_loop3A_1060, %parallel_loop3A_1061] {strides = array<i32>} : memref<4x8x768xf32, #tpu.memory_space<vmem>>, vector<1x1x16xf32>,
        %parallel_loop3A_1063 = vector.shape_cast %parallel_loop3A_1062 : vector<1x1x16xf32> to vector<16xf32>
        %parallel_loop3A_1064 = arith.constant 3 : i32
        %parallel_loop3A_1065 = arith.constant 1 : i32
        %parallel_loop3A_1066 = arith.index_cast %parallel_loop3A_1064 : i32 to index
        %parallel_loop3A_1067 = arith.index_cast %parallel_loop3A_1065 : i32 to index
        %parallel_loop3A_1068 = arith.index_cast %parallel_loop3A_985 : i32 to index
        %parallel_loop3A_1069 = tpu.vector_load %arg7[%parallel_loop3A_1066, %parallel_loop3A_1067, %parallel_loop3A_1068] {strides = array<i32>} : memref<4x32x768xf32, #tpu.memory_space<vmem>>, vector<1x1x16xf32>,
        %parallel_loop3A_1070 = vector.shape_cast %parallel_loop3A_1069 : vector<1x1x16xf32> to vector<16xf32>
        %parallel_loop3A_1071 = arith.addf %parallel_loop3A_1070, %parallel_loop3A_1063 : vector<16xf32>
        %parallel_loop3A_1072 = arith.constant 3 : i32
        %parallel_loop3A_1073 = arith.constant 1 : i32
        %parallel_loop3A_1074 = arith.index_cast %parallel_loop3A_1072 : i32 to index
        %parallel_loop3A_1075 = arith.index_cast %parallel_loop3A_1073 : i32 to index
        %parallel_loop3A_1076 = arith.index_cast %parallel_loop3A_985 : i32 to index
        %parallel_loop3A_1077 = tpu.vector_load %arg7[%parallel_loop3A_1074, %parallel_loop3A_1075, %parallel_loop3A_1076] {strides = array<i32>} : memref<4x32x768xf32, #tpu.memory_space<vmem>>, vector<1x1x16xf32>,
        %parallel_loop3A_1078 = vector.shape_cast %parallel_loop3A_1077 : vector<1x1x16xf32> to vector<16xf32>
        %parallel_loop3A_1079 = vector.shape_cast %parallel_loop3A_1071 : vector<16xf32> to vector<1x1x16xf32>
        tpu.vector_store %arg7[%parallel_loop3A_1074, %parallel_loop3A_1075, %parallel_loop3A_1076], %parallel_loop3A_1079 {strides = array<i32>} : memref<4x32x768xf32, #tpu.memory_space<vmem>>, vector<1x1x16xf32>,
        %parallel_loop3A_1080 = arith.constant 3 : i32
        %parallel_loop3A_1081 = arith.constant 9 : i32
        %parallel_loop3A_1082 = arith.index_cast %parallel_loop3A_1080 : i32 to index
        %parallel_loop3A_1083 = arith.index_cast %parallel_loop3A_1081 : i32 to index
        %parallel_loop3A_1084 = arith.index_cast %parallel_loop3A_985 : i32 to index
        %parallel_loop3A_1085 = tpu.vector_load %arg7[%parallel_loop3A_1082, %parallel_loop3A_1083, %parallel_loop3A_1084] {strides = array<i32>} : memref<4x32x768xf32, #tpu.memory_space<vmem>>, vector<1x1x16xf32>,
        %parallel_loop3A_1086 = vector.shape_cast %parallel_loop3A_1085 : vector<1x1x16xf32> to vector<16xf32>
        %parallel_loop3A_1087 = arith.addf %parallel_loop3A_1086, %parallel_loop3A_1063 : vector<16xf32>
        %parallel_loop3A_1088 = arith.constant 3 : i32
        %parallel_loop3A_1089 = arith.constant 9 : i32
        %parallel_loop3A_1090 = arith.index_cast %parallel_loop3A_1088 : i32 to index
        %parallel_loop3A_1091 = arith.index_cast %parallel_loop3A_1089 : i32 to index
        %parallel_loop3A_1092 = arith.index_cast %parallel_loop3A_985 : i32 to index
        %parallel_loop3A_1093 = tpu.vector_load %arg7[%parallel_loop3A_1090, %parallel_loop3A_1091, %parallel_loop3A_1092] {strides = array<i32>} : memref<4x32x768xf32, #tpu.memory_space<vmem>>, vector<1x1x16xf32>,
        %parallel_loop3A_1094 = vector.shape_cast %parallel_loop3A_1093 : vector<1x1x16xf32> to vector<16xf32>
        %parallel_loop3A_1095 = vector.shape_cast %parallel_loop3A_1087 : vector<16xf32> to vector<1x1x16xf32>
        tpu.vector_store %arg7[%parallel_loop3A_1090, %parallel_loop3A_1091, %parallel_loop3A_1092], %parallel_loop3A_1095 {strides = array<i32>} : memref<4x32x768xf32, #tpu.memory_space<vmem>>, vector<1x1x16xf32>,
        %parallel_loop3A_1096 = arith.constant 3 : i32
        %parallel_loop3A_1097 = arith.constant 17 : i32
        %parallel_loop3A_1098 = arith.index_cast %parallel_loop3A_1096 : i32 to index
        %parallel_loop3A_1099 = arith.index_cast %parallel_loop3A_1097 : i32 to index
        %parallel_loop3A_1100 = arith.index_cast %parallel_loop3A_985 : i32 to index
        %parallel_loop3A_1101 = tpu.vector_load %arg7[%parallel_loop3A_1098, %parallel_loop3A_1099, %parallel_loop3A_1100] {strides = array<i32>} : memref<4x32x768xf32, #tpu.memory_space<vmem>>, vector<1x1x16xf32>,
        %parallel_loop3A_1102 = vector.shape_cast %parallel_loop3A_1101 : vector<1x1x16xf32> to vector<16xf32>
        %parallel_loop3A_1103 = arith.addf %parallel_loop3A_1102, %parallel_loop3A_1063 : vector<16xf32>
        %parallel_loop3A_1104 = arith.constant 3 : i32
        %parallel_loop3A_1105 = arith.constant 17 : i32
        %parallel_loop3A_1106 = arith.index_cast %parallel_loop3A_1104 : i32 to index
        %parallel_loop3A_1107 = arith.index_cast %parallel_loop3A_1105 : i32 to index
        %parallel_loop3A_1108 = arith.index_cast %parallel_loop3A_985 : i32 to index
        %parallel_loop3A_1109 = tpu.vector_load %arg7[%parallel_loop3A_1106, %parallel_loop3A_1107, %parallel_loop3A_1108] {strides = array<i32>} : memref<4x32x768xf32, #tpu.memory_space<vmem>>, vector<1x1x16xf32>,
        %parallel_loop3A_1110 = vector.shape_cast %parallel_loop3A_1109 : vector<1x1x16xf32> to vector<16xf32>
        %parallel_loop3A_1111 = vector.shape_cast %parallel_loop3A_1103 : vector<16xf32> to vector<1x1x16xf32>
        tpu.vector_store %arg7[%parallel_loop3A_1106, %parallel_loop3A_1107, %parallel_loop3A_1108], %parallel_loop3A_1111 {strides = array<i32>} : memref<4x32x768xf32, #tpu.memory_space<vmem>>, vector<1x1x16xf32>,
        %parallel_loop3A_1112 = arith.constant 3 : i32
        %parallel_loop3A_1113 = arith.constant 25 : i32
        %parallel_loop3A_1114 = arith.index_cast %parallel_loop3A_1112 : i32 to index
        %parallel_loop3A_1115 = arith.index_cast %parallel_loop3A_1113 : i32 to index
        %parallel_loop3A_1116 = arith.index_cast %parallel_loop3A_985 : i32 to index
        %parallel_loop3A_1117 = tpu.vector_load %arg7[%parallel_loop3A_1114, %parallel_loop3A_1115, %parallel_loop3A_1116] {strides = array<i32>} : memref<4x32x768xf32, #tpu.memory_space<vmem>>, vector<1x1x16xf32>,
        %parallel_loop3A_1118 = vector.shape_cast %parallel_loop3A_1117 : vector<1x1x16xf32> to vector<16xf32>
        %parallel_loop3A_1119 = arith.addf %parallel_loop3A_1118, %parallel_loop3A_1063 : vector<16xf32>
        %parallel_loop3A_1120 = arith.constant 3 : i32
        %parallel_loop3A_1121 = arith.constant 25 : i32
        %parallel_loop3A_1122 = arith.index_cast %parallel_loop3A_1120 : i32 to index
        %parallel_loop3A_1123 = arith.index_cast %parallel_loop3A_1121 : i32 to index
        %parallel_loop3A_1124 = arith.index_cast %parallel_loop3A_985 : i32 to index
        %parallel_loop3A_1125 = tpu.vector_load %arg7[%parallel_loop3A_1122, %parallel_loop3A_1123, %parallel_loop3A_1124] {strides = array<i32>} : memref<4x32x768xf32, #tpu.memory_space<vmem>>, vector<1x1x16xf32>,
        %parallel_loop3A_1126 = vector.shape_cast %parallel_loop3A_1125 : vector<1x1x16xf32> to vector<16xf32>
        %parallel_loop3A_1127 = vector.shape_cast %parallel_loop3A_1119 : vector<16xf32> to vector<1x1x16xf32>
        tpu.vector_store %arg7[%parallel_loop3A_1122, %parallel_loop3A_1123, %parallel_loop3A_1124], %parallel_loop3A_1127 {strides = array<i32>} : memref<4x32x768xf32, #tpu.memory_space<vmem>>, vector<1x1x16xf32>,
        %parallel_loop3A_1128 = arith.constant 3 : i32
        %parallel_loop3A_1129 = arith.constant 2 : i32
        %parallel_loop3A_1130 = arith.index_cast %parallel_loop3A_1128 : i32 to index
        %parallel_loop3A_1131 = arith.index_cast %parallel_loop3A_1129 : i32 to index
        %parallel_loop3A_1132 = arith.index_cast %parallel_loop3A_985 : i32 to index
        %parallel_loop3A_1133 = tpu.vector_load %arg8[%parallel_loop3A_1130, %parallel_loop3A_1131, %parallel_loop3A_1132] {strides = array<i32>} : memref<4x8x768xf32, #tpu.memory_space<vmem>>, vector<1x1x16xf32>,
        %parallel_loop3A_1134 = vector.shape_cast %parallel_loop3A_1133 : vector<1x1x16xf32> to vector<16xf32>
        %parallel_loop3A_1135 = arith.constant 3 : i32
        %parallel_loop3A_1136 = arith.constant 2 : i32
        %parallel_loop3A_1137 = arith.index_cast %parallel_loop3A_1135 : i32 to index
        %parallel_loop3A_1138 = arith.index_cast %parallel_loop3A_1136 : i32 to index
        %parallel_loop3A_1139 = arith.index_cast %parallel_loop3A_985 : i32 to index
        %parallel_loop3A_1140 = tpu.vector_load %arg7[%parallel_loop3A_1137, %parallel_loop3A_1138, %parallel_loop3A_1139] {strides = array<i32>} : memref<4x32x768xf32, #tpu.memory_space<vmem>>, vector<1x1x16xf32>,
        %parallel_loop3A_1141 = vector.shape_cast %parallel_loop3A_1140 : vector<1x1x16xf32> to vector<16xf32>
        %parallel_loop3A_1142 = arith.addf %parallel_loop3A_1141, %parallel_loop3A_1134 : vector<16xf32>
        %parallel_loop3A_1143 = arith.constant 3 : i32
        %parallel_loop3A_1144 = arith.constant 2 : i32
        %parallel_loop3A_1145 = arith.index_cast %parallel_loop3A_1143 : i32 to index
        %parallel_loop3A_1146 = arith.index_cast %parallel_loop3A_1144 : i32 to index
        %parallel_loop3A_1147 = arith.index_cast %parallel_loop3A_985 : i32 to index
        %parallel_loop3A_1148 = tpu.vector_load %arg7[%parallel_loop3A_1145, %parallel_loop3A_1146, %parallel_loop3A_1147] {strides = array<i32>} : memref<4x32x768xf32, #tpu.memory_space<vmem>>, vector<1x1x16xf32>,
        %parallel_loop3A_1149 = vector.shape_cast %parallel_loop3A_1148 : vector<1x1x16xf32> to vector<16xf32>
        %parallel_loop3A_1150 = vector.shape_cast %parallel_loop3A_1142 : vector<16xf32> to vector<1x1x16xf32>
        tpu.vector_store %arg7[%parallel_loop3A_1145, %parallel_loop3A_1146, %parallel_loop3A_1147], %parallel_loop3A_1150 {strides = array<i32>} : memref<4x32x768xf32, #tpu.memory_space<vmem>>, vector<1x1x16xf32>,
        %parallel_loop3A_1151 = arith.constant 3 : i32
        %parallel_loop3A_1152 = arith.constant 10 : i32
        %parallel_loop3A_1153 = arith.index_cast %parallel_loop3A_1151 : i32 to index
        %parallel_loop3A_1154 = arith.index_cast %parallel_loop3A_1152 : i32 to index
        %parallel_loop3A_1155 = arith.index_cast %parallel_loop3A_985 : i32 to index
        %parallel_loop3A_1156 = tpu.vector_load %arg7[%parallel_loop3A_1153, %parallel_loop3A_1154, %parallel_loop3A_1155] {strides = array<i32>} : memref<4x32x768xf32, #tpu.memory_space<vmem>>, vector<1x1x16xf32>,
        %parallel_loop3A_1157 = vector.shape_cast %parallel_loop3A_1156 : vector<1x1x16xf32> to vector<16xf32>
        %parallel_loop3A_1158 = arith.addf %parallel_loop3A_1157, %parallel_loop3A_1134 : vector<16xf32>
        %parallel_loop3A_1159 = arith.constant 3 : i32
        %parallel_loop3A_1160 = arith.constant 10 : i32
        %parallel_loop3A_1161 = arith.index_cast %parallel_loop3A_1159 : i32 to index
        %parallel_loop3A_1162 = arith.index_cast %parallel_loop3A_1160 : i32 to index
        %parallel_loop3A_1163 = arith.index_cast %parallel_loop3A_985 : i32 to index
        %parallel_loop3A_1164 = tpu.vector_load %arg7[%parallel_loop3A_1161, %parallel_loop3A_1162, %parallel_loop3A_1163] {strides = array<i32>} : memref<4x32x768xf32, #tpu.memory_space<vmem>>, vector<1x1x16xf32>,
        %parallel_loop3A_1165 = vector.shape_cast %parallel_loop3A_1164 : vector<1x1x16xf32> to vector<16xf32>
        %parallel_loop3A_1166 = vector.shape_cast %parallel_loop3A_1158 : vector<16xf32> to vector<1x1x16xf32>
        tpu.vector_store %arg7[%parallel_loop3A_1161, %parallel_loop3A_1162, %parallel_loop3A_1163], %parallel_loop3A_1166 {strides = array<i32>} : memref<4x32x768xf32, #tpu.memory_space<vmem>>, vector<1x1x16xf32>,
        %parallel_loop3A_1167 = arith.constant 3 : i32
        %parallel_loop3A_1168 = arith.constant 18 : i32
        %parallel_loop3A_1169 = arith.index_cast %parallel_loop3A_1167 : i32 to index
        %parallel_loop3A_1170 = arith.index_cast %parallel_loop3A_1168 : i32 to index
        %parallel_loop3A_1171 = arith.index_cast %parallel_loop3A_985 : i32 to index
        %parallel_loop3A_1172 = tpu.vector_load %arg7[%parallel_loop3A_1169, %parallel_loop3A_1170, %parallel_loop3A_1171] {strides = array<i32>} : memref<4x32x768xf32, #tpu.memory_space<vmem>>, vector<1x1x16xf32>,
        %parallel_loop3A_1173 = vector.shape_cast %parallel_loop3A_1172 : vector<1x1x16xf32> to vector<16xf32>
        %parallel_loop3A_1174 = arith.addf %parallel_loop3A_1173, %parallel_loop3A_1134 : vector<16xf32>
        %parallel_loop3A_1175 = arith.constant 3 : i32
        %parallel_loop3A_1176 = arith.constant 18 : i32
        %parallel_loop3A_1177 = arith.index_cast %parallel_loop3A_1175 : i32 to index
        %parallel_loop3A_1178 = arith.index_cast %parallel_loop3A_1176 : i32 to index
        %parallel_loop3A_1179 = arith.index_cast %parallel_loop3A_985 : i32 to index
        %parallel_loop3A_1180 = tpu.vector_load %arg7[%parallel_loop3A_1177, %parallel_loop3A_1178, %parallel_loop3A_1179] {strides = array<i32>} : memref<4x32x768xf32, #tpu.memory_space<vmem>>, vector<1x1x16xf32>,
        %parallel_loop3A_1181 = vector.shape_cast %parallel_loop3A_1180 : vector<1x1x16xf32> to vector<16xf32>
        %parallel_loop3A_1182 = vector.shape_cast %parallel_loop3A_1174 : vector<16xf32> to vector<1x1x16xf32>
        tpu.vector_store %arg7[%parallel_loop3A_1177, %parallel_loop3A_1178, %parallel_loop3A_1179], %parallel_loop3A_1182 {strides = array<i32>} : memref<4x32x768xf32, #tpu.memory_space<vmem>>, vector<1x1x16xf32>,
        %parallel_loop3A_1183 = arith.constant 3 : i32
        %parallel_loop3A_1184 = arith.constant 26 : i32
        %parallel_loop3A_1185 = arith.index_cast %parallel_loop3A_1183 : i32 to index
        %parallel_loop3A_1186 = arith.index_cast %parallel_loop3A_1184 : i32 to index
        %parallel_loop3A_1187 = arith.index_cast %parallel_loop3A_985 : i32 to index
        %parallel_loop3A_1188 = tpu.vector_load %arg7[%parallel_loop3A_1185, %parallel_loop3A_1186, %parallel_loop3A_1187] {strides = array<i32>} : memref<4x32x768xf32, #tpu.memory_space<vmem>>, vector<1x1x16xf32>,
        %parallel_loop3A_1189 = vector.shape_cast %parallel_loop3A_1188 : vector<1x1x16xf32> to vector<16xf32>
        %parallel_loop3A_1190 = arith.addf %parallel_loop3A_1189, %parallel_loop3A_1134 : vector<16xf32>
        %parallel_loop3A_1191 = arith.constant 3 : i32
        %parallel_loop3A_1192 = arith.constant 26 : i32
        %parallel_loop3A_1193 = arith.index_cast %parallel_loop3A_1191 : i32 to index
        %parallel_loop3A_1194 = arith.index_cast %parallel_loop3A_1192 : i32 to index
        %parallel_loop3A_1195 = arith.index_cast %parallel_loop3A_985 : i32 to index
        %parallel_loop3A_1196 = tpu.vector_load %arg7[%parallel_loop3A_1193, %parallel_loop3A_1194, %parallel_loop3A_1195] {strides = array<i32>} : memref<4x32x768xf32, #tpu.memory_space<vmem>>, vector<1x1x16xf32>,
        %parallel_loop3A_1197 = vector.shape_cast %parallel_loop3A_1196 : vector<1x1x16xf32> to vector<16xf32>
        %parallel_loop3A_1198 = vector.shape_cast %parallel_loop3A_1190 : vector<16xf32> to vector<1x1x16xf32>
        tpu.vector_store %arg7[%parallel_loop3A_1193, %parallel_loop3A_1194, %parallel_loop3A_1195], %parallel_loop3A_1198 {strides = array<i32>} : memref<4x32x768xf32, #tpu.memory_space<vmem>>, vector<1x1x16xf32>,
        %parallel_loop3A_1199 = arith.constant 3 : i32
        %parallel_loop3A_1200 = arith.constant 3 : i32
        %parallel_loop3A_1201 = arith.index_cast %parallel_loop3A_1199 : i32 to index
        %parallel_loop3A_1202 = arith.index_cast %parallel_loop3A_1200 : i32 to index
        %parallel_loop3A_1203 = arith.index_cast %parallel_loop3A_985 : i32 to index
        %parallel_loop3A_1204 = tpu.vector_load %arg8[%parallel_loop3A_1201, %parallel_loop3A_1202, %parallel_loop3A_1203] {strides = array<i32>} : memref<4x8x768xf32, #tpu.memory_space<vmem>>, vector<1x1x16xf32>,
        %parallel_loop3A_1205 = vector.shape_cast %parallel_loop3A_1204 : vector<1x1x16xf32> to vector<16xf32>
        %parallel_loop3A_1206 = arith.constant 3 : i32
        %parallel_loop3A_1207 = arith.constant 3 : i32
        %parallel_loop3A_1208 = arith.index_cast %parallel_loop3A_1206 : i32 to index
        %parallel_loop3A_1209 = arith.index_cast %parallel_loop3A_1207 : i32 to index
        %parallel_loop3A_1210 = arith.index_cast %parallel_loop3A_985 : i32 to index
        %parallel_loop3A_1211 = tpu.vector_load %arg7[%parallel_loop3A_1208, %parallel_loop3A_1209, %parallel_loop3A_1210] {strides = array<i32>} : memref<4x32x768xf32, #tpu.memory_space<vmem>>, vector<1x1x16xf32>,
        %parallel_loop3A_1212 = vector.shape_cast %parallel_loop3A_1211 : vector<1x1x16xf32> to vector<16xf32>
        %parallel_loop3A_1213 = arith.addf %parallel_loop3A_1212, %parallel_loop3A_1205 : vector<16xf32>
        %parallel_loop3A_1214 = arith.constant 3 : i32
        %parallel_loop3A_1215 = arith.constant 3 : i32
        %parallel_loop3A_1216 = arith.index_cast %parallel_loop3A_1214 : i32 to index
        %parallel_loop3A_1217 = arith.index_cast %parallel_loop3A_1215 : i32 to index
        %parallel_loop3A_1218 = arith.index_cast %parallel_loop3A_985 : i32 to index
        %parallel_loop3A_1219 = tpu.vector_load %arg7[%parallel_loop3A_1216, %parallel_loop3A_1217, %parallel_loop3A_1218] {strides = array<i32>} : memref<4x32x768xf32, #tpu.memory_space<vmem>>, vector<1x1x16xf32>,
        %parallel_loop3A_1220 = vector.shape_cast %parallel_loop3A_1219 : vector<1x1x16xf32> to vector<16xf32>
        %parallel_loop3A_1221 = vector.shape_cast %parallel_loop3A_1213 : vector<16xf32> to vector<1x1x16xf32>
        tpu.vector_store %arg7[%parallel_loop3A_1216, %parallel_loop3A_1217, %parallel_loop3A_1218], %parallel_loop3A_1221 {strides = array<i32>} : memref<4x32x768xf32, #tpu.memory_space<vmem>>, vector<1x1x16xf32>,
        %parallel_loop3A_1222 = arith.constant 3 : i32
        %parallel_loop3A_1223 = arith.constant 11 : i32
        %parallel_loop3A_1224 = arith.index_cast %parallel_loop3A_1222 : i32 to index
        %parallel_loop3A_1225 = arith.index_cast %parallel_loop3A_1223 : i32 to index
        %parallel_loop3A_1226 = arith.index_cast %parallel_loop3A_985 : i32 to index
        %parallel_loop3A_1227 = tpu.vector_load %arg7[%parallel_loop3A_1224, %parallel_loop3A_1225, %parallel_loop3A_1226] {strides = array<i32>} : memref<4x32x768xf32, #tpu.memory_space<vmem>>, vector<1x1x16xf32>,
        %parallel_loop3A_1228 = vector.shape_cast %parallel_loop3A_1227 : vector<1x1x16xf32> to vector<16xf32>
        %parallel_loop3A_1229 = arith.addf %parallel_loop3A_1228, %parallel_loop3A_1205 : vector<16xf32>
        %parallel_loop3A_1230 = arith.constant 3 : i32
        %parallel_loop3A_1231 = arith.constant 11 : i32
        %parallel_loop3A_1232 = arith.index_cast %parallel_loop3A_1230 : i32 to index
        %parallel_loop3A_1233 = arith.index_cast %parallel_loop3A_1231 : i32 to index
        %parallel_loop3A_1234 = arith.index_cast %parallel_loop3A_985 : i32 to index
        %parallel_loop3A_1235 = tpu.vector_load %arg7[%parallel_loop3A_1232, %parallel_loop3A_1233, %parallel_loop3A_1234] {strides = array<i32>} : memref<4x32x768xf32, #tpu.memory_space<vmem>>, vector<1x1x16xf32>,
        %parallel_loop3A_1236 = vector.shape_cast %parallel_loop3A_1235 : vector<1x1x16xf32> to vector<16xf32>
        %parallel_loop3A_1237 = vector.shape_cast %parallel_loop3A_1229 : vector<16xf32> to vector<1x1x16xf32>
        tpu.vector_store %arg7[%parallel_loop3A_1232, %parallel_loop3A_1233, %parallel_loop3A_1234], %parallel_loop3A_1237 {strides = array<i32>} : memref<4x32x768xf32, #tpu.memory_space<vmem>>, vector<1x1x16xf32>,
        %parallel_loop3A_1238 = arith.constant 3 : i32
        %parallel_loop3A_1239 = arith.constant 19 : i32
        %parallel_loop3A_1240 = arith.index_cast %parallel_loop3A_1238 : i32 to index
        %parallel_loop3A_1241 = arith.index_cast %parallel_loop3A_1239 : i32 to index
        %parallel_loop3A_1242 = arith.index_cast %parallel_loop3A_985 : i32 to index
        %parallel_loop3A_1243 = tpu.vector_load %arg7[%parallel_loop3A_1240, %parallel_loop3A_1241, %parallel_loop3A_1242] {strides = array<i32>} : memref<4x32x768xf32, #tpu.memory_space<vmem>>, vector<1x1x16xf32>,
        %parallel_loop3A_1244 = vector.shape_cast %parallel_loop3A_1243 : vector<1x1x16xf32> to vector<16xf32>
        %parallel_loop3A_1245 = arith.addf %parallel_loop3A_1244, %parallel_loop3A_1205 : vector<16xf32>
        %parallel_loop3A_1246 = arith.constant 3 : i32
        %parallel_loop3A_1247 = arith.constant 19 : i32
        %parallel_loop3A_1248 = arith.index_cast %parallel_loop3A_1246 : i32 to index
        %parallel_loop3A_1249 = arith.index_cast %parallel_loop3A_1247 : i32 to index
        %parallel_loop3A_1250 = arith.index_cast %parallel_loop3A_985 : i32 to index
        %parallel_loop3A_1251 = tpu.vector_load %arg7[%parallel_loop3A_1248, %parallel_loop3A_1249, %parallel_loop3A_1250] {strides = array<i32>} : memref<4x32x768xf32, #tpu.memory_space<vmem>>, vector<1x1x16xf32>,
        %parallel_loop3A_1252 = vector.shape_cast %parallel_loop3A_1251 : vector<1x1x16xf32> to vector<16xf32>
        %parallel_loop3A_1253 = vector.shape_cast %parallel_loop3A_1245 : vector<16xf32> to vector<1x1x16xf32>
        tpu.vector_store %arg7[%parallel_loop3A_1248, %parallel_loop3A_1249, %parallel_loop3A_1250], %parallel_loop3A_1253 {strides = array<i32>} : memref<4x32x768xf32, #tpu.memory_space<vmem>>, vector<1x1x16xf32>,
        %parallel_loop3A_1254 = arith.constant 3 : i32
        %parallel_loop3A_1255 = arith.constant 27 : i32
        %parallel_loop3A_1256 = arith.index_cast %parallel_loop3A_1254 : i32 to index
        %parallel_loop3A_1257 = arith.index_cast %parallel_loop3A_1255 : i32 to index
        %parallel_loop3A_1258 = arith.index_cast %parallel_loop3A_985 : i32 to index
        %parallel_loop3A_1259 = tpu.vector_load %arg7[%parallel_loop3A_1256, %parallel_loop3A_1257, %parallel_loop3A_1258] {strides = array<i32>} : memref<4x32x768xf32, #tpu.memory_space<vmem>>, vector<1x1x16xf32>,
        %parallel_loop3A_1260 = vector.shape_cast %parallel_loop3A_1259 : vector<1x1x16xf32> to vector<16xf32>
        %parallel_loop3A_1261 = arith.addf %parallel_loop3A_1260, %parallel_loop3A_1205 : vector<16xf32>
        %parallel_loop3A_1262 = arith.constant 3 : i32
        %parallel_loop3A_1263 = arith.constant 27 : i32
        %parallel_loop3A_1264 = arith.index_cast %parallel_loop3A_1262 : i32 to index
        %parallel_loop3A_1265 = arith.index_cast %parallel_loop3A_1263 : i32 to index
        %parallel_loop3A_1266 = arith.index_cast %parallel_loop3A_985 : i32 to index
        %parallel_loop3A_1267 = tpu.vector_load %arg7[%parallel_loop3A_1264, %parallel_loop3A_1265, %parallel_loop3A_1266] {strides = array<i32>} : memref<4x32x768xf32, #tpu.memory_space<vmem>>, vector<1x1x16xf32>,
        %parallel_loop3A_1268 = vector.shape_cast %parallel_loop3A_1267 : vector<1x1x16xf32> to vector<16xf32>
        %parallel_loop3A_1269 = vector.shape_cast %parallel_loop3A_1261 : vector<16xf32> to vector<1x1x16xf32>
        tpu.vector_store %arg7[%parallel_loop3A_1264, %parallel_loop3A_1265, %parallel_loop3A_1266], %parallel_loop3A_1269 {strides = array<i32>} : memref<4x32x768xf32, #tpu.memory_space<vmem>>, vector<1x1x16xf32>,
        %parallel_loop3A_1270 = arith.constant 3 : i32
        %parallel_loop3A_1271 = arith.constant 4 : i32
        %parallel_loop3A_1272 = arith.index_cast %parallel_loop3A_1270 : i32 to index
        %parallel_loop3A_1273 = arith.index_cast %parallel_loop3A_1271 : i32 to index
        %parallel_loop3A_1274 = arith.index_cast %parallel_loop3A_985 : i32 to index
        %parallel_loop3A_1275 = tpu.vector_load %arg8[%parallel_loop3A_1272, %parallel_loop3A_1273, %parallel_loop3A_1274] {strides = array<i32>} : memref<4x8x768xf32, #tpu.memory_space<vmem>>, vector<1x1x16xf32>,
        %parallel_loop3A_1276 = vector.shape_cast %parallel_loop3A_1275 : vector<1x1x16xf32> to vector<16xf32>
        %parallel_loop3A_1277 = arith.constant 3 : i32
        %parallel_loop3A_1278 = arith.constant 4 : i32
        %parallel_loop3A_1279 = arith.index_cast %parallel_loop3A_1277 : i32 to index
        %parallel_loop3A_1280 = arith.index_cast %parallel_loop3A_1278 : i32 to index
        %parallel_loop3A_1281 = arith.index_cast %parallel_loop3A_985 : i32 to index
        %parallel_loop3A_1282 = tpu.vector_load %arg7[%parallel_loop3A_1279, %parallel_loop3A_1280, %parallel_loop3A_1281] {strides = array<i32>} : memref<4x32x768xf32, #tpu.memory_space<vmem>>, vector<1x1x16xf32>,
        %parallel_loop3A_1283 = vector.shape_cast %parallel_loop3A_1282 : vector<1x1x16xf32> to vector<16xf32>
        %parallel_loop3A_1284 = arith.addf %parallel_loop3A_1283, %parallel_loop3A_1276 : vector<16xf32>
        %parallel_loop3A_1285 = arith.constant 3 : i32
        %parallel_loop3A_1286 = arith.constant 4 : i32
        %parallel_loop3A_1287 = arith.index_cast %parallel_loop3A_1285 : i32 to index
        %parallel_loop3A_1288 = arith.index_cast %parallel_loop3A_1286 : i32 to index
        %parallel_loop3A_1289 = arith.index_cast %parallel_loop3A_985 : i32 to index
        %parallel_loop3A_1290 = tpu.vector_load %arg7[%parallel_loop3A_1287, %parallel_loop3A_1288, %parallel_loop3A_1289] {strides = array<i32>} : memref<4x32x768xf32, #tpu.memory_space<vmem>>, vector<1x1x16xf32>,
        %parallel_loop3A_1291 = vector.shape_cast %parallel_loop3A_1290 : vector<1x1x16xf32> to vector<16xf32>
        %parallel_loop3A_1292 = vector.shape_cast %parallel_loop3A_1284 : vector<16xf32> to vector<1x1x16xf32>
        tpu.vector_store %arg7[%parallel_loop3A_1287, %parallel_loop3A_1288, %parallel_loop3A_1289], %parallel_loop3A_1292 {strides = array<i32>} : memref<4x32x768xf32, #tpu.memory_space<vmem>>, vector<1x1x16xf32>,
        %parallel_loop3A_1293 = arith.constant 3 : i32
        %parallel_loop3A_1294 = arith.constant 12 : i32
        %parallel_loop3A_1295 = arith.index_cast %parallel_loop3A_1293 : i32 to index
        %parallel_loop3A_1296 = arith.index_cast %parallel_loop3A_1294 : i32 to index
        %parallel_loop3A_1297 = arith.index_cast %parallel_loop3A_985 : i32 to index
        %parallel_loop3A_1298 = tpu.vector_load %arg7[%parallel_loop3A_1295, %parallel_loop3A_1296, %parallel_loop3A_1297] {strides = array<i32>} : memref<4x32x768xf32, #tpu.memory_space<vmem>>, vector<1x1x16xf32>,
        %parallel_loop3A_1299 = vector.shape_cast %parallel_loop3A_1298 : vector<1x1x16xf32> to vector<16xf32>
        %parallel_loop3A_1300 = arith.addf %parallel_loop3A_1299, %parallel_loop3A_1276 : vector<16xf32>
        %parallel_loop3A_1301 = arith.constant 3 : i32
        %parallel_loop3A_1302 = arith.constant 12 : i32
        %parallel_loop3A_1303 = arith.index_cast %parallel_loop3A_1301 : i32 to index
        %parallel_loop3A_1304 = arith.index_cast %parallel_loop3A_1302 : i32 to index
        %parallel_loop3A_1305 = arith.index_cast %parallel_loop3A_985 : i32 to index
        %parallel_loop3A_1306 = tpu.vector_load %arg7[%parallel_loop3A_1303, %parallel_loop3A_1304, %parallel_loop3A_1305] {strides = array<i32>} : memref<4x32x768xf32, #tpu.memory_space<vmem>>, vector<1x1x16xf32>,
        %parallel_loop3A_1307 = vector.shape_cast %parallel_loop3A_1306 : vector<1x1x16xf32> to vector<16xf32>
        %parallel_loop3A_1308 = vector.shape_cast %parallel_loop3A_1300 : vector<16xf32> to vector<1x1x16xf32>
        tpu.vector_store %arg7[%parallel_loop3A_1303, %parallel_loop3A_1304, %parallel_loop3A_1305], %parallel_loop3A_1308 {strides = array<i32>} : memref<4x32x768xf32, #tpu.memory_space<vmem>>, vector<1x1x16xf32>,
        %parallel_loop3A_1309 = arith.constant 3 : i32
        %parallel_loop3A_1310 = arith.constant 20 : i32
        %parallel_loop3A_1311 = arith.index_cast %parallel_loop3A_1309 : i32 to index
        %parallel_loop3A_1312 = arith.index_cast %parallel_loop3A_1310 : i32 to index
        %parallel_loop3A_1313 = arith.index_cast %parallel_loop3A_985 : i32 to index
        %parallel_loop3A_1314 = tpu.vector_load %arg7[%parallel_loop3A_1311, %parallel_loop3A_1312, %parallel_loop3A_1313] {strides = array<i32>} : memref<4x32x768xf32, #tpu.memory_space<vmem>>, vector<1x1x16xf32>,
        %parallel_loop3A_1315 = vector.shape_cast %parallel_loop3A_1314 : vector<1x1x16xf32> to vector<16xf32>
        %parallel_loop3A_1316 = arith.addf %parallel_loop3A_1315, %parallel_loop3A_1276 : vector<16xf32>
        %parallel_loop3A_1317 = arith.constant 3 : i32
        %parallel_loop3A_1318 = arith.constant 20 : i32
        %parallel_loop3A_1319 = arith.index_cast %parallel_loop3A_1317 : i32 to index
        %parallel_loop3A_1320 = arith.index_cast %parallel_loop3A_1318 : i32 to index
        %parallel_loop3A_1321 = arith.index_cast %parallel_loop3A_985 : i32 to index
        %parallel_loop3A_1322 = tpu.vector_load %arg7[%parallel_loop3A_1319, %parallel_loop3A_1320, %parallel_loop3A_1321] {strides = array<i32>} : memref<4x32x768xf32, #tpu.memory_space<vmem>>, vector<1x1x16xf32>,
        %parallel_loop3A_1323 = vector.shape_cast %parallel_loop3A_1322 : vector<1x1x16xf32> to vector<16xf32>
        %parallel_loop3A_1324 = vector.shape_cast %parallel_loop3A_1316 : vector<16xf32> to vector<1x1x16xf32>
        tpu.vector_store %arg7[%parallel_loop3A_1319, %parallel_loop3A_1320, %parallel_loop3A_1321], %parallel_loop3A_1324 {strides = array<i32>} : memref<4x32x768xf32, #tpu.memory_space<vmem>>, vector<1x1x16xf32>,
        %parallel_loop3A_1325 = arith.constant 3 : i32
        %parallel_loop3A_1326 = arith.constant 28 : i32
        %parallel_loop3A_1327 = arith.index_cast %parallel_loop3A_1325 : i32 to index
        %parallel_loop3A_1328 = arith.index_cast %parallel_loop3A_1326 : i32 to index
        %parallel_loop3A_1329 = arith.index_cast %parallel_loop3A_985 : i32 to index
        %parallel_loop3A_1330 = tpu.vector_load %arg7[%parallel_loop3A_1327, %parallel_loop3A_1328, %parallel_loop3A_1329] {strides = array<i32>} : memref<4x32x768xf32, #tpu.memory_space<vmem>>, vector<1x1x16xf32>,
        %parallel_loop3A_1331 = vector.shape_cast %parallel_loop3A_1330 : vector<1x1x16xf32> to vector<16xf32>
        %parallel_loop3A_1332 = arith.addf %parallel_loop3A_1331, %parallel_loop3A_1276 : vector<16xf32>
        %parallel_loop3A_1333 = arith.constant 3 : i32
        %parallel_loop3A_1334 = arith.constant 28 : i32
        %parallel_loop3A_1335 = arith.index_cast %parallel_loop3A_1333 : i32 to index
        %parallel_loop3A_1336 = arith.index_cast %parallel_loop3A_1334 : i32 to index
        %parallel_loop3A_1337 = arith.index_cast %parallel_loop3A_985 : i32 to index
        %parallel_loop3A_1338 = tpu.vector_load %arg7[%parallel_loop3A_1335, %parallel_loop3A_1336, %parallel_loop3A_1337] {strides = array<i32>} : memref<4x32x768xf32, #tpu.memory_space<vmem>>, vector<1x1x16xf32>,
        %parallel_loop3A_1339 = vector.shape_cast %parallel_loop3A_1338 : vector<1x1x16xf32> to vector<16xf32>
        %parallel_loop3A_1340 = vector.shape_cast %parallel_loop3A_1332 : vector<16xf32> to vector<1x1x16xf32>
        tpu.vector_store %arg7[%parallel_loop3A_1335, %parallel_loop3A_1336, %parallel_loop3A_1337], %parallel_loop3A_1340 {strides = array<i32>} : memref<4x32x768xf32, #tpu.memory_space<vmem>>, vector<1x1x16xf32>,
        %parallel_loop3A_1341 = arith.constant 3 : i32
        %parallel_loop3A_1342 = arith.constant 5 : i32
        %parallel_loop3A_1343 = arith.index_cast %parallel_loop3A_1341 : i32 to index
        %parallel_loop3A_1344 = arith.index_cast %parallel_loop3A_1342 : i32 to index
        %parallel_loop3A_1345 = arith.index_cast %parallel_loop3A_985 : i32 to index
        %parallel_loop3A_1346 = tpu.vector_load %arg8[%parallel_loop3A_1343, %parallel_loop3A_1344, %parallel_loop3A_1345] {strides = array<i32>} : memref<4x8x768xf32, #tpu.memory_space<vmem>>, vector<1x1x16xf32>,
        %parallel_loop3A_1347 = vector.shape_cast %parallel_loop3A_1346 : vector<1x1x16xf32> to vector<16xf32>
        %parallel_loop3A_1348 = arith.constant 3 : i32
        %parallel_loop3A_1349 = arith.constant 5 : i32
        %parallel_loop3A_1350 = arith.index_cast %parallel_loop3A_1348 : i32 to index
        %parallel_loop3A_1351 = arith.index_cast %parallel_loop3A_1349 : i32 to index
        %parallel_loop3A_1352 = arith.index_cast %parallel_loop3A_985 : i32 to index
        %parallel_loop3A_1353 = tpu.vector_load %arg7[%parallel_loop3A_1350, %parallel_loop3A_1351, %parallel_loop3A_1352] {strides = array<i32>} : memref<4x32x768xf32, #tpu.memory_space<vmem>>, vector<1x1x16xf32>,
        %parallel_loop3A_1354 = vector.shape_cast %parallel_loop3A_1353 : vector<1x1x16xf32> to vector<16xf32>
        %parallel_loop3A_1355 = arith.addf %parallel_loop3A_1354, %parallel_loop3A_1347 : vector<16xf32>
        %parallel_loop3A_1356 = arith.constant 3 : i32
        %parallel_loop3A_1357 = arith.constant 5 : i32
        %parallel_loop3A_1358 = arith.index_cast %parallel_loop3A_1356 : i32 to index
        %parallel_loop3A_1359 = arith.index_cast %parallel_loop3A_1357 : i32 to index
        %parallel_loop3A_1360 = arith.index_cast %parallel_loop3A_985 : i32 to index
        %parallel_loop3A_1361 = tpu.vector_load %arg7[%parallel_loop3A_1358, %parallel_loop3A_1359, %parallel_loop3A_1360] {strides = array<i32>} : memref<4x32x768xf32, #tpu.memory_space<vmem>>, vector<1x1x16xf32>,
        %parallel_loop3A_1362 = vector.shape_cast %parallel_loop3A_1361 : vector<1x1x16xf32> to vector<16xf32>
        %parallel_loop3A_1363 = vector.shape_cast %parallel_loop3A_1355 : vector<16xf32> to vector<1x1x16xf32>
        tpu.vector_store %arg7[%parallel_loop3A_1358, %parallel_loop3A_1359, %parallel_loop3A_1360], %parallel_loop3A_1363 {strides = array<i32>} : memref<4x32x768xf32, #tpu.memory_space<vmem>>, vector<1x1x16xf32>,
        %parallel_loop3A_1364 = arith.constant 3 : i32
        %parallel_loop3A_1365 = arith.constant 13 : i32
        %parallel_loop3A_1366 = arith.index_cast %parallel_loop3A_1364 : i32 to index
        %parallel_loop3A_1367 = arith.index_cast %parallel_loop3A_1365 : i32 to index
        %parallel_loop3A_1368 = arith.index_cast %parallel_loop3A_985 : i32 to index
        %parallel_loop3A_1369 = tpu.vector_load %arg7[%parallel_loop3A_1366, %parallel_loop3A_1367, %parallel_loop3A_1368] {strides = array<i32>} : memref<4x32x768xf32, #tpu.memory_space<vmem>>, vector<1x1x16xf32>,
        %parallel_loop3A_1370 = vector.shape_cast %parallel_loop3A_1369 : vector<1x1x16xf32> to vector<16xf32>
        %parallel_loop3A_1371 = arith.addf %parallel_loop3A_1370, %parallel_loop3A_1347 : vector<16xf32>
        %parallel_loop3A_1372 = arith.constant 3 : i32
        %parallel_loop3A_1373 = arith.constant 13 : i32
        %parallel_loop3A_1374 = arith.index_cast %parallel_loop3A_1372 : i32 to index
        %parallel_loop3A_1375 = arith.index_cast %parallel_loop3A_1373 : i32 to index
        %parallel_loop3A_1376 = arith.index_cast %parallel_loop3A_985 : i32 to index
        %parallel_loop3A_1377 = tpu.vector_load %arg7[%parallel_loop3A_1374, %parallel_loop3A_1375, %parallel_loop3A_1376] {strides = array<i32>} : memref<4x32x768xf32, #tpu.memory_space<vmem>>, vector<1x1x16xf32>,
        %parallel_loop3A_1378 = vector.shape_cast %parallel_loop3A_1377 : vector<1x1x16xf32> to vector<16xf32>
        %parallel_loop3A_1379 = vector.shape_cast %parallel_loop3A_1371 : vector<16xf32> to vector<1x1x16xf32>
        tpu.vector_store %arg7[%parallel_loop3A_1374, %parallel_loop3A_1375, %parallel_loop3A_1376], %parallel_loop3A_1379 {strides = array<i32>} : memref<4x32x768xf32, #tpu.memory_space<vmem>>, vector<1x1x16xf32>,
        %parallel_loop3A_1380 = arith.constant 3 : i32
        %parallel_loop3A_1381 = arith.constant 21 : i32
        %parallel_loop3A_1382 = arith.index_cast %parallel_loop3A_1380 : i32 to index
        %parallel_loop3A_1383 = arith.index_cast %parallel_loop3A_1381 : i32 to index
        %parallel_loop3A_1384 = arith.index_cast %parallel_loop3A_985 : i32 to index
        %parallel_loop3A_1385 = tpu.vector_load %arg7[%parallel_loop3A_1382, %parallel_loop3A_1383, %parallel_loop3A_1384] {strides = array<i32>} : memref<4x32x768xf32, #tpu.memory_space<vmem>>, vector<1x1x16xf32>,
        %parallel_loop3A_1386 = vector.shape_cast %parallel_loop3A_1385 : vector<1x1x16xf32> to vector<16xf32>
        %parallel_loop3A_1387 = arith.addf %parallel_loop3A_1386, %parallel_loop3A_1347 : vector<16xf32>
        %parallel_loop3A_1388 = arith.constant 3 : i32
        %parallel_loop3A_1389 = arith.constant 21 : i32
        %parallel_loop3A_1390 = arith.index_cast %parallel_loop3A_1388 : i32 to index
        %parallel_loop3A_1391 = arith.index_cast %parallel_loop3A_1389 : i32 to index
        %parallel_loop3A_1392 = arith.index_cast %parallel_loop3A_985 : i32 to index
        %parallel_loop3A_1393 = tpu.vector_load %arg7[%parallel_loop3A_1390, %parallel_loop3A_1391, %parallel_loop3A_1392] {strides = array<i32>} : memref<4x32x768xf32, #tpu.memory_space<vmem>>, vector<1x1x16xf32>,
        %parallel_loop3A_1394 = vector.shape_cast %parallel_loop3A_1393 : vector<1x1x16xf32> to vector<16xf32>
        %parallel_loop3A_1395 = vector.shape_cast %parallel_loop3A_1387 : vector<16xf32> to vector<1x1x16xf32>
        tpu.vector_store %arg7[%parallel_loop3A_1390, %parallel_loop3A_1391, %parallel_loop3A_1392], %parallel_loop3A_1395 {strides = array<i32>} : memref<4x32x768xf32, #tpu.memory_space<vmem>>, vector<1x1x16xf32>,
        %parallel_loop3A_1396 = arith.constant 3 : i32
        %parallel_loop3A_1397 = arith.constant 29 : i32
        %parallel_loop3A_1398 = arith.index_cast %parallel_loop3A_1396 : i32 to index
        %parallel_loop3A_1399 = arith.index_cast %parallel_loop3A_1397 : i32 to index
        %parallel_loop3A_1400 = arith.index_cast %parallel_loop3A_985 : i32 to index
        %parallel_loop3A_1401 = tpu.vector_load %arg7[%parallel_loop3A_1398, %parallel_loop3A_1399, %parallel_loop3A_1400] {strides = array<i32>} : memref<4x32x768xf32, #tpu.memory_space<vmem>>, vector<1x1x16xf32>,
        %parallel_loop3A_1402 = vector.shape_cast %parallel_loop3A_1401 : vector<1x1x16xf32> to vector<16xf32>
        %parallel_loop3A_1403 = arith.addf %parallel_loop3A_1402, %parallel_loop3A_1347 : vector<16xf32>
        %parallel_loop3A_1404 = arith.constant 3 : i32
        %parallel_loop3A_1405 = arith.constant 29 : i32
        %parallel_loop3A_1406 = arith.index_cast %parallel_loop3A_1404 : i32 to index
        %parallel_loop3A_1407 = arith.index_cast %parallel_loop3A_1405 : i32 to index
        %parallel_loop3A_1408 = arith.index_cast %parallel_loop3A_985 : i32 to index
        %parallel_loop3A_1409 = tpu.vector_load %arg7[%parallel_loop3A_1406, %parallel_loop3A_1407, %parallel_loop3A_1408] {strides = array<i32>} : memref<4x32x768xf32, #tpu.memory_space<vmem>>, vector<1x1x16xf32>,
        %parallel_loop3A_1410 = vector.shape_cast %parallel_loop3A_1409 : vector<1x1x16xf32> to vector<16xf32>
        %parallel_loop3A_1411 = vector.shape_cast %parallel_loop3A_1403 : vector<16xf32> to vector<1x1x16xf32>
        tpu.vector_store %arg7[%parallel_loop3A_1406, %parallel_loop3A_1407, %parallel_loop3A_1408], %parallel_loop3A_1411 {strides = array<i32>} : memref<4x32x768xf32, #tpu.memory_space<vmem>>, vector<1x1x16xf32>,
        %parallel_loop3A_1412 = arith.constant 3 : i32
        %parallel_loop3A_1413 = arith.constant 6 : i32
        %parallel_loop3A_1414 = arith.index_cast %parallel_loop3A_1412 : i32 to index
        %parallel_loop3A_1415 = arith.index_cast %parallel_loop3A_1413 : i32 to index
        %parallel_loop3A_1416 = arith.index_cast %parallel_loop3A_985 : i32 to index
        %parallel_loop3A_1417 = tpu.vector_load %arg8[%parallel_loop3A_1414, %parallel_loop3A_1415, %parallel_loop3A_1416] {strides = array<i32>} : memref<4x8x768xf32, #tpu.memory_space<vmem>>, vector<1x1x16xf32>,
        %parallel_loop3A_1418 = vector.shape_cast %parallel_loop3A_1417 : vector<1x1x16xf32> to vector<16xf32>
        %parallel_loop3A_1419 = arith.constant 3 : i32
        %parallel_loop3A_1420 = arith.constant 6 : i32
        %parallel_loop3A_1421 = arith.index_cast %parallel_loop3A_1419 : i32 to index
        %parallel_loop3A_1422 = arith.index_cast %parallel_loop3A_1420 : i32 to index
        %parallel_loop3A_1423 = arith.index_cast %parallel_loop3A_985 : i32 to index
        %parallel_loop3A_1424 = tpu.vector_load %arg7[%parallel_loop3A_1421, %parallel_loop3A_1422, %parallel_loop3A_1423] {strides = array<i32>} : memref<4x32x768xf32, #tpu.memory_space<vmem>>, vector<1x1x16xf32>,
        %parallel_loop3A_1425 = vector.shape_cast %parallel_loop3A_1424 : vector<1x1x16xf32> to vector<16xf32>
        %parallel_loop3A_1426 = arith.addf %parallel_loop3A_1425, %parallel_loop3A_1418 : vector<16xf32>
        %parallel_loop3A_1427 = arith.constant 3 : i32
        %parallel_loop3A_1428 = arith.constant 6 : i32
        %parallel_loop3A_1429 = arith.index_cast %parallel_loop3A_1427 : i32 to index
        %parallel_loop3A_1430 = arith.index_cast %parallel_loop3A_1428 : i32 to index
        %parallel_loop3A_1431 = arith.index_cast %parallel_loop3A_985 : i32 to index
        %parallel_loop3A_1432 = tpu.vector_load %arg7[%parallel_loop3A_1429, %parallel_loop3A_1430, %parallel_loop3A_1431] {strides = array<i32>} : memref<4x32x768xf32, #tpu.memory_space<vmem>>, vector<1x1x16xf32>,
        %parallel_loop3A_1433 = vector.shape_cast %parallel_loop3A_1432 : vector<1x1x16xf32> to vector<16xf32>
        %parallel_loop3A_1434 = vector.shape_cast %parallel_loop3A_1426 : vector<16xf32> to vector<1x1x16xf32>
        tpu.vector_store %arg7[%parallel_loop3A_1429, %parallel_loop3A_1430, %parallel_loop3A_1431], %parallel_loop3A_1434 {strides = array<i32>} : memref<4x32x768xf32, #tpu.memory_space<vmem>>, vector<1x1x16xf32>,
        %parallel_loop3A_1435 = arith.constant 3 : i32
        %parallel_loop3A_1436 = arith.constant 14 : i32
        %parallel_loop3A_1437 = arith.index_cast %parallel_loop3A_1435 : i32 to index
        %parallel_loop3A_1438 = arith.index_cast %parallel_loop3A_1436 : i32 to index
        %parallel_loop3A_1439 = arith.index_cast %parallel_loop3A_985 : i32 to index
        %parallel_loop3A_1440 = tpu.vector_load %arg7[%parallel_loop3A_1437, %parallel_loop3A_1438, %parallel_loop3A_1439] {strides = array<i32>} : memref<4x32x768xf32, #tpu.memory_space<vmem>>, vector<1x1x16xf32>,
        %parallel_loop3A_1441 = vector.shape_cast %parallel_loop3A_1440 : vector<1x1x16xf32> to vector<16xf32>
        %parallel_loop3A_1442 = arith.addf %parallel_loop3A_1441, %parallel_loop3A_1418 : vector<16xf32>
        %parallel_loop3A_1443 = arith.constant 3 : i32
        %parallel_loop3A_1444 = arith.constant 14 : i32
        %parallel_loop3A_1445 = arith.index_cast %parallel_loop3A_1443 : i32 to index
        %parallel_loop3A_1446 = arith.index_cast %parallel_loop3A_1444 : i32 to index
        %parallel_loop3A_1447 = arith.index_cast %parallel_loop3A_985 : i32 to index
        %parallel_loop3A_1448 = tpu.vector_load %arg7[%parallel_loop3A_1445, %parallel_loop3A_1446, %parallel_loop3A_1447] {strides = array<i32>} : memref<4x32x768xf32, #tpu.memory_space<vmem>>, vector<1x1x16xf32>,
        %parallel_loop3A_1449 = vector.shape_cast %parallel_loop3A_1448 : vector<1x1x16xf32> to vector<16xf32>
        %parallel_loop3A_1450 = vector.shape_cast %parallel_loop3A_1442 : vector<16xf32> to vector<1x1x16xf32>
        tpu.vector_store %arg7[%parallel_loop3A_1445, %parallel_loop3A_1446, %parallel_loop3A_1447], %parallel_loop3A_1450 {strides = array<i32>} : memref<4x32x768xf32, #tpu.memory_space<vmem>>, vector<1x1x16xf32>,
        %parallel_loop3A_1451 = arith.constant 3 : i32
        %parallel_loop3A_1452 = arith.constant 22 : i32
        %parallel_loop3A_1453 = arith.index_cast %parallel_loop3A_1451 : i32 to index
        %parallel_loop3A_1454 = arith.index_cast %parallel_loop3A_1452 : i32 to index
        %parallel_loop3A_1455 = arith.index_cast %parallel_loop3A_985 : i32 to index
        %parallel_loop3A_1456 = tpu.vector_load %arg7[%parallel_loop3A_1453, %parallel_loop3A_1454, %parallel_loop3A_1455] {strides = array<i32>} : memref<4x32x768xf32, #tpu.memory_space<vmem>>, vector<1x1x16xf32>,
        %parallel_loop3A_1457 = vector.shape_cast %parallel_loop3A_1456 : vector<1x1x16xf32> to vector<16xf32>
        %parallel_loop3A_1458 = arith.addf %parallel_loop3A_1457, %parallel_loop3A_1418 : vector<16xf32>
        %parallel_loop3A_1459 = arith.constant 3 : i32
        %parallel_loop3A_1460 = arith.constant 22 : i32
        %parallel_loop3A_1461 = arith.index_cast %parallel_loop3A_1459 : i32 to index
        %parallel_loop3A_1462 = arith.index_cast %parallel_loop3A_1460 : i32 to index
        %parallel_loop3A_1463 = arith.index_cast %parallel_loop3A_985 : i32 to index
        %parallel_loop3A_1464 = tpu.vector_load %arg7[%parallel_loop3A_1461, %parallel_loop3A_1462, %parallel_loop3A_1463] {strides = array<i32>} : memref<4x32x768xf32, #tpu.memory_space<vmem>>, vector<1x1x16xf32>,
        %parallel_loop3A_1465 = vector.shape_cast %parallel_loop3A_1464 : vector<1x1x16xf32> to vector<16xf32>
        %parallel_loop3A_1466 = vector.shape_cast %parallel_loop3A_1458 : vector<16xf32> to vector<1x1x16xf32>
        tpu.vector_store %arg7[%parallel_loop3A_1461, %parallel_loop3A_1462, %parallel_loop3A_1463], %parallel_loop3A_1466 {strides = array<i32>} : memref<4x32x768xf32, #tpu.memory_space<vmem>>, vector<1x1x16xf32>,
        %parallel_loop3A_1467 = arith.constant 3 : i32
        %parallel_loop3A_1468 = arith.constant 30 : i32
        %parallel_loop3A_1469 = arith.index_cast %parallel_loop3A_1467 : i32 to index
        %parallel_loop3A_1470 = arith.index_cast %parallel_loop3A_1468 : i32 to index
        %parallel_loop3A_1471 = arith.index_cast %parallel_loop3A_985 : i32 to index
        %parallel_loop3A_1472 = tpu.vector_load %arg7[%parallel_loop3A_1469, %parallel_loop3A_1470, %parallel_loop3A_1471] {strides = array<i32>} : memref<4x32x768xf32, #tpu.memory_space<vmem>>, vector<1x1x16xf32>,
        %parallel_loop3A_1473 = vector.shape_cast %parallel_loop3A_1472 : vector<1x1x16xf32> to vector<16xf32>
        %parallel_loop3A_1474 = arith.addf %parallel_loop3A_1473, %parallel_loop3A_1418 : vector<16xf32>
        %parallel_loop3A_1475 = arith.constant 3 : i32
        %parallel_loop3A_1476 = arith.constant 30 : i32
        %parallel_loop3A_1477 = arith.index_cast %parallel_loop3A_1475 : i32 to index
        %parallel_loop3A_1478 = arith.index_cast %parallel_loop3A_1476 : i32 to index
        %parallel_loop3A_1479 = arith.index_cast %parallel_loop3A_985 : i32 to index
        %parallel_loop3A_1480 = tpu.vector_load %arg7[%parallel_loop3A_1477, %parallel_loop3A_1478, %parallel_loop3A_1479] {strides = array<i32>} : memref<4x32x768xf32, #tpu.memory_space<vmem>>, vector<1x1x16xf32>,
        %parallel_loop3A_1481 = vector.shape_cast %parallel_loop3A_1480 : vector<1x1x16xf32> to vector<16xf32>
        %parallel_loop3A_1482 = vector.shape_cast %parallel_loop3A_1474 : vector<16xf32> to vector<1x1x16xf32>
        tpu.vector_store %arg7[%parallel_loop3A_1477, %parallel_loop3A_1478, %parallel_loop3A_1479], %parallel_loop3A_1482 {strides = array<i32>} : memref<4x32x768xf32, #tpu.memory_space<vmem>>, vector<1x1x16xf32>,
        %parallel_loop3A_1483 = arith.constant 3 : i32
        %parallel_loop3A_1484 = arith.constant 7 : i32
        %parallel_loop3A_1485 = arith.index_cast %parallel_loop3A_1483 : i32 to index
        %parallel_loop3A_1486 = arith.index_cast %parallel_loop3A_1484 : i32 to index
        %parallel_loop3A_1487 = arith.index_cast %parallel_loop3A_985 : i32 to index
        %parallel_loop3A_1488 = tpu.vector_load %arg8[%parallel_loop3A_1485, %parallel_loop3A_1486, %parallel_loop3A_1487] {strides = array<i32>} : memref<4x8x768xf32, #tpu.memory_space<vmem>>, vector<1x1x16xf32>,
        %parallel_loop3A_1489 = vector.shape_cast %parallel_loop3A_1488 : vector<1x1x16xf32> to vector<16xf32>
        %parallel_loop3A_1490 = arith.constant 3 : i32
        %parallel_loop3A_1491 = arith.constant 7 : i32
        %parallel_loop3A_1492 = arith.index_cast %parallel_loop3A_1490 : i32 to index
        %parallel_loop3A_1493 = arith.index_cast %parallel_loop3A_1491 : i32 to index
        %parallel_loop3A_1494 = arith.index_cast %parallel_loop3A_985 : i32 to index
        %parallel_loop3A_1495 = tpu.vector_load %arg7[%parallel_loop3A_1492, %parallel_loop3A_1493, %parallel_loop3A_1494] {strides = array<i32>} : memref<4x32x768xf32, #tpu.memory_space<vmem>>, vector<1x1x16xf32>,
        %parallel_loop3A_1496 = vector.shape_cast %parallel_loop3A_1495 : vector<1x1x16xf32> to vector<16xf32>
        %parallel_loop3A_1497 = arith.addf %parallel_loop3A_1496, %parallel_loop3A_1489 : vector<16xf32>
        %parallel_loop3A_1498 = arith.constant 3 : i32
        %parallel_loop3A_1499 = arith.constant 7 : i32
        %parallel_loop3A_1500 = arith.index_cast %parallel_loop3A_1498 : i32 to index
        %parallel_loop3A_1501 = arith.index_cast %parallel_loop3A_1499 : i32 to index
        %parallel_loop3A_1502 = arith.index_cast %parallel_loop3A_985 : i32 to index
        %parallel_loop3A_1503 = tpu.vector_load %arg7[%parallel_loop3A_1500, %parallel_loop3A_1501, %parallel_loop3A_1502] {strides = array<i32>} : memref<4x32x768xf32, #tpu.memory_space<vmem>>, vector<1x1x16xf32>,
        %parallel_loop3A_1504 = vector.shape_cast %parallel_loop3A_1503 : vector<1x1x16xf32> to vector<16xf32>
        %parallel_loop3A_1505 = vector.shape_cast %parallel_loop3A_1497 : vector<16xf32> to vector<1x1x16xf32>
        tpu.vector_store %arg7[%parallel_loop3A_1500, %parallel_loop3A_1501, %parallel_loop3A_1502], %parallel_loop3A_1505 {strides = array<i32>} : memref<4x32x768xf32, #tpu.memory_space<vmem>>, vector<1x1x16xf32>,
        %parallel_loop3A_1506 = arith.constant 3 : i32
        %parallel_loop3A_1507 = arith.constant 15 : i32
        %parallel_loop3A_1508 = arith.index_cast %parallel_loop3A_1506 : i32 to index
        %parallel_loop3A_1509 = arith.index_cast %parallel_loop3A_1507 : i32 to index
        %parallel_loop3A_1510 = arith.index_cast %parallel_loop3A_985 : i32 to index
        %parallel_loop3A_1511 = tpu.vector_load %arg7[%parallel_loop3A_1508, %parallel_loop3A_1509, %parallel_loop3A_1510] {strides = array<i32>} : memref<4x32x768xf32, #tpu.memory_space<vmem>>, vector<1x1x16xf32>,
        %parallel_loop3A_1512 = vector.shape_cast %parallel_loop3A_1511 : vector<1x1x16xf32> to vector<16xf32>
        %parallel_loop3A_1513 = arith.addf %parallel_loop3A_1512, %parallel_loop3A_1489 : vector<16xf32>
        %parallel_loop3A_1514 = arith.constant 3 : i32
        %parallel_loop3A_1515 = arith.constant 15 : i32
        %parallel_loop3A_1516 = arith.index_cast %parallel_loop3A_1514 : i32 to index
        %parallel_loop3A_1517 = arith.index_cast %parallel_loop3A_1515 : i32 to index
        %parallel_loop3A_1518 = arith.index_cast %parallel_loop3A_985 : i32 to index
        %parallel_loop3A_1519 = tpu.vector_load %arg7[%parallel_loop3A_1516, %parallel_loop3A_1517, %parallel_loop3A_1518] {strides = array<i32>} : memref<4x32x768xf32, #tpu.memory_space<vmem>>, vector<1x1x16xf32>,
        %parallel_loop3A_1520 = vector.shape_cast %parallel_loop3A_1519 : vector<1x1x16xf32> to vector<16xf32>
        %parallel_loop3A_1521 = vector.shape_cast %parallel_loop3A_1513 : vector<16xf32> to vector<1x1x16xf32>
        tpu.vector_store %arg7[%parallel_loop3A_1516, %parallel_loop3A_1517, %parallel_loop3A_1518], %parallel_loop3A_1521 {strides = array<i32>} : memref<4x32x768xf32, #tpu.memory_space<vmem>>, vector<1x1x16xf32>,
        %parallel_loop3A_1522 = arith.constant 3 : i32
        %parallel_loop3A_1523 = arith.constant 23 : i32
        %parallel_loop3A_1524 = arith.index_cast %parallel_loop3A_1522 : i32 to index
        %parallel_loop3A_1525 = arith.index_cast %parallel_loop3A_1523 : i32 to index
        %parallel_loop3A_1526 = arith.index_cast %parallel_loop3A_985 : i32 to index
        %parallel_loop3A_1527 = tpu.vector_load %arg7[%parallel_loop3A_1524, %parallel_loop3A_1525, %parallel_loop3A_1526] {strides = array<i32>} : memref<4x32x768xf32, #tpu.memory_space<vmem>>, vector<1x1x16xf32>,
        %parallel_loop3A_1528 = vector.shape_cast %parallel_loop3A_1527 : vector<1x1x16xf32> to vector<16xf32>
        %parallel_loop3A_1529 = arith.addf %parallel_loop3A_1528, %parallel_loop3A_1489 : vector<16xf32>
        %parallel_loop3A_1530 = arith.constant 3 : i32
        %parallel_loop3A_1531 = arith.constant 23 : i32
        %parallel_loop3A_1532 = arith.index_cast %parallel_loop3A_1530 : i32 to index
        %parallel_loop3A_1533 = arith.index_cast %parallel_loop3A_1531 : i32 to index
        %parallel_loop3A_1534 = arith.index_cast %parallel_loop3A_985 : i32 to index
        %parallel_loop3A_1535 = tpu.vector_load %arg7[%parallel_loop3A_1532, %parallel_loop3A_1533, %parallel_loop3A_1534] {strides = array<i32>} : memref<4x32x768xf32, #tpu.memory_space<vmem>>, vector<1x1x16xf32>,
        %parallel_loop3A_1536 = vector.shape_cast %parallel_loop3A_1535 : vector<1x1x16xf32> to vector<16xf32>
        %parallel_loop3A_1537 = vector.shape_cast %parallel_loop3A_1529 : vector<16xf32> to vector<1x1x16xf32>
        tpu.vector_store %arg7[%parallel_loop3A_1532, %parallel_loop3A_1533, %parallel_loop3A_1534], %parallel_loop3A_1537 {strides = array<i32>} : memref<4x32x768xf32, #tpu.memory_space<vmem>>, vector<1x1x16xf32>,
        %parallel_loop3A_1538 = arith.constant 3 : i32
        %parallel_loop3A_1539 = arith.constant 31 : i32
        %parallel_loop3A_1540 = arith.index_cast %parallel_loop3A_1538 : i32 to index
        %parallel_loop3A_1541 = arith.index_cast %parallel_loop3A_1539 : i32 to index
        %parallel_loop3A_1542 = arith.index_cast %parallel_loop3A_985 : i32 to index
        %parallel_loop3A_1543 = tpu.vector_load %arg7[%parallel_loop3A_1540, %parallel_loop3A_1541, %parallel_loop3A_1542] {strides = array<i32>} : memref<4x32x768xf32, #tpu.memory_space<vmem>>, vector<1x1x16xf32>,
        %parallel_loop3A_1544 = vector.shape_cast %parallel_loop3A_1543 : vector<1x1x16xf32> to vector<16xf32>
        %parallel_loop3A_1545 = arith.addf %parallel_loop3A_1544, %parallel_loop3A_1489 : vector<16xf32>
        %parallel_loop3A_1546 = arith.constant 3 : i32
        %parallel_loop3A_1547 = arith.constant 31 : i32
        %parallel_loop3A_1548 = arith.index_cast %parallel_loop3A_1546 : i32 to index
        %parallel_loop3A_1549 = arith.index_cast %parallel_loop3A_1547 : i32 to index
        %parallel_loop3A_1550 = arith.index_cast %parallel_loop3A_985 : i32 to index
        %parallel_loop3A_1551 = tpu.vector_load %arg7[%parallel_loop3A_1548, %parallel_loop3A_1549, %parallel_loop3A_1550] {strides = array<i32>} : memref<4x32x768xf32, #tpu.memory_space<vmem>>, vector<1x1x16xf32>,
        %parallel_loop3A_1552 = vector.shape_cast %parallel_loop3A_1551 : vector<1x1x16xf32> to vector<16xf32>
        %parallel_loop3A_1553 = vector.shape_cast %parallel_loop3A_1545 : vector<16xf32> to vector<1x1x16xf32>
        tpu.vector_store %arg7[%parallel_loop3A_1548, %parallel_loop3A_1549, %parallel_loop3A_1550], %parallel_loop3A_1553 {strides = array<i32>} : memref<4x32x768xf32, #tpu.memory_space<vmem>>, vector<1x1x16xf32>,
      } {sc.loop_unroll_factor = 1 : i64, sc.parallel_access}
      %add3A_880 = arith.constant 0 : i32
      %add3A_881 = arith.addi %add3A_880, %mul3A_2 : i32
      %mul3A_882 = arith.constant 8 : i32
      %mul3A_883 = arith.muli %add3A_851, %mul3A_882 : i32
      %add3A_884 = arith.addi %add3A_881, %mul3A_883 : i32
      %dma_start3A_885 = arith.constant 3 : i32
      %dma_start3A_886 = arith.constant 0 : i32
      %dma_start3A_887 = arith.constant 0 : i32
      %dma_start3A_888 = tpu.memref_slice %arg7[%dma_start3A_885, %dma_start3A_886, %dma_start3A_887] : memref<4x32x768xf32, #tpu.memory_space<vmem>> -> memref<1x32x768xf32, #tpu.memory_space<vmem>>
      %dma_start3A_889 = tpu.memref_squeeze %dma_start3A_888 : memref<1x32x768xf32, #tpu.memory_space<vmem>> -> memref<32x768xf32, #tpu.memory_space<vmem>>
      %dma_start3A_890 = arith.constant 0 : i32
      %dma_start3A_891 = arith.constant 0 : i32
      %dma_start3A_892 = tpu.memref_slice %dma_start3A_889[%dma_start3A_890, %dma_start3A_891] : memref<32x768xf32, #tpu.memory_space<vmem>> -> memref<8x768xf32, #tpu.memory_space<vmem>>
      %dma_start3A_893 = arith.constant 0 : i32
      %dma_start3A_894 = tpu.memref_slice %arg5[%add3A_884, %dma_start3A_893] : memref<8192x768xf32, #tpu.memory_space<hbm>> -> memref<8x768xf32, #tpu.memory_space<hbm>>
      %dma_start3A_895 = arith.constant 0 : i32
      %dma_start3A_896 = tpu.memref_slice %arg5[%add3A_884, %dma_start3A_895] : memref<8192x768xf32, #tpu.memory_space<hbm>> -> memref<8x768xf32, #tpu.memory_space<hbm>>
      %dma_start3A_897 = arith.constant 0 : i32
      %dma_start3A_898 = arith.constant 0 : i32
      %dma_start3A_899 = tpu.memref_slice %arg7[%dma_start3A_885, %dma_start3A_897, %dma_start3A_898] : memref<4x32x768xf32, #tpu.memory_space<vmem>> -> memref<1x32x768xf32, #tpu.memory_space<vmem>>
      %dma_start3A_900 = tpu.memref_squeeze %dma_start3A_899 : memref<1x32x768xf32, #tpu.memory_space<vmem>> -> memref<32x768xf32, #tpu.memory_space<vmem>>
      %dma_start3A_901 = arith.constant 0 : i32
      %dma_start3A_902 = arith.constant 0 : i32
      %dma_start3A_903 = tpu.memref_slice %dma_start3A_900[%dma_start3A_901, %dma_start3A_902] : memref<32x768xf32, #tpu.memory_space<vmem>> -> memref<8x768xf32, #tpu.memory_space<vmem>>
      tpu.enqueue_dma source(%dma_start3A_903 : memref<8x768xf32, #tpu.memory_space<vmem>>) target(%dma_start3A_896 : memref<8x768xf32, #tpu.memory_space<hbm>>) target_semaphore(%arg20 : memref<!tpu.dma_semaphore, #tpu.memory_space<semaphore_mem>>)
      %add3A_904 = arith.constant 2048 : i32
      %add3A_905 = arith.addi %add3A_904, %mul3A_2 : i32
      %mul3A_906 = arith.constant 8 : i32
      %mul3A_907 = arith.muli %add3A_851, %mul3A_906 : i32
      %add3A_908 = arith.addi %add3A_905, %mul3A_907 : i32
      %dma_start3A_909 = arith.constant 3 : i32
      %dma_start3A_910 = arith.constant 0 : i32
      %dma_start3A_911 = arith.constant 0 : i32
      %dma_start3A_912 = tpu.memref_slice %arg7[%dma_start3A_909, %dma_start3A_910, %dma_start3A_911] : memref<4x32x768xf32, #tpu.memory_space<vmem>> -> memref<1x32x768xf32, #tpu.memory_space<vmem>>
      %dma_start3A_913 = tpu.memref_squeeze %dma_start3A_912 : memref<1x32x768xf32, #tpu.memory_space<vmem>> -> memref<32x768xf32, #tpu.memory_space<vmem>>
      %dma_start3A_914 = arith.constant 8 : i32
      %dma_start3A_915 = arith.constant 0 : i32
      %dma_start3A_916 = tpu.memref_slice %dma_start3A_913[%dma_start3A_914, %dma_start3A_915] : memref<32x768xf32, #tpu.memory_space<vmem>> -> memref<8x768xf32, #tpu.memory_space<vmem>>
      %dma_start3A_917 = arith.constant 0 : i32
      %dma_start3A_918 = tpu.memref_slice %arg5[%add3A_908, %dma_start3A_917] : memref<8192x768xf32, #tpu.memory_space<hbm>> -> memref<8x768xf32, #tpu.memory_space<hbm>>
      %dma_start3A_919 = arith.constant 0 : i32
      %dma_start3A_920 = tpu.memref_slice %arg5[%add3A_908, %dma_start3A_919] : memref<8192x768xf32, #tpu.memory_space<hbm>> -> memref<8x768xf32, #tpu.memory_space<hbm>>
      %dma_start3A_921 = arith.constant 0 : i32
      %dma_start3A_922 = arith.constant 0 : i32
      %dma_start3A_923 = tpu.memref_slice %arg7[%dma_start3A_909, %dma_start3A_921, %dma_start3A_922] : memref<4x32x768xf32, #tpu.memory_space<vmem>> -> memref<1x32x768xf32, #tpu.memory_space<vmem>>
      %dma_start3A_924 = tpu.memref_squeeze %dma_start3A_923 : memref<1x32x768xf32, #tpu.memory_space<vmem>> -> memref<32x768xf32, #tpu.memory_space<vmem>>
      %dma_start3A_925 = arith.constant 8 : i32
      %dma_start3A_926 = arith.constant 0 : i32
      %dma_start3A_927 = tpu.memref_slice %dma_start3A_924[%dma_start3A_925, %dma_start3A_926] : memref<32x768xf32, #tpu.memory_space<vmem>> -> memref<8x768xf32, #tpu.memory_space<vmem>>
      tpu.enqueue_dma source(%dma_start3A_927 : memref<8x768xf32, #tpu.memory_space<vmem>>) target(%dma_start3A_920 : memref<8x768xf32, #tpu.memory_space<hbm>>) target_semaphore(%arg20 : memref<!tpu.dma_semaphore, #tpu.memory_space<semaphore_mem>>)
      %add3A_928 = arith.constant 4096 : i32
      %add3A_929 = arith.addi %add3A_928, %mul3A_2 : i32
      %mul3A_930 = arith.constant 8 : i32
      %mul3A_931 = arith.muli %add3A_851, %mul3A_930 : i32
      %add3A_932 = arith.addi %add3A_929, %mul3A_931 : i32
      %dma_start3A_933 = arith.constant 3 : i32
      %dma_start3A_934 = arith.constant 0 : i32
      %dma_start3A_935 = arith.constant 0 : i32
      %dma_start3A_936 = tpu.memref_slice %arg7[%dma_start3A_933, %dma_start3A_934, %dma_start3A_935] : memref<4x32x768xf32, #tpu.memory_space<vmem>> -> memref<1x32x768xf32, #tpu.memory_space<vmem>>
      %dma_start3A_937 = tpu.memref_squeeze %dma_start3A_936 : memref<1x32x768xf32, #tpu.memory_space<vmem>> -> memref<32x768xf32, #tpu.memory_space<vmem>>
      %dma_start3A_938 = arith.constant 16 : i32
      %dma_start3A_939 = arith.constant 0 : i32
      %dma_start3A_940 = tpu.memref_slice %dma_start3A_937[%dma_start3A_938, %dma_start3A_939] : memref<32x768xf32, #tpu.memory_space<vmem>> -> memref<8x768xf32, #tpu.memory_space<vmem>>
      %dma_start3A_941 = arith.constant 0 : i32
      %dma_start3A_942 = tpu.memref_slice %arg5[%add3A_932, %dma_start3A_941] : memref<8192x768xf32, #tpu.memory_space<hbm>> -> memref<8x768xf32, #tpu.memory_space<hbm>>
      %dma_start3A_943 = arith.constant 0 : i32
      %dma_start3A_944 = tpu.memref_slice %arg5[%add3A_932, %dma_start3A_943] : memref<8192x768xf32, #tpu.memory_space<hbm>> -> memref<8x768xf32, #tpu.memory_space<hbm>>
      %dma_start3A_945 = arith.constant 0 : i32
      %dma_start3A_946 = arith.constant 0 : i32
      %dma_start3A_947 = tpu.memref_slice %arg7[%dma_start3A_933, %dma_start3A_945, %dma_start3A_946] : memref<4x32x768xf32, #tpu.memory_space<vmem>> -> memref<1x32x768xf32, #tpu.memory_space<vmem>>
      %dma_start3A_948 = tpu.memref_squeeze %dma_start3A_947 : memref<1x32x768xf32, #tpu.memory_space<vmem>> -> memref<32x768xf32, #tpu.memory_space<vmem>>
      %dma_start3A_949 = arith.constant 16 : i32
      %dma_start3A_950 = arith.constant 0 : i32
      %dma_start3A_951 = tpu.memref_slice %dma_start3A_948[%dma_start3A_949, %dma_start3A_950] : memref<32x768xf32, #tpu.memory_space<vmem>> -> memref<8x768xf32, #tpu.memory_space<vmem>>
      tpu.enqueue_dma source(%dma_start3A_951 : memref<8x768xf32, #tpu.memory_space<vmem>>) target(%dma_start3A_944 : memref<8x768xf32, #tpu.memory_space<hbm>>) target_semaphore(%arg20 : memref<!tpu.dma_semaphore, #tpu.memory_space<semaphore_mem>>)
      %add3A_952 = arith.constant 6144 : i32
      %add3A_953 = arith.addi %add3A_952, %mul3A_2 : i32
      %mul3A_954 = arith.constant 8 : i32
      %mul3A_955 = arith.muli %add3A_851, %mul3A_954 : i32
      %add3A_956 = arith.addi %add3A_953, %mul3A_955 : i32
      %dma_start3A_957 = arith.constant 3 : i32
      %dma_start3A_958 = arith.constant 0 : i32
      %dma_start3A_959 = arith.constant 0 : i32
      %dma_start3A_960 = tpu.memref_slice %arg7[%dma_start3A_957, %dma_start3A_958, %dma_start3A_959] : memref<4x32x768xf32, #tpu.memory_space<vmem>> -> memref<1x32x768xf32, #tpu.memory_space<vmem>>
      %dma_start3A_961 = tpu.memref_squeeze %dma_start3A_960 : memref<1x32x768xf32, #tpu.memory_space<vmem>> -> memref<32x768xf32, #tpu.memory_space<vmem>>
      %dma_start3A_962 = arith.constant 24 : i32
      %dma_start3A_963 = arith.constant 0 : i32
      %dma_start3A_964 = tpu.memref_slice %dma_start3A_961[%dma_start3A_962, %dma_start3A_963] : memref<32x768xf32, #tpu.memory_space<vmem>> -> memref<8x768xf32, #tpu.memory_space<vmem>>
      %dma_start3A_965 = arith.constant 0 : i32
      %dma_start3A_966 = tpu.memref_slice %arg5[%add3A_956, %dma_start3A_965] : memref<8192x768xf32, #tpu.memory_space<hbm>> -> memref<8x768xf32, #tpu.memory_space<hbm>>
      %dma_start3A_967 = arith.constant 0 : i32
      %dma_start3A_968 = tpu.memref_slice %arg5[%add3A_956, %dma_start3A_967] : memref<8192x768xf32, #tpu.memory_space<hbm>> -> memref<8x768xf32, #tpu.memory_space<hbm>>
      %dma_start3A_969 = arith.constant 0 : i32
      %dma_start3A_970 = arith.constant 0 : i32
      %dma_start3A_971 = tpu.memref_slice %arg7[%dma_start3A_957, %dma_start3A_969, %dma_start3A_970] : memref<4x32x768xf32, #tpu.memory_space<vmem>> -> memref<1x32x768xf32, #tpu.memory_space<vmem>>
      %dma_start3A_972 = tpu.memref_squeeze %dma_start3A_971 : memref<1x32x768xf32, #tpu.memory_space<vmem>> -> memref<32x768xf32, #tpu.memory_space<vmem>>
      %dma_start3A_973 = arith.constant 24 : i32
      %dma_start3A_974 = arith.constant 0 : i32
      %dma_start3A_975 = tpu.memref_slice %dma_start3A_972[%dma_start3A_973, %dma_start3A_974] : memref<32x768xf32, #tpu.memory_space<vmem>> -> memref<8x768xf32, #tpu.memory_space<vmem>>
      tpu.enqueue_dma source(%dma_start3A_975 : memref<8x768xf32, #tpu.memory_space<vmem>>) target(%dma_start3A_968 : memref<8x768xf32, #tpu.memory_space<hbm>>) target_semaphore(%arg20 : memref<!tpu.dma_semaphore, #tpu.memory_space<semaphore_mem>>)
      %add3A_976 = arith.constant 4 : i32
      %add3A_977 = arith.addi %add3A_851, %add3A_976 : i32
      %lt3A_978 = arith.constant 8 : i32
      %lt3A_979 = arith.cmpi slt, %add3A_977, %lt3A_978 : i32
      %convert_element_type3A_980 = arith.extui %lt3A_979 : i1 to i32
      %cond3A_981 = arith.constant 0 : i32
      %cond3A_982 = arith.cmpi ne, %convert_element_type3A_980, %cond3A_981 : i32
      scf.if %cond3A_982 {
        %dma_wait3A_983 = arith.constant 3 : i32
        %dma_wait3A_984 = arith.constant 0 : i32
        %dma_wait3A_985 = arith.constant 0 : i32
        %dma_wait3A_986 = tpu.memref_slice %arg7[%dma_wait3A_983, %dma_wait3A_984, %dma_wait3A_985] : memref<4x32x768xf32, #tpu.memory_space<vmem>> -> memref<1x32x768xf32, #tpu.memory_space<vmem>>
        %dma_wait3A_987 = tpu.memref_squeeze %dma_wait3A_986 : memref<1x32x768xf32, #tpu.memory_space<vmem>> -> memref<32x768xf32, #tpu.memory_space<vmem>>
        %dma_wait3A_988 = arith.constant 0 : i32
        %dma_wait3A_989 = arith.constant 0 : i32
        %dma_wait3A_990 = tpu.memref_slice %dma_wait3A_987[%dma_wait3A_988, %dma_wait3A_989] : memref<32x768xf32, #tpu.memory_space<vmem>> -> memref<8x768xf32, #tpu.memory_space<vmem>>
        %dma_wait3A_991 = arith.constant 0 : i32
        %dma_wait3A_992 = arith.constant 0 : i32
        %dma_wait3A_993 = tpu.memref_slice %arg5[%dma_wait3A_991, %dma_wait3A_992] : memref<8192x768xf32, #tpu.memory_space<hbm>> -> memref<8x768xf32, #tpu.memory_space<hbm>>
        %dma_wait3A_994 = arith.constant 0 : i32
        %dma_wait3A_995 = arith.constant 0 : i32
        %dma_wait3A_996 = tpu.memref_slice %arg5[%dma_wait3A_994, %dma_wait3A_995] : memref<8192x768xf32, #tpu.memory_space<hbm>> -> memref<8x768xf32, #tpu.memory_space<hbm>>
        %dma_wait3A_997 = arith.constant 0 : i32
        %dma_wait3A_998 = arith.constant 0 : i32
        %dma_wait3A_999 = tpu.memref_slice %arg7[%dma_wait3A_983, %dma_wait3A_997, %dma_wait3A_998] : memref<4x32x768xf32, #tpu.memory_space<vmem>> -> memref<1x32x768xf32, #tpu.memory_space<vmem>>
        %dma_wait3A_1000 = tpu.memref_squeeze %dma_wait3A_999 : memref<1x32x768xf32, #tpu.memory_space<vmem>> -> memref<32x768xf32, #tpu.memory_space<vmem>>
        %dma_wait3A_1001 = arith.constant 0 : i32
        %dma_wait3A_1002 = arith.constant 0 : i32
        %dma_wait3A_1003 = tpu.memref_slice %dma_wait3A_1000[%dma_wait3A_1001, %dma_wait3A_1002] : memref<32x768xf32, #tpu.memory_space<vmem>> -> memref<8x768xf32, #tpu.memory_space<vmem>>
        tpu.wait_dma2 semaphore(%arg20 : memref<!tpu.dma_semaphore, #tpu.memory_space<semaphore_mem>>) src(%dma_wait3A_1003 : memref<8x768xf32, #tpu.memory_space<vmem>>) dst(%dma_wait3A_996 : memref<8x768xf32, #tpu.memory_space<hbm>>)
        %dma_wait3A_1004 = arith.constant 3 : i32
        %dma_wait3A_1005 = arith.constant 0 : i32
        %dma_wait3A_1006 = arith.constant 0 : i32
        %dma_wait3A_1007 = tpu.memref_slice %arg7[%dma_wait3A_1004, %dma_wait3A_1005, %dma_wait3A_1006] : memref<4x32x768xf32, #tpu.memory_space<vmem>> -> memref<1x32x768xf32, #tpu.memory_space<vmem>>
        %dma_wait3A_1008 = tpu.memref_squeeze %dma_wait3A_1007 : memref<1x32x768xf32, #tpu.memory_space<vmem>> -> memref<32x768xf32, #tpu.memory_space<vmem>>
        %dma_wait3A_1009 = arith.constant 0 : i32
        %dma_wait3A_1010 = arith.constant 0 : i32
        %dma_wait3A_1011 = tpu.memref_slice %dma_wait3A_1008[%dma_wait3A_1009, %dma_wait3A_1010] : memref<32x768xf32, #tpu.memory_space<vmem>> -> memref<8x768xf32, #tpu.memory_space<vmem>>
        %dma_wait3A_1012 = arith.constant 0 : i32
        %dma_wait3A_1013 = arith.constant 0 : i32
        %dma_wait3A_1014 = tpu.memref_slice %arg5[%dma_wait3A_1012, %dma_wait3A_1013] : memref<8192x768xf32, #tpu.memory_space<hbm>> -> memref<8x768xf32, #tpu.memory_space<hbm>>
        %dma_wait3A_1015 = arith.constant 0 : i32
        %dma_wait3A_1016 = arith.constant 0 : i32
        %dma_wait3A_1017 = tpu.memref_slice %arg5[%dma_wait3A_1015, %dma_wait3A_1016] : memref<8192x768xf32, #tpu.memory_space<hbm>> -> memref<8x768xf32, #tpu.memory_space<hbm>>
        %dma_wait3A_1018 = arith.constant 0 : i32
        %dma_wait3A_1019 = arith.constant 0 : i32
        %dma_wait3A_1020 = tpu.memref_slice %arg7[%dma_wait3A_1004, %dma_wait3A_1018, %dma_wait3A_1019] : memref<4x32x768xf32, #tpu.memory_space<vmem>> -> memref<1x32x768xf32, #tpu.memory_space<vmem>>
        %dma_wait3A_1021 = tpu.memref_squeeze %dma_wait3A_1020 : memref<1x32x768xf32, #tpu.memory_space<vmem>> -> memref<32x768xf32, #tpu.memory_space<vmem>>
        %dma_wait3A_1022 = arith.constant 0 : i32
        %dma_wait3A_1023 = arith.constant 0 : i32
        %dma_wait3A_1024 = tpu.memref_slice %dma_wait3A_1021[%dma_wait3A_1022, %dma_wait3A_1023] : memref<32x768xf32, #tpu.memory_space<vmem>> -> memref<8x768xf32, #tpu.memory_space<vmem>>
        tpu.wait_dma2 semaphore(%arg20 : memref<!tpu.dma_semaphore, #tpu.memory_space<semaphore_mem>>) src(%dma_wait3A_1024 : memref<8x768xf32, #tpu.memory_space<vmem>>) dst(%dma_wait3A_1017 : memref<8x768xf32, #tpu.memory_space<hbm>>)
        %dma_wait3A_1025 = arith.constant 3 : i32
        %dma_wait3A_1026 = arith.constant 0 : i32
        %dma_wait3A_1027 = arith.constant 0 : i32
        %dma_wait3A_1028 = tpu.memref_slice %arg7[%dma_wait3A_1025, %dma_wait3A_1026, %dma_wait3A_1027] : memref<4x32x768xf32, #tpu.memory_space<vmem>> -> memref<1x32x768xf32, #tpu.memory_space<vmem>>
        %dma_wait3A_1029 = tpu.memref_squeeze %dma_wait3A_1028 : memref<1x32x768xf32, #tpu.memory_space<vmem>> -> memref<32x768xf32, #tpu.memory_space<vmem>>
        %dma_wait3A_1030 = arith.constant 0 : i32
        %dma_wait3A_1031 = arith.constant 0 : i32
        %dma_wait3A_1032 = tpu.memref_slice %dma_wait3A_1029[%dma_wait3A_1030, %dma_wait3A_1031] : memref<32x768xf32, #tpu.memory_space<vmem>> -> memref<8x768xf32, #tpu.memory_space<vmem>>
        %dma_wait3A_1033 = arith.constant 0 : i32
        %dma_wait3A_1034 = arith.constant 0 : i32
        %dma_wait3A_1035 = tpu.memref_slice %arg5[%dma_wait3A_1033, %dma_wait3A_1034] : memref<8192x768xf32, #tpu.memory_space<hbm>> -> memref<8x768xf32, #tpu.memory_space<hbm>>
        %dma_wait3A_1036 = arith.constant 0 : i32
        %dma_wait3A_1037 = arith.constant 0 : i32
        %dma_wait3A_1038 = tpu.memref_slice %arg5[%dma_wait3A_1036, %dma_wait3A_1037] : memref<8192x768xf32, #tpu.memory_space<hbm>> -> memref<8x768xf32, #tpu.memory_space<hbm>>
        %dma_wait3A_1039 = arith.constant 0 : i32
        %dma_wait3A_1040 = arith.constant 0 : i32
        %dma_wait3A_1041 = tpu.memref_slice %arg7[%dma_wait3A_1025, %dma_wait3A_1039, %dma_wait3A_1040] : memref<4x32x768xf32, #tpu.memory_space<vmem>> -> memref<1x32x768xf32, #tpu.memory_space<vmem>>
        %dma_wait3A_1042 = tpu.memref_squeeze %dma_wait3A_1041 : memref<1x32x768xf32, #tpu.memory_space<vmem>> -> memref<32x768xf32, #tpu.memory_space<vmem>>
        %dma_wait3A_1043 = arith.constant 0 : i32
        %dma_wait3A_1044 = arith.constant 0 : i32
        %dma_wait3A_1045 = tpu.memref_slice %dma_wait3A_1042[%dma_wait3A_1043, %dma_wait3A_1044] : memref<32x768xf32, #tpu.memory_space<vmem>> -> memref<8x768xf32, #tpu.memory_space<vmem>>
        tpu.wait_dma2 semaphore(%arg20 : memref<!tpu.dma_semaphore, #tpu.memory_space<semaphore_mem>>) src(%dma_wait3A_1045 : memref<8x768xf32, #tpu.memory_space<vmem>>) dst(%dma_wait3A_1038 : memref<8x768xf32, #tpu.memory_space<hbm>>)
        %dma_wait3A_1046 = arith.constant 3 : i32
        %dma_wait3A_1047 = arith.constant 0 : i32
        %dma_wait3A_1048 = arith.constant 0 : i32
        %dma_wait3A_1049 = tpu.memref_slice %arg7[%dma_wait3A_1046, %dma_wait3A_1047, %dma_wait3A_1048] : memref<4x32x768xf32, #tpu.memory_space<vmem>> -> memref<1x32x768xf32, #tpu.memory_space<vmem>>
        %dma_wait3A_1050 = tpu.memref_squeeze %dma_wait3A_1049 : memref<1x32x768xf32, #tpu.memory_space<vmem>> -> memref<32x768xf32, #tpu.memory_space<vmem>>
        %dma_wait3A_1051 = arith.constant 0 : i32
        %dma_wait3A_1052 = arith.constant 0 : i32
        %dma_wait3A_1053 = tpu.memref_slice %dma_wait3A_1050[%dma_wait3A_1051, %dma_wait3A_1052] : memref<32x768xf32, #tpu.memory_space<vmem>> -> memref<8x768xf32, #tpu.memory_space<vmem>>
        %dma_wait3A_1054 = arith.constant 0 : i32
        %dma_wait3A_1055 = arith.constant 0 : i32
        %dma_wait3A_1056 = tpu.memref_slice %arg5[%dma_wait3A_1054, %dma_wait3A_1055] : memref<8192x768xf32, #tpu.memory_space<hbm>> -> memref<8x768xf32, #tpu.memory_space<hbm>>
        %dma_wait3A_1057 = arith.constant 0 : i32
        %dma_wait3A_1058 = arith.constant 0 : i32
        %dma_wait3A_1059 = tpu.memref_slice %arg5[%dma_wait3A_1057, %dma_wait3A_1058] : memref<8192x768xf32, #tpu.memory_space<hbm>> -> memref<8x768xf32, #tpu.memory_space<hbm>>
        %dma_wait3A_1060 = arith.constant 0 : i32
        %dma_wait3A_1061 = arith.constant 0 : i32
        %dma_wait3A_1062 = tpu.memref_slice %arg7[%dma_wait3A_1046, %dma_wait3A_1060, %dma_wait3A_1061] : memref<4x32x768xf32, #tpu.memory_space<vmem>> -> memref<1x32x768xf32, #tpu.memory_space<vmem>>
        %dma_wait3A_1063 = tpu.memref_squeeze %dma_wait3A_1062 : memref<1x32x768xf32, #tpu.memory_space<vmem>> -> memref<32x768xf32, #tpu.memory_space<vmem>>
        %dma_wait3A_1064 = arith.constant 0 : i32
        %dma_wait3A_1065 = arith.constant 0 : i32
        %dma_wait3A_1066 = tpu.memref_slice %dma_wait3A_1063[%dma_wait3A_1064, %dma_wait3A_1065] : memref<32x768xf32, #tpu.memory_space<vmem>> -> memref<8x768xf32, #tpu.memory_space<vmem>>
        tpu.wait_dma2 semaphore(%arg20 : memref<!tpu.dma_semaphore, #tpu.memory_space<semaphore_mem>>) src(%dma_wait3A_1066 : memref<8x768xf32, #tpu.memory_space<vmem>>) dst(%dma_wait3A_1059 : memref<8x768xf32, #tpu.memory_space<hbm>>)
        %add3A_1067 = arith.constant 4 : i32
        %add3A_1068 = arith.addi %add3A_851, %add3A_1067 : i32
        %mul3A_1069 = arith.constant 8 : i32
        %mul3A_1070 = arith.muli %add3A_1068, %mul3A_1069 : i32
        %add3A_1071 = arith.addi %mul3A_2, %mul3A_1070 : i32
        %dma_start3A_1072 = arith.constant 3 : i32
        %dma_start3A_1073 = arith.constant 0 : i32
        %dma_start3A_1074 = arith.constant 0 : i32
        %dma_start3A_1075 = tpu.memref_slice %arg8[%dma_start3A_1072, %dma_start3A_1073, %dma_start3A_1074] : memref<4x8x768xf32, #tpu.memory_space<vmem>> -> memref<1x8x768xf32, #tpu.memory_space<vmem>>
        %dma_start3A_1076 = tpu.memref_squeeze %dma_start3A_1075 : memref<1x8x768xf32, #tpu.memory_space<vmem>> -> memref<8x768xf32, #tpu.memory_space<vmem>>
        %dma_start3A_1077 = arith.constant 0 : i32
        %dma_start3A_1078 = tpu.memref_slice %arg4[%add3A_1071, %dma_start3A_1077] : memref<2048x768xf32, #tpu.memory_space<hbm>> -> memref<8x768xf32, #tpu.memory_space<hbm>>
        %dma_start3A_1079 = arith.constant 0 : i32
        %dma_start3A_1080 = arith.constant 0 : i32
        %dma_start3A_1081 = tpu.memref_slice %arg8[%dma_start3A_1072, %dma_start3A_1079, %dma_start3A_1080] : memref<4x8x768xf32, #tpu.memory_space<vmem>> -> memref<1x8x768xf32, #tpu.memory_space<vmem>>
        %dma_start3A_1082 = tpu.memref_squeeze %dma_start3A_1081 : memref<1x8x768xf32, #tpu.memory_space<vmem>> -> memref<8x768xf32, #tpu.memory_space<vmem>>
        %dma_start3A_1083 = arith.constant 0 : i32
        %dma_start3A_1084 = tpu.memref_slice %arg4[%add3A_1071, %dma_start3A_1083] : memref<2048x768xf32, #tpu.memory_space<hbm>> -> memref<8x768xf32, #tpu.memory_space<hbm>>
        tpu.enqueue_dma source(%dma_start3A_1084 : memref<8x768xf32, #tpu.memory_space<hbm>>) target(%dma_start3A_1082 : memref<8x768xf32, #tpu.memory_space<vmem>>) target_semaphore(%arg16 : memref<!tpu.dma_semaphore, #tpu.memory_space<semaphore_mem>>)
        %mul3A_1085 = arith.constant 32 : i32
        %mul3A_1086 = arith.muli %add3A_1068, %mul3A_1085 : i32
        %dma_start3A_1087 = arith.constant 3 : i32
        %dma_start3A_1088 = arith.constant 0 : i32
        %dma_start3A_1089 = arith.constant 0 : i32
        %dma_start3A_1090 = tpu.memref_slice %arg7[%dma_start3A_1087, %dma_start3A_1088, %dma_start3A_1089] : memref<4x32x768xf32, #tpu.memory_space<vmem>> -> memref<1x32x768xf32, #tpu.memory_space<vmem>>
        %dma_start3A_1091 = tpu.memref_squeeze %dma_start3A_1090 : memref<1x32x768xf32, #tpu.memory_space<vmem>> -> memref<32x768xf32, #tpu.memory_space<vmem>>
        %dma_start3A_1092 = tpu.memref_slice %arg6[%mul3A_1086] : memref<256xi32, #tpu.memory_space<vmem>> -> memref<32xi32, #tpu.memory_space<vmem>>
        %dma_start3A_1093 = arith.constant 0 : i32
        %dma_start3A_1094 = arith.constant 0 : i32
        %dma_start3A_1095 = tpu.memref_slice %arg3[%dma_start3A_1093, %dma_start3A_1094] : memref<50257x768xf32, #tpu.memory_space<hbm>> -> memref<50257x768xf32, #tpu.memory_space<hbm>>
        tpu.enqueue_indirect_dma source(%dma_start3A_1095 : memref<50257x768xf32, #tpu.memory_space<hbm>>) target(%dma_start3A_1091 : memref<32x768xf32, #tpu.memory_space<vmem>>) offsets(%dma_start3A_1092 : memref<32xi32, #tpu.memory_space<vmem>>) semaphore(%arg12 : memref<!tpu.dma_semaphore, #tpu.memory_space<semaphore_mem>>)
      } else {
      }
    }
    %scan3A_110 = arith.constant 2 : i32
    %dma_wait3A = arith.constant 0 : i32
    %dma_wait3A_111 = arith.constant 0 : i32
    %dma_wait3A_112 = arith.constant 0 : i32
    %dma_wait3A_113 = tpu.memref_slice %arg7[%dma_wait3A, %dma_wait3A_111, %dma_wait3A_112] : memref<4x32x768xf32, #tpu.memory_space<vmem>> -> memref<1x32x768xf32, #tpu.memory_space<vmem>>
    %dma_wait3A_114 = tpu.memref_squeeze %dma_wait3A_113 : memref<1x32x768xf32, #tpu.memory_space<vmem>> -> memref<32x768xf32, #tpu.memory_space<vmem>>
    %dma_wait3A_115 = arith.constant 0 : i32
    %dma_wait3A_116 = arith.constant 0 : i32
    %dma_wait3A_117 = tpu.memref_slice %dma_wait3A_114[%dma_wait3A_115, %dma_wait3A_116] : memref<32x768xf32, #tpu.memory_space<vmem>> -> memref<8x768xf32, #tpu.memory_space<vmem>>
    %dma_wait3A_118 = arith.constant 0 : i32
    %dma_wait3A_119 = arith.constant 0 : i32
    %dma_wait3A_120 = tpu.memref_slice %arg5[%dma_wait3A_118, %dma_wait3A_119] : memref<8192x768xf32, #tpu.memory_space<hbm>> -> memref<8x768xf32, #tpu.memory_space<hbm>>
    %dma_wait3A_121 = arith.constant 0 : i32
    %dma_wait3A_122 = arith.constant 0 : i32
    %dma_wait3A_123 = tpu.memref_slice %arg5[%dma_wait3A_121, %dma_wait3A_122] : memref<8192x768xf32, #tpu.memory_space<hbm>> -> memref<8x768xf32, #tpu.memory_space<hbm>>
    %dma_wait3A_124 = arith.constant 0 : i32
    %dma_wait3A_125 = arith.constant 0 : i32
    %dma_wait3A_126 = tpu.memref_slice %arg7[%dma_wait3A, %dma_wait3A_124, %dma_wait3A_125] : memref<4x32x768xf32, #tpu.memory_space<vmem>> -> memref<1x32x768xf32, #tpu.memory_space<vmem>>
    %dma_wait3A_127 = tpu.memref_squeeze %dma_wait3A_126 : memref<1x32x768xf32, #tpu.memory_space<vmem>> -> memref<32x768xf32, #tpu.memory_space<vmem>>
    %dma_wait3A_128 = arith.constant 0 : i32
    %dma_wait3A_129 = arith.constant 0 : i32
    %dma_wait3A_130 = tpu.memref_slice %dma_wait3A_127[%dma_wait3A_128, %dma_wait3A_129] : memref<32x768xf32, #tpu.memory_space<vmem>> -> memref<8x768xf32, #tpu.memory_space<vmem>>
    tpu.wait_dma2 semaphore(%arg17 : memref<!tpu.dma_semaphore, #tpu.memory_space<semaphore_mem>>) src(%dma_wait3A_130 : memref<8x768xf32, #tpu.memory_space<vmem>>) dst(%dma_wait3A_123 : memref<8x768xf32, #tpu.memory_space<hbm>>)
    %dma_wait3A_131 = arith.constant 0 : i32
    %dma_wait3A_132 = arith.constant 0 : i32
    %dma_wait3A_133 = arith.constant 0 : i32
    %dma_wait3A_134 = tpu.memref_slice %arg7[%dma_wait3A_131, %dma_wait3A_132, %dma_wait3A_133] : memref<4x32x768xf32, #tpu.memory_space<vmem>> -> memref<1x32x768xf32, #tpu.memory_space<vmem>>
    %dma_wait3A_135 = tpu.memref_squeeze %dma_wait3A_134 : memref<1x32x768xf32, #tpu.memory_space<vmem>> -> memref<32x768xf32, #tpu.memory_space<vmem>>
    %dma_wait3A_136 = arith.constant 0 : i32
    %dma_wait3A_137 = arith.constant 0 : i32
    %dma_wait3A_138 = tpu.memref_slice %dma_wait3A_135[%dma_wait3A_136, %dma_wait3A_137] : memref<32x768xf32, #tpu.memory_space<vmem>> -> memref<8x768xf32, #tpu.memory_space<vmem>>
    %dma_wait3A_139 = arith.constant 0 : i32
    %dma_wait3A_140 = arith.constant 0 : i32
    %dma_wait3A_141 = tpu.memref_slice %arg5[%dma_wait3A_139, %dma_wait3A_140] : memref<8192x768xf32, #tpu.memory_space<hbm>> -> memref<8x768xf32, #tpu.memory_space<hbm>>
    %dma_wait3A_142 = arith.constant 0 : i32
    %dma_wait3A_143 = arith.constant 0 : i32
    %dma_wait3A_144 = tpu.memref_slice %arg5[%dma_wait3A_142, %dma_wait3A_143] : memref<8192x768xf32, #tpu.memory_space<hbm>> -> memref<8x768xf32, #tpu.memory_space<hbm>>
    %dma_wait3A_145 = arith.constant 0 : i32
    %dma_wait3A_146 = arith.constant 0 : i32
    %dma_wait3A_147 = tpu.memref_slice %arg7[%dma_wait3A_131, %dma_wait3A_145, %dma_wait3A_146] : memref<4x32x768xf32, #tpu.memory_space<vmem>> -> memref<1x32x768xf32, #tpu.memory_space<vmem>>
    %dma_wait3A_148 = tpu.memref_squeeze %dma_wait3A_147 : memref<1x32x768xf32, #tpu.memory_space<vmem>> -> memref<32x768xf32, #tpu.memory_space<vmem>>
    %dma_wait3A_149 = arith.constant 0 : i32
    %dma_wait3A_150 = arith.constant 0 : i32
    %dma_wait3A_151 = tpu.memref_slice %dma_wait3A_148[%dma_wait3A_149, %dma_wait3A_150] : memref<32x768xf32, #tpu.memory_space<vmem>> -> memref<8x768xf32, #tpu.memory_space<vmem>>
    tpu.wait_dma2 semaphore(%arg17 : memref<!tpu.dma_semaphore, #tpu.memory_space<semaphore_mem>>) src(%dma_wait3A_151 : memref<8x768xf32, #tpu.memory_space<vmem>>) dst(%dma_wait3A_144 : memref<8x768xf32, #tpu.memory_space<hbm>>)
    %dma_wait3A_152 = arith.constant 0 : i32
    %dma_wait3A_153 = arith.constant 0 : i32
    %dma_wait3A_154 = arith.constant 0 : i32
    %dma_wait3A_155 = tpu.memref_slice %arg7[%dma_wait3A_152, %dma_wait3A_153, %dma_wait3A_154] : memref<4x32x768xf32, #tpu.memory_space<vmem>> -> memref<1x32x768xf32, #tpu.memory_space<vmem>>
    %dma_wait3A_156 = tpu.memref_squeeze %dma_wait3A_155 : memref<1x32x768xf32, #tpu.memory_space<vmem>> -> memref<32x768xf32, #tpu.memory_space<vmem>>
    %dma_wait3A_157 = arith.constant 0 : i32
    %dma_wait3A_158 = arith.constant 0 : i32
    %dma_wait3A_159 = tpu.memref_slice %dma_wait3A_156[%dma_wait3A_157, %dma_wait3A_158] : memref<32x768xf32, #tpu.memory_space<vmem>> -> memref<8x768xf32, #tpu.memory_space<vmem>>
    %dma_wait3A_160 = arith.constant 0 : i32
    %dma_wait3A_161 = arith.constant 0 : i32
    %dma_wait3A_162 = tpu.memref_slice %arg5[%dma_wait3A_160, %dma_wait3A_161] : memref<8192x768xf32, #tpu.memory_space<hbm>> -> memref<8x768xf32, #tpu.memory_space<hbm>>
    %dma_wait3A_163 = arith.constant 0 : i32
    %dma_wait3A_164 = arith.constant 0 : i32
    %dma_wait3A_165 = tpu.memref_slice %arg5[%dma_wait3A_163, %dma_wait3A_164] : memref<8192x768xf32, #tpu.memory_space<hbm>> -> memref<8x768xf32, #tpu.memory_space<hbm>>
    %dma_wait3A_166 = arith.constant 0 : i32
    %dma_wait3A_167 = arith.constant 0 : i32
    %dma_wait3A_168 = tpu.memref_slice %arg7[%dma_wait3A_152, %dma_wait3A_166, %dma_wait3A_167] : memref<4x32x768xf32, #tpu.memory_space<vmem>> -> memref<1x32x768xf32, #tpu.memory_space<vmem>>
    %dma_wait3A_169 = tpu.memref_squeeze %dma_wait3A_168 : memref<1x32x768xf32, #tpu.memory_space<vmem>> -> memref<32x768xf32, #tpu.memory_space<vmem>>
    %dma_wait3A_170 = arith.constant 0 : i32
    %dma_wait3A_171 = arith.constant 0 : i32
    %dma_wait3A_172 = tpu.memref_slice %dma_wait3A_169[%dma_wait3A_170, %dma_wait3A_171] : memref<32x768xf32, #tpu.memory_space<vmem>> -> memref<8x768xf32, #tpu.memory_space<vmem>>
    tpu.wait_dma2 semaphore(%arg17 : memref<!tpu.dma_semaphore, #tpu.memory_space<semaphore_mem>>) src(%dma_wait3A_172 : memref<8x768xf32, #tpu.memory_space<vmem>>) dst(%dma_wait3A_165 : memref<8x768xf32, #tpu.memory_space<hbm>>)
    %dma_wait3A_173 = arith.constant 0 : i32
    %dma_wait3A_174 = arith.constant 0 : i32
    %dma_wait3A_175 = arith.constant 0 : i32
    %dma_wait3A_176 = tpu.memref_slice %arg7[%dma_wait3A_173, %dma_wait3A_174, %dma_wait3A_175] : memref<4x32x768xf32, #tpu.memory_space<vmem>> -> memref<1x32x768xf32, #tpu.memory_space<vmem>>
    %dma_wait3A_177 = tpu.memref_squeeze %dma_wait3A_176 : memref<1x32x768xf32, #tpu.memory_space<vmem>> -> memref<32x768xf32, #tpu.memory_space<vmem>>
    %dma_wait3A_178 = arith.constant 0 : i32
    %dma_wait3A_179 = arith.constant 0 : i32
    %dma_wait3A_180 = tpu.memref_slice %dma_wait3A_177[%dma_wait3A_178, %dma_wait3A_179] : memref<32x768xf32, #tpu.memory_space<vmem>> -> memref<8x768xf32, #tpu.memory_space<vmem>>
    %dma_wait3A_181 = arith.constant 0 : i32
    %dma_wait3A_182 = arith.constant 0 : i32
    %dma_wait3A_183 = tpu.memref_slice %arg5[%dma_wait3A_181, %dma_wait3A_182] : memref<8192x768xf32, #tpu.memory_space<hbm>> -> memref<8x768xf32, #tpu.memory_space<hbm>>
    %dma_wait3A_184 = arith.constant 0 : i32
    %dma_wait3A_185 = arith.constant 0 : i32
    %dma_wait3A_186 = tpu.memref_slice %arg5[%dma_wait3A_184, %dma_wait3A_185] : memref<8192x768xf32, #tpu.memory_space<hbm>> -> memref<8x768xf32, #tpu.memory_space<hbm>>
    %dma_wait3A_187 = arith.constant 0 : i32
    %dma_wait3A_188 = arith.constant 0 : i32
    %dma_wait3A_189 = tpu.memref_slice %arg7[%dma_wait3A_173, %dma_wait3A_187, %dma_wait3A_188] : memref<4x32x768xf32, #tpu.memory_space<vmem>> -> memref<1x32x768xf32, #tpu.memory_space<vmem>>
    %dma_wait3A_190 = tpu.memref_squeeze %dma_wait3A_189 : memref<1x32x768xf32, #tpu.memory_space<vmem>> -> memref<32x768xf32, #tpu.memory_space<vmem>>
    %dma_wait3A_191 = arith.constant 0 : i32
    %dma_wait3A_192 = arith.constant 0 : i32
    %dma_wait3A_193 = tpu.memref_slice %dma_wait3A_190[%dma_wait3A_191, %dma_wait3A_192] : memref<32x768xf32, #tpu.memory_space<vmem>> -> memref<8x768xf32, #tpu.memory_space<vmem>>
    tpu.wait_dma2 semaphore(%arg17 : memref<!tpu.dma_semaphore, #tpu.memory_space<semaphore_mem>>) src(%dma_wait3A_193 : memref<8x768xf32, #tpu.memory_space<vmem>>) dst(%dma_wait3A_186 : memref<8x768xf32, #tpu.memory_space<hbm>>)
    %dma_wait3A_194 = arith.constant 1 : i32
    %dma_wait3A_195 = arith.constant 0 : i32
    %dma_wait3A_196 = arith.constant 0 : i32
    %dma_wait3A_197 = tpu.memref_slice %arg7[%dma_wait3A_194, %dma_wait3A_195, %dma_wait3A_196] : memref<4x32x768xf32, #tpu.memory_space<vmem>> -> memref<1x32x768xf32, #tpu.memory_space<vmem>>
    %dma_wait3A_198 = tpu.memref_squeeze %dma_wait3A_197 : memref<1x32x768xf32, #tpu.memory_space<vmem>> -> memref<32x768xf32, #tpu.memory_space<vmem>>
    %dma_wait3A_199 = arith.constant 0 : i32
    %dma_wait3A_200 = arith.constant 0 : i32
    %dma_wait3A_201 = tpu.memref_slice %dma_wait3A_198[%dma_wait3A_199, %dma_wait3A_200] : memref<32x768xf32, #tpu.memory_space<vmem>> -> memref<8x768xf32, #tpu.memory_space<vmem>>
    %dma_wait3A_202 = arith.constant 0 : i32
    %dma_wait3A_203 = arith.constant 0 : i32
    %dma_wait3A_204 = tpu.memref_slice %arg5[%dma_wait3A_202, %dma_wait3A_203] : memref<8192x768xf32, #tpu.memory_space<hbm>> -> memref<8x768xf32, #tpu.memory_space<hbm>>
    %dma_wait3A_205 = arith.constant 0 : i32
    %dma_wait3A_206 = arith.constant 0 : i32
    %dma_wait3A_207 = tpu.memref_slice %arg5[%dma_wait3A_205, %dma_wait3A_206] : memref<8192x768xf32, #tpu.memory_space<hbm>> -> memref<8x768xf32, #tpu.memory_space<hbm>>
    %dma_wait3A_208 = arith.constant 0 : i32
    %dma_wait3A_209 = arith.constant 0 : i32
    %dma_wait3A_210 = tpu.memref_slice %arg7[%dma_wait3A_194, %dma_wait3A_208, %dma_wait3A_209] : memref<4x32x768xf32, #tpu.memory_space<vmem>> -> memref<1x32x768xf32, #tpu.memory_space<vmem>>
    %dma_wait3A_211 = tpu.memref_squeeze %dma_wait3A_210 : memref<1x32x768xf32, #tpu.memory_space<vmem>> -> memref<32x768xf32, #tpu.memory_space<vmem>>
    %dma_wait3A_212 = arith.constant 0 : i32
    %dma_wait3A_213 = arith.constant 0 : i32
    %dma_wait3A_214 = tpu.memref_slice %dma_wait3A_211[%dma_wait3A_212, %dma_wait3A_213] : memref<32x768xf32, #tpu.memory_space<vmem>> -> memref<8x768xf32, #tpu.memory_space<vmem>>
    tpu.wait_dma2 semaphore(%arg18 : memref<!tpu.dma_semaphore, #tpu.memory_space<semaphore_mem>>) src(%dma_wait3A_214 : memref<8x768xf32, #tpu.memory_space<vmem>>) dst(%dma_wait3A_207 : memref<8x768xf32, #tpu.memory_space<hbm>>)
    %dma_wait3A_215 = arith.constant 1 : i32
    %dma_wait3A_216 = arith.constant 0 : i32
    %dma_wait3A_217 = arith.constant 0 : i32
    %dma_wait3A_218 = tpu.memref_slice %arg7[%dma_wait3A_215, %dma_wait3A_216, %dma_wait3A_217] : memref<4x32x768xf32, #tpu.memory_space<vmem>> -> memref<1x32x768xf32, #tpu.memory_space<vmem>>
    %dma_wait3A_219 = tpu.memref_squeeze %dma_wait3A_218 : memref<1x32x768xf32, #tpu.memory_space<vmem>> -> memref<32x768xf32, #tpu.memory_space<vmem>>
    %dma_wait3A_220 = arith.constant 0 : i32
    %dma_wait3A_221 = arith.constant 0 : i32
    %dma_wait3A_222 = tpu.memref_slice %dma_wait3A_219[%dma_wait3A_220, %dma_wait3A_221] : memref<32x768xf32, #tpu.memory_space<vmem>> -> memref<8x768xf32, #tpu.memory_space<vmem>>
    %dma_wait3A_223 = arith.constant 0 : i32
    %dma_wait3A_224 = arith.constant 0 : i32
    %dma_wait3A_225 = tpu.memref_slice %arg5[%dma_wait3A_223, %dma_wait3A_224] : memref<8192x768xf32, #tpu.memory_space<hbm>> -> memref<8x768xf32, #tpu.memory_space<hbm>>
    %dma_wait3A_226 = arith.constant 0 : i32
    %dma_wait3A_227 = arith.constant 0 : i32
    %dma_wait3A_228 = tpu.memref_slice %arg5[%dma_wait3A_226, %dma_wait3A_227] : memref<8192x768xf32, #tpu.memory_space<hbm>> -> memref<8x768xf32, #tpu.memory_space<hbm>>
    %dma_wait3A_229 = arith.constant 0 : i32
    %dma_wait3A_230 = arith.constant 0 : i32
    %dma_wait3A_231 = tpu.memref_slice %arg7[%dma_wait3A_215, %dma_wait3A_229, %dma_wait3A_230] : memref<4x32x768xf32, #tpu.memory_space<vmem>> -> memref<1x32x768xf32, #tpu.memory_space<vmem>>
    %dma_wait3A_232 = tpu.memref_squeeze %dma_wait3A_231 : memref<1x32x768xf32, #tpu.memory_space<vmem>> -> memref<32x768xf32, #tpu.memory_space<vmem>>
    %dma_wait3A_233 = arith.constant 0 : i32
    %dma_wait3A_234 = arith.constant 0 : i32
    %dma_wait3A_235 = tpu.memref_slice %dma_wait3A_232[%dma_wait3A_233, %dma_wait3A_234] : memref<32x768xf32, #tpu.memory_space<vmem>> -> memref<8x768xf32, #tpu.memory_space<vmem>>
    tpu.wait_dma2 semaphore(%arg18 : memref<!tpu.dma_semaphore, #tpu.memory_space<semaphore_mem>>) src(%dma_wait3A_235 : memref<8x768xf32, #tpu.memory_space<vmem>>) dst(%dma_wait3A_228 : memref<8x768xf32, #tpu.memory_space<hbm>>)
    %dma_wait3A_236 = arith.constant 1 : i32
    %dma_wait3A_237 = arith.constant 0 : i32
    %dma_wait3A_238 = arith.constant 0 : i32
    %dma_wait3A_239 = tpu.memref_slice %arg7[%dma_wait3A_236, %dma_wait3A_237, %dma_wait3A_238] : memref<4x32x768xf32, #tpu.memory_space<vmem>> -> memref<1x32x768xf32, #tpu.memory_space<vmem>>
    %dma_wait3A_240 = tpu.memref_squeeze %dma_wait3A_239 : memref<1x32x768xf32, #tpu.memory_space<vmem>> -> memref<32x768xf32, #tpu.memory_space<vmem>>
    %dma_wait3A_241 = arith.constant 0 : i32
    %dma_wait3A_242 = arith.constant 0 : i32
    %dma_wait3A_243 = tpu.memref_slice %dma_wait3A_240[%dma_wait3A_241, %dma_wait3A_242] : memref<32x768xf32, #tpu.memory_space<vmem>> -> memref<8x768xf32, #tpu.memory_space<vmem>>
    %dma_wait3A_244 = arith.constant 0 : i32
    %dma_wait3A_245 = arith.constant 0 : i32
    %dma_wait3A_246 = tpu.memref_slice %arg5[%dma_wait3A_244, %dma_wait3A_245] : memref<8192x768xf32, #tpu.memory_space<hbm>> -> memref<8x768xf32, #tpu.memory_space<hbm>>
    %dma_wait3A_247 = arith.constant 0 : i32
    %dma_wait3A_248 = arith.constant 0 : i32
    %dma_wait3A_249 = tpu.memref_slice %arg5[%dma_wait3A_247, %dma_wait3A_248] : memref<8192x768xf32, #tpu.memory_space<hbm>> -> memref<8x768xf32, #tpu.memory_space<hbm>>
    %dma_wait3A_250 = arith.constant 0 : i32
    %dma_wait3A_251 = arith.constant 0 : i32
    %dma_wait3A_252 = tpu.memref_slice %arg7[%dma_wait3A_236, %dma_wait3A_250, %dma_wait3A_251] : memref<4x32x768xf32, #tpu.memory_space<vmem>> -> memref<1x32x768xf32, #tpu.memory_space<vmem>>
    %dma_wait3A_253 = tpu.memref_squeeze %dma_wait3A_252 : memref<1x32x768xf32, #tpu.memory_space<vmem>> -> memref<32x768xf32, #tpu.memory_space<vmem>>
    %dma_wait3A_254 = arith.constant 0 : i32
    %dma_wait3A_255 = arith.constant 0 : i32
    %dma_wait3A_256 = tpu.memref_slice %dma_wait3A_253[%dma_wait3A_254, %dma_wait3A_255] : memref<32x768xf32, #tpu.memory_space<vmem>> -> memref<8x768xf32, #tpu.memory_space<vmem>>
    tpu.wait_dma2 semaphore(%arg18 : memref<!tpu.dma_semaphore, #tpu.memory_space<semaphore_mem>>) src(%dma_wait3A_256 : memref<8x768xf32, #tpu.memory_space<vmem>>) dst(%dma_wait3A_249 : memref<8x768xf32, #tpu.memory_space<hbm>>)
    %dma_wait3A_257 = arith.constant 1 : i32
    %dma_wait3A_258 = arith.constant 0 : i32
    %dma_wait3A_259 = arith.constant 0 : i32
    %dma_wait3A_260 = tpu.memref_slice %arg7[%dma_wait3A_257, %dma_wait3A_258, %dma_wait3A_259] : memref<4x32x768xf32, #tpu.memory_space<vmem>> -> memref<1x32x768xf32, #tpu.memory_space<vmem>>
    %dma_wait3A_261 = tpu.memref_squeeze %dma_wait3A_260 : memref<1x32x768xf32, #tpu.memory_space<vmem>> -> memref<32x768xf32, #tpu.memory_space<vmem>>
    %dma_wait3A_262 = arith.constant 0 : i32
    %dma_wait3A_263 = arith.constant 0 : i32
    %dma_wait3A_264 = tpu.memref_slice %dma_wait3A_261[%dma_wait3A_262, %dma_wait3A_263] : memref<32x768xf32, #tpu.memory_space<vmem>> -> memref<8x768xf32, #tpu.memory_space<vmem>>
    %dma_wait3A_265 = arith.constant 0 : i32
    %dma_wait3A_266 = arith.constant 0 : i32
    %dma_wait3A_267 = tpu.memref_slice %arg5[%dma_wait3A_265, %dma_wait3A_266] : memref<8192x768xf32, #tpu.memory_space<hbm>> -> memref<8x768xf32, #tpu.memory_space<hbm>>
    %dma_wait3A_268 = arith.constant 0 : i32
    %dma_wait3A_269 = arith.constant 0 : i32
    %dma_wait3A_270 = tpu.memref_slice %arg5[%dma_wait3A_268, %dma_wait3A_269] : memref<8192x768xf32, #tpu.memory_space<hbm>> -> memref<8x768xf32, #tpu.memory_space<hbm>>
    %dma_wait3A_271 = arith.constant 0 : i32
    %dma_wait3A_272 = arith.constant 0 : i32
    %dma_wait3A_273 = tpu.memref_slice %arg7[%dma_wait3A_257, %dma_wait3A_271, %dma_wait3A_272] : memref<4x32x768xf32, #tpu.memory_space<vmem>> -> memref<1x32x768xf32, #tpu.memory_space<vmem>>
    %dma_wait3A_274 = tpu.memref_squeeze %dma_wait3A_273 : memref<1x32x768xf32, #tpu.memory_space<vmem>> -> memref<32x768xf32, #tpu.memory_space<vmem>>
    %dma_wait3A_275 = arith.constant 0 : i32
    %dma_wait3A_276 = arith.constant 0 : i32
    %dma_wait3A_277 = tpu.memref_slice %dma_wait3A_274[%dma_wait3A_275, %dma_wait3A_276] : memref<32x768xf32, #tpu.memory_space<vmem>> -> memref<8x768xf32, #tpu.memory_space<vmem>>
    tpu.wait_dma2 semaphore(%arg18 : memref<!tpu.dma_semaphore, #tpu.memory_space<semaphore_mem>>) src(%dma_wait3A_277 : memref<8x768xf32, #tpu.memory_space<vmem>>) dst(%dma_wait3A_270 : memref<8x768xf32, #tpu.memory_space<hbm>>)
    %dma_wait3A_278 = arith.constant 2 : i32
    %dma_wait3A_279 = arith.constant 0 : i32
    %dma_wait3A_280 = arith.constant 0 : i32
    %dma_wait3A_281 = tpu.memref_slice %arg7[%dma_wait3A_278, %dma_wait3A_279, %dma_wait3A_280] : memref<4x32x768xf32, #tpu.memory_space<vmem>> -> memref<1x32x768xf32, #tpu.memory_space<vmem>>
    %dma_wait3A_282 = tpu.memref_squeeze %dma_wait3A_281 : memref<1x32x768xf32, #tpu.memory_space<vmem>> -> memref<32x768xf32, #tpu.memory_space<vmem>>
    %dma_wait3A_283 = arith.constant 0 : i32
    %dma_wait3A_284 = arith.constant 0 : i32
    %dma_wait3A_285 = tpu.memref_slice %dma_wait3A_282[%dma_wait3A_283, %dma_wait3A_284] : memref<32x768xf32, #tpu.memory_space<vmem>> -> memref<8x768xf32, #tpu.memory_space<vmem>>
    %dma_wait3A_286 = arith.constant 0 : i32
    %dma_wait3A_287 = arith.constant 0 : i32
    %dma_wait3A_288 = tpu.memref_slice %arg5[%dma_wait3A_286, %dma_wait3A_287] : memref<8192x768xf32, #tpu.memory_space<hbm>> -> memref<8x768xf32, #tpu.memory_space<hbm>>
    %dma_wait3A_289 = arith.constant 0 : i32
    %dma_wait3A_290 = arith.constant 0 : i32
    %dma_wait3A_291 = tpu.memref_slice %arg5[%dma_wait3A_289, %dma_wait3A_290] : memref<8192x768xf32, #tpu.memory_space<hbm>> -> memref<8x768xf32, #tpu.memory_space<hbm>>
    %dma_wait3A_292 = arith.constant 0 : i32
    %dma_wait3A_293 = arith.constant 0 : i32
    %dma_wait3A_294 = tpu.memref_slice %arg7[%dma_wait3A_278, %dma_wait3A_292, %dma_wait3A_293] : memref<4x32x768xf32, #tpu.memory_space<vmem>> -> memref<1x32x768xf32, #tpu.memory_space<vmem>>
    %dma_wait3A_295 = tpu.memref_squeeze %dma_wait3A_294 : memref<1x32x768xf32, #tpu.memory_space<vmem>> -> memref<32x768xf32, #tpu.memory_space<vmem>>
    %dma_wait3A_296 = arith.constant 0 : i32
    %dma_wait3A_297 = arith.constant 0 : i32
    %dma_wait3A_298 = tpu.memref_slice %dma_wait3A_295[%dma_wait3A_296, %dma_wait3A_297] : memref<32x768xf32, #tpu.memory_space<vmem>> -> memref<8x768xf32, #tpu.memory_space<vmem>>
    tpu.wait_dma2 semaphore(%arg19 : memref<!tpu.dma_semaphore, #tpu.memory_space<semaphore_mem>>) src(%dma_wait3A_298 : memref<8x768xf32, #tpu.memory_space<vmem>>) dst(%dma_wait3A_291 : memref<8x768xf32, #tpu.memory_space<hbm>>)
    %dma_wait3A_299 = arith.constant 2 : i32
    %dma_wait3A_300 = arith.constant 0 : i32
    %dma_wait3A_301 = arith.constant 0 : i32
    %dma_wait3A_302 = tpu.memref_slice %arg7[%dma_wait3A_299, %dma_wait3A_300, %dma_wait3A_301] : memref<4x32x768xf32, #tpu.memory_space<vmem>> -> memref<1x32x768xf32, #tpu.memory_space<vmem>>
    %dma_wait3A_303 = tpu.memref_squeeze %dma_wait3A_302 : memref<1x32x768xf32, #tpu.memory_space<vmem>> -> memref<32x768xf32, #tpu.memory_space<vmem>>
    %dma_wait3A_304 = arith.constant 0 : i32
    %dma_wait3A_305 = arith.constant 0 : i32
    %dma_wait3A_306 = tpu.memref_slice %dma_wait3A_303[%dma_wait3A_304, %dma_wait3A_305] : memref<32x768xf32, #tpu.memory_space<vmem>> -> memref<8x768xf32, #tpu.memory_space<vmem>>
    %dma_wait3A_307 = arith.constant 0 : i32
    %dma_wait3A_308 = arith.constant 0 : i32
    %dma_wait3A_309 = tpu.memref_slice %arg5[%dma_wait3A_307, %dma_wait3A_308] : memref<8192x768xf32, #tpu.memory_space<hbm>> -> memref<8x768xf32, #tpu.memory_space<hbm>>
    %dma_wait3A_310 = arith.constant 0 : i32
    %dma_wait3A_311 = arith.constant 0 : i32
    %dma_wait3A_312 = tpu.memref_slice %arg5[%dma_wait3A_310, %dma_wait3A_311] : memref<8192x768xf32, #tpu.memory_space<hbm>> -> memref<8x768xf32, #tpu.memory_space<hbm>>
    %dma_wait3A_313 = arith.constant 0 : i32
    %dma_wait3A_314 = arith.constant 0 : i32
    %dma_wait3A_315 = tpu.memref_slice %arg7[%dma_wait3A_299, %dma_wait3A_313, %dma_wait3A_314] : memref<4x32x768xf32, #tpu.memory_space<vmem>> -> memref<1x32x768xf32, #tpu.memory_space<vmem>>
    %dma_wait3A_316 = tpu.memref_squeeze %dma_wait3A_315 : memref<1x32x768xf32, #tpu.memory_space<vmem>> -> memref<32x768xf32, #tpu.memory_space<vmem>>
    %dma_wait3A_317 = arith.constant 0 : i32
    %dma_wait3A_318 = arith.constant 0 : i32
    %dma_wait3A_319 = tpu.memref_slice %dma_wait3A_316[%dma_wait3A_317, %dma_wait3A_318] : memref<32x768xf32, #tpu.memory_space<vmem>> -> memref<8x768xf32, #tpu.memory_space<vmem>>
    tpu.wait_dma2 semaphore(%arg19 : memref<!tpu.dma_semaphore, #tpu.memory_space<semaphore_mem>>) src(%dma_wait3A_319 : memref<8x768xf32, #tpu.memory_space<vmem>>) dst(%dma_wait3A_312 : memref<8x768xf32, #tpu.memory_space<hbm>>)
    %dma_wait3A_320 = arith.constant 2 : i32
    %dma_wait3A_321 = arith.constant 0 : i32
    %dma_wait3A_322 = arith.constant 0 : i32
    %dma_wait3A_323 = tpu.memref_slice %arg7[%dma_wait3A_320, %dma_wait3A_321, %dma_wait3A_322] : memref<4x32x768xf32, #tpu.memory_space<vmem>> -> memref<1x32x768xf32, #tpu.memory_space<vmem>>
    %dma_wait3A_324 = tpu.memref_squeeze %dma_wait3A_323 : memref<1x32x768xf32, #tpu.memory_space<vmem>> -> memref<32x768xf32, #tpu.memory_space<vmem>>
    %dma_wait3A_325 = arith.constant 0 : i32
    %dma_wait3A_326 = arith.constant 0 : i32
    %dma_wait3A_327 = tpu.memref_slice %dma_wait3A_324[%dma_wait3A_325, %dma_wait3A_326] : memref<32x768xf32, #tpu.memory_space<vmem>> -> memref<8x768xf32, #tpu.memory_space<vmem>>
    %dma_wait3A_328 = arith.constant 0 : i32
    %dma_wait3A_329 = arith.constant 0 : i32
    %dma_wait3A_330 = tpu.memref_slice %arg5[%dma_wait3A_328, %dma_wait3A_329] : memref<8192x768xf32, #tpu.memory_space<hbm>> -> memref<8x768xf32, #tpu.memory_space<hbm>>
    %dma_wait3A_331 = arith.constant 0 : i32
    %dma_wait3A_332 = arith.constant 0 : i32
    %dma_wait3A_333 = tpu.memref_slice %arg5[%dma_wait3A_331, %dma_wait3A_332] : memref<8192x768xf32, #tpu.memory_space<hbm>> -> memref<8x768xf32, #tpu.memory_space<hbm>>
    %dma_wait3A_334 = arith.constant 0 : i32
    %dma_wait3A_335 = arith.constant 0 : i32
    %dma_wait3A_336 = tpu.memref_slice %arg7[%dma_wait3A_320, %dma_wait3A_334, %dma_wait3A_335] : memref<4x32x768xf32, #tpu.memory_space<vmem>> -> memref<1x32x768xf32, #tpu.memory_space<vmem>>
    %dma_wait3A_337 = tpu.memref_squeeze %dma_wait3A_336 : memref<1x32x768xf32, #tpu.memory_space<vmem>> -> memref<32x768xf32, #tpu.memory_space<vmem>>
    %dma_wait3A_338 = arith.constant 0 : i32
    %dma_wait3A_339 = arith.constant 0 : i32
    %dma_wait3A_340 = tpu.memref_slice %dma_wait3A_337[%dma_wait3A_338, %dma_wait3A_339] : memref<32x768xf32, #tpu.memory_space<vmem>> -> memref<8x768xf32, #tpu.memory_space<vmem>>
    tpu.wait_dma2 semaphore(%arg19 : memref<!tpu.dma_semaphore, #tpu.memory_space<semaphore_mem>>) src(%dma_wait3A_340 : memref<8x768xf32, #tpu.memory_space<vmem>>) dst(%dma_wait3A_333 : memref<8x768xf32, #tpu.memory_space<hbm>>)
    %dma_wait3A_341 = arith.constant 2 : i32
    %dma_wait3A_342 = arith.constant 0 : i32
    %dma_wait3A_343 = arith.constant 0 : i32
    %dma_wait3A_344 = tpu.memref_slice %arg7[%dma_wait3A_341, %dma_wait3A_342, %dma_wait3A_343] : memref<4x32x768xf32, #tpu.memory_space<vmem>> -> memref<1x32x768xf32, #tpu.memory_space<vmem>>
    %dma_wait3A_345 = tpu.memref_squeeze %dma_wait3A_344 : memref<1x32x768xf32, #tpu.memory_space<vmem>> -> memref<32x768xf32, #tpu.memory_space<vmem>>
    %dma_wait3A_346 = arith.constant 0 : i32
    %dma_wait3A_347 = arith.constant 0 : i32
    %dma_wait3A_348 = tpu.memref_slice %dma_wait3A_345[%dma_wait3A_346, %dma_wait3A_347] : memref<32x768xf32, #tpu.memory_space<vmem>> -> memref<8x768xf32, #tpu.memory_space<vmem>>
    %dma_wait3A_349 = arith.constant 0 : i32
    %dma_wait3A_350 = arith.constant 0 : i32
    %dma_wait3A_351 = tpu.memref_slice %arg5[%dma_wait3A_349, %dma_wait3A_350] : memref<8192x768xf32, #tpu.memory_space<hbm>> -> memref<8x768xf32, #tpu.memory_space<hbm>>
    %dma_wait3A_352 = arith.constant 0 : i32
    %dma_wait3A_353 = arith.constant 0 : i32
    %dma_wait3A_354 = tpu.memref_slice %arg5[%dma_wait3A_352, %dma_wait3A_353] : memref<8192x768xf32, #tpu.memory_space<hbm>> -> memref<8x768xf32, #tpu.memory_space<hbm>>
    %dma_wait3A_355 = arith.constant 0 : i32
    %dma_wait3A_356 = arith.constant 0 : i32
    %dma_wait3A_357 = tpu.memref_slice %arg7[%dma_wait3A_341, %dma_wait3A_355, %dma_wait3A_356] : memref<4x32x768xf32, #tpu.memory_space<vmem>> -> memref<1x32x768xf32, #tpu.memory_space<vmem>>
    %dma_wait3A_358 = tpu.memref_squeeze %dma_wait3A_357 : memref<1x32x768xf32, #tpu.memory_space<vmem>> -> memref<32x768xf32, #tpu.memory_space<vmem>>
    %dma_wait3A_359 = arith.constant 0 : i32
    %dma_wait3A_360 = arith.constant 0 : i32
    %dma_wait3A_361 = tpu.memref_slice %dma_wait3A_358[%dma_wait3A_359, %dma_wait3A_360] : memref<32x768xf32, #tpu.memory_space<vmem>> -> memref<8x768xf32, #tpu.memory_space<vmem>>
    tpu.wait_dma2 semaphore(%arg19 : memref<!tpu.dma_semaphore, #tpu.memory_space<semaphore_mem>>) src(%dma_wait3A_361 : memref<8x768xf32, #tpu.memory_space<vmem>>) dst(%dma_wait3A_354 : memref<8x768xf32, #tpu.memory_space<hbm>>)
    %dma_wait3A_362 = arith.constant 3 : i32
    %dma_wait3A_363 = arith.constant 0 : i32
    %dma_wait3A_364 = arith.constant 0 : i32
    %dma_wait3A_365 = tpu.memref_slice %arg7[%dma_wait3A_362, %dma_wait3A_363, %dma_wait3A_364] : memref<4x32x768xf32, #tpu.memory_space<vmem>> -> memref<1x32x768xf32, #tpu.memory_space<vmem>>
    %dma_wait3A_366 = tpu.memref_squeeze %dma_wait3A_365 : memref<1x32x768xf32, #tpu.memory_space<vmem>> -> memref<32x768xf32, #tpu.memory_space<vmem>>
    %dma_wait3A_367 = arith.constant 0 : i32
    %dma_wait3A_368 = arith.constant 0 : i32
    %dma_wait3A_369 = tpu.memref_slice %dma_wait3A_366[%dma_wait3A_367, %dma_wait3A_368] : memref<32x768xf32, #tpu.memory_space<vmem>> -> memref<8x768xf32, #tpu.memory_space<vmem>>
    %dma_wait3A_370 = arith.constant 0 : i32
    %dma_wait3A_371 = arith.constant 0 : i32
    %dma_wait3A_372 = tpu.memref_slice %arg5[%dma_wait3A_370, %dma_wait3A_371] : memref<8192x768xf32, #tpu.memory_space<hbm>> -> memref<8x768xf32, #tpu.memory_space<hbm>>
    %dma_wait3A_373 = arith.constant 0 : i32
    %dma_wait3A_374 = arith.constant 0 : i32
    %dma_wait3A_375 = tpu.memref_slice %arg5[%dma_wait3A_373, %dma_wait3A_374] : memref<8192x768xf32, #tpu.memory_space<hbm>> -> memref<8x768xf32, #tpu.memory_space<hbm>>
    %dma_wait3A_376 = arith.constant 0 : i32
    %dma_wait3A_377 = arith.constant 0 : i32
    %dma_wait3A_378 = tpu.memref_slice %arg7[%dma_wait3A_362, %dma_wait3A_376, %dma_wait3A_377] : memref<4x32x768xf32, #tpu.memory_space<vmem>> -> memref<1x32x768xf32, #tpu.memory_space<vmem>>
    %dma_wait3A_379 = tpu.memref_squeeze %dma_wait3A_378 : memref<1x32x768xf32, #tpu.memory_space<vmem>> -> memref<32x768xf32, #tpu.memory_space<vmem>>
    %dma_wait3A_380 = arith.constant 0 : i32
    %dma_wait3A_381 = arith.constant 0 : i32
    %dma_wait3A_382 = tpu.memref_slice %dma_wait3A_379[%dma_wait3A_380, %dma_wait3A_381] : memref<32x768xf32, #tpu.memory_space<vmem>> -> memref<8x768xf32, #tpu.memory_space<vmem>>
    tpu.wait_dma2 semaphore(%arg20 : memref<!tpu.dma_semaphore, #tpu.memory_space<semaphore_mem>>) src(%dma_wait3A_382 : memref<8x768xf32, #tpu.memory_space<vmem>>) dst(%dma_wait3A_375 : memref<8x768xf32, #tpu.memory_space<hbm>>)
    %dma_wait3A_383 = arith.constant 3 : i32
    %dma_wait3A_384 = arith.constant 0 : i32
    %dma_wait3A_385 = arith.constant 0 : i32
    %dma_wait3A_386 = tpu.memref_slice %arg7[%dma_wait3A_383, %dma_wait3A_384, %dma_wait3A_385] : memref<4x32x768xf32, #tpu.memory_space<vmem>> -> memref<1x32x768xf32, #tpu.memory_space<vmem>>
    %dma_wait3A_387 = tpu.memref_squeeze %dma_wait3A_386 : memref<1x32x768xf32, #tpu.memory_space<vmem>> -> memref<32x768xf32, #tpu.memory_space<vmem>>
    %dma_wait3A_388 = arith.constant 0 : i32
    %dma_wait3A_389 = arith.constant 0 : i32
    %dma_wait3A_390 = tpu.memref_slice %dma_wait3A_387[%dma_wait3A_388, %dma_wait3A_389] : memref<32x768xf32, #tpu.memory_space<vmem>> -> memref<8x768xf32, #tpu.memory_space<vmem>>
    %dma_wait3A_391 = arith.constant 0 : i32
    %dma_wait3A_392 = arith.constant 0 : i32
    %dma_wait3A_393 = tpu.memref_slice %arg5[%dma_wait3A_391, %dma_wait3A_392] : memref<8192x768xf32, #tpu.memory_space<hbm>> -> memref<8x768xf32, #tpu.memory_space<hbm>>
    %dma_wait3A_394 = arith.constant 0 : i32
    %dma_wait3A_395 = arith.constant 0 : i32
    %dma_wait3A_396 = tpu.memref_slice %arg5[%dma_wait3A_394, %dma_wait3A_395] : memref<8192x768xf32, #tpu.memory_space<hbm>> -> memref<8x768xf32, #tpu.memory_space<hbm>>
    %dma_wait3A_397 = arith.constant 0 : i32
    %dma_wait3A_398 = arith.constant 0 : i32
    %dma_wait3A_399 = tpu.memref_slice %arg7[%dma_wait3A_383, %dma_wait3A_397, %dma_wait3A_398] : memref<4x32x768xf32, #tpu.memory_space<vmem>> -> memref<1x32x768xf32, #tpu.memory_space<vmem>>
    %dma_wait3A_400 = tpu.memref_squeeze %dma_wait3A_399 : memref<1x32x768xf32, #tpu.memory_space<vmem>> -> memref<32x768xf32, #tpu.memory_space<vmem>>
    %dma_wait3A_401 = arith.constant 0 : i32
    %dma_wait3A_402 = arith.constant 0 : i32
    %dma_wait3A_403 = tpu.memref_slice %dma_wait3A_400[%dma_wait3A_401, %dma_wait3A_402] : memref<32x768xf32, #tpu.memory_space<vmem>> -> memref<8x768xf32, #tpu.memory_space<vmem>>
    tpu.wait_dma2 semaphore(%arg20 : memref<!tpu.dma_semaphore, #tpu.memory_space<semaphore_mem>>) src(%dma_wait3A_403 : memref<8x768xf32, #tpu.memory_space<vmem>>) dst(%dma_wait3A_396 : memref<8x768xf32, #tpu.memory_space<hbm>>)
    %dma_wait3A_404 = arith.constant 3 : i32
    %dma_wait3A_405 = arith.constant 0 : i32
    %dma_wait3A_406 = arith.constant 0 : i32
    %dma_wait3A_407 = tpu.memref_slice %arg7[%dma_wait3A_404, %dma_wait3A_405, %dma_wait3A_406] : memref<4x32x768xf32, #tpu.memory_space<vmem>> -> memref<1x32x768xf32, #tpu.memory_space<vmem>>
    %dma_wait3A_408 = tpu.memref_squeeze %dma_wait3A_407 : memref<1x32x768xf32, #tpu.memory_space<vmem>> -> memref<32x768xf32, #tpu.memory_space<vmem>>
    %dma_wait3A_409 = arith.constant 0 : i32
    %dma_wait3A_410 = arith.constant 0 : i32
    %dma_wait3A_411 = tpu.memref_slice %dma_wait3A_408[%dma_wait3A_409, %dma_wait3A_410] : memref<32x768xf32, #tpu.memory_space<vmem>> -> memref<8x768xf32, #tpu.memory_space<vmem>>
    %dma_wait3A_412 = arith.constant 0 : i32
    %dma_wait3A_413 = arith.constant 0 : i32
    %dma_wait3A_414 = tpu.memref_slice %arg5[%dma_wait3A_412, %dma_wait3A_413] : memref<8192x768xf32, #tpu.memory_space<hbm>> -> memref<8x768xf32, #tpu.memory_space<hbm>>
    %dma_wait3A_415 = arith.constant 0 : i32
    %dma_wait3A_416 = arith.constant 0 : i32
    %dma_wait3A_417 = tpu.memref_slice %arg5[%dma_wait3A_415, %dma_wait3A_416] : memref<8192x768xf32, #tpu.memory_space<hbm>> -> memref<8x768xf32, #tpu.memory_space<hbm>>
    %dma_wait3A_418 = arith.constant 0 : i32
    %dma_wait3A_419 = arith.constant 0 : i32
    %dma_wait3A_420 = tpu.memref_slice %arg7[%dma_wait3A_404, %dma_wait3A_418, %dma_wait3A_419] : memref<4x32x768xf32, #tpu.memory_space<vmem>> -> memref<1x32x768xf32, #tpu.memory_space<vmem>>
    %dma_wait3A_421 = tpu.memref_squeeze %dma_wait3A_420 : memref<1x32x768xf32, #tpu.memory_space<vmem>> -> memref<32x768xf32, #tpu.memory_space<vmem>>
    %dma_wait3A_422 = arith.constant 0 : i32
    %dma_wait3A_423 = arith.constant 0 : i32
    %dma_wait3A_424 = tpu.memref_slice %dma_wait3A_421[%dma_wait3A_422, %dma_wait3A_423] : memref<32x768xf32, #tpu.memory_space<vmem>> -> memref<8x768xf32, #tpu.memory_space<vmem>>
    tpu.wait_dma2 semaphore(%arg20 : memref<!tpu.dma_semaphore, #tpu.memory_space<semaphore_mem>>) src(%dma_wait3A_424 : memref<8x768xf32, #tpu.memory_space<vmem>>) dst(%dma_wait3A_417 : memref<8x768xf32, #tpu.memory_space<hbm>>)
    %dma_wait3A_425 = arith.constant 3 : i32
    %dma_wait3A_426 = arith.constant 0 : i32
    %dma_wait3A_427 = arith.constant 0 : i32
    %dma_wait3A_428 = tpu.memref_slice %arg7[%dma_wait3A_425, %dma_wait3A_426, %dma_wait3A_427] : memref<4x32x768xf32, #tpu.memory_space<vmem>> -> memref<1x32x768xf32, #tpu.memory_space<vmem>>
    %dma_wait3A_429 = tpu.memref_squeeze %dma_wait3A_428 : memref<1x32x768xf32, #tpu.memory_space<vmem>> -> memref<32x768xf32, #tpu.memory_space<vmem>>
    %dma_wait3A_430 = arith.constant 0 : i32
    %dma_wait3A_431 = arith.constant 0 : i32
    %dma_wait3A_432 = tpu.memref_slice %dma_wait3A_429[%dma_wait3A_430, %dma_wait3A_431] : memref<32x768xf32, #tpu.memory_space<vmem>> -> memref<8x768xf32, #tpu.memory_space<vmem>>
    %dma_wait3A_433 = arith.constant 0 : i32
    %dma_wait3A_434 = arith.constant 0 : i32
    %dma_wait3A_435 = tpu.memref_slice %arg5[%dma_wait3A_433, %dma_wait3A_434] : memref<8192x768xf32, #tpu.memory_space<hbm>> -> memref<8x768xf32, #tpu.memory_space<hbm>>
    %dma_wait3A_436 = arith.constant 0 : i32
    %dma_wait3A_437 = arith.constant 0 : i32
    %dma_wait3A_438 = tpu.memref_slice %arg5[%dma_wait3A_436, %dma_wait3A_437] : memref<8192x768xf32, #tpu.memory_space<hbm>> -> memref<8x768xf32, #tpu.memory_space<hbm>>
    %dma_wait3A_439 = arith.constant 0 : i32
    %dma_wait3A_440 = arith.constant 0 : i32
    %dma_wait3A_441 = tpu.memref_slice %arg7[%dma_wait3A_425, %dma_wait3A_439, %dma_wait3A_440] : memref<4x32x768xf32, #tpu.memory_space<vmem>> -> memref<1x32x768xf32, #tpu.memory_space<vmem>>
    %dma_wait3A_442 = tpu.memref_squeeze %dma_wait3A_441 : memref<1x32x768xf32, #tpu.memory_space<vmem>> -> memref<32x768xf32, #tpu.memory_space<vmem>>
    %dma_wait3A_443 = arith.constant 0 : i32
    %dma_wait3A_444 = arith.constant 0 : i32
    %dma_wait3A_445 = tpu.memref_slice %dma_wait3A_442[%dma_wait3A_443, %dma_wait3A_444] : memref<32x768xf32, #tpu.memory_space<vmem>> -> memref<8x768xf32, #tpu.memory_space<vmem>>
    tpu.wait_dma2 semaphore(%arg20 : memref<!tpu.dma_semaphore, #tpu.memory_space<semaphore_mem>>) src(%dma_wait3A_445 : memref<8x768xf32, #tpu.memory_space<vmem>>) dst(%dma_wait3A_438 : memref<8x768xf32, #tpu.memory_space<hbm>>)
    return
  }
}

</mosaic_0001>

<sc_bundles>
// kernel: kernel.3.cloned.1.call-start
scs
__scs_entry_jumppad:
0x0: {  	(pc) =	sbr.rel $0x88, $3  }
0x1: {  	(tag) =	ssettag $0x0;
	lr =	simm.s32 $0x1  }
0x2: {  	[smem:$0x3F9E] =	sst lr;
	_ =	strace $0xD0000000  }
0x3: {  	_ = 	snop  }
0x4: {  	_ = 	snop  }
0x5: {  	_ = 	snop  }
0x6: {  	_ = 	snop  }
0x7: {  	_ = 	snop  }
__scs_overlays_trampoline_lowered:
0x8: {  	[smem:$0x3FAD] =	sst s0  }
0x9: {  	[smem:$0x3FAE] =	sst s1  }
0xa: {  	[smem:$0x3FAF] =	sst s2  }
0xb: {  	[smem:$0x3FB0] =	sst s3  }
0xc: {  	[smem:$0x3FB1] =	sst s4  }
0xd: {  	[smem:$0x3FB2] =	sst s5  }
0xe: {  	[smem:$0x3FB3] =	sst s6  }
0xf: {  	[smem:$0x3FB4] =	sst s7  }
0x10: {  	[smem:$0x3FB5] =	sst s8  }
0x11: {  	[smem:$0x3FB6] =	sst s9;
	s0 =	simm.s32 @!p0 $0x0  }
0x12: {  	s1 =	sld [smem:$0x3F9C];
	s0 =	simm.s32 @p0 $0x1  }
0x13: {  	[smem:$0x3FB7] =	sst s0;
	s0 =	simm.s32 @!p1 $0x0  }
0x14: {  	s2 =	sld [smem:$0x3F9B];
	s0 =	simm.s32 @p1 $0x1  }
0x15: {  	[smem:$0x3FB8] =	sst s0;
	s0 =	simm.s32 @!p2 $0x0  }
0x16: {  	s3 =	sld [smem:$0x3FDB];
	s0 =	simm.s32 @p2 $0x1  }
0x17: {  	s4 =	simm.s32 $0x1BF5;
	[smem:$0x3FBA] =	sst s0  }
0x18: {  	s0 =	sld [smem:$0x3F9D];
	_ =	swait.ge [sflag:s4], $0x0  }
0x19: {  	s7 =	sld [smem:$0x3F9E]  }
0x1a: {  	s8 =	sadd.s32 $0xFFFFE003, lr  }
0x1b: {  	s9 =	sadd.s32 $0xFFFFFEF7, lr;
	s5 =	simm.s32 $0xFFFFFFFF;
	p2 =	slt.u32 s8, $0xFFFFF086  }
0x1c: {  	p1 =	slt.u32 s9, $0xF7A;
	s5 =	simm.s32 @!p2 $0x0  }
0x1d: {  	s5 =	simm.s32 @p1 $0x1;
	p0 =	seq.s32 s7, s2  }
0x1e: {  	s7 =	smul.u32 @!p0 $0xF7A, s2;
	p2 =	seq.s32 @!p0 s5, $0x0  }
0x1f: {  	s9 =	smul.u32 $0xF7A, s1;
	s8 =	simm.s32 @!p0 $0x1BF5;
	p2 =	por !p2, p0  }
0x20: {  	[sflag:s8] =	ssyncset.s32 @!p0 $0xFFFFF086;
	s6 =	sadd.s32 @!p0 s3, s7;
	s7 =	simm.s32 @!p0 $0x108  }
0x21: {  	s3 =	sadd.s32 s3, s9;
	s6 =	sadd.s32 @!p0 $0x88, s6;
	s7 =	simm.s32 @p2 $0x1082  }
0x22: {  	[simem:s7], [sflag:s8] =	dma.local @!p0 [hbm:s6], $0xF7A  }
0x23: {  	s9 =	sor.u32 $0xD0000000, s2;
	s6 =	simm.s32 $0x108;
	_ =	swait.ge @!p0 [sflag:s8], $0x0  }
0x24: {  	s3 =	sadd.s32 $0x88, s3;
	s6 =	simm.s32 @!p1 $0x1082;
	[sflag:s4] =	ssyncset.s32 $0xFFFFF086  }
0x25: {  	[simem:s6], [sflag:s4] =	dma.local [hbm:s3], $0xF7A  }
0x26: {  	[smem:$0x3F9E] =	sst s1;
	(tag) =	ssettag s2;
	_ =	strace s9  }
0x27: {  	s1 =	sld [smem:$0x3FAE]  }
0x28: {  	s2 =	sld [smem:$0x3FAF]  }
0x29: {  	s4 =	sld [smem:$0x3FB1]  }
0x2a: {  	p0 =	seq.s32 s5, $0x0;
	s5 =	sld [smem:$0x3FB2]  }
0x2b: {  	s6 =	sld [smem:$0x3FB3]  }
0x2c: {  	s7 =	sld [smem:$0x3FB4]  }
0x2d: {  	s3 =	simm.s32 $0x108;
	s8 =	sld [smem:$0x3FB5]  }
0x2e: {  	s3 =	simm.s32 @!p0 $0x1082;
	s9 =	sld [smem:$0x3FB6]  }
0x2f: {  	lr =	sadd.s32 s0, s3;
	s0 =	sld [smem:$0x3FAD]  }
0x30: {  	s3 =	sld [smem:$0x3FB0]  }
0x31: {  	[smem:$0x3FB9] =	sst s10  }
0x32: {  	s10 =	sld [smem:$0x3FB7];
	_ =	sdelay $0x3  }
0x33: {  	p0 =	seq.s32 s10, $0x1;
	s10 =	sld [smem:$0x3FB9];
	_ =	sdelay $0x3  }
0x34: {  	[smem:$0x3FB9] =	sst s10  }
0x35: {  	s10 =	sld [smem:$0x3FB8];
	_ =	sdelay $0x3  }
0x36: {  	p1 =	seq.s32 s10, $0x1;
	s10 =	sld [smem:$0x3FB9];
	_ =	sdelay $0x3  }
0x37: {  	[smem:$0x3FB9] =	sst s10  }
0x38: {  	s10 =	sld [smem:$0x3FBA]  }
0x39: {  	_ = 	snop;
	(pc) =	sbr.ind lr, $3  }
0x3a: {  	_ = 	snop  }
0x3b: {  	_ = 	snop  }
0x3c: {  	p2 =	seq.s32 s10, $0x1;
	s10 =	sld [smem:$0x3FB9]  }
0x3d: {  	_ =	shalt  }
0x3e: {  	_ =	shalt  }
0x3f: {  	_ =	shalt  }
0x40: {  	_ =	shalt  }
0x41: {  	_ =	shalt  }
0x42: {  	_ =	shalt  }
0x43: {  	_ =	shalt  }
0x44: {  	_ =	shalt  }
0x45: {  	_ =	shalt  }
0x46: {  	_ =	shalt  }
0x47: {  	_ =	shalt  }
0x48: {  	_ =	shalt  }
0x49: {  	_ =	shalt  }
0x4a: {  	_ =	shalt  }
0x4b: {  	_ =	shalt  }
0x4c: {  	_ =	shalt  }
0x4d: {  	_ =	shalt  }
0x4e: {  	_ =	shalt  }
0x4f: {  	_ =	shalt  }
0x50: {  	_ =	shalt  }
0x51: {  	_ =	shalt  }
0x52: {  	_ =	shalt  }
0x53: {  	_ =	shalt  }
0x54: {  	_ =	shalt  }
0x55: {  	_ =	shalt  }
0x56: {  	_ =	shalt  }
0x57: {  	_ =	shalt  }
0x58: {  	_ =	shalt  }
0x59: {  	_ =	shalt  }
0x5a: {  	_ =	shalt  }
0x5b: {  	_ =	shalt  }
0x5c: {  	_ =	shalt  }
0x5d: {  	_ =	shalt  }
0x5e: {  	_ =	shalt  }
0x5f: {  	_ =	shalt  }
0x60: {  	_ =	shalt  }
0x61: {  	_ =	shalt  }
0x62: {  	_ =	shalt  }
0x63: {  	_ =	shalt  }
0x64: {  	_ =	shalt  }
0x65: {  	_ =	shalt  }
0x66: {  	_ =	shalt  }
0x67: {  	_ =	shalt  }
0x68: {  	_ =	shalt  }
0x69: {  	_ =	shalt  }
0x6a: {  	_ =	shalt  }
0x6b: {  	_ =	shalt  }
0x6c: {  	_ =	shalt  }
0x6d: {  	_ =	shalt  }
0x6e: {  	_ =	shalt  }
0x6f: {  	_ =	shalt  }
0x70: {  	_ =	shalt  }
0x71: {  	_ =	shalt  }
0x72: {  	_ =	shalt  }
0x73: {  	_ =	shalt  }
0x74: {  	_ =	shalt  }
0x75: {  	_ =	shalt  }
0x76: {  	_ =	shalt  }
0x77: {  	_ =	shalt  }
0x78: {  	_ =	shalt  }
0x79: {  	_ =	shalt  }
0x7a: {  	_ =	shalt  }
0x7b: {  	_ =	shalt  }
0x7c: {  	_ =	shalt  }
0x7d: {  	_ =	shalt  }
0x7e: {  	_ =	shalt  }
0x7f: {  	_ =	shalt  }
0x80: {  	_ =	shalt  }
0x81: {  	_ =	shalt  }
0x82: {  	_ =	shalt  }
0x83: {  	_ =	shalt  }
0x84: {  	_ =	shalt  }
0x85: {  	_ =	shalt  }
0x86: {  	_ =	shalt  }
0x87: {  	_ =	shalt  }
.Lfunc_end0:
.L_simem_size_0:
called_computation_lowered:
.L_overlay_start_0:
0x88: {  	s2 =	sld [smem:$0x3FD9]  }
0x89: {  	s3 =	sld [smem:$0x3FFE];
	_ =	sdelay $0x1  }
0x8a: {  	s1 =	srdreg.scid  }
0x8b: {  	s0 =	sand.u32 $0x1, s1  }
0x8c: {  	s17 =	sshll.u32 s0, $0xA;
	s2 =	sadd.s32 s3, s2  }
0x8d: {  	s2 =	sadd.s32 s2, s17  }
0x8e: {  	[smem:$0x3FC5] =	sst s2  }
0x8f: {  	_ = 	snop  }
0x90: {  	s2 =	sld [smem:$0x3FC8]  }
0x91: {  	s18 =	sld [smem:$0x3FC7]  }
0x92: {  	s4 =	sld [smem:$0x3FD0];
	(tm) =	ssettm $0x1  }
0x93: {  	s5 =	sld [smem:$0x3FFB];
	_ =	sdelay $0x3  }
0x94: {  	_ =	strace s5  }
0x95: {  	s5 =	sld [smem:$0x3FFC];
	_ =	sdelay $0x3  }
0x96: {  	_ =	strace s5  }
0x97: {  	s5 =	sld [smem:$0x3FFD];
	_ =	sdelay $0x3  }
0x98: {  	_ =	strace s5  }
0x99: {  	_ =	strace $0x8FFFFFFF  }
0x9a: {  	s19 =	sld [smem:$0x3FDB];
	_ =	sdelay $0x1  }
0x9b: {  	s6 =	simm.s32 $_scs_section_size  }
0x9c: {  	s7 =	simm.s32 $_size__tile_overlayer_lowered;
	s8 =	simm.s32 $_tile_overlayer_lowered  }
0x9d: {  	s22 =	simm.s32 $0x1BFF;
	s21 =	sshll.u32 s8, $0x1;
	s5 =	sadd.s32 s6, s19  }
0x9e: {  	s9 =	simm.s32 $0x0;
	s20 =	sshll.u32 s7, $0x1;
	s7 =	sadd.s32 s21, s5  }
0x9f: {  	[timem:s9], [sflag:s22] =	dma.local [hbm:s7], s20  }
0xa0: {  	_ =	swait.ge [sflag:s22], s20  }
0xa1: {  	s6 =	ssub.s32 $0x0, s20;
	[sflag:s22] =	ssyncset.done $0x0  }
0xa2: {  	[sflag:s22] =	ssyncadd.s32 s6;
	_ =	sdelay $0x1  }
0xa3: {  	s23 =	simm.s32 $0x1B8B  }
0xa4: {  	_ =	swait.ge [sflag:s23], $0x1  }
0xa5: {  	[sflag:s23] =	ssyncset.done $0x0  }
0xa6: {  	s25 =	simm.s32 $0x1B8E;
	s24 =	sld [smem:$0x3FFE];
	[sflag:s23] =	ssyncadd.s32 $0xFFFFFFFF  }
0xa7: {  	s26 =	simm.s32 $execute0_lowered;
	[smem:$0x3FD2] =	sst s25  }
0xa8: {  	s7 =	sshll.u32 s26, $0x1;
	_ =	strace $0x80000046;
	[dreg:$0x1] =	wrdreg $0xFFFFFFFF  }
0xa9: {  	s28 =	simm.s32 $_size_execute0_lowered;
	s5 =	sadd.s32 s5, s7;
	[dreg:$0x0] =	wrdreg $0x0  }
0xaa: {  	s7 =	sshll.u32 s28, $0x1;
	[dreg:$0x2] =	wrdreg s5  }
0xab: {  	[dreg:$0x3] =	wrdreg s7  }
0xac: {  	[dreg:$0x4] =	wrdreg $0xC0  }
0xad: {  	_ =	task [dreg:s9], $0x5FFFF  }
0xae: {  	[dreg:$0x1] =	wrdreg $0xFFFFFFFF  }
0xaf: {  	[dreg:$0x0] =	wrdreg $0x60  }
0xb0: {  	[dreg:$0x2] =	wrdreg s24  }
0xb1: {  	[dreg:$0x3] =	wrdreg s2  }
0xb2: {  	[dreg:$0x4] =	wrdreg s18  }
0xb3: {  	[dreg:$0x5] =	wrdreg s4  }
0xb4: {  	[dreg:$0x6] =	wrdreg $0x9  }
0xb5: {  	_ =	task.clear_ibuf [dreg:s9], $0x7FFFF;
	_ =	strace $0x90000046  }
0xb6: {  	s29 =	simm.s32 $0x9;
	_ =	strace $0x80000048  }
0xb7: {  	_ =	swait.ge [sflag:s29], $0x1  }
0xb8: {  	[sflag:s29] =	ssyncadd.s32 $0xFFFFFFFF  }
0xb9: {  	_ =	strace $0x90000048  }
0xba: {  	_ =	sfence  }
0xbb: {  	s30 =	sld [smem:$0x0];
	_ =	sdelay $0x2  }
0xbc: {  	s31 =	sshll.u32 s1, $0xD;
	s1 =	sshrl.u32 s1, $0x2  }
0xbd: {  	s3 =	sand.u32 $0x4000, s31;
	s1 =	sadd.s32 s1, s30  }
0xbe: {  	s0 =	sor.u32 s3, s0;
	s1 =	sshll.u32 s1, $0x11  }
0xbf: {  	s0 =	sor.u32 s1, s0  }
0xc0: {  	s0 =	sadd.s32 $0x8F2B, s0  }
0xc1: {  	[sflag:s0] =	ssyncadd.remote.s32 $0x1  }
0xc2: {  	_ =	sfence.sel $0xFFFF  }
0xc3: {  	[dreg:$0x0] =	wrdreg $0xFFFFFFFF;
	(pc) =	sbr.abs _section_cstart, $3  }
0xc4: {  	[dreg:$0x1] =	wrdreg $0xFFFFFFFF  }
0xc5: {  	_ =	task.clear_ibuf [dreg:s9], $0x2FFFF;
	_ =	strace $0x9FFFFFFF  }
0xc6: {  	(tm) =	ssettm $0x7FFFFFFF  }
0xc7: {  	_ =	shalt  }
tec
execute0_lowered:
.L_overlay_start_1:
0x0: {  	(tag) =	ssettag $0x1  }
0x1: {  	s0 =	rddreg [dreg:$0x0]  }
0x2: {  	s1 =	rddreg [dreg:$0x1]  }
0x3: {  	s2 =	rddreg [dreg:$0x2]  }
0x4: {  	s4 =	srdreg.scid;
	s6 =	stileid.u32  }
0x5: {  	s3 =	rddreg [dreg:$0x3];
	s30 =	simm.s32 $0x2;
	s31 =	simm.s32 $0x8  }
0x6: {  	s5 =	sand.u32 $0x1, s4;
	s6 =	sshll.u32 s6, $0x1;
	s4 =	simm.s32 $0x0  }
0x7: {  	s11 =	sadd.s32 $0x100, s1;
	s12 =	sadd.s32 $0x200, s1;
	s6 =	sor.u32 s5, s6  }
0x8: {  	[smem:$0x7FF] =	sst s4;
	s5 =	ssub.s32 $0x2, s5;
	s7 =	smul.u32 $0x1800, s6  }
0x9: {  	s8 =	sshll.u32 s6, $0x5;
	s9 =	sshrl.u32 s5, $0x1;
	s10 =	smul.u32 $0xC000, s6  }
0xa: {  	_ =	strace $0x80000047;
	s0 =	sadd.s32 s8, s0;
	s20 =	ssub.s32 s5, s9  }
0xb: {  	s5 =	sshll.u32 s6, $0x6;
	s9 =	simm.s32 $0x12100;
	s6 =	simm.s32 $0x13900  }
0xc: {  	s8 =	simm.s32 $0x0;
	s7 =	sadd.s32 s2, s7;
	s0 =	sadd.s32 $0x400, s0  }
0xd: {  	s21 =	sshrl.u32 s10, $0x3;
	s13 =	sor.u32 $0x800, s5;
	[dreg:$0x9] =	wrdreg s0  }
0xe: {  	s14 =	sor.u32 $0x1000, s5;
	s29 =	smax.u32 s20, $0x1;
	[dreg:$0x5] =	wrdreg s7  }
0xf: {  	s15 =	sor.u32 $0x1800, s5;
	s22 =	sadd.s32 $0x300, s7;
	[dreg:$0xe] =	wrdreg s29  }
0x10: {  	s10 =	simm.s32 $0x15100;
	s23 =	sadd.s32 $0x600, s7;
	[dreg:$0x6] =	wrdreg s22  }
0x11: {  	s20 =	simm.s32 $0x5;
	s24 =	sadd.s32 $0xC00, s7;
	[dreg:$0x7] =	wrdreg s23  }
0x12: {  	s2 =	sadd.s32 s2, s21;
	s25 =	sadd.s32 $0xF00, s7;
	[dreg:$0xa] =	wrdreg s24  }
.Ltmp0:
0x13: {  	s26 =	sadd.s32 $0x1200, s7;
	[dreg:$0xb] =	wrdreg s25;
	(pc) =	sbr.rel .LBB2_1-.Ltmp0, $4  }
0x14: {  	s28 =	sadd.s32 $0x1500, s7;
	s0 =	simm.s32 $0x7;
	[dreg:$0xc] =	wrdreg s26  }
0x15: {  	v2 =	vlaneseq.u32;
	s2 =	sadd.s32 $0x900, s2;
	[dreg:$0xd] =	wrdreg s28;
	s24 =	simm.s32 $0x16900  }
0x16: {  	vm0 =	vmmov $0xffff;
	v1 =	vshrl.u32 v2, $0x3;
	s25 =	simm.s32 $0x1;
	s26 =	simm.s32 $0x6;
	s23 =	simm.s32 $0x3  }
0x17: {  	v0 =	vand.u32 $0x7, v2;
	v2 =	vor.u32 $0x8, v2;
	v1 =	vmul.u32 $0x8, v1;
	s22 =	simm.s32 $0x4;
	[dreg:$0x8] =	wrdreg s2;
	s2 =	simm.s32 $0xC  }
.LBB2_12:
0x18: {  	s7 =	simm.s32 $0x9  }
0x19: {  	_ =	swait.ge [sflag:s7], $0x1800  }
0x1a: {  	[sflag:s7] =	ssyncset.done $0x0  }
0x1b: {  	[sflag:s7] =	ssyncadd.s32 $0xFFFFE800  }
0x1c: {  	_ =	swait.ge [sflag:s7], $0x1800  }
0x1d: {  	[sflag:s7] =	ssyncset.done $0x0  }
0x1e: {  	[sflag:s7] =	ssyncadd.s32 $0xFFFFE800  }
0x1f: {  	_ =	swait.ge [sflag:s7], $0x1800  }
0x20: {  	[sflag:s7] =	ssyncset.done $0x0  }
0x21: {  	[sflag:s7] =	ssyncadd.s32 $0xFFFFE800  }
0x22: {  	_ =	swait.ge [sflag:s7], $0x1800  }
0x23: {  	[sflag:s7] =	ssyncset.done $0x0  }
0x24: {  	s21 =	simm.s32 $0xA;
	[sflag:s7] =	ssyncadd.s32 $0xFFFFE800  }
0x25: {  	_ =	swait.ge [sflag:s21], $0x1800  }
0x26: {  	[sflag:s21] =	ssyncset.done $0x0  }
0x27: {  	[sflag:s21] =	ssyncadd.s32 $0xFFFFE800  }
0x28: {  	_ =	swait.ge [sflag:s21], $0x1800  }
0x29: {  	[sflag:s21] =	ssyncset.done $0x0  }
0x2a: {  	[sflag:s21] =	ssyncadd.s32 $0xFFFFE800  }
0x2b: {  	_ =	swait.ge [sflag:s21], $0x1800  }
0x2c: {  	[sflag:s21] =	ssyncset.done $0x0  }
0x2d: {  	[sflag:s21] =	ssyncadd.s32 $0xFFFFE800  }
0x2e: {  	_ =	swait.ge [sflag:s21], $0x1800  }
0x2f: {  	[sflag:s21] =	ssyncset.done $0x0  }
0x30: {  	s28 =	simm.s32 $0xB;
	[sflag:s21] =	ssyncadd.s32 $0xFFFFE800  }
0x31: {  	_ =	swait.ge [sflag:s28], $0x1800  }
0x32: {  	[sflag:s28] =	ssyncset.done $0x0  }
0x33: {  	[sflag:s28] =	ssyncadd.s32 $0xFFFFE800  }
0x34: {  	_ =	swait.ge [sflag:s28], $0x1800  }
0x35: {  	[sflag:s28] =	ssyncset.done $0x0  }
0x36: {  	[sflag:s28] =	ssyncadd.s32 $0xFFFFE800  }
0x37: {  	_ =	swait.ge [sflag:s28], $0x1800  }
0x38: {  	[sflag:s28] =	ssyncset.done $0x0  }
0x39: {  	[sflag:s28] =	ssyncadd.s32 $0xFFFFE800  }
0x3a: {  	_ =	swait.ge [sflag:s28], $0x1800  }
0x3b: {  	[sflag:s28] =	ssyncset.done $0x0  }
0x3c: {  	[sflag:s28] =	ssyncadd.s32 $0xFFFFE800  }
0x3d: {  	_ =	swait.ge [sflag:s2], $0x1800  }
0x3e: {  	[sflag:s2] =	ssyncset.done $0x0  }
0x3f: {  	[sflag:s2] =	ssyncadd.s32 $0xFFFFE800  }
0x40: {  	_ =	swait.ge [sflag:s2], $0x1800  }
0x41: {  	[sflag:s2] =	ssyncset.done $0x0  }
0x42: {  	[sflag:s2] =	ssyncadd.s32 $0xFFFFE800  }
0x43: {  	_ =	swait.ge [sflag:s2], $0x1800  }
0x44: {  	[sflag:s2] =	ssyncset.done $0x0  }
0x45: {  	[sflag:s2] =	ssyncadd.s32 $0xFFFFE800  }
0x46: {  	_ =	swait.ge [sflag:s2], $0x1800  }
0x47: {  	s8 =	rddreg [dreg:$0xf]  }
0x48: {  	s29 =	rddreg [dreg:$0xe];
	s8 =	sadd.s32 $0x1, s8  }
0x49: {  	p0 =	sne.s32 s8, s29  }
.Ltmp1:
0x4a: {  	_ = 	snop;
	(pc) =	sbr.rel @!p0 .LBB2_13-.Ltmp1, $3  }
0x4b: {  	_ =	sdelay $0x1  }
0x4c: {  	[sflag:s2] =	ssyncset.done $0x0  }
0x4d: {  	[sflag:s2] =	ssyncadd.s32 $0xFFFFE800  }
.LBB2_1:
0x4e: {  	[dreg:$0xf] =	wrdreg s8  }
0x4f: {  	s7 =	rddreg [dreg:$0x5];
	s19 =	simm.s32 $0x18100  }
0x50: {  	[tilespmem:s19], [sflag:$0x5] =	stream.linear.gather [hbm4b:s7+s4], $0x1800, $0x38;
	[tilespmem:$0x1E100] =	vst v63  }
0x51: {  	s21 =	rddreg [dreg:$0x6];
	s28 =	simm.s32 $0x19900  }
0x52: {  	[tilespmem:s28], [sflag:$0x6] =	stream.linear.gather [hbm4b:s21+s4], $0x1800, $0x38;
	[tilespmem:$0x1E100] =	vst v63  }
0x53: {  	s8 =	rddreg [dreg:$0x7];
	s16 =	simm.s32 $0x1B100  }
0x54: {  	[tilespmem:s16], [sflag:$0x7] =	stream.linear.gather [hbm4b:s8+s4], $0x1800, $0x38;
	[tilespmem:$0x1E100] =	vst v63  }
0x55: {  	s17 =	rddreg [dreg:$0x8];
	s18 =	simm.s32 $0x1C900  }
0x56: {  	[tilespmem:s18], [sflag:$0x8] =	stream.linear.gather [hbm4b:s17+s4], $0x1800, $0x38;
	[tilespmem:$0x1E100] =	vst v63  }
0x57: {  	s19 =	rddreg [dreg:$0x9];
	s21 =	simm.s32 $0xD  }
0x58: {  	[tilespmem:s4], [sflag:$0xD] =	stream.linear.gather [hbm4b:s19+s4], $0x100, $0x38;
	[tilespmem:$0x1E100] =	vst v63  }
0x59: {  	_ =	swait.ge [sflag:s21], $0x100  }
0x5a: {  	[sflag:s21] =	ssyncset.done $0x0  }
0x5b: {  	[sflag:s21] =	ssyncadd.s32 $0xFFFFFF00  }
0x5c: {  	v3 =	vld [tilespmem:$0x0];
	_ =	sdelay $0x4  }
0x5d: {  	v4 =	vshrl.u32 v3, $0x3  }
0x5e: {  	v4 =	vmul.u32 $0x30, v4  }
0x5f: {  	v3 =	vand.u32 $0x7, v3  }
0x60: {  	v3 =	vor.u32 v3, v4  }
0x61: {  	v4 =	vperm.xlane v3, v0;
	_ =	sdelay $0x1  }
0x62: {  	v4 =	vadd.s32 v1, v4;
	_ =	sdelay $0x3  }
0x63: {  	s28 =	simm.s32 $0x100;
	v3 =	vperm.xlane v3, v2  }
0x64: {  	[tilespmem:s28], [sflag:$0x1] =	stream.indirect_vreg.gather [hbm4b:s1+s4], $0x80, v4, vm0, $0xb8;
	[tilespmem:$0x1E100] =	vst v63  }
0x65: {  	s8 =	simm.s32 $0x900;
	v3 =	vadd.s32 v1, v3  }
0x66: {  	[tilespmem:s8], [sflag:$0x1] =	stream.indirect_vreg.gather [hbm4b:s11+s4], $0x80, v4, vm0, $0xb8;
	[tilespmem:$0x1E100] =	vst v63  }
0x67: {  	s16 =	simm.s32 $0x1100  }
0x68: {  	[tilespmem:s16], [sflag:$0x1] =	stream.indirect_vreg.gather [hbm4b:s12+s4], $0x80, v4, vm0, $0xb8;
	[tilespmem:$0x1E100] =	vst v63  }
0x69: {  	s17 =	simm.s32 $0x1900  }
0x6a: {  	[tilespmem:s17], [sflag:$0x1] =	stream.indirect_vreg.gather [hbm4b:s1+s4], $0x80, v3, vm0, $0xb8;
	[tilespmem:$0x1E100] =	vst v63  }
0x6b: {  	s18 =	simm.s32 $0x2100  }
0x6c: {  	[tilespmem:s18], [sflag:$0x1] =	stream.indirect_vreg.gather [hbm4b:s11+s4], $0x80, v3, vm0, $0xb8;
	[tilespmem:$0x1E100] =	vst v63  }
0x6d: {  	s19 =	simm.s32 $0x2900  }
0x6e: {  	[tilespmem:s19], [sflag:$0x1] =	stream.indirect_vreg.gather [hbm4b:s12+s4], $0x80, v3, vm0, $0xb8;
	[tilespmem:$0x1E100] =	vst v63  }
0x6f: {  	v3 =	vld [tilespmem:$0x10];
	_ =	sdelay $0x4  }
0x70: {  	v59 =	vshrl.u32 v3, $0x3  }
0x71: {  	v4 =	vmul.u32 $0x30, v59  }
0x72: {  	v3 =	vand.u32 $0x7, v3  }
0x73: {  	v3 =	vor.u32 v3, v4  }
0x74: {  	v4 =	vperm.xlane v3, v0;
	_ =	sdelay $0x1  }
0x75: {  	v4 =	vadd.s32 v1, v4;
	_ =	sdelay $0x3  }
0x76: {  	s21 =	simm.s32 $0x3100;
	v3 =	vperm.xlane v3, v2  }
0x77: {  	[tilespmem:s21], [sflag:$0x1] =	stream.indirect_vreg.gather [hbm4b:s1+s4], $0x80, v4, vm0, $0xb8;
	[tilespmem:$0x1E100] =	vst v63  }
0x78: {  	s28 =	simm.s32 $0x3900;
	v3 =	vadd.s32 v1, v3  }
0x79: {  	[tilespmem:s28], [sflag:$0x1] =	stream.indirect_vreg.gather [hbm4b:s11+s4], $0x80, v4, vm0, $0xb8;
	[tilespmem:$0x1E100] =	vst v63  }
0x7a: {  	s8 =	simm.s32 $0x4100  }
0x7b: {  	[tilespmem:s8], [sflag:$0x1] =	stream.indirect_vreg.gather [hbm4b:s12+s4], $0x80, v4, vm0, $0xb8;
	[tilespmem:$0x1E100] =	vst v63  }
0x7c: {  	s16 =	simm.s32 $0x4900  }
0x7d: {  	[tilespmem:s16], [sflag:$0x1] =	stream.indirect_vreg.gather [hbm4b:s1+s4], $0x80, v3, vm0, $0xb8;
	[tilespmem:$0x1E100] =	vst v63  }
0x7e: {  	s17 =	simm.s32 $0x5100  }
0x7f: {  	[tilespmem:s17], [sflag:$0x1] =	stream.indirect_vreg.gather [hbm4b:s11+s4], $0x80, v3, vm0, $0xb8;
	[tilespmem:$0x1E100] =	vst v63  }
0x80: {  	s18 =	simm.s32 $0x5900  }
0x81: {  	[tilespmem:s18], [sflag:$0x1] =	stream.indirect_vreg.gather [hbm4b:s12+s4], $0x80, v3, vm0, $0xb8;
	[tilespmem:$0x1E100] =	vst v63  }
0x82: {  	v3 =	vld [tilespmem:$0x20];
	_ =	sdelay $0x4  }
0x83: {  	v60 =	vshrl.u32 v3, $0x3  }
0x84: {  	v4 =	vmul.u32 $0x30, v60  }
0x85: {  	v3 =	vand.u32 $0x7, v3  }
0x86: {  	v3 =	vor.u32 v3, v4  }
0x87: {  	v4 =	vperm.xlane v3, v0;
	_ =	sdelay $0x1  }
0x88: {  	v4 =	vadd.s32 v1, v4;
	_ =	sdelay $0x3  }
0x89: {  	s19 =	simm.s32 $0x6100;
	v3 =	vperm.xlane v3, v2  }
0x8a: {  	[tilespmem:s19], [sflag:$0x2] =	stream.indirect_vreg.gather [hbm4b:s1+s4], $0x80, v4, vm0, $0xb8;
	[tilespmem:$0x1E100] =	vst v63  }
0x8b: {  	s21 =	simm.s32 $0x6900;
	v3 =	vadd.s32 v1, v3  }
0x8c: {  	[tilespmem:s21], [sflag:$0x2] =	stream.indirect_vreg.gather [hbm4b:s11+s4], $0x80, v4, vm0, $0xb8;
	[tilespmem:$0x1E100] =	vst v63  }
0x8d: {  	s28 =	simm.s32 $0x7100  }
0x8e: {  	[tilespmem:s28], [sflag:$0x2] =	stream.indirect_vreg.gather [hbm4b:s12+s4], $0x80, v4, vm0, $0xb8;
	[tilespmem:$0x1E100] =	vst v63  }
0x8f: {  	s8 =	simm.s32 $0x7900  }
0x90: {  	[tilespmem:s8], [sflag:$0x2] =	stream.indirect_vreg.gather [hbm4b:s1+s4], $0x80, v3, vm0, $0xb8;
	[tilespmem:$0x1E100] =	vst v63  }
0x91: {  	s16 =	simm.s32 $0x8100  }
0x92: {  	[tilespmem:s16], [sflag:$0x2] =	stream.indirect_vreg.gather [hbm4b:s11+s4], $0x80, v3, vm0, $0xb8;
	[tilespmem:$0x1E100] =	vst v63  }
0x93: {  	s17 =	simm.s32 $0x8900  }
0x94: {  	[tilespmem:s17], [sflag:$0x2] =	stream.indirect_vreg.gather [hbm4b:s12+s4], $0x80, v3, vm0, $0xb8;
	[tilespmem:$0x1E100] =	vst v63  }
0x95: {  	v3 =	vld [tilespmem:$0x30];
	_ =	sdelay $0x4  }
0x96: {  	v61 =	vshrl.u32 v3, $0x3  }
0x97: {  	v4 =	vmul.u32 $0x30, v61  }
0x98: {  	v3 =	vand.u32 $0x7, v3  }
0x99: {  	v3 =	vor.u32 v3, v4  }
0x9a: {  	v4 =	vperm.xlane v3, v0;
	_ =	sdelay $0x1  }
0x9b: {  	v4 =	vadd.s32 v1, v4;
	_ =	sdelay $0x3  }
0x9c: {  	s18 =	simm.s32 $0x9100;
	v3 =	vperm.xlane v3, v2  }
0x9d: {  	[tilespmem:s18], [sflag:$0x2] =	stream.indirect_vreg.gather [hbm4b:s1+s4], $0x80, v4, vm0, $0xb8;
	[tilespmem:$0x1E100] =	vst v63  }
0x9e: {  	s19 =	simm.s32 $0x9900;
	v3 =	vadd.s32 v1, v3  }
0x9f: {  	[tilespmem:s19], [sflag:$0x2] =	stream.indirect_vreg.gather [hbm4b:s11+s4], $0x80, v4, vm0, $0xb8;
	[tilespmem:$0x1E100] =	vst v63  }
0xa0: {  	s21 =	simm.s32 $0xA100  }
0xa1: {  	[tilespmem:s21], [sflag:$0x2] =	stream.indirect_vreg.gather [hbm4b:s12+s4], $0x80, v4, vm0, $0xb8;
	[tilespmem:$0x1E100] =	vst v63  }
0xa2: {  	s28 =	simm.s32 $0xA900  }
0xa3: {  	[tilespmem:s28], [sflag:$0x2] =	stream.indirect_vreg.gather [hbm4b:s1+s4], $0x80, v3, vm0, $0xb8;
	[tilespmem:$0x1E100] =	vst v63  }
0xa4: {  	s8 =	simm.s32 $0xB100  }
0xa5: {  	[tilespmem:s8], [sflag:$0x2] =	stream.indirect_vreg.gather [hbm4b:s11+s4], $0x80, v3, vm0, $0xb8;
	[tilespmem:$0x1E100] =	vst v63  }
0xa6: {  	s16 =	simm.s32 $0xB900  }
0xa7: {  	[tilespmem:s16], [sflag:$0x2] =	stream.indirect_vreg.gather [hbm4b:s12+s4], $0x80, v3, vm0, $0xb8;
	[tilespmem:$0x1E100] =	vst v63  }
0xa8: {  	v3 =	vld [tilespmem:$0x40];
	_ =	sdelay $0x4  }
0xa9: {  	v62 =	vshrl.u32 v3, $0x3  }
0xaa: {  	v4 =	vmul.u32 $0x30, v62  }
0xab: {  	v3 =	vand.u32 $0x7, v3  }
0xac: {  	v3 =	vor.u32 v3, v4  }
0xad: {  	v4 =	vperm.xlane v3, v0;
	_ =	sdelay $0x1  }
0xae: {  	v4 =	vadd.s32 v1, v4;
	_ =	sdelay $0x3  }
0xaf: {  	s17 =	simm.s32 $0xC100;
	v3 =	vperm.xlane v3, v2  }
0xb0: {  	[tilespmem:s17], [sflag:$0x3] =	stream.indirect_vreg.gather [hbm4b:s1+s4], $0x80, v4, vm0, $0xb8;
	[tilespmem:$0x1E100] =	vst v63  }
0xb1: {  	s18 =	simm.s32 $0xC900;
	v3 =	vadd.s32 v1, v3  }
0xb2: {  	[tilespmem:s18], [sflag:$0x3] =	stream.indirect_vreg.gather [hbm4b:s11+s4], $0x80, v4, vm0, $0xb8;
	[tilespmem:$0x1E100] =	vst v63  }
0xb3: {  	s19 =	simm.s32 $0xD100  }
0xb4: {  	[tilespmem:s19], [sflag:$0x3] =	stream.indirect_vreg.gather [hbm4b:s12+s4], $0x80, v4, vm0, $0xb8;
	[tilespmem:$0x1E100] =	vst v63  }
0xb5: {  	s21 =	simm.s32 $0xD900  }
0xb6: {  	[tilespmem:s21], [sflag:$0x3] =	stream.indirect_vreg.gather [hbm4b:s1+s4], $0x80, v3, vm0, $0xb8;
	[tilespmem:$0x1E100] =	vst v63  }
0xb7: {  	s28 =	simm.s32 $0xE100  }
0xb8: {  	[tilespmem:s28], [sflag:$0x3] =	stream.indirect_vreg.gather [hbm4b:s11+s4], $0x80, v3, vm0, $0xb8;
	[tilespmem:$0x1E100] =	vst v63  }
0xb9: {  	s8 =	simm.s32 $0xE900  }
0xba: {  	[tilespmem:s8], [sflag:$0x3] =	stream.indirect_vreg.gather [hbm4b:s12+s4], $0x80, v3, vm0, $0xb8;
	[tilespmem:$0x1E100] =	vst v63  }
0xbb: {  	v3 =	vld [tilespmem:$0x50];
	_ =	sdelay $0x4  }
0xbc: {  	v63 =	vshrl.u32 v3, $0x3  }
0xbd: {  	v4 =	vmul.u32 $0x30, v63  }
0xbe: {  	v3 =	vand.u32 $0x7, v3  }
0xbf: {  	v3 =	vor.u32 v3, v4  }
0xc0: {  	v4 =	vperm.xlane v3, v0;
	_ =	sdelay $0x1  }
0xc1: {  	v4 =	vadd.s32 v1, v4;
	_ =	sdelay $0x3  }
0xc2: {  	s16 =	simm.s32 $0xF100;
	v3 =	vperm.xlane v3, v2  }
0xc3: {  	[tilespmem:s16], [sflag:$0x3] =	stream.indirect_vreg.gather [hbm4b:s1+s4], $0x80, v4, vm0, $0xb8;
	[tilespmem:$0x1E100] =	vst v63  }
0xc4: {  	s17 =	simm.s32 $0xF900;
	v3 =	vadd.s32 v1, v3  }
0xc5: {  	[tilespmem:s17], [sflag:$0x3] =	stream.indirect_vreg.gather [hbm4b:s11+s4], $0x80, v4, vm0, $0xb8;
	[tilespmem:$0x1E100] =	vst v63  }
0xc6: {  	s18 =	simm.s32 $0x10100  }
0xc7: {  	[tilespmem:s18], [sflag:$0x3] =	stream.indirect_vreg.gather [hbm4b:s12+s4], $0x80, v4, vm0, $0xb8;
	[tilespmem:$0x1E100] =	vst v63  }
0xc8: {  	s19 =	simm.s32 $0x10900  }
0xc9: {  	[tilespmem:s19], [sflag:$0x3] =	stream.indirect_vreg.gather [hbm4b:s1+s4], $0x80, v3, vm0, $0xb8;
	[tilespmem:$0x1E100] =	vst v63  }
0xca: {  	p0 =	por $0x1, $0x1;
	s29 =	simm.s32 $0x0;
	s21 =	simm.s32 $0x11100  }
0xcb: {  	[tilespmem:s21], [sflag:$0x3] =	stream.indirect_vreg.gather [hbm4b:s11+s4], $0x80, v3, vm0, $0xb8;
	[tilespmem:$0x1E100] =	vst v63  }
0xcc: {  	s7 =	simm.s32 $0x70;
	s28 =	simm.s32 $0x11900;
	s8 =	simm.s32 $0x60  }
0xcd: {  	[tilespmem:s28], [sflag:$0x3] =	stream.indirect_vreg.gather [hbm4b:s12+s4], $0x80, v3, vm0, $0xb8;
	[tilespmem:$0x1E100] =	vst v63  }
.LBB2_2:
0xce: {  	v3 =	vld [tilespmem:s8+$0x0];
	_ =	sdelay $0x4  }
0xcf: {  	v4 =	vshrl.u32 v3, $0x3  }
0xd0: {  	v4 =	vmul.u32 $0x30, v4  }
0xd1: {  	v3 =	vand.u32 $0x7, v3  }
0xd2: {  	v3 =	vor.u32 v3, v4  }
0xd3: {  	v4 =	vperm.xlane v3, v0;
	_ =	sdelay $0x1  }
0xd4: {  	v4 =	vadd.s32 v1, v4;
	_ =	sdelay $0x3  }
0xd5: {  	s19 =	simm.s32 $0x0;
	v3 =	vperm.xlane v3, v2  }
0xd6: {  	[tilespmem:s9], [sflag:$0x4] =	stream.indirect_vreg.gather [hbm4b:s1+s19], $0x80, v4, vm0, $0xb8;
	[tilespmem:$0x1E100] =	vst v63  }
0xd7: {  	s18 =	simm.s32 $0x12900;
	v3 =	vadd.s32 v1, v3  }
0xd8: {  	[tilespmem:s18], [sflag:$0x4] =	stream.indirect_vreg.gather [hbm4b:s11+s19], $0x80, v4, vm0, $0xb8;
	[tilespmem:$0x1E100] =	vst v63  }
0xd9: {  	s21 =	simm.s32 $0x13100  }
0xda: {  	[tilespmem:s21], [sflag:$0x4] =	stream.indirect_vreg.gather [hbm4b:s12+s19], $0x80, v4, vm0, $0xb8;
	[tilespmem:$0x1E100] =	vst v63  }
0xdb: {  	_ = 	snop  }
0xdc: {  	[tilespmem:s6], [sflag:$0x4] =	stream.indirect_vreg.gather [hbm4b:s1+s19], $0x80, v3, vm0, $0xb8;
	[tilespmem:$0x1E100] =	vst v63  }
0xdd: {  	s16 =	simm.s32 $0x14100  }
0xde: {  	[tilespmem:s16], [sflag:$0x4] =	stream.indirect_vreg.gather [hbm4b:s11+s19], $0x80, v3, vm0, $0xb8;
	[tilespmem:$0x1E100] =	vst v63  }
0xdf: {  	s17 =	simm.s32 $0x14900  }
0xe0: {  	[tilespmem:s17], [sflag:$0x4] =	stream.indirect_vreg.gather [hbm4b:s12+s19], $0x80, v3, vm0, $0xb8;
	[tilespmem:$0x1E100] =	vst v63  }
0xe1: {  	v3 =	vld [tilespmem:s7+$0x0];
	_ =	sdelay $0x4  }
0xe2: {  	v4 =	vshrl.u32 v3, $0x3  }
0xe3: {  	v4 =	vmul.u32 $0x30, v4  }
0xe4: {  	v3 =	vand.u32 $0x7, v3  }
0xe5: {  	v3 =	vor.u32 v3, v4  }
0xe6: {  	v4 =	vperm.xlane v3, v0;
	_ =	sdelay $0x1  }
0xe7: {  	v4 =	vadd.s32 v1, v4;
	_ =	sdelay $0x3  }
0xe8: {  	v3 =	vperm.xlane v3, v2  }
0xe9: {  	[tilespmem:s10], [sflag:$0x4] =	stream.indirect_vreg.gather [hbm4b:s1+s19], $0x80, v4, vm0, $0xb8;
	[tilespmem:$0x1E100] =	vst v63  }
0xea: {  	s18 =	simm.s32 $0x15900;
	v3 =	vadd.s32 v1, v3  }
0xeb: {  	[tilespmem:s18], [sflag:$0x4] =	stream.indirect_vreg.gather [hbm4b:s11+s19], $0x80, v4, vm0, $0xb8;
	[tilespmem:$0x1E100] =	vst v63  }
0xec: {  	s21 =	simm.s32 $0x16100  }
0xed: {  	[tilespmem:s21], [sflag:$0x4] =	stream.indirect_vreg.gather [hbm4b:s12+s19], $0x80, v4, vm0, $0xb8;
	[tilespmem:$0x1E100] =	vst v63  }
0xee: {  	_ = 	snop  }
0xef: {  	[tilespmem:s24], [sflag:$0x4] =	stream.indirect_vreg.gather [hbm4b:s1+s19], $0x80, v3, vm0, $0xb8;
	[tilespmem:$0x1E100] =	vst v63  }
0xf0: {  	s8 =	simm.s32 $0x17100  }
0xf1: {  	[tilespmem:s8], [sflag:$0x4] =	stream.indirect_vreg.gather [hbm4b:s11+s19], $0x80, v3, vm0, $0xb8;
	[tilespmem:$0x1E100] =	vst v63  }
0xf2: {  	s16 =	simm.s32 $0x17900  }
0xf3: {  	[tilespmem:s16], [sflag:$0x4] =	stream.indirect_vreg.gather [hbm4b:s12+s19], $0x80, v3, vm0, $0xb8;
	[tilespmem:$0x1E100] =	vst v63  }
0xf4: {  	_ =	swait.ge [sflag:s20], $0x1800  }
0xf5: {  	[sflag:s20] =	ssyncset.done $0x0  }
0xf6: {  	[sflag:s20] =	ssyncadd.s32 $0xFFFFE800  }
0xf7: {  	_ =	swait.ge [sflag:s25], $0x6000  }
0xf8: {  	s17 =	sand.u32 $0x70, s19;
	s18 =	sand.u32 $0x1C00, s19;
	[sflag:s25] =	ssyncset.done $0x0  }
0xf9: {  	s21 =	sor.u32 s17, s18;
	[sflag:s25] =	ssyncadd.s32 $0xFFFFA000  }
0xfa: {  	v3 =	vld [tilespmem:s21+$0x18100]  }
0xfb: {  	v4 =	vld [tilespmem:s21+$0x100]  }
0xfc: {  	v5 =	vld [tilespmem:s21+$0x1900]  }
0xfd: {  	v6 =	vld [tilespmem:s21+$0x3100]  }
0xfe: {  	v7 =	vld [tilespmem:s21+$0x4900]  }
0xff: {  	v8 =	vld [tilespmem:s21+$0x18180]  }
0x100: {  	v9 =	vld [tilespmem:s21+$0x180]  }
0x101: {  	v10 =	vld [tilespmem:s21+$0x1980]  }
0x102: {  	v11 =	vld [tilespmem:s21+$0x3180]  }
0x103: {  	v12 =	vld [tilespmem:s21+$0x4980]  }
0x104: {  	s7 =	simm.s32 $0x10;
	s8 =	simm.s32 $0x80;
	v13 =	vld [tilespmem:s21+$0x18200]  }
0x105: {  	s28 =	sand.u32 $0x1C00, s8;
	s16 =	sand.u32 $0x70, s7;
	v14 =	vld [tilespmem:s21+$0x200]  }
0x106: {  	s28 =	sor.u32 s16, s28;
	v15 =	vld [tilespmem:s21+$0x1A00]  }
0x107: {  	v16 =	vld [tilespmem:s28+$0x3100]  }
0x108: {  	v17 =	vld [tilespmem:s28+$0x4900]  }
0x109: {  	v18 =	vld [tilespmem:s28+$0x18180]  }
0x10a: {  	v19 =	vld [tilespmem:s28+$0x180]  }
0x10b: {  	v20 =	vld [tilespmem:s28+$0x1980]  }
0x10c: {  	v21 =	vld [tilespmem:s28+$0x3180]  }
0x10d: {  	v22 =	vld [tilespmem:s28+$0x4980];
	v4 =	vadd.f32 v4, v3  }
0x10e: {  	v23 =	vld [tilespmem:s28+$0x18200];
	v5 =	vadd.f32 v5, v3;
	v6 =	vadd.f32 v6, v3  }
0x10f: {  	v3 =	vadd.f32 v7, v3;
	v7 =	vadd.f32 v9, v8;
	v9 =	vld [tilespmem:s21+$0x1A80];
	[tilespmem:s21+$0x100] =	vst v4  }
0x110: {  	v4 =	vld [tilespmem:s21+$0x3200];
	[tilespmem:s21+$0x1900] =	vst v5  }
0x111: {  	v5 =	vld [tilespmem:s21+$0x4A00];
	[tilespmem:s21+$0x3100] =	vst v6  }
0x112: {  	v11 =	vadd.f32 v11, v8;
	v6 =	vld [tilespmem:s21+$0x18280];
	[tilespmem:s21+$0x4900] =	vst v3  }
0x113: {  	v3 =	vld [tilespmem:s21+$0x280];
	[tilespmem:s21+$0x180] =	vst v7;
	v7 =	vadd.f32 v10, v8  }
0x114: {  	v10 =	vld [tilespmem:s21+$0x3280];
	v8 =	vadd.f32 v12, v8;
	[tilespmem:s21+$0x3180] =	vst v11  }
0x115: {  	v11 =	vld [tilespmem:s21+$0x18300];
	v12 =	vadd.f32 v14, v13;
	[tilespmem:s21+$0x1980] =	vst v7  }
0x116: {  	v14 =	vadd.f32 v15, v13;
	v7 =	vld [tilespmem:s21+$0x4A80];
	[tilespmem:s21+$0x4980] =	vst v8  }
0x117: {  	v8 =	vld [tilespmem:s21+$0x300];
	[tilespmem:s21+$0x200] =	vst v12;
	v4 =	vadd.f32 v4, v13  }
0x118: {  	v12 =	vld [tilespmem:s21+$0x1B00];
	[tilespmem:s21+$0x1A00] =	vst v14;
	v5 =	vadd.f32 v5, v13  }
0x119: {  	v14 =	vld [tilespmem:s21+$0x3300];
	v10 =	vadd.f32 v10, v6;
	[tilespmem:s21+$0x3200] =	vst v4  }
0x11a: {  	v3 =	vadd.f32 v3, v6;
	v13 =	vld [tilespmem:s28+$0x100];
	[tilespmem:s21+$0x4A00] =	vst v5  }
0x11b: {  	v9 =	vadd.f32 v9, v6;
	[tilespmem:s21+$0x3280] =	vst v10;
	v10 =	vld [tilespmem:s28+$0x18100]  }
0x11c: {  	v15 =	vld [tilespmem:s28+$0x1900];
	[tilespmem:s21+$0x280] =	vst v3;
	v6 =	vadd.f32 v7, v6  }
0x11d: {  	v4 =	vld [tilespmem:s21+$0x4B00];
	[tilespmem:s21+$0x1A80] =	vst v9;
	v8 =	vadd.f32 v8, v11  }
0x11e: {  	v5 =	vld [tilespmem:s21+$0x18380];
	v12 =	vadd.f32 v12, v11;
	[tilespmem:s21+$0x4A80] =	vst v6  }
0x11f: {  	v3 =	vld [tilespmem:s21+$0x380];
	v14 =	vadd.f32 v14, v11;
	[tilespmem:s21+$0x300] =	vst v8  }
0x120: {  	v7 =	vld [tilespmem:s21+$0x3380];
	[tilespmem:s21+$0x1B00] =	vst v12;
	v13 =	vadd.f32 v13, v10  }
0x121: {  	v9 =	vld [tilespmem:s21+$0x1B80];
	[tilespmem:s21+$0x3300] =	vst v14;
	v15 =	vadd.f32 v15, v10  }
0x122: {  	v6 =	vld [tilespmem:s21+$0x4B80];
	v4 =	vadd.f32 v4, v11;
	[tilespmem:s28+$0x100] =	vst v13  }
0x123: {  	v24 =	vld [tilespmem:s28+$0x200];
	v16 =	vadd.f32 v16, v10;
	v10 =	vadd.f32 v17, v10;
	[tilespmem:s28+$0x1900] =	vst v15  }
0x124: {  	v3 =	vadd.f32 v3, v5;
	v13 =	vld [tilespmem:s21+$0x18400];
	[tilespmem:s21+$0x4B00] =	vst v4  }
0x125: {  	v7 =	vadd.f32 v7, v5;
	v15 =	vld [tilespmem:s21+$0x400];
	[tilespmem:s28+$0x4900] =	vst v10  }
0x126: {  	v14 =	vld [tilespmem:s21+$0x1C00];
	[tilespmem:s21+$0x380] =	vst v3;
	v3 =	vadd.f32 v9, v5  }
0x127: {  	v8 =	vld [tilespmem:s28+$0x1A00];
	v5 =	vadd.f32 v6, v5;
	[tilespmem:s21+$0x3380] =	vst v7  }
0x128: {  	v4 =	vld [tilespmem:s21+$0x3400];
	[tilespmem:s21+$0x1B80] =	vst v3;
	v3 =	vadd.f32 v21, v18  }
0x129: {  	v9 =	vld [tilespmem:s21+$0x4C00];
	v7 =	vadd.f32 v22, v18;
	[tilespmem:s21+$0x4B80] =	vst v5  }
0x12a: {  	v59 =	vld [tilespmem:s28+$0x18280];
	[tilespmem:s28+$0x3180] =	vst v3;
	v3 =	vadd.f32 v15, v13  }
0x12b: {  	v12 =	vld [tilespmem:s28+$0x3200];
	[tilespmem:s28+$0x4980] =	vst v7;
	v7 =	vadd.f32 v14, v13  }
0x12c: {  	v62 =	vld [tilespmem:s28+$0x1A80];
	[tilespmem:s21+$0x400] =	vst v3;
	v3 =	vadd.f32 v8, v23  }
0x12d: {  	v10 =	vld [tilespmem:s28+$0x280];
	v4 =	vadd.f32 v4, v13;
	[tilespmem:s21+$0x1C00] =	vst v7  }
0x12e: {  	v63 =	vld [tilespmem:s28+$0x3280];
	[tilespmem:s28+$0x1A00] =	vst v3;
	v3 =	vadd.f32 v9, v13  }
0x12f: {  	s19 =	sor.u32 s19, s19;
	v11 =	vld [tilespmem:s28+$0x4A00];
	[tilespmem:s21+$0x3400] =	vst v4  }
0x130: {  	s16 =	sor.u32 $0x380, s19;
	v6 =	vld [tilespmem:s28+$0x4A80];
	v7 =	vadd.f32 v12, v23;
	[tilespmem:s21+$0x4C00] =	vst v3  }
0x131: {  	v5 =	vadd.f32 v24, v23;
	v3 =	vld [tilespmem:s16+$0x18100]  }
0x132: {  	v60 =	vadd.f32 v19, v18;
	[tilespmem:s28+$0x3200] =	vst v7;
	v7 =	vadd.f32 v10, v59;
	v10 =	vld [tilespmem:s16+$0x100]  }
0x133: {  	v61 =	vadd.f32 v20, v18;
	[tilespmem:s28+$0x200] =	vst v5;
	v5 =	vld [tilespmem:s28+$0x1B00]  }
0x134: {  	[tilespmem:s28+$0x180] =	vst v60;
	v15 =	vld [tilespmem:s28+$0x18300]  }
0x135: {  	[tilespmem:s28+$0x1980] =	vst v61;
	v14 =	vld [tilespmem:s28+$0x300];
	v6 =	vadd.f32 v6, v59  }
0x136: {  	[tilespmem:s28+$0x3100] =	vst v16;
	v8 =	vld [tilespmem:s28+$0x3300];
	v4 =	vadd.f32 v11, v23  }
0x137: {  	v12 =	vld [tilespmem:s28+$0x380];
	[tilespmem:s28+$0x4A80] =	vst v6;
	v10 =	vadd.f32 v10, v3  }
0x138: {  	v11 =	vadd.f32 v62, v59;
	v6 =	vld [tilespmem:s28+$0x4B80];
	[tilespmem:s28+$0x4A00] =	vst v4  }
0x139: {  	v9 =	vld [tilespmem:s28+$0x4B00];
	[tilespmem:s16+$0x100] =	vst v10  }
0x13a: {  	[tilespmem:s28+$0x1A80] =	vst v11;
	v13 =	vadd.f32 v14, v15;
	v10 =	vld [tilespmem:s21+$0x4C80]  }
0x13b: {  	v4 =	vld [tilespmem:s28+$0x18380];
	[tilespmem:s28+$0x280] =	vst v7;
	v7 =	vadd.f32 v63, v59  }
0x13c: {  	v11 =	vld [tilespmem:s28+$0x1B80];
	v14 =	vadd.f32 v5, v15;
	[tilespmem:s28+$0x300] =	vst v13  }
0x13d: {  	v13 =	vadd.f32 v8, v15;
	[tilespmem:s28+$0x3280] =	vst v7;
	v7 =	vld [tilespmem:s28+$0x3380]  }
0x13e: {  	v5 =	vld [tilespmem:s28+$0x18400];
	[tilespmem:s28+$0x1B00] =	vst v14;
	v14 =	vadd.f32 v9, v15  }
0x13f: {  	v8 =	vld [tilespmem:s28+$0x400];
	[tilespmem:s28+$0x3300] =	vst v13;
	v10 =	vadd.f32 v10, v3  }
0x140: {  	v9 =	vld [tilespmem:s28+$0x1C00];
	v12 =	vadd.f32 v12, v4;
	[tilespmem:s28+$0x4B00] =	vst v14  }
0x141: {  	s19 =	simm.s32 $0x80;
	v11 =	vadd.f32 v11, v4;
	s16 =	simm.s32 $0x20;
	[tilespmem:s21+$0x4C80] =	vst v10;
	v10 =	vld [tilespmem:s28+$0x3400]  }
.LBB2_3:
0x142: {  	p1 =	sne.s32 s16, $0x2F0;
	[tilespmem:s28+$0x380] =	vst v12;
	v7 =	vadd.f32 v7, v4;
	v12 =	vld [tilespmem:s28+$0x4C00];
	s8 =	sadd.s32 $0x80, s8  }
0x143: {  	s17 =	sand.u32 $0x70, s16;
	v4 =	vadd.f32 v6, v4;
	s18 =	sand.u32 $0x1C00, s8;
	[tilespmem:s28+$0x1B80] =	vst v11;
	v6 =	vld [tilespmem:s21+$0x1C80]  }
0x144: {  	s17 =	sor.u32 s17, s18;
	[tilespmem:s28+$0x3380] =	vst v7;
	v7 =	vadd.f32 v8, v5;
	v8 =	vld [tilespmem:s21+$0x3480]  }
0x145: {  	v11 =	vld [tilespmem:s17+$0x18100];
	[tilespmem:s28+$0x4B80] =	vst v4;
	v4 =	vadd.f32 v9, v5  }
0x146: {  	v9 =	vld [tilespmem:s17+$0x100];
	[tilespmem:s28+$0x400] =	vst v7;
	v7 =	vadd.f32 v10, v5  }
0x147: {  	v10 =	vld [tilespmem:s17+$0x1900];
	[tilespmem:s28+$0x1C00] =	vst v4;
	v4 =	vadd.f32 v12, v5  }
0x148: {  	s18 =	sor.u32 s19, s7;
	s19 =	smov.u32 s8;
	s7 =	smov.u32 s16;
	v5 =	vld [tilespmem:s17+$0x3100];
	[tilespmem:s28+$0x3400] =	vst v7;
	v6 =	vadd.f32 v6, v3  }
0x149: {  	s18 =	sor.u32 $0x380, s18;
	v7 =	vld [tilespmem:s17+$0x4900];
	[tilespmem:s28+$0x4C00] =	vst v4;
	v4 =	vadd.f32 v8, v3  }
0x14a: {  	v3 =	vld [tilespmem:s18+$0x18100];
	[tilespmem:s21+$0x1C80] =	vst v6  }
0x14b: {  	v6 =	vld [tilespmem:s18+$0x100];
	[tilespmem:s21+$0x3480] =	vst v4;
	s21 =	smov.u32 s28;
	s28 =	smov.u32 s17  }
0x14c: {  	v4 =	vld [tilespmem:s28+$0x18180]  }
0x14d: {  	v8 =	vld [tilespmem:s28+$0x180]  }
0x14e: {  	v12 =	vld [tilespmem:s28+$0x1980]  }
0x14f: {  	v13 =	vld [tilespmem:s28+$0x3180]  }
0x150: {  	v14 =	vld [tilespmem:s28+$0x4980];
	v6 =	vadd.f32 v6, v3  }
0x151: {  	v15 =	vld [tilespmem:s28+$0x18200]  }
0x152: {  	v16 =	vld [tilespmem:s28+$0x200];
	[tilespmem:s18+$0x100] =	vst v6  }
0x153: {  	v6 =	vadd.f32 v9, v11;
	v9 =	vld [tilespmem:s21+$0x4C80]  }
0x154: {  	v10 =	vadd.f32 v10, v11;
	v17 =	vld [tilespmem:s28+$0x1A00]  }
0x155: {  	v5 =	vadd.f32 v5, v11;
	[tilespmem:s28+$0x100] =	vst v6;
	v6 =	vld [tilespmem:s28+$0x3200]  }
0x156: {  	v7 =	vadd.f32 v7, v11;
	[tilespmem:s28+$0x1900] =	vst v10;
	v10 =	vld [tilespmem:s28+$0x4A00]  }
0x157: {  	[tilespmem:s28+$0x3100] =	vst v5;
	v5 =	vadd.f32 v8, v4;
	v8 =	vld [tilespmem:s28+$0x18280]  }
0x158: {  	[tilespmem:s28+$0x4900] =	vst v7;
	v7 =	vld [tilespmem:s28+$0x280];
	v9 =	vadd.f32 v9, v3  }
0x159: {  	[tilespmem:s28+$0x180] =	vst v5;
	v5 =	vadd.f32 v12, v4;
	v11 =	vld [tilespmem:s28+$0x1A80]  }
0x15a: {  	v12 =	vadd.f32 v13, v4;
	v13 =	vld [tilespmem:s28+$0x3280];
	[tilespmem:s21+$0x4C80] =	vst v9  }
0x15b: {  	v4 =	vadd.f32 v14, v4;
	[tilespmem:s28+$0x1980] =	vst v5;
	v5 =	vld [tilespmem:s28+$0x4A80]  }
0x15c: {  	v9 =	vadd.f32 v16, v15;
	[tilespmem:s28+$0x3180] =	vst v12;
	v12 =	vld [tilespmem:s28+$0x18300]  }
0x15d: {  	[tilespmem:s28+$0x4980] =	vst v4;
	v4 =	vadd.f32 v17, v15;
	v14 =	vld [tilespmem:s28+$0x300]  }
0x15e: {  	v6 =	vadd.f32 v6, v15;
	[tilespmem:s28+$0x200] =	vst v9;
	v9 =	vld [tilespmem:s28+$0x1B00]  }
0x15f: {  	[tilespmem:s28+$0x1A00] =	vst v4;
	v4 =	vadd.f32 v10, v15;
	v10 =	vld [tilespmem:s28+$0x3300]  }
0x160: {  	[tilespmem:s28+$0x3200] =	vst v6;
	v6 =	vadd.f32 v7, v8;
	v15 =	vld [tilespmem:s28+$0x4B00]  }
0x161: {  	v7 =	vadd.f32 v11, v8;
	[tilespmem:s28+$0x4A00] =	vst v4;
	v4 =	vld [tilespmem:s28+$0x18380]  }
0x162: {  	[tilespmem:s28+$0x280] =	vst v6;
	v6 =	vadd.f32 v13, v8;
	v11 =	vld [tilespmem:s28+$0x380]  }
0x163: {  	v5 =	vadd.f32 v5, v8;
	[tilespmem:s28+$0x1A80] =	vst v7;
	v13 =	vld [tilespmem:s28+$0x1B80]  }
0x164: {  	v8 =	vadd.f32 v14, v12;
	[tilespmem:s28+$0x3280] =	vst v6;
	v7 =	vld [tilespmem:s28+$0x3380]  }
.Ltmp2:
0x165: {  	v9 =	vadd.f32 v9, v12;
	[tilespmem:s28+$0x4A80] =	vst v5;
	v6 =	vld [tilespmem:s28+$0x4B80];
	(pc) =	sbr.rel @p1 .LBB2_3-.Ltmp2, $4  }
0x166: {  	v10 =	vadd.f32 v10, v12;
	[tilespmem:s28+$0x300] =	vst v8;
	v5 =	vld [tilespmem:s28+$0x18400]  }
0x167: {  	v14 =	vadd.f32 v15, v12;
	[tilespmem:s28+$0x1B00] =	vst v9;
	v8 =	vld [tilespmem:s28+$0x400]  }
0x168: {  	v12 =	vadd.f32 v11, v4;
	[tilespmem:s28+$0x3300] =	vst v10;
	v9 =	vld [tilespmem:s28+$0x1C00]  }
0x169: {  	s16 =	sadd.s32 $0x10, s16;
	v11 =	vadd.f32 v13, v4;
	[tilespmem:s28+$0x4B00] =	vst v14;
	v10 =	vld [tilespmem:s28+$0x3400]  }
0x16a: {  	[tilespmem:s28+$0x380] =	vst v12;
	v7 =	vadd.f32 v7, v4;
	v62 =	vld [tilespmem:s28+$0x4C00]  }
0x16b: {  	v4 =	vadd.f32 v6, v4;
	[tilespmem:s28+$0x1B80] =	vst v11  }
0x16c: {  	[tilespmem:s28+$0x3380] =	vst v7;
	v6 =	vadd.f32 v8, v5  }
0x16d: {  	[tilespmem:s28+$0x4B80] =	vst v4;
	v4 =	vadd.f32 v9, v5  }
0x16e: {  	[tilespmem:s28+$0x400] =	vst v6;
	v6 =	vadd.f32 v10, v5  }
0x16f: {  	[tilespmem:s28+$0x1C00] =	vst v4;
	v4 =	vadd.f32 v62, v5  }
0x170: {  	s7 =	sor.u32 s19, s7;
	[tilespmem:s28+$0x3400] =	vst v6  }
0x171: {  	s7 =	sor.u32 $0x380, s7;
	[tilespmem:s28+$0x4C00] =	vst v4  }
0x172: {  	v4 =	vld [tilespmem:s7+$0x18100]  }
0x173: {  	v5 =	vld [tilespmem:s7+$0x100];
	_ =	sdelay $0x4  }
0x174: {  	v5 =	vadd.f32 v5, v4;
	_ =	sdelay $0x1  }
0x175: {  	[tilespmem:s7+$0x100] =	vst v5  }
0x176: {  	v5 =	vld [tilespmem:s28+$0x4C80];
	_ =	sdelay $0x2  }
0x177: {  	v7 =	vld [tilespmem:s21+$0x3480]  }
0x178: {  	v6 =	vld [tilespmem:s21+$0x1C80]  }
0x179: {  	v5 =	vadd.f32 v5, v4  }
0x17a: {  	v8 =	vld [tilespmem:s28+$0x3480]  }
0x17b: {  	[tilespmem:s28+$0x4C80] =	vst v5;
	v5 =	vld [tilespmem:s28+$0x1C80];
	_ =	sdelay $0x1  }
0x17c: {  	v6 =	vadd.f32 v6, v3;
	v3 =	vadd.f32 v7, v3  }
0x17d: {  	s16 =	sor.u32 s5, s29  }
0x17e: {  	[tilespmem:s21+$0x3480] =	vst v3;
	s7 =	sshrl.u32 s16, $0x3;
	v3 =	vadd.f32 v8, v4  }
0x17f: {  	s8 =	sor.u32 s13, s29;
	[tilespmem:s21+$0x1C80] =	vst v6;
	s7 =	smul.u32 $0x300, s7;
	v5 =	vadd.f32 v5, v4  }
0x180: {  	s19 =	sor.u32 s14, s29;
	s8 =	sshrl.u32 s8, $0x3;
	[tilespmem:s28+$0x3480] =	vst v3  }
0x181: {  	s8 =	smul.u32 $0x300, s8;
	s16 =	simm.s32 $0x100;
	s7 =	sadd.s32 s3, s7;
	[tilespmem:s28+$0x1C80] =	vst v5  }
0x182: {  	[hbm4b:s7+s4] =	stream.linear.scatter [tilespmem:s16], [sflag:$0x9], $0x1800, $0x38;
	[tilespmem:$0x1E100] =	vst v63  }
0x183: {  	s18 =	simm.s32 $0x1900;
	s21 =	sor.u32 s15, s29;
	s7 =	sshrl.u32 s19, $0x3  }
0x184: {  	s17 =	sadd.s32 s3, s8;
	s8 =	sshrl.u32 s21, $0x3;
	s7 =	smul.u32 $0x300, s7  }
0x185: {  	[hbm4b:s17+s4] =	stream.linear.scatter [tilespmem:s18], [sflag:$0x9], $0x1800, $0x38;
	[tilespmem:$0x1E100] =	vst v63  }
0x186: {  	s8 =	smul.u32 $0x300, s8;
	s28 =	simm.s32 $0x3100;
	s7 =	sadd.s32 s3, s7  }
0x187: {  	[hbm4b:s7+s4] =	stream.linear.scatter [tilespmem:s28], [sflag:$0x9], $0x1800, $0x38;
	[tilespmem:$0x1E100] =	vst v63  }
0x188: {  	s8 =	sadd.s32 s3, s8;
	s16 =	simm.s32 $0x4900;
	s7 =	simm.s32 @p0 $0x9  }
0x189: {  	[hbm4b:s8+s4] =	stream.linear.scatter [tilespmem:s16], [sflag:$0x9], $0x1800, $0x38;
	[tilespmem:$0x1E100] =	vst v63  }
0x18a: {  	_ =	swait.ge @p0 [sflag:s7], $0x1800  }
0x18b: {  	[sflag:s7] =	ssyncset.done @p0 $0x0  }
0x18c: {  	[sflag:s7] =	ssyncadd.s32 @p0 $0xFFFFE800  }
0x18d: {  	_ =	swait.ge @p0 [sflag:s7], $0x1800  }
0x18e: {  	[sflag:s7] =	ssyncset.done @p0 $0x0  }
0x18f: {  	[sflag:s7] =	ssyncadd.s32 @p0 $0xFFFFE800  }
0x190: {  	_ =	swait.ge @p0 [sflag:s7], $0x1800  }
0x191: {  	[sflag:s7] =	ssyncset.done @p0 $0x0  }
0x192: {  	[sflag:s7] =	ssyncadd.s32 @p0 $0xFFFFE800  }
0x193: {  	_ =	swait.ge @p0 [sflag:s7], $0x1800  }
0x194: {  	s8 =	simm.s32 @p0 $0x18100;
	[sflag:s7] =	ssyncset.done @p0 $0x0  }
0x195: {  	s16 =	rddreg [dreg:$0xa];
	[sflag:s7] =	ssyncadd.s32 @p0 $0xFFFFE800;
	s7 =	simm.s32 @p0 $0x0  }
0x196: {  	[tilespmem:s8], [sflag:$0x5] =	stream.linear.gather @p0 [hbm4b:s16+s7], $0x1800, $0x38;
	[tilespmem:$0x1E100] =	vst v63  }
0x197: {  	v3 =	vld @p0 [tilespmem:$0x80];
	_ =	sdelay $0x4  }
0x198: {  	v4 =	vshrl.u32 @p0 v3, $0x3  }
0x199: {  	v4 =	vmul.u32 @p0 $0x30, v4  }
0x19a: {  	v5 =	vlaneseq.u32 @p0;
	v3 =	vand.u32 @p0 $0x7, v3  }
0x19b: {  	v6 =	vshrl.u32 @p0 v5, $0x3;
	v3 =	vor.u32 @p0 v3, v4;
	v4 =	vand.u32 @p0 $0x7, v5  }
0x19c: {  	v6 =	vmul.u32 @p0 $0x8, v6;
	v7 =	vperm.xlane @p0 v3, v4;
	_ =	sdelay $0x1  }
0x19d: {  	v7 =	vadd.s32 @p0 v6, v7;
	_ =	sdelay $0x2  }
0x19e: {  	v5 =	vor.u32 @p0 $0x8, v5  }
0x19f: {  	vm1 =	vmmov @p0 $0xffff;
	s8 =	simm.s32 @p0 $0x100;
	v3 =	vperm.xlane @p0 v3, v5  }
0x1a0: {  	[tilespmem:s8], [sflag:$0x1] =	stream.indirect_vreg.gather @p0 [hbm4b:s1+s7], $0x80, v7, vm1, $0xb8;
	[tilespmem:$0x1E100] =	vst v63  }
0x1a1: {  	v3 =	vadd.s32 @p0 v6, v3;
	s8 =	simm.s32 @p0 $0x900  }
0x1a2: {  	[tilespmem:s8], [sflag:$0x1] =	stream.indirect_vreg.gather @p0 [hbm4b:s11+s7], $0x80, v7, vm1, $0xb8;
	[tilespmem:$0x1E100] =	vst v63  }
0x1a3: {  	s8 =	simm.s32 @p0 $0x1100  }
0x1a4: {  	[tilespmem:s8], [sflag:$0x1] =	stream.indirect_vreg.gather @p0 [hbm4b:s12+s7], $0x80, v7, vm1, $0xb8;
	[tilespmem:$0x1E100] =	vst v63  }
0x1a5: {  	s8 =	simm.s32 @p0 $0x1900  }
0x1a6: {  	[tilespmem:s8], [sflag:$0x1] =	stream.indirect_vreg.gather @p0 [hbm4b:s1+s7], $0x80, v3, vm1, $0xb8;
	[tilespmem:$0x1E100] =	vst v63  }
0x1a7: {  	s8 =	simm.s32 @p0 $0x2100  }
0x1a8: {  	[tilespmem:s8], [sflag:$0x1] =	stream.indirect_vreg.gather @p0 [hbm4b:s11+s7], $0x80, v3, vm1, $0xb8;
	[tilespmem:$0x1E100] =	vst v63  }
0x1a9: {  	s8 =	simm.s32 @p0 $0x2900  }
0x1aa: {  	[tilespmem:s8], [sflag:$0x1] =	stream.indirect_vreg.gather @p0 [hbm4b:s12+s7], $0x80, v3, vm1, $0xb8;
	[tilespmem:$0x1E100] =	vst v63  }
0x1ab: {  	v3 =	vld @p0 [tilespmem:$0x90];
	_ =	sdelay $0x4  }
0x1ac: {  	v7 =	vshrl.u32 @p0 v3, $0x3  }
0x1ad: {  	v7 =	vmul.u32 @p0 $0x30, v7  }
0x1ae: {  	v3 =	vand.u32 @p0 $0x7, v3  }
0x1af: {  	v3 =	vor.u32 @p0 v3, v7  }
0x1b0: {  	v4 =	vperm.xlane @p0 v3, v4;
	_ =	sdelay $0x1  }
0x1b1: {  	v4 =	vadd.s32 @p0 v6, v4;
	_ =	sdelay $0x3  }
0x1b2: {  	s8 =	simm.s32 @p0 $0x3100;
	v3 =	vperm.xlane @p0 v3, v5  }
0x1b3: {  	[tilespmem:s8], [sflag:$0x1] =	stream.indirect_vreg.gather @p0 [hbm4b:s1+s7], $0x80, v4, vm1, $0xb8;
	[tilespmem:$0x1E100] =	vst v63  }
0x1b4: {  	v3 =	vadd.s32 @p0 v6, v3;
	s8 =	simm.s32 @p0 $0x3900  }
0x1b5: {  	[tilespmem:s8], [sflag:$0x1] =	stream.indirect_vreg.gather @p0 [hbm4b:s11+s7], $0x80, v4, vm1, $0xb8;
	[tilespmem:$0x1E100] =	vst v63  }
0x1b6: {  	s8 =	simm.s32 @p0 $0x4100  }
0x1b7: {  	[tilespmem:s8], [sflag:$0x1] =	stream.indirect_vreg.gather @p0 [hbm4b:s12+s7], $0x80, v4, vm1, $0xb8;
	[tilespmem:$0x1E100] =	vst v63  }
0x1b8: {  	s8 =	simm.s32 @p0 $0x4900  }
0x1b9: {  	[tilespmem:s8], [sflag:$0x1] =	stream.indirect_vreg.gather @p0 [hbm4b:s1+s7], $0x80, v3, vm1, $0xb8;
	[tilespmem:$0x1E100] =	vst v63  }
0x1ba: {  	s8 =	simm.s32 @p0 $0x5100  }
0x1bb: {  	[tilespmem:s8], [sflag:$0x1] =	stream.indirect_vreg.gather @p0 [hbm4b:s11+s7], $0x80, v3, vm1, $0xb8;
	[tilespmem:$0x1E100] =	vst v63  }
0x1bc: {  	s8 =	simm.s32 @p0 $0x5900  }
0x1bd: {  	[tilespmem:s8], [sflag:$0x1] =	stream.indirect_vreg.gather @p0 [hbm4b:s12+s7], $0x80, v3, vm1, $0xb8;
	[tilespmem:$0x1E100] =	vst v63  }
0x1be: {  	_ =	swait.ge [sflag:s26], $0x1800  }
0x1bf: {  	[sflag:s26] =	ssyncset.done $0x0  }
0x1c0: {  	[sflag:s26] =	ssyncadd.s32 $0xFFFFE800  }
0x1c1: {  	s17 =	simm.s32 $0x0;
	_ =	swait.ge [sflag:s30], $0x6000  }
0x1c2: {  	s18 =	sand.u32 $0x70, s17;
	s7 =	sand.u32 $0x1C00, s17;
	[sflag:s30] =	ssyncset.done $0x0  }
0x1c3: {  	s21 =	sor.u32 s18, s7;
	[sflag:s30] =	ssyncadd.s32 $0xFFFFA000  }
0x1c4: {  	v3 =	vld [tilespmem:s21+$0x19C80]  }
0x1c5: {  	v4 =	vld [tilespmem:s21+$0xAC80]  }
0x1c6: {  	v5 =	vld [tilespmem:s21+$0x19900]  }
0x1c7: {  	v6 =	vld [tilespmem:s21+$0x6100]  }
0x1c8: {  	v7 =	vld [tilespmem:s21+$0x7900]  }
0x1c9: {  	v8 =	vld [tilespmem:s21+$0x9100]  }
0x1ca: {  	v9 =	vld [tilespmem:s21+$0xA900]  }
0x1cb: {  	v10 =	vld [tilespmem:s21+$0x19980];
	v4 =	vadd.f32 v4, v3  }
0x1cc: {  	v11 =	vld [tilespmem:s21+$0x6180];
	v6 =	vadd.f32 v6, v5  }
0x1cd: {  	v7 =	vadd.f32 v7, v5;
	[tilespmem:s21+$0xAC80] =	vst v4;
	v4 =	vld [tilespmem:s21+$0x7980]  }
0x1ce: {  	v8 =	vadd.f32 v8, v5;
	[tilespmem:s21+$0x6100] =	vst v6;
	v6 =	vld [tilespmem:s21+$0x9180]  }
0x1cf: {  	v5 =	vadd.f32 v9, v5;
	[tilespmem:s21+$0x7900] =	vst v7;
	v7 =	vld [tilespmem:s21+$0xA980]  }
0x1d0: {  	v9 =	vld [tilespmem:s21+$0x6200];
	[tilespmem:s21+$0x9100] =	vst v8  }
0x1d1: {  	v8 =	vld [tilespmem:s21+$0x19A00];
	[tilespmem:s21+$0xA900] =	vst v5;
	v5 =	vadd.f32 v11, v10  }
0x1d2: {  	v11 =	vld [tilespmem:s21+$0x7A00];
	v4 =	vadd.f32 v4, v10  }
0x1d3: {  	[tilespmem:s21+$0x6180] =	vst v5;
	v5 =	vld [tilespmem:s21+$0x9200];
	v6 =	vadd.f32 v6, v10  }
0x1d4: {  	v7 =	vadd.f32 v7, v10;
	[tilespmem:s21+$0x7980] =	vst v4;
	v4 =	vld [tilespmem:s21+$0xAA00]  }
0x1d5: {  	[tilespmem:s21+$0x9180] =	vst v6;
	v6 =	vld [tilespmem:s21+$0x19A80]  }
0x1d6: {  	[tilespmem:s21+$0xA980] =	vst v7;
	v7 =	vadd.f32 v9, v8;
	v9 =	vld [tilespmem:s21+$0x6280]  }
0x1d7: {  	v10 =	vld [tilespmem:s21+$0x7A80];
	v11 =	vadd.f32 v11, v8  }
0x1d8: {  	v5 =	vadd.f32 v5, v8;
	[tilespmem:s21+$0x6200] =	vst v7;
	v7 =	vld [tilespmem:s21+$0x9280]  }
0x1d9: {  	[tilespmem:s21+$0x7A00] =	vst v11;
	v11 =	vld [tilespmem:s21+$0xAA80];
	v4 =	vadd.f32 v4, v8  }
0x1da: {  	[tilespmem:s21+$0x9200] =	vst v5;
	v5 =	vld [tilespmem:s21+$0x19B00]  }
0x1db: {  	v8 =	vld [tilespmem:s21+$0x6300];
	[tilespmem:s21+$0xAA00] =	vst v4;
	v4 =	vadd.f32 v9, v6  }
0x1dc: {  	v10 =	vadd.f32 v10, v6;
	v9 =	vld [tilespmem:s21+$0x7B00]  }
0x1dd: {  	v7 =	vadd.f32 v7, v6;
	[tilespmem:s21+$0x6280] =	vst v4;
	v4 =	vld [tilespmem:s21+$0x9300]  }
0x1de: {  	[tilespmem:s21+$0x7A80] =	vst v10;
	v10 =	vld [tilespmem:s21+$0xAB00];
	v6 =	vadd.f32 v11, v6  }
0x1df: {  	[tilespmem:s21+$0x9280] =	vst v7;
	v7 =	vld [tilespmem:s21+$0x19B80]  }
0x1e0: {  	[tilespmem:s21+$0xAA80] =	vst v6;
	v6 =	vadd.f32 v8, v5;
	v8 =	vld [tilespmem:s21+$0x6380]  }
0x1e1: {  	v11 =	vld [tilespmem:s21+$0x7B80];
	v9 =	vadd.f32 v9, v5  }
0x1e2: {  	[tilespmem:s21+$0x6300] =	vst v6;
	v6 =	vld [tilespmem:s21+$0x9380];
	v4 =	vadd.f32 v4, v5  }
0x1e3: {  	[tilespmem:s21+$0x7B00] =	vst v9;
	v9 =	vld [tilespmem:s21+$0xAB80];
	v5 =	vadd.f32 v10, v5  }
0x1e4: {  	v10 =	vld [tilespmem:s21+$0x6400];
	[tilespmem:s21+$0x9300] =	vst v4  }
0x1e5: {  	v4 =	vld [tilespmem:s21+$0x19C00];
	[tilespmem:s21+$0xAB00] =	vst v5;
	v5 =	vadd.f32 v8, v7  }
0x1e6: {  	v63 =	vld [tilespmem:s21+$0x7C00]  }
0x1e7: {  	v8 =	vld [tilespmem:s21+$0x9400];
	[tilespmem:s21+$0x6380] =	vst v5;
	v5 =	vadd.f32 v6, v7  }
0x1e8: {  	v11 =	vadd.f32 v11, v7;
	v6 =	vld [tilespmem:s21+$0xAC00];
	v7 =	vadd.f32 v9, v7  }
0x1e9: {  	s19 =	simm.s32 $0x10;
	s7 =	simm.s32 $0x80;
	[tilespmem:s21+$0x9380] =	vst v5;
	v5 =	vld [tilespmem:s21+$0x6480]  }
0x1ea: {  	s8 =	sand.u32 $0x70, s19;
	s28 =	sand.u32 $0x1C00, s7;
	[tilespmem:s21+$0xAB80] =	vst v7;
	v7 =	vld [tilespmem:s21+$0x7C80];
	v10 =	vadd.f32 v10, v4  }
0x1eb: {  	s16 =	simm.s32 $0x20;
	s8 =	sor.u32 s8, s28;
	[tilespmem:s21+$0x7B80] =	vst v11;
	v9 =	vld [tilespmem:s21+$0x9480];
	v11 =	vadd.f32 v63, v4  }
.LBB2_5:
0x1ec: {  	p1 =	sne.s32 s16, $0x2F0;
	v12 =	vld [tilespmem:s8+$0x19C80];
	[tilespmem:s21+$0x6400] =	vst v10;
	v8 =	vadd.f32 v8, v4  }
0x1ed: {  	v10 =	vld [tilespmem:s8+$0xAC80];
	[tilespmem:s21+$0x7C00] =	vst v11;
	v4 =	vadd.f32 v6, v4  }
0x1ee: {  	v6 =	vld [tilespmem:s8+$0x19900];
	[tilespmem:s21+$0x9400] =	vst v8;
	v5 =	vadd.f32 v5, v3  }
0x1ef: {  	v8 =	vld [tilespmem:s8+$0x6100];
	[tilespmem:s21+$0xAC00] =	vst v4;
	v4 =	vadd.f32 v7, v3  }
0x1f0: {  	v7 =	vld [tilespmem:s8+$0x7900];
	[tilespmem:s21+$0x6480] =	vst v5;
	v5 =	vadd.f32 v9, v3  }
0x1f1: {  	v9 =	vld [tilespmem:s8+$0x9100];
	[tilespmem:s21+$0x7C80] =	vst v4;
	v3 =	vmov v12  }
0x1f2: {  	v4 =	vld [tilespmem:s8+$0xA900];
	v10 =	vadd.f32 v10, v3;
	[tilespmem:s21+$0x9480] =	vst v5;
	s21 =	smov.u32 s8  }
0x1f3: {  	v5 =	vld [tilespmem:s21+$0x19980]  }
0x1f4: {  	v8 =	vadd.f32 v8, v6;
	v11 =	vld [tilespmem:s21+$0x6180];
	[tilespmem:s21+$0xAC80] =	vst v10  }
0x1f5: {  	v7 =	vadd.f32 v7, v6;
	v10 =	vld [tilespmem:s21+$0x7980]  }
0x1f6: {  	[tilespmem:s21+$0x6100] =	vst v8;
	v8 =	vadd.f32 v9, v6;
	v9 =	vld [tilespmem:s21+$0x9180]  }
0x1f7: {  	[tilespmem:s21+$0x7900] =	vst v7;
	v4 =	vadd.f32 v4, v6;
	v6 =	vld [tilespmem:s21+$0xA980]  }
0x1f8: {  	[tilespmem:s21+$0x9100] =	vst v8;
	v7 =	vld [tilespmem:s21+$0x19A00]  }
0x1f9: {  	[tilespmem:s21+$0xA900] =	vst v4;
	v4 =	vadd.f32 v11, v5;
	v8 =	vld [tilespmem:s21+$0x6200]  }
0x1fa: {  	v10 =	vadd.f32 v10, v5;
	v11 =	vld [tilespmem:s21+$0x7A00]  }
0x1fb: {  	[tilespmem:s21+$0x6180] =	vst v4;
	v4 =	vadd.f32 v9, v5;
	v9 =	vld [tilespmem:s21+$0x9200]  }
0x1fc: {  	[tilespmem:s21+$0x7980] =	vst v10;
	v5 =	vadd.f32 v6, v5;
	v6 =	vld [tilespmem:s21+$0xAA00]  }
0x1fd: {  	[tilespmem:s21+$0x9180] =	vst v4;
	v4 =	vld [tilespmem:s21+$0x19A80]  }
0x1fe: {  	[tilespmem:s21+$0xA980] =	vst v5;
	v5 =	vadd.f32 v8, v7;
	v8 =	vld [tilespmem:s21+$0x6280]  }
0x1ff: {  	v10 =	vadd.f32 v11, v7;
	v11 =	vld [tilespmem:s21+$0x7A80]  }
0x200: {  	[tilespmem:s21+$0x6200] =	vst v5;
	v5 =	vadd.f32 v9, v7;
	v9 =	vld [tilespmem:s21+$0x9280]  }
0x201: {  	[tilespmem:s21+$0x7A00] =	vst v10;
	v6 =	vadd.f32 v6, v7;
	v7 =	vld [tilespmem:s21+$0xAA80]  }
0x202: {  	[tilespmem:s21+$0x9200] =	vst v5;
	v5 =	vld [tilespmem:s21+$0x19B00]  }
0x203: {  	[tilespmem:s21+$0xAA00] =	vst v6;
	v6 =	vadd.f32 v8, v4;
	v8 =	vld [tilespmem:s21+$0x6300]  }
0x204: {  	v10 =	vadd.f32 v11, v4;
	v11 =	vld [tilespmem:s21+$0x7B00]  }
0x205: {  	[tilespmem:s21+$0x6280] =	vst v6;
	v6 =	vadd.f32 v9, v4;
	v9 =	vld [tilespmem:s21+$0x9300]  }
0x206: {  	[tilespmem:s21+$0x7A80] =	vst v10;
	v4 =	vadd.f32 v7, v4;
	v7 =	vld [tilespmem:s21+$0xAB00]  }
0x207: {  	[tilespmem:s21+$0x9280] =	vst v6;
	v6 =	vld [tilespmem:s21+$0x19B80]  }
0x208: {  	[tilespmem:s21+$0xAA80] =	vst v4;
	v4 =	vadd.f32 v8, v5;
	v8 =	vld [tilespmem:s21+$0x6380]  }
0x209: {  	v10 =	vadd.f32 v11, v5;
	v11 =	vld [tilespmem:s21+$0x7B80]  }
0x20a: {  	[tilespmem:s21+$0x6300] =	vst v4;
	v4 =	vadd.f32 v9, v5;
	v9 =	vld [tilespmem:s21+$0x9380]  }
0x20b: {  	[tilespmem:s21+$0x7B00] =	vst v10;
	v5 =	vadd.f32 v7, v5;
	v7 =	vld [tilespmem:s21+$0xAB80]  }
0x20c: {  	[tilespmem:s21+$0x9300] =	vst v4;
	v4 =	vld [tilespmem:s21+$0x19C00]  }
0x20d: {  	[tilespmem:s21+$0xAB00] =	vst v5;
	v5 =	vadd.f32 v8, v6;
	v10 =	vld [tilespmem:s21+$0x6400]  }
0x20e: {  	v11 =	vadd.f32 v11, v6;
	v12 =	vld [tilespmem:s21+$0x7C00]  }
.Ltmp3:
0x20f: {  	[tilespmem:s21+$0x6380] =	vst v5;
	v5 =	vadd.f32 v9, v6;
	v8 =	vld [tilespmem:s21+$0x9400];
	(pc) =	sbr.rel @p1 .LBB2_5-.Ltmp3, $4  }
0x210: {  	[tilespmem:s21+$0x7B80] =	vst v11;
	v7 =	vadd.f32 v7, v6;
	v6 =	vld [tilespmem:s21+$0xAC00]  }
0x211: {  	s7 =	sadd.s32 $0x80, s7;
	[tilespmem:s21+$0x9380] =	vst v5;
	v5 =	vld [tilespmem:s21+$0x6480]  }
0x212: {  	s17 =	sand.u32 $0x1C00, s7;
	s8 =	sand.u32 $0x70, s16;
	[tilespmem:s21+$0xAB80] =	vst v7;
	v10 =	vadd.f32 v10, v4;
	v7 =	vld [tilespmem:s21+$0x7C80]  }
0x213: {  	s16 =	sadd.s32 $0x10, s16;
	s8 =	sor.u32 s8, s17;
	v11 =	vadd.f32 v12, v4;
	v9 =	vld [tilespmem:s21+$0x9480]  }
0x214: {  	v12 =	vld [tilespmem:s8+$0x19C80]  }
0x215: {  	v13 =	vld [tilespmem:s8+$0xAC80]  }
0x216: {  	v14 =	vld [tilespmem:s8+$0x19900]  }
0x217: {  	v15 =	vld [tilespmem:s8+$0x6100]  }
0x218: {  	v16 =	vld [tilespmem:s8+$0x7900]  }
0x219: {  	v17 =	vld [tilespmem:s8+$0x9100]  }
0x21a: {  	v18 =	vld [tilespmem:s8+$0xA900]  }
0x21b: {  	v19 =	vld [tilespmem:s8+$0x19980]  }
0x21c: {  	v20 =	vld [tilespmem:s8+$0x6180];
	[tilespmem:s21+$0x6400] =	vst v10;
	v8 =	vadd.f32 v8, v4  }
0x21d: {  	v37 =	vld [tilespmem:s8+$0x19A00];
	[tilespmem:s21+$0x7C00] =	vst v11;
	v4 =	vadd.f32 v6, v4  }
0x21e: {  	v39 =	vld [tilespmem:s8+$0x6200];
	[tilespmem:s21+$0x9400] =	vst v8;
	v5 =	vadd.f32 v5, v3  }
0x21f: {  	v40 =	vld [tilespmem:s8+$0x7A00];
	[tilespmem:s21+$0xAC00] =	vst v4;
	v7 =	vadd.f32 v7, v3  }
0x220: {  	v43 =	vld [tilespmem:s8+$0x19A80];
	[tilespmem:s21+$0x6480] =	vst v5;
	v3 =	vadd.f32 v9, v3  }
0x221: {  	v45 =	vld [tilespmem:s8+$0x6280];
	v13 =	vadd.f32 v13, v12;
	[tilespmem:s21+$0x7C80] =	vst v7  }
0x222: {  	v49 =	vld [tilespmem:s8+$0x19B00];
	v15 =	vadd.f32 v15, v14;
	[tilespmem:s21+$0x9480] =	vst v3  }
0x223: {  	v51 =	vld [tilespmem:s8+$0x6300];
	v16 =	vadd.f32 v16, v14;
	[tilespmem:s8+$0xAC80] =	vst v13  }
0x224: {  	v52 =	vld [tilespmem:s8+$0x7B00];
	v17 =	vadd.f32 v17, v14;
	[tilespmem:s8+$0x6100] =	vst v15  }
0x225: {  	v55 =	vld [tilespmem:s8+$0x19B80];
	v14 =	vadd.f32 v18, v14;
	[tilespmem:s8+$0x7900] =	vst v16  }
0x226: {  	v57 =	vld [tilespmem:s8+$0x6380];
	v38 =	vadd.f32 v20, v19;
	[tilespmem:s8+$0x9100] =	vst v17  }
0x227: {  	v59 =	vld [tilespmem:s8+$0x9380];
	v44 =	vadd.f32 v39, v37;
	[tilespmem:s8+$0xA900] =	vst v14  }
0x228: {  	v61 =	vld [tilespmem:s8+$0x19C00];
	v20 =	vadd.f32 v40, v37;
	[tilespmem:s8+$0x6180] =	vst v38  }
0x229: {  	v62 =	vld [tilespmem:s8+$0x6400];
	v50 =	vadd.f32 v45, v43;
	[tilespmem:s8+$0x6200] =	vst v44  }
0x22a: {  	v11 =	vld [tilespmem:s8+$0x7C00];
	v56 =	vadd.f32 v51, v49;
	[tilespmem:s8+$0x7A00] =	vst v20  }
0x22b: {  	v6 =	vld [tilespmem:s8+$0x9400];
	v18 =	vadd.f32 v52, v49;
	[tilespmem:s8+$0x6280] =	vst v50  }
0x22c: {  	v34 =	vld [tilespmem:s8+$0x7980];
	v10 =	vadd.f32 v57, v55;
	[tilespmem:s8+$0x6300] =	vst v56  }
0x22d: {  	v35 =	vld [tilespmem:s8+$0x9180];
	v8 =	vadd.f32 v59, v55;
	[tilespmem:s8+$0x7B00] =	vst v18  }
0x22e: {  	v36 =	vld [tilespmem:s8+$0xA980];
	v7 =	vadd.f32 v62, v61;
	[tilespmem:s8+$0x6380] =	vst v10  }
0x22f: {  	v41 =	vld [tilespmem:s8+$0x9200];
	v3 =	vadd.f32 v11, v61;
	[tilespmem:s8+$0x9380] =	vst v8  }
0x230: {  	v46 =	vld [tilespmem:s8+$0x7A80];
	v6 =	vadd.f32 v6, v61;
	[tilespmem:s8+$0x6400] =	vst v7  }
0x231: {  	v58 =	vld [tilespmem:s8+$0x7B80];
	v13 =	vadd.f32 v34, v19;
	[tilespmem:s8+$0x7C00] =	vst v3  }
0x232: {  	v4 =	vld [tilespmem:s8+$0xAC00];
	v15 =	vadd.f32 v35, v19;
	[tilespmem:s8+$0x9400] =	vst v6  }
0x233: {  	v42 =	vld [tilespmem:s8+$0xAA00];
	v16 =	vadd.f32 v36, v19;
	[tilespmem:s8+$0x7980] =	vst v13  }
0x234: {  	v47 =	vld [tilespmem:s8+$0x9280];
	v14 =	vadd.f32 v41, v37;
	[tilespmem:s8+$0x9180] =	vst v15  }
0x235: {  	v48 =	vld [tilespmem:s8+$0xAA80];
	v19 =	vadd.f32 v46, v43;
	[tilespmem:s8+$0xA980] =	vst v16  }
0x236: {  	v54 =	vld [tilespmem:s8+$0xAB00];
	v10 =	vadd.f32 v58, v55;
	[tilespmem:s8+$0x9200] =	vst v14  }
0x237: {  	v60 =	vld [tilespmem:s8+$0xAB80];
	v3 =	vadd.f32 v4, v61;
	[tilespmem:s8+$0x7A80] =	vst v19  }
0x238: {  	v5 =	vld [tilespmem:s8+$0x6480];
	v13 =	vadd.f32 v42, v37;
	[tilespmem:s8+$0x7B80] =	vst v10  }
0x239: {  	v53 =	vld [tilespmem:s8+$0x9300];
	v16 =	vadd.f32 v47, v43;
	[tilespmem:s8+$0xAC00] =	vst v3  }
0x23a: {  	v9 =	vld [tilespmem:s8+$0x9480];
	v15 =	vadd.f32 v48, v43;
	[tilespmem:s8+$0xAA00] =	vst v13  }
0x23b: {  	v8 =	vld [tilespmem:s8+$0x7C80];
	v14 =	vadd.f32 v54, v49;
	[tilespmem:s8+$0x9280] =	vst v16  }
0x23c: {  	s7 =	sor.u32 $0x8, s29;
	v10 =	vadd.f32 v60, v55;
	[tilespmem:s8+$0xAA80] =	vst v15  }
0x23d: {  	s17 =	sor.u32 s13, s7;
	v4 =	vadd.f32 v5, v12;
	[tilespmem:s8+$0xAB00] =	vst v14  }
0x23e: {  	s16 =	sor.u32 s5, s7;
	s17 =	sshrl.u32 s17, $0x3;
	v13 =	vadd.f32 v53, v49;
	[tilespmem:s8+$0xAB80] =	vst v10  }
0x23f: {  	s16 =	sshrl.u32 s16, $0x3;
	s21 =	smul.u32 $0x300, s17;
	[tilespmem:s8+$0x6480] =	vst v4;
	v4 =	vadd.f32 v9, v12  }
0x240: {  	s16 =	smul.u32 $0x300, s16;
	v3 =	vadd.f32 v8, v12;
	[tilespmem:s8+$0x9300] =	vst v13  }
0x241: {  	s28 =	simm.s32 $0x6100;
	s18 =	sadd.s32 s3, s21;
	s21 =	sor.u32 s14, s7;
	[tilespmem:s8+$0x9480] =	vst v4  }
0x242: {  	s19 =	sadd.s32 s3, s16;
	s7 =	sor.u32 s15, s7;
	[tilespmem:s8+$0x7C80] =	vst v3;
	s8 =	sshrl.u32 s21, $0x3  }
0x243: {  	[hbm4b:s19+s4] =	stream.linear.scatter [tilespmem:s28], [sflag:$0xA], $0x1800, $0x38;
	[tilespmem:$0x1E100] =	vst v63  }
0x244: {  	s7 =	sshrl.u32 s7, $0x3;
	s19 =	simm.s32 $0x7900;
	s8 =	smul.u32 $0x300, s8  }
0x245: {  	[hbm4b:s18+s4] =	stream.linear.scatter [tilespmem:s19], [sflag:$0xA], $0x1800, $0x38;
	[tilespmem:$0x1E100] =	vst v63  }
0x246: {  	s7 =	smul.u32 $0x300, s7;
	s28 =	simm.s32 $0x9100;
	s8 =	sadd.s32 s3, s8  }
0x247: {  	[hbm4b:s8+s4] =	stream.linear.scatter [tilespmem:s28], [sflag:$0xA], $0x1800, $0x38;
	[tilespmem:$0x1E100] =	vst v63  }
0x248: {  	s16 =	simm.s32 $0xA900;
	s7 =	sadd.s32 s3, s7  }
0x249: {  	[hbm4b:s7+s4] =	stream.linear.scatter [tilespmem:s16], [sflag:$0xA], $0x1800, $0x38;
	[tilespmem:$0x1E100] =	vst v63  }
0x24a: {  	s7 =	simm.s32 @p0 $0xA  }
0x24b: {  	_ =	swait.ge @p0 [sflag:s7], $0x1800  }
0x24c: {  	[sflag:s7] =	ssyncset.done @p0 $0x0  }
0x24d: {  	[sflag:s7] =	ssyncadd.s32 @p0 $0xFFFFE800  }
0x24e: {  	_ =	swait.ge @p0 [sflag:s7], $0x1800  }
0x24f: {  	[sflag:s7] =	ssyncset.done @p0 $0x0  }
0x250: {  	[sflag:s7] =	ssyncadd.s32 @p0 $0xFFFFE800  }
0x251: {  	_ =	swait.ge @p0 [sflag:s7], $0x1800  }
0x252: {  	[sflag:s7] =	ssyncset.done @p0 $0x0  }
0x253: {  	[sflag:s7] =	ssyncadd.s32 @p0 $0xFFFFE800  }
0x254: {  	_ =	swait.ge @p0 [sflag:s7], $0x1800  }
0x255: {  	s8 =	simm.s32 @p0 $0x19900;
	[sflag:s7] =	ssyncset.done @p0 $0x0  }
0x256: {  	s16 =	rddreg [dreg:$0xb];
	[sflag:s7] =	ssyncadd.s32 @p0 $0xFFFFE800;
	s7 =	simm.s32 @p0 $0x0  }
0x257: {  	[tilespmem:s8], [sflag:$0x6] =	stream.linear.gather @p0 [hbm4b:s16+s7], $0x1800, $0x38;
	[tilespmem:$0x1E100] =	vst v63  }
0x258: {  	v3 =	vld @p0 [tilespmem:$0xA0];
	_ =	sdelay $0x4  }
0x259: {  	v4 =	vshrl.u32 @p0 v3, $0x3  }
0x25a: {  	v4 =	vmul.u32 @p0 $0x30, v4  }
0x25b: {  	v5 =	vlaneseq.u32 @p0;
	v3 =	vand.u32 @p0 $0x7, v3  }
0x25c: {  	v6 =	vshrl.u32 @p0 v5, $0x3;
	v3 =	vor.u32 @p0 v3, v4;
	v4 =	vand.u32 @p0 $0x7, v5  }
0x25d: {  	v6 =	vmul.u32 @p0 $0x8, v6;
	v7 =	vperm.xlane @p0 v3, v4;
	_ =	sdelay $0x1  }
0x25e: {  	v7 =	vadd.s32 @p0 v6, v7;
	_ =	sdelay $0x2  }
0x25f: {  	v5 =	vor.u32 @p0 $0x8, v5  }
0x260: {  	s8 =	simm.s32 @p0 $0x6100;
	v3 =	vperm.xlane @p0 v3, v5  }
0x261: {  	[tilespmem:s8], [sflag:$0x2] =	stream.indirect_vreg.gather @p0 [hbm4b:s1+s7], $0x80, v7, vm1, $0xb8;
	[tilespmem:$0x1E100] =	vst v63  }
0x262: {  	v3 =	vadd.s32 @p0 v6, v3;
	s8 =	simm.s32 @p0 $0x6900  }
0x263: {  	[tilespmem:s8], [sflag:$0x2] =	stream.indirect_vreg.gather @p0 [hbm4b:s11+s7], $0x80, v7, vm1, $0xb8;
	[tilespmem:$0x1E100] =	vst v63  }
0x264: {  	s8 =	simm.s32 @p0 $0x7100  }
0x265: {  	[tilespmem:s8], [sflag:$0x2] =	stream.indirect_vreg.gather @p0 [hbm4b:s12+s7], $0x80, v7, vm1, $0xb8;
	[tilespmem:$0x1E100] =	vst v63  }
0x266: {  	s8 =	simm.s32 @p0 $0x7900  }
0x267: {  	[tilespmem:s8], [sflag:$0x2] =	stream.indirect_vreg.gather @p0 [hbm4b:s1+s7], $0x80, v3, vm1, $0xb8;
	[tilespmem:$0x1E100] =	vst v63  }
0x268: {  	s8 =	simm.s32 @p0 $0x8100  }
0x269: {  	[tilespmem:s8], [sflag:$0x2] =	stream.indirect_vreg.gather @p0 [hbm4b:s11+s7], $0x80, v3, vm1, $0xb8;
	[tilespmem:$0x1E100] =	vst v63  }
0x26a: {  	s8 =	simm.s32 @p0 $0x8900  }
0x26b: {  	[tilespmem:s8], [sflag:$0x2] =	stream.indirect_vreg.gather @p0 [hbm4b:s12+s7], $0x80, v3, vm1, $0xb8;
	[tilespmem:$0x1E100] =	vst v63  }
0x26c: {  	v3 =	vld @p0 [tilespmem:$0xB0];
	_ =	sdelay $0x4  }
0x26d: {  	v7 =	vshrl.u32 @p0 v3, $0x3  }
0x26e: {  	v7 =	vmul.u32 @p0 $0x30, v7  }
0x26f: {  	v3 =	vand.u32 @p0 $0x7, v3  }
0x270: {  	v3 =	vor.u32 @p0 v3, v7  }
0x271: {  	v4 =	vperm.xlane @p0 v3, v4;
	_ =	sdelay $0x1  }
0x272: {  	v4 =	vadd.s32 @p0 v6, v4;
	_ =	sdelay $0x3  }
0x273: {  	s8 =	simm.s32 @p0 $0x9100;
	v3 =	vperm.xlane @p0 v3, v5  }
0x274: {  	[tilespmem:s8], [sflag:$0x2] =	stream.indirect_vreg.gather @p0 [hbm4b:s1+s7], $0x80, v4, vm1, $0xb8;
	[tilespmem:$0x1E100] =	vst v63  }
0x275: {  	v3 =	vadd.s32 @p0 v6, v3;
	s8 =	simm.s32 @p0 $0x9900  }
0x276: {  	[tilespmem:s8], [sflag:$0x2] =	stream.indirect_vreg.gather @p0 [hbm4b:s11+s7], $0x80, v4, vm1, $0xb8;
	[tilespmem:$0x1E100] =	vst v63  }
0x277: {  	s8 =	simm.s32 @p0 $0xA100  }
0x278: {  	[tilespmem:s8], [sflag:$0x2] =	stream.indirect_vreg.gather @p0 [hbm4b:s12+s7], $0x80, v4, vm1, $0xb8;
	[tilespmem:$0x1E100] =	vst v63  }
0x279: {  	s8 =	simm.s32 @p0 $0xA900  }
0x27a: {  	[tilespmem:s8], [sflag:$0x2] =	stream.indirect_vreg.gather @p0 [hbm4b:s1+s7], $0x80, v3, vm1, $0xb8;
	[tilespmem:$0x1E100] =	vst v63  }
0x27b: {  	s8 =	simm.s32 @p0 $0xB100  }
0x27c: {  	[tilespmem:s8], [sflag:$0x2] =	stream.indirect_vreg.gather @p0 [hbm4b:s11+s7], $0x80, v3, vm1, $0xb8;
	[tilespmem:$0x1E100] =	vst v63  }
0x27d: {  	s8 =	simm.s32 @p0 $0xB900  }
0x27e: {  	[tilespmem:s8], [sflag:$0x2] =	stream.indirect_vreg.gather @p0 [hbm4b:s12+s7], $0x80, v3, vm1, $0xb8;
	[tilespmem:$0x1E100] =	vst v63  }
0x27f: {  	_ =	swait.ge [sflag:s0], $0x1800  }
0x280: {  	[sflag:s0] =	ssyncset.done $0x0  }
0x281: {  	[sflag:s0] =	ssyncadd.s32 $0xFFFFE800  }
0x282: {  	s17 =	simm.s32 $0x0;
	_ =	swait.ge [sflag:s23], $0x6000  }
0x283: {  	s18 =	sand.u32 $0x70, s17;
	s7 =	sand.u32 $0x1C00, s17;
	[sflag:s23] =	ssyncset.done $0x0  }
0x284: {  	s21 =	sor.u32 s18, s7;
	[sflag:s23] =	ssyncadd.s32 $0xFFFFA000  }
0x285: {  	v3 =	vld [tilespmem:s21+$0x1B480]  }
0x286: {  	v4 =	vld [tilespmem:s21+$0x10C80]  }
0x287: {  	v5 =	vld [tilespmem:s21+$0x1B100]  }
0x288: {  	v6 =	vld [tilespmem:s21+$0xC100]  }
0x289: {  	v7 =	vld [tilespmem:s21+$0xD900]  }
0x28a: {  	v8 =	vld [tilespmem:s21+$0xF100]  }
0x28b: {  	v9 =	vld [tilespmem:s21+$0x10900]  }
0x28c: {  	v10 =	vld [tilespmem:s21+$0x1B180];
	v4 =	vadd.f32 v4, v3  }
0x28d: {  	v11 =	vld [tilespmem:s21+$0xC180];
	v6 =	vadd.f32 v6, v5  }
0x28e: {  	v7 =	vadd.f32 v7, v5;
	[tilespmem:s21+$0x10C80] =	vst v4;
	v4 =	vld [tilespmem:s21+$0xD980]  }
0x28f: {  	v8 =	vadd.f32 v8, v5;
	[tilespmem:s21+$0xC100] =	vst v6;
	v6 =	vld [tilespmem:s21+$0xF180]  }
0x290: {  	v5 =	vadd.f32 v9, v5;
	[tilespmem:s21+$0xD900] =	vst v7;
	v7 =	vld [tilespmem:s21+$0x10980]  }
0x291: {  	v9 =	vld [tilespmem:s21+$0xC200];
	[tilespmem:s21+$0xF100] =	vst v8  }
0x292: {  	v8 =	vld [tilespmem:s21+$0x1B200];
	[tilespmem:s21+$0x10900] =	vst v5;
	v5 =	vadd.f32 v11, v10  }
0x293: {  	v11 =	vld [tilespmem:s21+$0xDA00];
	v4 =	vadd.f32 v4, v10  }
0x294: {  	[tilespmem:s21+$0xC180] =	vst v5;
	v5 =	vld [tilespmem:s21+$0xF200];
	v6 =	vadd.f32 v6, v10  }
0x295: {  	v7 =	vadd.f32 v7, v10;
	[tilespmem:s21+$0xD980] =	vst v4;
	v4 =	vld [tilespmem:s21+$0x10A00]  }
0x296: {  	[tilespmem:s21+$0xF180] =	vst v6;
	v6 =	vld [tilespmem:s21+$0x1B280]  }
0x297: {  	[tilespmem:s21+$0x10980] =	vst v7;
	v7 =	vadd.f32 v9, v8;
	v9 =	vld [tilespmem:s21+$0xC280]  }
0x298: {  	v10 =	vld [tilespmem:s21+$0xDA80];
	v11 =	vadd.f32 v11, v8  }
0x299: {  	v5 =	vadd.f32 v5, v8;
	[tilespmem:s21+$0xC200] =	vst v7;
	v7 =	vld [tilespmem:s21+$0xF280]  }
0x29a: {  	[tilespmem:s21+$0xDA00] =	vst v11;
	v11 =	vld [tilespmem:s21+$0x10A80];
	v4 =	vadd.f32 v4, v8  }
0x29b: {  	[tilespmem:s21+$0xF200] =	vst v5;
	v5 =	vld [tilespmem:s21+$0x1B300]  }
0x29c: {  	v8 =	vld [tilespmem:s21+$0xC300];
	[tilespmem:s21+$0x10A00] =	vst v4;
	v4 =	vadd.f32 v9, v6  }
0x29d: {  	v10 =	vadd.f32 v10, v6;
	v9 =	vld [tilespmem:s21+$0xDB00]  }
0x29e: {  	v7 =	vadd.f32 v7, v6;
	[tilespmem:s21+$0xC280] =	vst v4;
	v4 =	vld [tilespmem:s21+$0xF300]  }
0x29f: {  	[tilespmem:s21+$0xDA80] =	vst v10;
	v10 =	vld [tilespmem:s21+$0x10B00];
	v6 =	vadd.f32 v11, v6  }
0x2a0: {  	[tilespmem:s21+$0xF280] =	vst v7;
	v7 =	vld [tilespmem:s21+$0x1B380]  }
0x2a1: {  	[tilespmem:s21+$0x10A80] =	vst v6;
	v6 =	vadd.f32 v8, v5;
	v8 =	vld [tilespmem:s21+$0xC380]  }
0x2a2: {  	v11 =	vld [tilespmem:s21+$0xDB80];
	v9 =	vadd.f32 v9, v5  }
0x2a3: {  	[tilespmem:s21+$0xC300] =	vst v6;
	v6 =	vld [tilespmem:s21+$0xF380];
	v4 =	vadd.f32 v4, v5  }
0x2a4: {  	[tilespmem:s21+$0xDB00] =	vst v9;
	v9 =	vld [tilespmem:s21+$0x10B80];
	v5 =	vadd.f32 v10, v5  }
0x2a5: {  	v10 =	vld [tilespmem:s21+$0xC400];
	[tilespmem:s21+$0xF300] =	vst v4  }
0x2a6: {  	v4 =	vld [tilespmem:s21+$0x1B400];
	[tilespmem:s21+$0x10B00] =	vst v5;
	v5 =	vadd.f32 v8, v7  }
0x2a7: {  	v63 =	vld [tilespmem:s21+$0xDC00]  }
0x2a8: {  	v8 =	vld [tilespmem:s21+$0xF400];
	[tilespmem:s21+$0xC380] =	vst v5;
	v5 =	vadd.f32 v6, v7  }
0x2a9: {  	v11 =	vadd.f32 v11, v7;
	v6 =	vld [tilespmem:s21+$0x10C00];
	v7 =	vadd.f32 v9, v7  }
0x2aa: {  	s19 =	simm.s32 $0x10;
	s7 =	simm.s32 $0x80;
	[tilespmem:s21+$0xF380] =	vst v5;
	v5 =	vld [tilespmem:s21+$0xC480]  }
0x2ab: {  	s8 =	sand.u32 $0x70, s19;
	s28 =	sand.u32 $0x1C00, s7;
	[tilespmem:s21+$0x10B80] =	vst v7;
	v7 =	vld [tilespmem:s21+$0xDC80];
	v10 =	vadd.f32 v10, v4  }
0x2ac: {  	s16 =	simm.s32 $0x20;
	s8 =	sor.u32 s8, s28;
	[tilespmem:s21+$0xDB80] =	vst v11;
	v9 =	vld [tilespmem:s21+$0xF480];
	v11 =	vadd.f32 v63, v4  }
.LBB2_7:
0x2ad: {  	p1 =	sne.s32 s16, $0x2F0;
	v12 =	vld [tilespmem:s8+$0x1B480];
	[tilespmem:s21+$0xC400] =	vst v10;
	v8 =	vadd.f32 v8, v4  }
0x2ae: {  	v10 =	vld [tilespmem:s8+$0x10C80];
	[tilespmem:s21+$0xDC00] =	vst v11;
	v4 =	vadd.f32 v6, v4  }
0x2af: {  	v6 =	vld [tilespmem:s8+$0x1B100];
	[tilespmem:s21+$0xF400] =	vst v8;
	v5 =	vadd.f32 v5, v3  }
0x2b0: {  	v8 =	vld [tilespmem:s8+$0xC100];
	[tilespmem:s21+$0x10C00] =	vst v4;
	v4 =	vadd.f32 v7, v3  }
0x2b1: {  	v7 =	vld [tilespmem:s8+$0xD900];
	[tilespmem:s21+$0xC480] =	vst v5;
	v5 =	vadd.f32 v9, v3  }
0x2b2: {  	v9 =	vld [tilespmem:s8+$0xF100];
	[tilespmem:s21+$0xDC80] =	vst v4;
	v3 =	vmov v12  }
0x2b3: {  	v4 =	vld [tilespmem:s8+$0x10900];
	v10 =	vadd.f32 v10, v3;
	[tilespmem:s21+$0xF480] =	vst v5;
	s21 =	smov.u32 s8  }
0x2b4: {  	v5 =	vld [tilespmem:s21+$0x1B180]  }
0x2b5: {  	v8 =	vadd.f32 v8, v6;
	v11 =	vld [tilespmem:s21+$0xC180];
	[tilespmem:s21+$0x10C80] =	vst v10  }
0x2b6: {  	v7 =	vadd.f32 v7, v6;
	v10 =	vld [tilespmem:s21+$0xD980]  }
0x2b7: {  	[tilespmem:s21+$0xC100] =	vst v8;
	v8 =	vadd.f32 v9, v6;
	v9 =	vld [tilespmem:s21+$0xF180]  }
0x2b8: {  	[tilespmem:s21+$0xD900] =	vst v7;
	v4 =	vadd.f32 v4, v6;
	v6 =	vld [tilespmem:s21+$0x10980]  }
0x2b9: {  	[tilespmem:s21+$0xF100] =	vst v8;
	v7 =	vld [tilespmem:s21+$0x1B200]  }
0x2ba: {  	[tilespmem:s21+$0x10900] =	vst v4;
	v4 =	vadd.f32 v11, v5;
	v8 =	vld [tilespmem:s21+$0xC200]  }
0x2bb: {  	v10 =	vadd.f32 v10, v5;
	v11 =	vld [tilespmem:s21+$0xDA00]  }
0x2bc: {  	[tilespmem:s21+$0xC180] =	vst v4;
	v4 =	vadd.f32 v9, v5;
	v9 =	vld [tilespmem:s21+$0xF200]  }
0x2bd: {  	[tilespmem:s21+$0xD980] =	vst v10;
	v5 =	vadd.f32 v6, v5;
	v6 =	vld [tilespmem:s21+$0x10A00]  }
0x2be: {  	[tilespmem:s21+$0xF180] =	vst v4;
	v4 =	vld [tilespmem:s21+$0x1B280]  }
0x2bf: {  	[tilespmem:s21+$0x10980] =	vst v5;
	v5 =	vadd.f32 v8, v7;
	v8 =	vld [tilespmem:s21+$0xC280]  }
0x2c0: {  	v10 =	vadd.f32 v11, v7;
	v11 =	vld [tilespmem:s21+$0xDA80]  }
0x2c1: {  	[tilespmem:s21+$0xC200] =	vst v5;
	v5 =	vadd.f32 v9, v7;
	v9 =	vld [tilespmem:s21+$0xF280]  }
0x2c2: {  	[tilespmem:s21+$0xDA00] =	vst v10;
	v6 =	vadd.f32 v6, v7;
	v7 =	vld [tilespmem:s21+$0x10A80]  }
0x2c3: {  	[tilespmem:s21+$0xF200] =	vst v5;
	v5 =	vld [tilespmem:s21+$0x1B300]  }
0x2c4: {  	[tilespmem:s21+$0x10A00] =	vst v6;
	v6 =	vadd.f32 v8, v4;
	v8 =	vld [tilespmem:s21+$0xC300]  }
0x2c5: {  	v10 =	vadd.f32 v11, v4;
	v11 =	vld [tilespmem:s21+$0xDB00]  }
0x2c6: {  	[tilespmem:s21+$0xC280] =	vst v6;
	v6 =	vadd.f32 v9, v4;
	v9 =	vld [tilespmem:s21+$0xF300]  }
0x2c7: {  	[tilespmem:s21+$0xDA80] =	vst v10;
	v4 =	vadd.f32 v7, v4;
	v7 =	vld [tilespmem:s21+$0x10B00]  }
0x2c8: {  	[tilespmem:s21+$0xF280] =	vst v6;
	v6 =	vld [tilespmem:s21+$0x1B380]  }
0x2c9: {  	[tilespmem:s21+$0x10A80] =	vst v4;
	v4 =	vadd.f32 v8, v5;
	v8 =	vld [tilespmem:s21+$0xC380]  }
0x2ca: {  	v10 =	vadd.f32 v11, v5;
	v11 =	vld [tilespmem:s21+$0xDB80]  }
0x2cb: {  	[tilespmem:s21+$0xC300] =	vst v4;
	v4 =	vadd.f32 v9, v5;
	v9 =	vld [tilespmem:s21+$0xF380]  }
0x2cc: {  	[tilespmem:s21+$0xDB00] =	vst v10;
	v5 =	vadd.f32 v7, v5;
	v7 =	vld [tilespmem:s21+$0x10B80]  }
0x2cd: {  	[tilespmem:s21+$0xF300] =	vst v4;
	v4 =	vld [tilespmem:s21+$0x1B400]  }
0x2ce: {  	[tilespmem:s21+$0x10B00] =	vst v5;
	v5 =	vadd.f32 v8, v6;
	v10 =	vld [tilespmem:s21+$0xC400]  }
0x2cf: {  	v11 =	vadd.f32 v11, v6;
	v12 =	vld [tilespmem:s21+$0xDC00]  }
.Ltmp4:
0x2d0: {  	[tilespmem:s21+$0xC380] =	vst v5;
	v5 =	vadd.f32 v9, v6;
	v8 =	vld [tilespmem:s21+$0xF400];
	(pc) =	sbr.rel @p1 .LBB2_7-.Ltmp4, $4  }
0x2d1: {  	[tilespmem:s21+$0xDB80] =	vst v11;
	v7 =	vadd.f32 v7, v6;
	v6 =	vld [tilespmem:s21+$0x10C00]  }
0x2d2: {  	s7 =	sadd.s32 $0x80, s7;
	[tilespmem:s21+$0xF380] =	vst v5;
	v5 =	vld [tilespmem:s21+$0xC480]  }
0x2d3: {  	s17 =	sand.u32 $0x1C00, s7;
	s8 =	sand.u32 $0x70, s16;
	[tilespmem:s21+$0x10B80] =	vst v7;
	v10 =	vadd.f32 v10, v4;
	v7 =	vld [tilespmem:s21+$0xDC80]  }
0x2d4: {  	s16 =	sadd.s32 $0x10, s16;
	s8 =	sor.u32 s8, s17;
	v11 =	vadd.f32 v12, v4;
	v9 =	vld [tilespmem:s21+$0xF480]  }
0x2d5: {  	v12 =	vld [tilespmem:s8+$0x1B480]  }
0x2d6: {  	v13 =	vld [tilespmem:s8+$0x10C80]  }
0x2d7: {  	v14 =	vld [tilespmem:s8+$0x1B100]  }
0x2d8: {  	v15 =	vld [tilespmem:s8+$0xC100]  }
0x2d9: {  	v16 =	vld [tilespmem:s8+$0xD900]  }
0x2da: {  	v17 =	vld [tilespmem:s8+$0xF100]  }
0x2db: {  	v18 =	vld [tilespmem:s8+$0x10900]  }
0x2dc: {  	v19 =	vld [tilespmem:s8+$0x1B180]  }
0x2dd: {  	v20 =	vld [tilespmem:s8+$0xC180];
	[tilespmem:s21+$0xC400] =	vst v10;
	v8 =	vadd.f32 v8, v4  }
0x2de: {  	v37 =	vld [tilespmem:s8+$0x1B200];
	[tilespmem:s21+$0xDC00] =	vst v11;
	v4 =	vadd.f32 v6, v4  }
0x2df: {  	v39 =	vld [tilespmem:s8+$0xC200];
	[tilespmem:s21+$0xF400] =	vst v8;
	v5 =	vadd.f32 v5, v3  }
0x2e0: {  	v40 =	vld [tilespmem:s8+$0xDA00];
	[tilespmem:s21+$0x10C00] =	vst v4;
	v7 =	vadd.f32 v7, v3  }
0x2e1: {  	v43 =	vld [tilespmem:s8+$0x1B280];
	[tilespmem:s21+$0xC480] =	vst v5;
	v3 =	vadd.f32 v9, v3  }
0x2e2: {  	v45 =	vld [tilespmem:s8+$0xC280];
	v13 =	vadd.f32 v13, v12;
	[tilespmem:s21+$0xDC80] =	vst v7  }
0x2e3: {  	v49 =	vld [tilespmem:s8+$0x1B300];
	v15 =	vadd.f32 v15, v14;
	[tilespmem:s21+$0xF480] =	vst v3  }
0x2e4: {  	v51 =	vld [tilespmem:s8+$0xC300];
	v16 =	vadd.f32 v16, v14;
	[tilespmem:s8+$0x10C80] =	vst v13  }
0x2e5: {  	v52 =	vld [tilespmem:s8+$0xDB00];
	v17 =	vadd.f32 v17, v14;
	[tilespmem:s8+$0xC100] =	vst v15  }
0x2e6: {  	v55 =	vld [tilespmem:s8+$0x1B380];
	v14 =	vadd.f32 v18, v14;
	[tilespmem:s8+$0xD900] =	vst v16  }
0x2e7: {  	v57 =	vld [tilespmem:s8+$0xC380];
	v38 =	vadd.f32 v20, v19;
	[tilespmem:s8+$0xF100] =	vst v17  }
0x2e8: {  	v59 =	vld [tilespmem:s8+$0xF380];
	v44 =	vadd.f32 v39, v37;
	[tilespmem:s8+$0x10900] =	vst v14  }
0x2e9: {  	v61 =	vld [tilespmem:s8+$0x1B400];
	v20 =	vadd.f32 v40, v37;
	[tilespmem:s8+$0xC180] =	vst v38  }
0x2ea: {  	v62 =	vld [tilespmem:s8+$0xC400];
	v50 =	vadd.f32 v45, v43;
	[tilespmem:s8+$0xC200] =	vst v44  }
0x2eb: {  	v11 =	vld [tilespmem:s8+$0xDC00];
	v56 =	vadd.f32 v51, v49;
	[tilespmem:s8+$0xDA00] =	vst v20  }
0x2ec: {  	v6 =	vld [tilespmem:s8+$0xF400];
	v18 =	vadd.f32 v52, v49;
	[tilespmem:s8+$0xC280] =	vst v50  }
0x2ed: {  	v34 =	vld [tilespmem:s8+$0xD980];
	v10 =	vadd.f32 v57, v55;
	[tilespmem:s8+$0xC300] =	vst v56  }
0x2ee: {  	v35 =	vld [tilespmem:s8+$0xF180];
	v8 =	vadd.f32 v59, v55;
	[tilespmem:s8+$0xDB00] =	vst v18  }
0x2ef: {  	v36 =	vld [tilespmem:s8+$0x10980];
	v7 =	vadd.f32 v62, v61;
	[tilespmem:s8+$0xC380] =	vst v10  }
0x2f0: {  	v41 =	vld [tilespmem:s8+$0xF200];
	v3 =	vadd.f32 v11, v61;
	[tilespmem:s8+$0xF380] =	vst v8  }
0x2f1: {  	v46 =	vld [tilespmem:s8+$0xDA80];
	v6 =	vadd.f32 v6, v61;
	[tilespmem:s8+$0xC400] =	vst v7  }
0x2f2: {  	v58 =	vld [tilespmem:s8+$0xDB80];
	v13 =	vadd.f32 v34, v19;
	[tilespmem:s8+$0xDC00] =	vst v3  }
0x2f3: {  	v4 =	vld [tilespmem:s8+$0x10C00];
	v15 =	vadd.f32 v35, v19;
	[tilespmem:s8+$0xF400] =	vst v6  }
0x2f4: {  	v42 =	vld [tilespmem:s8+$0x10A00];
	v16 =	vadd.f32 v36, v19;
	[tilespmem:s8+$0xD980] =	vst v13  }
0x2f5: {  	v47 =	vld [tilespmem:s8+$0xF280];
	v14 =	vadd.f32 v41, v37;
	[tilespmem:s8+$0xF180] =	vst v15  }
0x2f6: {  	v48 =	vld [tilespmem:s8+$0x10A80];
	v19 =	vadd.f32 v46, v43;
	[tilespmem:s8+$0x10980] =	vst v16  }
0x2f7: {  	v54 =	vld [tilespmem:s8+$0x10B00];
	v10 =	vadd.f32 v58, v55;
	[tilespmem:s8+$0xF200] =	vst v14  }
0x2f8: {  	v60 =	vld [tilespmem:s8+$0x10B80];
	v3 =	vadd.f32 v4, v61;
	[tilespmem:s8+$0xDA80] =	vst v19  }
0x2f9: {  	v5 =	vld [tilespmem:s8+$0xC480];
	v13 =	vadd.f32 v42, v37;
	[tilespmem:s8+$0xDB80] =	vst v10  }
0x2fa: {  	v53 =	vld [tilespmem:s8+$0xF300];
	v16 =	vadd.f32 v47, v43;
	[tilespmem:s8+$0x10C00] =	vst v3  }
0x2fb: {  	v9 =	vld [tilespmem:s8+$0xF480];
	v15 =	vadd.f32 v48, v43;
	[tilespmem:s8+$0x10A00] =	vst v13  }
0x2fc: {  	v8 =	vld [tilespmem:s8+$0xDC80];
	v14 =	vadd.f32 v54, v49;
	[tilespmem:s8+$0xF280] =	vst v16  }
0x2fd: {  	s7 =	sor.u32 $0x10, s29;
	v10 =	vadd.f32 v60, v55;
	[tilespmem:s8+$0x10A80] =	vst v15  }
0x2fe: {  	s17 =	sor.u32 s13, s7;
	v4 =	vadd.f32 v5, v12;
	[tilespmem:s8+$0x10B00] =	vst v14  }
0x2ff: {  	s16 =	sor.u32 s5, s7;
	s17 =	sshrl.u32 s17, $0x3;
	v13 =	vadd.f32 v53, v49;
	[tilespmem:s8+$0x10B80] =	vst v10  }
0x300: {  	s16 =	sshrl.u32 s16, $0x3;
	s21 =	smul.u32 $0x300, s17;
	[tilespmem:s8+$0xC480] =	vst v4;
	v4 =	vadd.f32 v9, v12  }
0x301: {  	s16 =	smul.u32 $0x300, s16;
	v3 =	vadd.f32 v8, v12;
	[tilespmem:s8+$0xF300] =	vst v13  }
0x302: {  	s28 =	simm.s32 $0xC100;
	s18 =	sadd.s32 s3, s21;
	s21 =	sor.u32 s14, s7;
	[tilespmem:s8+$0xF480] =	vst v4  }
0x303: {  	s19 =	sadd.s32 s3, s16;
	s7 =	sor.u32 s15, s7;
	[tilespmem:s8+$0xDC80] =	vst v3;
	s8 =	sshrl.u32 s21, $0x3  }
0x304: {  	[hbm4b:s19+s4] =	stream.linear.scatter [tilespmem:s28], [sflag:$0xB], $0x1800, $0x38;
	[tilespmem:$0x1E100] =	vst v63  }
0x305: {  	s7 =	sshrl.u32 s7, $0x3;
	s19 =	simm.s32 $0xD900;
	s8 =	smul.u32 $0x300, s8  }
0x306: {  	[hbm4b:s18+s4] =	stream.linear.scatter [tilespmem:s19], [sflag:$0xB], $0x1800, $0x38;
	[tilespmem:$0x1E100] =	vst v63  }
0x307: {  	s7 =	smul.u32 $0x300, s7;
	s28 =	simm.s32 $0xF100;
	s8 =	sadd.s32 s3, s8  }
0x308: {  	[hbm4b:s8+s4] =	stream.linear.scatter [tilespmem:s28], [sflag:$0xB], $0x1800, $0x38;
	[tilespmem:$0x1E100] =	vst v63  }
0x309: {  	s16 =	simm.s32 $0x10900;
	s7 =	sadd.s32 s3, s7  }
0x30a: {  	[hbm4b:s7+s4] =	stream.linear.scatter [tilespmem:s16], [sflag:$0xB], $0x1800, $0x38;
	[tilespmem:$0x1E100] =	vst v63  }
0x30b: {  	s7 =	simm.s32 @p0 $0xB  }
0x30c: {  	_ =	swait.ge @p0 [sflag:s7], $0x1800  }
0x30d: {  	[sflag:s7] =	ssyncset.done @p0 $0x0  }
0x30e: {  	[sflag:s7] =	ssyncadd.s32 @p0 $0xFFFFE800  }
0x30f: {  	_ =	swait.ge @p0 [sflag:s7], $0x1800  }
0x310: {  	[sflag:s7] =	ssyncset.done @p0 $0x0  }
0x311: {  	[sflag:s7] =	ssyncadd.s32 @p0 $0xFFFFE800  }
0x312: {  	_ =	swait.ge @p0 [sflag:s7], $0x1800  }
0x313: {  	[sflag:s7] =	ssyncset.done @p0 $0x0  }
0x314: {  	[sflag:s7] =	ssyncadd.s32 @p0 $0xFFFFE800  }
0x315: {  	_ =	swait.ge @p0 [sflag:s7], $0x1800  }
0x316: {  	s8 =	simm.s32 @p0 $0x1B100;
	[sflag:s7] =	ssyncset.done @p0 $0x0  }
0x317: {  	s16 =	rddreg [dreg:$0xc];
	[sflag:s7] =	ssyncadd.s32 @p0 $0xFFFFE800;
	s7 =	simm.s32 @p0 $0x0  }
0x318: {  	[tilespmem:s8], [sflag:$0x7] =	stream.linear.gather @p0 [hbm4b:s16+s7], $0x1800, $0x38;
	[tilespmem:$0x1E100] =	vst v63  }
0x319: {  	v3 =	vld @p0 [tilespmem:$0xC0];
	_ =	sdelay $0x4  }
0x31a: {  	v4 =	vshrl.u32 @p0 v3, $0x3  }
0x31b: {  	v4 =	vmul.u32 @p0 $0x30, v4  }
0x31c: {  	v5 =	vlaneseq.u32 @p0;
	v3 =	vand.u32 @p0 $0x7, v3  }
0x31d: {  	v6 =	vshrl.u32 @p0 v5, $0x3;
	v3 =	vor.u32 @p0 v3, v4;
	v4 =	vand.u32 @p0 $0x7, v5  }
0x31e: {  	v6 =	vmul.u32 @p0 $0x8, v6;
	v7 =	vperm.xlane @p0 v3, v4;
	_ =	sdelay $0x1  }
0x31f: {  	v7 =	vadd.s32 @p0 v6, v7;
	_ =	sdelay $0x2  }
0x320: {  	v5 =	vor.u32 @p0 $0x8, v5  }
0x321: {  	s8 =	simm.s32 @p0 $0xC100;
	v3 =	vperm.xlane @p0 v3, v5  }
0x322: {  	[tilespmem:s8], [sflag:$0x3] =	stream.indirect_vreg.gather @p0 [hbm4b:s1+s7], $0x80, v7, vm1, $0xb8;
	[tilespmem:$0x1E100] =	vst v63  }
0x323: {  	v3 =	vadd.s32 @p0 v6, v3;
	s8 =	simm.s32 @p0 $0xC900  }
0x324: {  	[tilespmem:s8], [sflag:$0x3] =	stream.indirect_vreg.gather @p0 [hbm4b:s11+s7], $0x80, v7, vm1, $0xb8;
	[tilespmem:$0x1E100] =	vst v63  }
0x325: {  	s8 =	simm.s32 @p0 $0xD100  }
0x326: {  	[tilespmem:s8], [sflag:$0x3] =	stream.indirect_vreg.gather @p0 [hbm4b:s12+s7], $0x80, v7, vm1, $0xb8;
	[tilespmem:$0x1E100] =	vst v63  }
0x327: {  	s8 =	simm.s32 @p0 $0xD900  }
0x328: {  	[tilespmem:s8], [sflag:$0x3] =	stream.indirect_vreg.gather @p0 [hbm4b:s1+s7], $0x80, v3, vm1, $0xb8;
	[tilespmem:$0x1E100] =	vst v63  }
0x329: {  	s8 =	simm.s32 @p0 $0xE100  }
0x32a: {  	[tilespmem:s8], [sflag:$0x3] =	stream.indirect_vreg.gather @p0 [hbm4b:s11+s7], $0x80, v3, vm1, $0xb8;
	[tilespmem:$0x1E100] =	vst v63  }
0x32b: {  	s8 =	simm.s32 @p0 $0xE900  }
0x32c: {  	[tilespmem:s8], [sflag:$0x3] =	stream.indirect_vreg.gather @p0 [hbm4b:s12+s7], $0x80, v3, vm1, $0xb8;
	[tilespmem:$0x1E100] =	vst v63  }
0x32d: {  	v3 =	vld @p0 [tilespmem:$0xD0];
	_ =	sdelay $0x4  }
0x32e: {  	v7 =	vshrl.u32 @p0 v3, $0x3  }
0x32f: {  	v7 =	vmul.u32 @p0 $0x30, v7  }
0x330: {  	v3 =	vand.u32 @p0 $0x7, v3  }
0x331: {  	v3 =	vor.u32 @p0 v3, v7  }
0x332: {  	v4 =	vperm.xlane @p0 v3, v4;
	_ =	sdelay $0x1  }
0x333: {  	v4 =	vadd.s32 @p0 v6, v4;
	_ =	sdelay $0x3  }
0x334: {  	s8 =	simm.s32 @p0 $0xF100;
	v3 =	vperm.xlane @p0 v3, v5  }
0x335: {  	[tilespmem:s8], [sflag:$0x3] =	stream.indirect_vreg.gather @p0 [hbm4b:s1+s7], $0x80, v4, vm1, $0xb8;
	[tilespmem:$0x1E100] =	vst v63  }
0x336: {  	v3 =	vadd.s32 @p0 v6, v3;
	s8 =	simm.s32 @p0 $0xF900  }
0x337: {  	[tilespmem:s8], [sflag:$0x3] =	stream.indirect_vreg.gather @p0 [hbm4b:s11+s7], $0x80, v4, vm1, $0xb8;
	[tilespmem:$0x1E100] =	vst v63  }
0x338: {  	s8 =	simm.s32 @p0 $0x10100  }
0x339: {  	[tilespmem:s8], [sflag:$0x3] =	stream.indirect_vreg.gather @p0 [hbm4b:s12+s7], $0x80, v4, vm1, $0xb8;
	[tilespmem:$0x1E100] =	vst v63  }
0x33a: {  	s8 =	simm.s32 @p0 $0x10900  }
0x33b: {  	[tilespmem:s8], [sflag:$0x3] =	stream.indirect_vreg.gather @p0 [hbm4b:s1+s7], $0x80, v3, vm1, $0xb8;
	[tilespmem:$0x1E100] =	vst v63  }
0x33c: {  	s8 =	simm.s32 @p0 $0x11100  }
0x33d: {  	[tilespmem:s8], [sflag:$0x3] =	stream.indirect_vreg.gather @p0 [hbm4b:s11+s7], $0x80, v3, vm1, $0xb8;
	[tilespmem:$0x1E100] =	vst v63  }
0x33e: {  	s8 =	simm.s32 @p0 $0x11900  }
0x33f: {  	[tilespmem:s8], [sflag:$0x3] =	stream.indirect_vreg.gather @p0 [hbm4b:s12+s7], $0x80, v3, vm1, $0xb8;
	[tilespmem:$0x1E100] =	vst v63  }
0x340: {  	_ =	swait.ge [sflag:s31], $0x1800  }
0x341: {  	[sflag:s31] =	ssyncset.done $0x0  }
0x342: {  	[sflag:s31] =	ssyncadd.s32 $0xFFFFE800  }
0x343: {  	s17 =	simm.s32 $0x0;
	_ =	swait.ge [sflag:s22], $0x6000  }
0x344: {  	s18 =	sand.u32 $0x70, s17;
	s7 =	sand.u32 $0x1C00, s17;
	[sflag:s22] =	ssyncset.done $0x0  }
0x345: {  	s21 =	sor.u32 s18, s7;
	[sflag:s22] =	ssyncadd.s32 $0xFFFFA000  }
0x346: {  	v3 =	vld [tilespmem:s21+$0x1CC80]  }
0x347: {  	v4 =	vld [tilespmem:s21+$0x16C80]  }
0x348: {  	v5 =	vld [tilespmem:s21+$0x1C900]  }
0x349: {  	v6 =	vld [tilespmem:s21+$0x12100]  }
0x34a: {  	v7 =	vld [tilespmem:s21+$0x13900]  }
0x34b: {  	v8 =	vld [tilespmem:s21+$0x15100]  }
0x34c: {  	v9 =	vld [tilespmem:s21+$0x16900]  }
0x34d: {  	v10 =	vld [tilespmem:s21+$0x1C980];
	v4 =	vadd.f32 v4, v3  }
0x34e: {  	v11 =	vld [tilespmem:s21+$0x12180];
	v6 =	vadd.f32 v6, v5  }
0x34f: {  	v7 =	vadd.f32 v7, v5;
	[tilespmem:s21+$0x16C80] =	vst v4;
	v4 =	vld [tilespmem:s21+$0x13980]  }
0x350: {  	v8 =	vadd.f32 v8, v5;
	[tilespmem:s21+$0x12100] =	vst v6;
	v6 =	vld [tilespmem:s21+$0x15180]  }
0x351: {  	v5 =	vadd.f32 v9, v5;
	[tilespmem:s21+$0x13900] =	vst v7;
	v7 =	vld [tilespmem:s21+$0x16980]  }
0x352: {  	v9 =	vld [tilespmem:s21+$0x12200];
	[tilespmem:s21+$0x15100] =	vst v8  }
0x353: {  	v8 =	vld [tilespmem:s21+$0x1CA00];
	[tilespmem:s21+$0x16900] =	vst v5;
	v5 =	vadd.f32 v11, v10  }
0x354: {  	v11 =	vld [tilespmem:s21+$0x13A00];
	v4 =	vadd.f32 v4, v10  }
0x355: {  	[tilespmem:s21+$0x12180] =	vst v5;
	v5 =	vld [tilespmem:s21+$0x15200];
	v6 =	vadd.f32 v6, v10  }
0x356: {  	v7 =	vadd.f32 v7, v10;
	[tilespmem:s21+$0x13980] =	vst v4;
	v4 =	vld [tilespmem:s21+$0x16A00]  }
0x357: {  	[tilespmem:s21+$0x15180] =	vst v6;
	v6 =	vld [tilespmem:s21+$0x1CA80]  }
0x358: {  	[tilespmem:s21+$0x16980] =	vst v7;
	v7 =	vadd.f32 v9, v8;
	v9 =	vld [tilespmem:s21+$0x12280]  }
0x359: {  	v10 =	vld [tilespmem:s21+$0x13A80];
	v11 =	vadd.f32 v11, v8  }
0x35a: {  	v5 =	vadd.f32 v5, v8;
	[tilespmem:s21+$0x12200] =	vst v7;
	v7 =	vld [tilespmem:s21+$0x15280]  }
0x35b: {  	[tilespmem:s21+$0x13A00] =	vst v11;
	v11 =	vld [tilespmem:s21+$0x16A80];
	v4 =	vadd.f32 v4, v8  }
0x35c: {  	[tilespmem:s21+$0x15200] =	vst v5;
	v5 =	vld [tilespmem:s21+$0x1CB00]  }
0x35d: {  	v8 =	vld [tilespmem:s21+$0x12300];
	[tilespmem:s21+$0x16A00] =	vst v4;
	v4 =	vadd.f32 v9, v6  }
0x35e: {  	v10 =	vadd.f32 v10, v6;
	v9 =	vld [tilespmem:s21+$0x13B00]  }
0x35f: {  	v7 =	vadd.f32 v7, v6;
	[tilespmem:s21+$0x12280] =	vst v4;
	v4 =	vld [tilespmem:s21+$0x15300]  }
0x360: {  	[tilespmem:s21+$0x13A80] =	vst v10;
	v10 =	vld [tilespmem:s21+$0x16B00];
	v6 =	vadd.f32 v11, v6  }
0x361: {  	[tilespmem:s21+$0x15280] =	vst v7;
	v7 =	vld [tilespmem:s21+$0x1CB80]  }
0x362: {  	[tilespmem:s21+$0x16A80] =	vst v6;
	v6 =	vadd.f32 v8, v5;
	v8 =	vld [tilespmem:s21+$0x12380]  }
0x363: {  	v11 =	vld [tilespmem:s21+$0x13B80];
	v9 =	vadd.f32 v9, v5  }
0x364: {  	[tilespmem:s21+$0x12300] =	vst v6;
	v6 =	vld [tilespmem:s21+$0x15380];
	v4 =	vadd.f32 v4, v5  }
0x365: {  	[tilespmem:s21+$0x13B00] =	vst v9;
	v9 =	vld [tilespmem:s21+$0x16B80];
	v5 =	vadd.f32 v10, v5  }
0x366: {  	v10 =	vld [tilespmem:s21+$0x12400];
	[tilespmem:s21+$0x15300] =	vst v4  }
0x367: {  	v4 =	vld [tilespmem:s21+$0x1CC00];
	[tilespmem:s21+$0x16B00] =	vst v5;
	v5 =	vadd.f32 v8, v7  }
0x368: {  	v63 =	vld [tilespmem:s21+$0x13C00]  }
0x369: {  	v8 =	vld [tilespmem:s21+$0x15400];
	[tilespmem:s21+$0x12380] =	vst v5;
	v5 =	vadd.f32 v6, v7  }
0x36a: {  	v11 =	vadd.f32 v11, v7;
	v6 =	vld [tilespmem:s21+$0x16C00];
	v7 =	vadd.f32 v9, v7  }
0x36b: {  	s19 =	simm.s32 $0x10;
	s7 =	simm.s32 $0x80;
	[tilespmem:s21+$0x15380] =	vst v5;
	v5 =	vld [tilespmem:s21+$0x12480]  }
0x36c: {  	s8 =	sand.u32 $0x70, s19;
	s28 =	sand.u32 $0x1C00, s7;
	[tilespmem:s21+$0x16B80] =	vst v7;
	v7 =	vld [tilespmem:s21+$0x13C80];
	v10 =	vadd.f32 v10, v4  }
0x36d: {  	s16 =	simm.s32 $0x20;
	s8 =	sor.u32 s8, s28;
	[tilespmem:s21+$0x13B80] =	vst v11;
	v9 =	vld [tilespmem:s21+$0x15480];
	v11 =	vadd.f32 v63, v4  }
.LBB2_9:
0x36e: {  	p1 =	sne.s32 s16, $0x2F0;
	v12 =	vld [tilespmem:s8+$0x1CC80];
	[tilespmem:s21+$0x12400] =	vst v10;
	v8 =	vadd.f32 v8, v4  }
0x36f: {  	v10 =	vld [tilespmem:s8+$0x16C80];
	[tilespmem:s21+$0x13C00] =	vst v11;
	v4 =	vadd.f32 v6, v4  }
0x370: {  	v6 =	vld [tilespmem:s8+$0x1C900];
	[tilespmem:s21+$0x15400] =	vst v8;
	v5 =	vadd.f32 v5, v3  }
0x371: {  	v8 =	vld [tilespmem:s8+$0x12100];
	[tilespmem:s21+$0x16C00] =	vst v4;
	v4 =	vadd.f32 v7, v3  }
0x372: {  	v7 =	vld [tilespmem:s8+$0x13900];
	[tilespmem:s21+$0x12480] =	vst v5;
	v5 =	vadd.f32 v9, v3  }
0x373: {  	v9 =	vld [tilespmem:s8+$0x15100];
	[tilespmem:s21+$0x13C80] =	vst v4;
	v3 =	vmov v12  }
0x374: {  	v4 =	vld [tilespmem:s8+$0x16900];
	v10 =	vadd.f32 v10, v3;
	[tilespmem:s21+$0x15480] =	vst v5;
	s21 =	smov.u32 s8  }
0x375: {  	v5 =	vld [tilespmem:s21+$0x1C980]  }
0x376: {  	v8 =	vadd.f32 v8, v6;
	v11 =	vld [tilespmem:s21+$0x12180];
	[tilespmem:s21+$0x16C80] =	vst v10  }
0x377: {  	v7 =	vadd.f32 v7, v6;
	v10 =	vld [tilespmem:s21+$0x13980]  }
0x378: {  	[tilespmem:s21+$0x12100] =	vst v8;
	v8 =	vadd.f32 v9, v6;
	v9 =	vld [tilespmem:s21+$0x15180]  }
0x379: {  	[tilespmem:s21+$0x13900] =	vst v7;
	v4 =	vadd.f32 v4, v6;
	v6 =	vld [tilespmem:s21+$0x16980]  }
0x37a: {  	[tilespmem:s21+$0x15100] =	vst v8;
	v7 =	vld [tilespmem:s21+$0x1CA00]  }
0x37b: {  	[tilespmem:s21+$0x16900] =	vst v4;
	v4 =	vadd.f32 v11, v5;
	v8 =	vld [tilespmem:s21+$0x12200]  }
0x37c: {  	v10 =	vadd.f32 v10, v5;
	v11 =	vld [tilespmem:s21+$0x13A00]  }
0x37d: {  	[tilespmem:s21+$0x12180] =	vst v4;
	v4 =	vadd.f32 v9, v5;
	v9 =	vld [tilespmem:s21+$0x15200]  }
0x37e: {  	[tilespmem:s21+$0x13980] =	vst v10;
	v5 =	vadd.f32 v6, v5;
	v6 =	vld [tilespmem:s21+$0x16A00]  }
0x37f: {  	[tilespmem:s21+$0x15180] =	vst v4;
	v4 =	vld [tilespmem:s21+$0x1CA80]  }
0x380: {  	[tilespmem:s21+$0x16980] =	vst v5;
	v5 =	vadd.f32 v8, v7;
	v8 =	vld [tilespmem:s21+$0x12280]  }
0x381: {  	v10 =	vadd.f32 v11, v7;
	v11 =	vld [tilespmem:s21+$0x13A80]  }
0x382: {  	[tilespmem:s21+$0x12200] =	vst v5;
	v5 =	vadd.f32 v9, v7;
	v9 =	vld [tilespmem:s21+$0x15280]  }
0x383: {  	[tilespmem:s21+$0x13A00] =	vst v10;
	v6 =	vadd.f32 v6, v7;
	v7 =	vld [tilespmem:s21+$0x16A80]  }
0x384: {  	[tilespmem:s21+$0x15200] =	vst v5;
	v5 =	vld [tilespmem:s21+$0x1CB00]  }
0x385: {  	[tilespmem:s21+$0x16A00] =	vst v6;
	v6 =	vadd.f32 v8, v4;
	v8 =	vld [tilespmem:s21+$0x12300]  }
0x386: {  	v10 =	vadd.f32 v11, v4;
	v11 =	vld [tilespmem:s21+$0x13B00]  }
0x387: {  	[tilespmem:s21+$0x12280] =	vst v6;
	v6 =	vadd.f32 v9, v4;
	v9 =	vld [tilespmem:s21+$0x15300]  }
0x388: {  	[tilespmem:s21+$0x13A80] =	vst v10;
	v4 =	vadd.f32 v7, v4;
	v7 =	vld [tilespmem:s21+$0x16B00]  }
0x389: {  	[tilespmem:s21+$0x15280] =	vst v6;
	v6 =	vld [tilespmem:s21+$0x1CB80]  }
0x38a: {  	[tilespmem:s21+$0x16A80] =	vst v4;
	v4 =	vadd.f32 v8, v5;
	v8 =	vld [tilespmem:s21+$0x12380]  }
0x38b: {  	v10 =	vadd.f32 v11, v5;
	v11 =	vld [tilespmem:s21+$0x13B80]  }
0x38c: {  	[tilespmem:s21+$0x12300] =	vst v4;
	v4 =	vadd.f32 v9, v5;
	v9 =	vld [tilespmem:s21+$0x15380]  }
0x38d: {  	[tilespmem:s21+$0x13B00] =	vst v10;
	v5 =	vadd.f32 v7, v5;
	v7 =	vld [tilespmem:s21+$0x16B80]  }
0x38e: {  	[tilespmem:s21+$0x15300] =	vst v4;
	v4 =	vld [tilespmem:s21+$0x1CC00]  }
0x38f: {  	[tilespmem:s21+$0x16B00] =	vst v5;
	v5 =	vadd.f32 v8, v6;
	v10 =	vld [tilespmem:s21+$0x12400]  }
0x390: {  	v11 =	vadd.f32 v11, v6;
	v12 =	vld [tilespmem:s21+$0x13C00]  }
.Ltmp5:
0x391: {  	[tilespmem:s21+$0x12380] =	vst v5;
	v5 =	vadd.f32 v9, v6;
	v8 =	vld [tilespmem:s21+$0x15400];
	(pc) =	sbr.rel @p1 .LBB2_9-.Ltmp5, $4  }
0x392: {  	[tilespmem:s21+$0x13B80] =	vst v11;
	v7 =	vadd.f32 v7, v6;
	v6 =	vld [tilespmem:s21+$0x16C00]  }
0x393: {  	s7 =	sadd.s32 $0x80, s7;
	[tilespmem:s21+$0x15380] =	vst v5;
	v5 =	vld [tilespmem:s21+$0x12480]  }
0x394: {  	s17 =	sand.u32 $0x1C00, s7;
	s8 =	sand.u32 $0x70, s16;
	[tilespmem:s21+$0x16B80] =	vst v7;
	v10 =	vadd.f32 v10, v4;
	v7 =	vld [tilespmem:s21+$0x13C80]  }
0x395: {  	s16 =	sadd.s32 $0x10, s16;
	s8 =	sor.u32 s8, s17;
	v11 =	vadd.f32 v12, v4;
	v9 =	vld [tilespmem:s21+$0x15480]  }
0x396: {  	v12 =	vld [tilespmem:s8+$0x1CC80]  }
0x397: {  	v13 =	vld [tilespmem:s8+$0x16C80]  }
0x398: {  	v14 =	vld [tilespmem:s8+$0x1C900]  }
0x399: {  	v15 =	vld [tilespmem:s8+$0x12100]  }
0x39a: {  	v16 =	vld [tilespmem:s8+$0x13900]  }
0x39b: {  	v17 =	vld [tilespmem:s8+$0x15100]  }
0x39c: {  	v18 =	vld [tilespmem:s8+$0x16900]  }
0x39d: {  	v19 =	vld [tilespmem:s8+$0x1C980]  }
0x39e: {  	v20 =	vld [tilespmem:s8+$0x12180];
	[tilespmem:s21+$0x12400] =	vst v10;
	v8 =	vadd.f32 v8, v4  }
0x39f: {  	v24 =	vld [tilespmem:s8+$0x1CA00];
	[tilespmem:s21+$0x13C00] =	vst v11;
	v53 =	vadd.f32 v6, v4  }
0x3a0: {  	v26 =	vld [tilespmem:s8+$0x12200];
	[tilespmem:s21+$0x15400] =	vst v8;
	v5 =	vadd.f32 v5, v3  }
0x3a1: {  	v27 =	vld [tilespmem:s8+$0x13A00];
	[tilespmem:s21+$0x16C00] =	vst v53;
	v7 =	vadd.f32 v7, v3  }
0x3a2: {  	v30 =	vld [tilespmem:s8+$0x1CA80];
	[tilespmem:s21+$0x12480] =	vst v5;
	v3 =	vadd.f32 v9, v3  }
0x3a3: {  	v32 =	vld [tilespmem:s8+$0x12280];
	v13 =	vadd.f32 v13, v12;
	[tilespmem:s21+$0x13C80] =	vst v7  }
0x3a4: {  	v36 =	vld [tilespmem:s8+$0x1CB00];
	v15 =	vadd.f32 v15, v14;
	[tilespmem:s21+$0x15480] =	vst v3  }
0x3a5: {  	v38 =	vld [tilespmem:s8+$0x12300];
	v16 =	vadd.f32 v16, v14;
	[tilespmem:s8+$0x16C80] =	vst v13  }
0x3a6: {  	v39 =	vld [tilespmem:s8+$0x13B00];
	v17 =	vadd.f32 v17, v14;
	[tilespmem:s8+$0x12100] =	vst v15  }
0x3a7: {  	v42 =	vld [tilespmem:s8+$0x1CB80];
	v14 =	vadd.f32 v18, v14;
	[tilespmem:s8+$0x13900] =	vst v16  }
0x3a8: {  	v44 =	vld [tilespmem:s8+$0x12380];
	v25 =	vadd.f32 v20, v19;
	[tilespmem:s8+$0x15100] =	vst v17  }
0x3a9: {  	v45 =	vld [tilespmem:s8+$0x13B80];
	v31 =	vadd.f32 v26, v24;
	[tilespmem:s8+$0x16900] =	vst v14  }
0x3aa: {  	v46 =	vld [tilespmem:s8+$0x15380];
	v20 =	vadd.f32 v27, v24;
	[tilespmem:s8+$0x12180] =	vst v25  }
0x3ab: {  	v47 =	vld [tilespmem:s8+$0x16B80];
	v37 =	vadd.f32 v32, v30;
	[tilespmem:s8+$0x12200] =	vst v31  }
0x3ac: {  	v48 =	vld [tilespmem:s8+$0x1CC00];
	v43 =	vadd.f32 v38, v36;
	[tilespmem:s8+$0x13A00] =	vst v20  }
0x3ad: {  	v50 =	vld [tilespmem:s8+$0x12400];
	v18 =	vadd.f32 v39, v36;
	[tilespmem:s8+$0x12280] =	vst v37  }
0x3ae: {  	v54 =	vld [tilespmem:s8+$0x15400];
	v49 =	vadd.f32 v44, v42;
	[tilespmem:s8+$0x12300] =	vst v43  }
0x3af: {  	v51 =	vld [tilespmem:s8+$0x13C00];
	v52 =	vadd.f32 v45, v42;
	[tilespmem:s8+$0x13B00] =	vst v18  }
0x3b0: {  	v61 =	vld [tilespmem:s8+$0x13980];
	v55 =	vadd.f32 v46, v42;
	[tilespmem:s8+$0x12380] =	vst v49  }
0x3b1: {  	v62 =	vld [tilespmem:s8+$0x15180];
	v57 =	vadd.f32 v47, v42;
	[tilespmem:s8+$0x13B80] =	vst v52  }
0x3b2: {  	v63 =	vld [tilespmem:s8+$0x16980];
	v59 =	vadd.f32 v50, v48;
	[tilespmem:s8+$0x15380] =	vst v55  }
0x3b3: {  	v28 =	vld [tilespmem:s8+$0x15200];
	v6 =	vadd.f32 v54, v48;
	[tilespmem:s8+$0x16B80] =	vst v57  }
0x3b4: {  	v33 =	vld [tilespmem:s8+$0x13A80];
	v3 =	vadd.f32 v51, v48;
	[tilespmem:s8+$0x12400] =	vst v59  }
0x3b5: {  	v58 =	vld [tilespmem:s8+$0x12480];
	v13 =	vadd.f32 v61, v19;
	[tilespmem:s8+$0x15400] =	vst v6  }
0x3b6: {  	v56 =	vld [tilespmem:s8+$0x16C00];
	v15 =	vadd.f32 v62, v19;
	[tilespmem:s8+$0x13C00] =	vst v3  }
0x3b7: {  	v29 =	vld [tilespmem:s8+$0x16A00];
	v16 =	vadd.f32 v63, v19;
	[tilespmem:s8+$0x13980] =	vst v13  }
0x3b8: {  	v34 =	vld [tilespmem:s8+$0x15280];
	v14 =	vadd.f32 v28, v24;
	[tilespmem:s8+$0x15180] =	vst v15  }
0x3b9: {  	v35 =	vld [tilespmem:s8+$0x16A80];
	v19 =	vadd.f32 v33, v30;
	[tilespmem:s8+$0x16980] =	vst v16  }
0x3ba: {  	v41 =	vld [tilespmem:s8+$0x16B00];
	v62 =	vadd.f32 v58, v12;
	[tilespmem:s8+$0x15200] =	vst v14  }
0x3bb: {  	v60 =	vld [tilespmem:s8+$0x13C80];
	v3 =	vadd.f32 v56, v48;
	[tilespmem:s8+$0x13A80] =	vst v19  }
0x3bc: {  	v40 =	vld [tilespmem:s8+$0x15300];
	v13 =	vadd.f32 v29, v24;
	[tilespmem:s8+$0x12480] =	vst v62  }
0x3bd: {  	v61 =	vld [tilespmem:s8+$0x15480];
	v16 =	vadd.f32 v34, v30;
	[tilespmem:s8+$0x16C00] =	vst v3  }
0x3be: {  	v15 =	vadd.f32 v35, v30;
	[tilespmem:s8+$0x16A00] =	vst v13  }
0x3bf: {  	s7 =	sor.u32 $0x18, s29;
	v14 =	vadd.f32 v41, v36;
	[tilespmem:s8+$0x15280] =	vst v16  }
0x3c0: {  	s16 =	sor.u32 s5, s7;
	v3 =	vadd.f32 v60, v12;
	[tilespmem:s8+$0x16A80] =	vst v15  }
0x3c1: {  	s16 =	sshrl.u32 s16, $0x3;
	v13 =	vadd.f32 v40, v36;
	[tilespmem:s8+$0x16B00] =	vst v14  }
0x3c2: {  	s17 =	sor.u32 s13, s7;
	s16 =	smul.u32 $0x300, s16;
	v63 =	vadd.f32 v61, v12;
	[tilespmem:s8+$0x13C80] =	vst v3  }
0x3c3: {  	s29 =	sor.u32 s14, s7;
	s17 =	sshrl.u32 s17, $0x3;
	[tilespmem:s8+$0x15300] =	vst v13  }
0x3c4: {  	s19 =	sadd.s32 s3, s16;
	s21 =	smul.u32 $0x300, s17;
	[tilespmem:s8+$0x15480] =	vst v63;
	s8 =	sshrl.u32 s29, $0x3  }
0x3c5: {  	[hbm4b:s19+s4] =	stream.linear.scatter [tilespmem:s9], [sflag:$0xC], $0x1800, $0x38;
	[tilespmem:$0x1E100] =	vst v63  }
0x3c6: {  	s7 =	sor.u32 s15, s7;
	s28 =	sadd.s32 s3, s21;
	s8 =	smul.u32 $0x300, s8  }
0x3c7: {  	[hbm4b:s28+s4] =	stream.linear.scatter [tilespmem:s6], [sflag:$0xC], $0x1800, $0x38;
	[tilespmem:$0x1E100] =	vst v63  }
.Ltmp6:
0x3c8: {  	s7 =	sshrl.u32 s7, $0x3;
	(pc) =	sbr.rel @!p0 .LBB2_12-.Ltmp6, $4  }
0x3c9: {  	s7 =	smul.u32 $0x300, s7;
	s8 =	sadd.s32 s3, s8  }
0x3ca: {  	[hbm4b:s8+s4] =	stream.linear.scatter [tilespmem:s10], [sflag:$0xC], $0x1800, $0x38;
	[tilespmem:$0x1E100] =	vst v63  }
0x3cb: {  	s7 =	sadd.s32 s3, s7  }
0x3cc: {  	[hbm4b:s7+s4] =	stream.linear.scatter [tilespmem:s24], [sflag:$0xC], $0x1800, $0x38;
	[tilespmem:$0x1E100] =	vst v63  }
0x3cd: {  	_ =	swait.ge [sflag:s2], $0x1800  }
0x3ce: {  	[sflag:s2] =	ssyncset.done $0x0  }
0x3cf: {  	[sflag:s2] =	ssyncadd.s32 $0xFFFFE800  }
0x3d0: {  	_ =	swait.ge [sflag:s2], $0x1800  }
0x3d1: {  	[sflag:s2] =	ssyncset.done $0x0  }
0x3d2: {  	[sflag:s2] =	ssyncadd.s32 $0xFFFFE800  }
0x3d3: {  	_ =	swait.ge [sflag:s2], $0x1800  }
0x3d4: {  	[sflag:s2] =	ssyncset.done $0x0  }
0x3d5: {  	[sflag:s2] =	ssyncadd.s32 $0xFFFFE800  }
.Ltmp7:
0x3d6: {  	_ =	swait.ge [sflag:s2], $0x1800;
	(pc) =	sbr.rel .LBB2_2-.Ltmp7, $4  }
0x3d7: {  	s8 =	simm.s32 $0x1C900;
	[sflag:s2] =	ssyncset.done $0x0  }
0x3d8: {  	s29 =	simm.s32 $0x20;
	s7 =	rddreg [dreg:$0xd];
	[sflag:s2] =	ssyncadd.s32 $0xFFFFE800  }
0x3d9: {  	[tilespmem:s8], [sflag:$0x8] =	stream.linear.gather [hbm4b:s7+s4], $0x1800, $0x38;
	[tilespmem:$0x1E100] =	vst v63  }
0x3da: {  	p0 =	por $0x0, $0x0;
	s7 =	simm.s32 $0xF0;
	s8 =	simm.s32 $0xE0  }
.LBB2_13:
0x3db: {  	_ =	sfence.sel $0x180000  }
0x3dc: {  	[bflag:$0x0] =	sbarrier.arrive $0xFFFF  }
0x3dd: {  	_ =	strace $0x90000047  }
0x3de: {  	s0 =	stileid.u32;
	[bflag:$0x2] =	sbarrier.arrive $0xFFFF  }
0x3df: {  	p0 =	sne.s32 s0, $0x0;
	s0 =	rddreg [dreg:$0x4]  }
0x3e0: {  	s0 =	sadd.s32 @!p0 $0x100000, s0  }
0x3e1: {  	[sflag:s0] =	ssyncadd.tile.s32 @!p0 $0x1;
	_ =	shalt  }
.Lfunc_end2:
_tile_overlayer_lowered:
.L_overlay_start_2:
0x3e2: {  	(tag) =	ssettag $0x2  }
0x3e3: {  	s0 =	rddreg [dreg:$0x0];
	s2 =	stileid.u32  }
0x3e4: {  	s1 =	rddreg [dreg:$0x1];
	p0 =	sne.s32 s2, $0x0  }
0x3e5: {  	s3 =	rddreg [dreg:$0x2];
	[bflag:$0x3] =	sbarrier.arrive $0xFFFF;
	s2 =	simm.s32 @!p0 $0x1C0D  }
0x3e6: {  	[timem:s3], [sflag:s2] =	dma.local @!p0 [hbm:s0], s1  }
0x3e7: {  	s0 =	simm.s32 @!p0 $0xD  }
0x3e8: {  	_ =	swait.ge @!p0 [sflag:s0], s1  }
0x3e9: {  	s1 =	ssub.s32 @!p0 $0x0, s1;
	[sflag:s0] =	ssyncset.done @!p0 $0x0  }
0x3ea: {  	[sflag:s0] =	ssyncadd.s32 @!p0 s1  }
0x3eb: {  	[bflag:$0x3] =	sbarrier.arrive $0xFFFF  }
0x3ec: {  	_ =	shalt  }

</sc_bundles>
